<compile_context>
chip_gen: v7x
topology: tpu7x:2x2x1
jax: 0.10.2.dev20260603
libtpu: 0.0.44.dev20260713+nightly
codegen_flags: <defaults>
</compile_context>

<pallas_src>
import functools

import jax
import jax.numpy as jnp
from jax import lax
from jax.experimental import pallas as pl
from jax.experimental.pallas import tpu as pltpu
from jax.experimental.pallas import tpu_sc as plsc

D_MODEL = 256
SEQ = 512
ROWS_PER_WORKER = 16
SHIFT_ROWS = 1016
JB = 256
HD = 128
WROWS = JB + 8 * (ROWS_PER_WORKER - 1)


@functools.partial(
    pl.kernel,
    out_type=jax.ShapeDtypeStruct((SEQ, SEQ, D_MODEL), jnp.float32),
    mesh=plsc.VectorSubcoreMesh(
        core_axis_name="c", subcore_axis_name="s", num_cores=2, num_subcores=16
    ),
    scratch_types=[
        pltpu.MemorySpace.VMEM((WROWS, HD), jnp.float32),
        pltpu.MemorySpace.VMEM((WROWS, HD), jnp.float32),
        pltpu.SemaphoreType.DMA,
        pltpu.SemaphoreType.DMA,
    ],
)
def _rel_pos_broadcast(revs_hbm, out_hbm, tbuf0, tbuf1, sem_st, sem_cp):
    c = lax.axis_index("c")
    s = lax.axis_index("s")
    wid = s * 2 + c
    r = lax.rem(wid, 8)
    q = wid // 8
    m = 7 - r
    abase = pl.multiple_of(384 - 128 * q, 8)
    bufs = (tbuf0, tbuf1)
    chunks = [(hd, jb) for hd in (0, 1) for jb in (0, 1)]

    def mk_stage(idx):
        hd, jb = chunks[idx]
        base = pl.multiple_of(abase + jb * JB, 8)
        return pltpu.make_async_copy(
            revs_hbm.at[m, pl.ds(base, WROWS), pl.ds(hd * HD, HD)],
            bufs[idx % 2],
            sem_st,
        )

    stages = [mk_stage(idx) for idx in range(4)]
    stages[0].start()

    cps = [None, None]
    for idx in range(4):
        stages[idx].wait()
        hd, jb = chunks[idx]
        cur = []
        for k in range(ROWS_PER_WORKER):
            i = r + 128 * q + 8 * k
            off = 8 * (ROWS_PER_WORKER - 1 - k)
            cp = pltpu.make_async_copy(
                bufs[idx % 2].at[pl.ds(off, JB), :],
                out_hbm.at[i, pl.ds(jb * JB, JB), pl.ds(hd * HD, HD)],
                sem_cp,
            )
            cp.start()
            cur.append(cp)
        cps[idx % 2] = cur
        if idx + 1 < 4:
            if cps[(idx + 1) % 2] is not None:
                for cp in cps[(idx + 1) % 2]:
                    cp.wait()
                cps[(idx + 1) % 2] = None
            stages[idx + 1].start()
    for lst in cps:
        if lst is not None:
            for cp in lst:
                cp.wait()


def kernel(seq_len, rel_pos_embed):
    rev = jnp.flip(rel_pos_embed, axis=0)
    rev = lax.optimization_barrier(rev)
    revs = jnp.stack([rev[mm : mm + SHIFT_ROWS] for mm in range(8)])
    return _rel_pos_broadcast(revs)

# --- scband reference (transcript-rebuilt; emitter-appended) ---
"""Pipeline reference for scband-relative-positional-encoding-33681133535770 (READ-ONLY COPY).

The authoritative reference and input builder live on the scoring server;
editing this copy changes nothing except your own understanding.
"""

import jax, jax.numpy as jnp
import numpy as np

D_MODEL = 256
MAX_LEN = 512
SEQ_LEN = 512

def _build_table():
    positions = jnp.arange(-(MAX_LEN - 1), MAX_LEN, dtype=jnp.float32)
    dim = jnp.arange(0, D_MODEL, 2, dtype=jnp.float32)
    angles = positions[:, None] / (10000.0 ** (dim / D_MODEL))
    emb = jnp.zeros((2 * MAX_LEN - 1, D_MODEL), dtype=jnp.float32)
    emb = emb.at[:, 0::2].set(jnp.sin(angles))
    emb = emb.at[:, 1::2].set(jnp.cos(angles))
    return emb

def setup_inputs() -> dict:
    return {"seq_len": SEQ_LEN, "rel_pos_embed": _build_table()}

def reference(seq_len, rel_pos_embed):
    max_len = (rel_pos_embed.shape[0] + 1) // 2
    positions = jnp.arange(SEQ_LEN) + (seq_len - SEQ_LEN)
    rel_distances = positions[:, None] - positions[None, :]
    rel_distances = rel_distances + (max_len - 1)
    rel_distances = jnp.clip(rel_distances, 0, 2 * max_len - 2)
    rel_pos = jnp.take(rel_pos_embed, rel_distances, axis=0)
    return rel_pos

if __name__ == "__main__":
    import jax
    _d = setup_inputs()
    print(jax.jit(kernel)(*tuple(_d.values())))

</pallas_src>

<mosaic_0001>
#map = affine_map<(d0, d1) -> (0, 0, 0)>
module attributes {stable_mosaic.version = 14 : i64} {
  func.func @_rel_pos_broadcast(%arg0: i32, %arg1: i32, %arg2: memref<8x1016x256xf32, #tpu.memory_space<hbm>>, %arg3: memref<512x512x256xf32, #tpu.memory_space<hbm>>, %arg4: memref<376x128xf32, #tpu.memory_space<vmem>>, %arg5: memref<376x128xf32, #tpu.memory_space<vmem>>, %arg6: memref<!tpu.dma_semaphore, #tpu.memory_space<semaphore_mem>>, %arg7: memref<!tpu.dma_semaphore, #tpu.memory_space<semaphore_mem>>) attributes {dimension_semantics = [#tpu.dimension_semantics<core_parallel>, #tpu.dimension_semantics<subcore_parallel>], iteration_bounds = array<i64: 2, 16>, scalar_prefetch = 0 : i64, scratch_operands = 4 : i64, tpu.core_type = #tpu.core_type<sc_vector_subcore>, window_params = [{transform_indices = #map}, {transform_indices = #map}]} {
    %mul3A = arith.constant 2 : i32
    %mul3A_0 = arith.muli %arg1, %mul3A : i32
    %add3A = arith.addi %mul3A_0, %arg0 : i32
    %rem3A = arith.constant 8 : i32
    %rem3A_1 = arith.remsi %add3A, %rem3A : i32
    %jit3A = arith.constant 8 : i32
    %div3A = arith.divsi %add3A, %jit3A : i32
    %sign3A = arith.constant 0 : i32
    %sign3A_2 = arith.cmpi sgt, %add3A, %sign3A : i32
    %sign3A_3 = arith.extui %sign3A_2 : i1 to i32
    %sign3A_4 = arith.constant 0 : i32
    %sign3A_5 = arith.cmpi slt, %add3A, %sign3A_4 : i32
    %sign3A_6 = arith.extui %sign3A_5 : i1 to i32
    %sign3A_7 = arith.subi %sign3A_3, %sign3A_6 : i32
    %sign3A_8 = arith.constant 0 : i32
    %sign3A_9 = arith.cmpi sgt, %jit3A, %sign3A_8 : i32
    %sign3A_10 = arith.extui %sign3A_9 : i1 to i32
    %sign3A_11 = arith.constant 0 : i32
    %sign3A_12 = arith.cmpi slt, %jit3A, %sign3A_11 : i32
    %sign3A_13 = arith.extui %sign3A_12 : i1 to i32
    %sign3A_14 = arith.subi %sign3A_10, %sign3A_13 : i32
    %ne3A = arith.cmpi ne, %sign3A_7, %sign3A_14 : i32
    %rem3A_15 = arith.remsi %add3A, %jit3A : i32
    %ne3A_16 = arith.constant 0 : i32
    %ne3A_17 = arith.cmpi ne, %rem3A_15, %ne3A_16 : i32
    %and3A = arith.andi %ne3A, %ne3A_17 : i1
    %sub3A = arith.constant 1 : i32
    %sub3A_18 = arith.subi %div3A, %sub3A : i32
    %select_n3A = arith.select %and3A, %sub3A_18, %div3A : i32
    %sub3A_19 = arith.constant 7 : i32
    %sub3A_20 = arith.subi %sub3A_19, %rem3A_1 : i32
    %mul3A_21 = arith.constant 128 : i32
    %mul3A_22 = arith.muli %mul3A_21, %select_n3A : i32
    %sub3A_23 = arith.constant 384 : i32
    %sub3A_24 = arith.subi %sub3A_23, %mul3A_22 : i32
    %multiple_of3A = tpu.assume_multiple %sub3A_24, 8 : i32
    %add3A_25 = arith.constant 0 : i32
    %add3A_26 = arith.addi %multiple_of3A, %add3A_25 : i32
    %multiple_of3A_27 = tpu.assume_multiple %add3A_26, 8 : i32
    %add3A_28 = arith.constant 256 : i32
    %add3A_29 = arith.addi %multiple_of3A, %add3A_28 : i32
    %multiple_of3A_30 = tpu.assume_multiple %add3A_29, 8 : i32
    %add3A_31 = arith.constant 0 : i32
    %add3A_32 = arith.addi %multiple_of3A, %add3A_31 : i32
    %multiple_of3A_33 = tpu.assume_multiple %add3A_32, 8 : i32
    %add3A_34 = arith.constant 256 : i32
    %add3A_35 = arith.addi %multiple_of3A, %add3A_34 : i32
    %multiple_of3A_36 = tpu.assume_multiple %add3A_35, 8 : i32
    %dma_start3A = arith.constant 0 : i32
    %dma_start3A_37 = tpu.memref_slice %arg2[%sub3A_20, %multiple_of3A_27, %dma_start3A] : memref<8x1016x256xf32, #tpu.memory_space<hbm>> -> memref<1x376x128xf32, #tpu.memory_space<hbm>>
    %dma_start3A_38 = tpu.memref_squeeze %dma_start3A_37 : memref<1x376x128xf32, #tpu.memory_space<hbm>> -> memref<376x128xf32, #tpu.memory_space<hbm>>
    %dma_start3A_39 = arith.constant 0 : i32
    %dma_start3A_40 = tpu.memref_slice %arg2[%sub3A_20, %multiple_of3A_27, %dma_start3A_39] : memref<8x1016x256xf32, #tpu.memory_space<hbm>> -> memref<1x376x128xf32, #tpu.memory_space<hbm>>
    %dma_start3A_41 = tpu.memref_squeeze %dma_start3A_40 : memref<1x376x128xf32, #tpu.memory_space<hbm>> -> memref<376x128xf32, #tpu.memory_space<hbm>>
    tpu.enqueue_dma source(%dma_start3A_41 : memref<376x128xf32, #tpu.memory_space<hbm>>) target(%arg4 : memref<376x128xf32, #tpu.memory_space<vmem>>) target_semaphore(%arg6 : memref<!tpu.dma_semaphore, #tpu.memory_space<semaphore_mem>>)
    %dma_wait3A = arith.constant 0 : i32
    %dma_wait3A_42 = tpu.memref_slice %arg2[%sub3A_20, %multiple_of3A_27, %dma_wait3A] : memref<8x1016x256xf32, #tpu.memory_space<hbm>> -> memref<1x376x128xf32, #tpu.memory_space<hbm>>
    %dma_wait3A_43 = tpu.memref_squeeze %dma_wait3A_42 : memref<1x376x128xf32, #tpu.memory_space<hbm>> -> memref<376x128xf32, #tpu.memory_space<hbm>>
    %dma_wait3A_44 = arith.constant 0 : i32
    %dma_wait3A_45 = tpu.memref_slice %arg2[%sub3A_20, %multiple_of3A_27, %dma_wait3A_44] : memref<8x1016x256xf32, #tpu.memory_space<hbm>> -> memref<1x376x128xf32, #tpu.memory_space<hbm>>
    %dma_wait3A_46 = tpu.memref_squeeze %dma_wait3A_45 : memref<1x376x128xf32, #tpu.memory_space<hbm>> -> memref<376x128xf32, #tpu.memory_space<hbm>>
    tpu.wait_dma2 semaphore(%arg6 : memref<!tpu.dma_semaphore, #tpu.memory_space<semaphore_mem>>) src(%dma_wait3A_46 : memref<376x128xf32, #tpu.memory_space<hbm>>) dst(%arg4 : memref<376x128xf32, #tpu.memory_space<vmem>>)
    %mul3A_47 = arith.constant 128 : i32
    %mul3A_48 = arith.muli %mul3A_47, %select_n3A : i32
    %add3A_49 = arith.addi %rem3A_1, %mul3A_48 : i32
    %add3A_50 = arith.constant 0 : i32
    %add3A_51 = arith.addi %add3A_49, %add3A_50 : i32
    %dma_start3A_52 = arith.constant 120 : i32
    %dma_start3A_53 = arith.constant 0 : i32
    %dma_start3A_54 = tpu.memref_slice %arg4[%dma_start3A_52, %dma_start3A_53] : memref<376x128xf32, #tpu.memory_space<vmem>> -> memref<256x128xf32, #tpu.memory_space<vmem>>
    %dma_start3A_55 = arith.constant 0 : i32
    %dma_start3A_56 = arith.constant 0 : i32
    %dma_start3A_57 = tpu.memref_slice %arg3[%add3A_51, %dma_start3A_55, %dma_start3A_56] : memref<512x512x256xf32, #tpu.memory_space<hbm>> -> memref<1x256x128xf32, #tpu.memory_space<hbm>>
    %dma_start3A_58 = tpu.memref_squeeze %dma_start3A_57 : memref<1x256x128xf32, #tpu.memory_space<hbm>> -> memref<256x128xf32, #tpu.memory_space<hbm>>
    %dma_start3A_59 = arith.constant 0 : i32
    %dma_start3A_60 = arith.constant 0 : i32
    %dma_start3A_61 = tpu.memref_slice %arg3[%add3A_51, %dma_start3A_59, %dma_start3A_60] : memref<512x512x256xf32, #tpu.memory_space<hbm>> -> memref<1x256x128xf32, #tpu.memory_space<hbm>>
    %dma_start3A_62 = tpu.memref_squeeze %dma_start3A_61 : memref<1x256x128xf32, #tpu.memory_space<hbm>> -> memref<256x128xf32, #tpu.memory_space<hbm>>
    %dma_start3A_63 = arith.constant 120 : i32
    %dma_start3A_64 = arith.constant 0 : i32
    %dma_start3A_65 = tpu.memref_slice %arg4[%dma_start3A_63, %dma_start3A_64] : memref<376x128xf32, #tpu.memory_space<vmem>> -> memref<256x128xf32, #tpu.memory_space<vmem>>
    tpu.enqueue_dma source(%dma_start3A_65 : memref<256x128xf32, #tpu.memory_space<vmem>>) target(%dma_start3A_62 : memref<256x128xf32, #tpu.memory_space<hbm>>) target_semaphore(%arg7 : memref<!tpu.dma_semaphore, #tpu.memory_space<semaphore_mem>>)
    %mul3A_66 = arith.constant 128 : i32
    %mul3A_67 = arith.muli %mul3A_66, %select_n3A : i32
    %add3A_68 = arith.addi %rem3A_1, %mul3A_67 : i32
    %add3A_69 = arith.constant 8 : i32
    %add3A_70 = arith.addi %add3A_68, %add3A_69 : i32
    %dma_start3A_71 = arith.constant 112 : i32
    %dma_start3A_72 = arith.constant 0 : i32
    %dma_start3A_73 = tpu.memref_slice %arg4[%dma_start3A_71, %dma_start3A_72] : memref<376x128xf32, #tpu.memory_space<vmem>> -> memref<256x128xf32, #tpu.memory_space<vmem>>
    %dma_start3A_74 = arith.constant 0 : i32
    %dma_start3A_75 = arith.constant 0 : i32
    %dma_start3A_76 = tpu.memref_slice %arg3[%add3A_70, %dma_start3A_74, %dma_start3A_75] : memref<512x512x256xf32, #tpu.memory_space<hbm>> -> memref<1x256x128xf32, #tpu.memory_space<hbm>>
    %dma_start3A_77 = tpu.memref_squeeze %dma_start3A_76 : memref<1x256x128xf32, #tpu.memory_space<hbm>> -> memref<256x128xf32, #tpu.memory_space<hbm>>
    %dma_start3A_78 = arith.constant 0 : i32
    %dma_start3A_79 = arith.constant 0 : i32
    %dma_start3A_80 = tpu.memref_slice %arg3[%add3A_70, %dma_start3A_78, %dma_start3A_79] : memref<512x512x256xf32, #tpu.memory_space<hbm>> -> memref<1x256x128xf32, #tpu.memory_space<hbm>>
    %dma_start3A_81 = tpu.memref_squeeze %dma_start3A_80 : memref<1x256x128xf32, #tpu.memory_space<hbm>> -> memref<256x128xf32, #tpu.memory_space<hbm>>
    %dma_start3A_82 = arith.constant 112 : i32
    %dma_start3A_83 = arith.constant 0 : i32
    %dma_start3A_84 = tpu.memref_slice %arg4[%dma_start3A_82, %dma_start3A_83] : memref<376x128xf32, #tpu.memory_space<vmem>> -> memref<256x128xf32, #tpu.memory_space<vmem>>
    tpu.enqueue_dma source(%dma_start3A_84 : memref<256x128xf32, #tpu.memory_space<vmem>>) target(%dma_start3A_81 : memref<256x128xf32, #tpu.memory_space<hbm>>) target_semaphore(%arg7 : memref<!tpu.dma_semaphore, #tpu.memory_space<semaphore_mem>>)
    %mul3A_85 = arith.constant 128 : i32
    %mul3A_86 = arith.muli %mul3A_85, %select_n3A : i32
    %add3A_87 = arith.addi %rem3A_1, %mul3A_86 : i32
    %add3A_88 = arith.constant 16 : i32
    %add3A_89 = arith.addi %add3A_87, %add3A_88 : i32
    %dma_start3A_90 = arith.constant 104 : i32
    %dma_start3A_91 = arith.constant 0 : i32
    %dma_start3A_92 = tpu.memref_slice %arg4[%dma_start3A_90, %dma_start3A_91] : memref<376x128xf32, #tpu.memory_space<vmem>> -> memref<256x128xf32, #tpu.memory_space<vmem>>
    %dma_start3A_93 = arith.constant 0 : i32
    %dma_start3A_94 = arith.constant 0 : i32
    %dma_start3A_95 = tpu.memref_slice %arg3[%add3A_89, %dma_start3A_93, %dma_start3A_94] : memref<512x512x256xf32, #tpu.memory_space<hbm>> -> memref<1x256x128xf32, #tpu.memory_space<hbm>>
    %dma_start3A_96 = tpu.memref_squeeze %dma_start3A_95 : memref<1x256x128xf32, #tpu.memory_space<hbm>> -> memref<256x128xf32, #tpu.memory_space<hbm>>
    %dma_start3A_97 = arith.constant 0 : i32
    %dma_start3A_98 = arith.constant 0 : i32
    %dma_start3A_99 = tpu.memref_slice %arg3[%add3A_89, %dma_start3A_97, %dma_start3A_98] : memref<512x512x256xf32, #tpu.memory_space<hbm>> -> memref<1x256x128xf32, #tpu.memory_space<hbm>>
    %dma_start3A_100 = tpu.memref_squeeze %dma_start3A_99 : memref<1x256x128xf32, #tpu.memory_space<hbm>> -> memref<256x128xf32, #tpu.memory_space<hbm>>
    %dma_start3A_101 = arith.constant 104 : i32
    %dma_start3A_102 = arith.constant 0 : i32
    %dma_start3A_103 = tpu.memref_slice %arg4[%dma_start3A_101, %dma_start3A_102] : memref<376x128xf32, #tpu.memory_space<vmem>> -> memref<256x128xf32, #tpu.memory_space<vmem>>
    tpu.enqueue_dma source(%dma_start3A_103 : memref<256x128xf32, #tpu.memory_space<vmem>>) target(%dma_start3A_100 : memref<256x128xf32, #tpu.memory_space<hbm>>) target_semaphore(%arg7 : memref<!tpu.dma_semaphore, #tpu.memory_space<semaphore_mem>>)
    %mul3A_104 = arith.constant 128 : i32
    %mul3A_105 = arith.muli %mul3A_104, %select_n3A : i32
    %add3A_106 = arith.addi %rem3A_1, %mul3A_105 : i32
    %add3A_107 = arith.constant 24 : i32
    %add3A_108 = arith.addi %add3A_106, %add3A_107 : i32
    %dma_start3A_109 = arith.constant 96 : i32
    %dma_start3A_110 = arith.constant 0 : i32
    %dma_start3A_111 = tpu.memref_slice %arg4[%dma_start3A_109, %dma_start3A_110] : memref<376x128xf32, #tpu.memory_space<vmem>> -> memref<256x128xf32, #tpu.memory_space<vmem>>
    %dma_start3A_112 = arith.constant 0 : i32
    %dma_start3A_113 = arith.constant 0 : i32
    %dma_start3A_114 = tpu.memref_slice %arg3[%add3A_108, %dma_start3A_112, %dma_start3A_113] : memref<512x512x256xf32, #tpu.memory_space<hbm>> -> memref<1x256x128xf32, #tpu.memory_space<hbm>>
    %dma_start3A_115 = tpu.memref_squeeze %dma_start3A_114 : memref<1x256x128xf32, #tpu.memory_space<hbm>> -> memref<256x128xf32, #tpu.memory_space<hbm>>
    %dma_start3A_116 = arith.constant 0 : i32
    %dma_start3A_117 = arith.constant 0 : i32
    %dma_start3A_118 = tpu.memref_slice %arg3[%add3A_108, %dma_start3A_116, %dma_start3A_117] : memref<512x512x256xf32, #tpu.memory_space<hbm>> -> memref<1x256x128xf32, #tpu.memory_space<hbm>>
    %dma_start3A_119 = tpu.memref_squeeze %dma_start3A_118 : memref<1x256x128xf32, #tpu.memory_space<hbm>> -> memref<256x128xf32, #tpu.memory_space<hbm>>
    %dma_start3A_120 = arith.constant 96 : i32
    %dma_start3A_121 = arith.constant 0 : i32
    %dma_start3A_122 = tpu.memref_slice %arg4[%dma_start3A_120, %dma_start3A_121] : memref<376x128xf32, #tpu.memory_space<vmem>> -> memref<256x128xf32, #tpu.memory_space<vmem>>
    tpu.enqueue_dma source(%dma_start3A_122 : memref<256x128xf32, #tpu.memory_space<vmem>>) target(%dma_start3A_119 : memref<256x128xf32, #tpu.memory_space<hbm>>) target_semaphore(%arg7 : memref<!tpu.dma_semaphore, #tpu.memory_space<semaphore_mem>>)
    %mul3A_123 = arith.constant 128 : i32
    %mul3A_124 = arith.muli %mul3A_123, %select_n3A : i32
    %add3A_125 = arith.addi %rem3A_1, %mul3A_124 : i32
    %add3A_126 = arith.constant 32 : i32
    %add3A_127 = arith.addi %add3A_125, %add3A_126 : i32
    %dma_start3A_128 = arith.constant 88 : i32
    %dma_start3A_129 = arith.constant 0 : i32
    %dma_start3A_130 = tpu.memref_slice %arg4[%dma_start3A_128, %dma_start3A_129] : memref<376x128xf32, #tpu.memory_space<vmem>> -> memref<256x128xf32, #tpu.memory_space<vmem>>
    %dma_start3A_131 = arith.constant 0 : i32
    %dma_start3A_132 = arith.constant 0 : i32
    %dma_start3A_133 = tpu.memref_slice %arg3[%add3A_127, %dma_start3A_131, %dma_start3A_132] : memref<512x512x256xf32, #tpu.memory_space<hbm>> -> memref<1x256x128xf32, #tpu.memory_space<hbm>>
    %dma_start3A_134 = tpu.memref_squeeze %dma_start3A_133 : memref<1x256x128xf32, #tpu.memory_space<hbm>> -> memref<256x128xf32, #tpu.memory_space<hbm>>
    %dma_start3A_135 = arith.constant 0 : i32
    %dma_start3A_136 = arith.constant 0 : i32
    %dma_start3A_137 = tpu.memref_slice %arg3[%add3A_127, %dma_start3A_135, %dma_start3A_136] : memref<512x512x256xf32, #tpu.memory_space<hbm>> -> memref<1x256x128xf32, #tpu.memory_space<hbm>>
    %dma_start3A_138 = tpu.memref_squeeze %dma_start3A_137 : memref<1x256x128xf32, #tpu.memory_space<hbm>> -> memref<256x128xf32, #tpu.memory_space<hbm>>
    %dma_start3A_139 = arith.constant 88 : i32
    %dma_start3A_140 = arith.constant 0 : i32
    %dma_start3A_141 = tpu.memref_slice %arg4[%dma_start3A_139, %dma_start3A_140] : memref<376x128xf32, #tpu.memory_space<vmem>> -> memref<256x128xf32, #tpu.memory_space<vmem>>
    tpu.enqueue_dma source(%dma_start3A_141 : memref<256x128xf32, #tpu.memory_space<vmem>>) target(%dma_start3A_138 : memref<256x128xf32, #tpu.memory_space<hbm>>) target_semaphore(%arg7 : memref<!tpu.dma_semaphore, #tpu.memory_space<semaphore_mem>>)
    %mul3A_142 = arith.constant 128 : i32
    %mul3A_143 = arith.muli %mul3A_142, %select_n3A : i32
    %add3A_144 = arith.addi %rem3A_1, %mul3A_143 : i32
    %add3A_145 = arith.constant 40 : i32
    %add3A_146 = arith.addi %add3A_144, %add3A_145 : i32
    %dma_start3A_147 = arith.constant 80 : i32
    %dma_start3A_148 = arith.constant 0 : i32
    %dma_start3A_149 = tpu.memref_slice %arg4[%dma_start3A_147, %dma_start3A_148] : memref<376x128xf32, #tpu.memory_space<vmem>> -> memref<256x128xf32, #tpu.memory_space<vmem>>
    %dma_start3A_150 = arith.constant 0 : i32
    %dma_start3A_151 = arith.constant 0 : i32
    %dma_start3A_152 = tpu.memref_slice %arg3[%add3A_146, %dma_start3A_150, %dma_start3A_151] : memref<512x512x256xf32, #tpu.memory_space<hbm>> -> memref<1x256x128xf32, #tpu.memory_space<hbm>>
    %dma_start3A_153 = tpu.memref_squeeze %dma_start3A_152 : memref<1x256x128xf32, #tpu.memory_space<hbm>> -> memref<256x128xf32, #tpu.memory_space<hbm>>
    %dma_start3A_154 = arith.constant 0 : i32
    %dma_start3A_155 = arith.constant 0 : i32
    %dma_start3A_156 = tpu.memref_slice %arg3[%add3A_146, %dma_start3A_154, %dma_start3A_155] : memref<512x512x256xf32, #tpu.memory_space<hbm>> -> memref<1x256x128xf32, #tpu.memory_space<hbm>>
    %dma_start3A_157 = tpu.memref_squeeze %dma_start3A_156 : memref<1x256x128xf32, #tpu.memory_space<hbm>> -> memref<256x128xf32, #tpu.memory_space<hbm>>
    %dma_start3A_158 = arith.constant 80 : i32
    %dma_start3A_159 = arith.constant 0 : i32
    %dma_start3A_160 = tpu.memref_slice %arg4[%dma_start3A_158, %dma_start3A_159] : memref<376x128xf32, #tpu.memory_space<vmem>> -> memref<256x128xf32, #tpu.memory_space<vmem>>
    tpu.enqueue_dma source(%dma_start3A_160 : memref<256x128xf32, #tpu.memory_space<vmem>>) target(%dma_start3A_157 : memref<256x128xf32, #tpu.memory_space<hbm>>) target_semaphore(%arg7 : memref<!tpu.dma_semaphore, #tpu.memory_space<semaphore_mem>>)
    %mul3A_161 = arith.constant 128 : i32
    %mul3A_162 = arith.muli %mul3A_161, %select_n3A : i32
    %add3A_163 = arith.addi %rem3A_1, %mul3A_162 : i32
    %add3A_164 = arith.constant 48 : i32
    %add3A_165 = arith.addi %add3A_163, %add3A_164 : i32
    %dma_start3A_166 = arith.constant 72 : i32
    %dma_start3A_167 = arith.constant 0 : i32
    %dma_start3A_168 = tpu.memref_slice %arg4[%dma_start3A_166, %dma_start3A_167] : memref<376x128xf32, #tpu.memory_space<vmem>> -> memref<256x128xf32, #tpu.memory_space<vmem>>
    %dma_start3A_169 = arith.constant 0 : i32
    %dma_start3A_170 = arith.constant 0 : i32
    %dma_start3A_171 = tpu.memref_slice %arg3[%add3A_165, %dma_start3A_169, %dma_start3A_170] : memref<512x512x256xf32, #tpu.memory_space<hbm>> -> memref<1x256x128xf32, #tpu.memory_space<hbm>>
    %dma_start3A_172 = tpu.memref_squeeze %dma_start3A_171 : memref<1x256x128xf32, #tpu.memory_space<hbm>> -> memref<256x128xf32, #tpu.memory_space<hbm>>
    %dma_start3A_173 = arith.constant 0 : i32
    %dma_start3A_174 = arith.constant 0 : i32
    %dma_start3A_175 = tpu.memref_slice %arg3[%add3A_165, %dma_start3A_173, %dma_start3A_174] : memref<512x512x256xf32, #tpu.memory_space<hbm>> -> memref<1x256x128xf32, #tpu.memory_space<hbm>>
    %dma_start3A_176 = tpu.memref_squeeze %dma_start3A_175 : memref<1x256x128xf32, #tpu.memory_space<hbm>> -> memref<256x128xf32, #tpu.memory_space<hbm>>
    %dma_start3A_177 = arith.constant 72 : i32
    %dma_start3A_178 = arith.constant 0 : i32
    %dma_start3A_179 = tpu.memref_slice %arg4[%dma_start3A_177, %dma_start3A_178] : memref<376x128xf32, #tpu.memory_space<vmem>> -> memref<256x128xf32, #tpu.memory_space<vmem>>
    tpu.enqueue_dma source(%dma_start3A_179 : memref<256x128xf32, #tpu.memory_space<vmem>>) target(%dma_start3A_176 : memref<256x128xf32, #tpu.memory_space<hbm>>) target_semaphore(%arg7 : memref<!tpu.dma_semaphore, #tpu.memory_space<semaphore_mem>>)
    %mul3A_180 = arith.constant 128 : i32
    %mul3A_181 = arith.muli %mul3A_180, %select_n3A : i32
    %add3A_182 = arith.addi %rem3A_1, %mul3A_181 : i32
    %add3A_183 = arith.constant 56 : i32
    %add3A_184 = arith.addi %add3A_182, %add3A_183 : i32
    %dma_start3A_185 = arith.constant 64 : i32
    %dma_start3A_186 = arith.constant 0 : i32
    %dma_start3A_187 = tpu.memref_slice %arg4[%dma_start3A_185, %dma_start3A_186] : memref<376x128xf32, #tpu.memory_space<vmem>> -> memref<256x128xf32, #tpu.memory_space<vmem>>
    %dma_start3A_188 = arith.constant 0 : i32
    %dma_start3A_189 = arith.constant 0 : i32
    %dma_start3A_190 = tpu.memref_slice %arg3[%add3A_184, %dma_start3A_188, %dma_start3A_189] : memref<512x512x256xf32, #tpu.memory_space<hbm>> -> memref<1x256x128xf32, #tpu.memory_space<hbm>>
    %dma_start3A_191 = tpu.memref_squeeze %dma_start3A_190 : memref<1x256x128xf32, #tpu.memory_space<hbm>> -> memref<256x128xf32, #tpu.memory_space<hbm>>
    %dma_start3A_192 = arith.constant 0 : i32
    %dma_start3A_193 = arith.constant 0 : i32
    %dma_start3A_194 = tpu.memref_slice %arg3[%add3A_184, %dma_start3A_192, %dma_start3A_193] : memref<512x512x256xf32, #tpu.memory_space<hbm>> -> memref<1x256x128xf32, #tpu.memory_space<hbm>>
    %dma_start3A_195 = tpu.memref_squeeze %dma_start3A_194 : memref<1x256x128xf32, #tpu.memory_space<hbm>> -> memref<256x128xf32, #tpu.memory_space<hbm>>
    %dma_start3A_196 = arith.constant 64 : i32
    %dma_start3A_197 = arith.constant 0 : i32
    %dma_start3A_198 = tpu.memref_slice %arg4[%dma_start3A_196, %dma_start3A_197] : memref<376x128xf32, #tpu.memory_space<vmem>> -> memref<256x128xf32, #tpu.memory_space<vmem>>
    tpu.enqueue_dma source(%dma_start3A_198 : memref<256x128xf32, #tpu.memory_space<vmem>>) target(%dma_start3A_195 : memref<256x128xf32, #tpu.memory_space<hbm>>) target_semaphore(%arg7 : memref<!tpu.dma_semaphore, #tpu.memory_space<semaphore_mem>>)
    %mul3A_199 = arith.constant 128 : i32
    %mul3A_200 = arith.muli %mul3A_199, %select_n3A : i32
    %add3A_201 = arith.addi %rem3A_1, %mul3A_200 : i32
    %add3A_202 = arith.constant 64 : i32
    %add3A_203 = arith.addi %add3A_201, %add3A_202 : i32
    %dma_start3A_204 = arith.constant 56 : i32
    %dma_start3A_205 = arith.constant 0 : i32
    %dma_start3A_206 = tpu.memref_slice %arg4[%dma_start3A_204, %dma_start3A_205] : memref<376x128xf32, #tpu.memory_space<vmem>> -> memref<256x128xf32, #tpu.memory_space<vmem>>
    %dma_start3A_207 = arith.constant 0 : i32
    %dma_start3A_208 = arith.constant 0 : i32
    %dma_start3A_209 = tpu.memref_slice %arg3[%add3A_203, %dma_start3A_207, %dma_start3A_208] : memref<512x512x256xf32, #tpu.memory_space<hbm>> -> memref<1x256x128xf32, #tpu.memory_space<hbm>>
    %dma_start3A_210 = tpu.memref_squeeze %dma_start3A_209 : memref<1x256x128xf32, #tpu.memory_space<hbm>> -> memref<256x128xf32, #tpu.memory_space<hbm>>
    %dma_start3A_211 = arith.constant 0 : i32
    %dma_start3A_212 = arith.constant 0 : i32
    %dma_start3A_213 = tpu.memref_slice %arg3[%add3A_203, %dma_start3A_211, %dma_start3A_212] : memref<512x512x256xf32, #tpu.memory_space<hbm>> -> memref<1x256x128xf32, #tpu.memory_space<hbm>>
    %dma_start3A_214 = tpu.memref_squeeze %dma_start3A_213 : memref<1x256x128xf32, #tpu.memory_space<hbm>> -> memref<256x128xf32, #tpu.memory_space<hbm>>
    %dma_start3A_215 = arith.constant 56 : i32
    %dma_start3A_216 = arith.constant 0 : i32
    %dma_start3A_217 = tpu.memref_slice %arg4[%dma_start3A_215, %dma_start3A_216] : memref<376x128xf32, #tpu.memory_space<vmem>> -> memref<256x128xf32, #tpu.memory_space<vmem>>
    tpu.enqueue_dma source(%dma_start3A_217 : memref<256x128xf32, #tpu.memory_space<vmem>>) target(%dma_start3A_214 : memref<256x128xf32, #tpu.memory_space<hbm>>) target_semaphore(%arg7 : memref<!tpu.dma_semaphore, #tpu.memory_space<semaphore_mem>>)
    %mul3A_218 = arith.constant 128 : i32
    %mul3A_219 = arith.muli %mul3A_218, %select_n3A : i32
    %add3A_220 = arith.addi %rem3A_1, %mul3A_219 : i32
    %add3A_221 = arith.constant 72 : i32
    %add3A_222 = arith.addi %add3A_220, %add3A_221 : i32
    %dma_start3A_223 = arith.constant 48 : i32
    %dma_start3A_224 = arith.constant 0 : i32
    %dma_start3A_225 = tpu.memref_slice %arg4[%dma_start3A_223, %dma_start3A_224] : memref<376x128xf32, #tpu.memory_space<vmem>> -> memref<256x128xf32, #tpu.memory_space<vmem>>
    %dma_start3A_226 = arith.constant 0 : i32
    %dma_start3A_227 = arith.constant 0 : i32
    %dma_start3A_228 = tpu.memref_slice %arg3[%add3A_222, %dma_start3A_226, %dma_start3A_227] : memref<512x512x256xf32, #tpu.memory_space<hbm>> -> memref<1x256x128xf32, #tpu.memory_space<hbm>>
    %dma_start3A_229 = tpu.memref_squeeze %dma_start3A_228 : memref<1x256x128xf32, #tpu.memory_space<hbm>> -> memref<256x128xf32, #tpu.memory_space<hbm>>
    %dma_start3A_230 = arith.constant 0 : i32
    %dma_start3A_231 = arith.constant 0 : i32
    %dma_start3A_232 = tpu.memref_slice %arg3[%add3A_222, %dma_start3A_230, %dma_start3A_231] : memref<512x512x256xf32, #tpu.memory_space<hbm>> -> memref<1x256x128xf32, #tpu.memory_space<hbm>>
    %dma_start3A_233 = tpu.memref_squeeze %dma_start3A_232 : memref<1x256x128xf32, #tpu.memory_space<hbm>> -> memref<256x128xf32, #tpu.memory_space<hbm>>
    %dma_start3A_234 = arith.constant 48 : i32
    %dma_start3A_235 = arith.constant 0 : i32
    %dma_start3A_236 = tpu.memref_slice %arg4[%dma_start3A_234, %dma_start3A_235] : memref<376x128xf32, #tpu.memory_space<vmem>> -> memref<256x128xf32, #tpu.memory_space<vmem>>
    tpu.enqueue_dma source(%dma_start3A_236 : memref<256x128xf32, #tpu.memory_space<vmem>>) target(%dma_start3A_233 : memref<256x128xf32, #tpu.memory_space<hbm>>) target_semaphore(%arg7 : memref<!tpu.dma_semaphore, #tpu.memory_space<semaphore_mem>>)
    %mul3A_237 = arith.constant 128 : i32
    %mul3A_238 = arith.muli %mul3A_237, %select_n3A : i32
    %add3A_239 = arith.addi %rem3A_1, %mul3A_238 : i32
    %add3A_240 = arith.constant 80 : i32
    %add3A_241 = arith.addi %add3A_239, %add3A_240 : i32
    %dma_start3A_242 = arith.constant 40 : i32
    %dma_start3A_243 = arith.constant 0 : i32
    %dma_start3A_244 = tpu.memref_slice %arg4[%dma_start3A_242, %dma_start3A_243] : memref<376x128xf32, #tpu.memory_space<vmem>> -> memref<256x128xf32, #tpu.memory_space<vmem>>
    %dma_start3A_245 = arith.constant 0 : i32
    %dma_start3A_246 = arith.constant 0 : i32
    %dma_start3A_247 = tpu.memref_slice %arg3[%add3A_241, %dma_start3A_245, %dma_start3A_246] : memref<512x512x256xf32, #tpu.memory_space<hbm>> -> memref<1x256x128xf32, #tpu.memory_space<hbm>>
    %dma_start3A_248 = tpu.memref_squeeze %dma_start3A_247 : memref<1x256x128xf32, #tpu.memory_space<hbm>> -> memref<256x128xf32, #tpu.memory_space<hbm>>
    %dma_start3A_249 = arith.constant 0 : i32
    %dma_start3A_250 = arith.constant 0 : i32
    %dma_start3A_251 = tpu.memref_slice %arg3[%add3A_241, %dma_start3A_249, %dma_start3A_250] : memref<512x512x256xf32, #tpu.memory_space<hbm>> -> memref<1x256x128xf32, #tpu.memory_space<hbm>>
    %dma_start3A_252 = tpu.memref_squeeze %dma_start3A_251 : memref<1x256x128xf32, #tpu.memory_space<hbm>> -> memref<256x128xf32, #tpu.memory_space<hbm>>
    %dma_start3A_253 = arith.constant 40 : i32
    %dma_start3A_254 = arith.constant 0 : i32
    %dma_start3A_255 = tpu.memref_slice %arg4[%dma_start3A_253, %dma_start3A_254] : memref<376x128xf32, #tpu.memory_space<vmem>> -> memref<256x128xf32, #tpu.memory_space<vmem>>
    tpu.enqueue_dma source(%dma_start3A_255 : memref<256x128xf32, #tpu.memory_space<vmem>>) target(%dma_start3A_252 : memref<256x128xf32, #tpu.memory_space<hbm>>) target_semaphore(%arg7 : memref<!tpu.dma_semaphore, #tpu.memory_space<semaphore_mem>>)
    %mul3A_256 = arith.constant 128 : i32
    %mul3A_257 = arith.muli %mul3A_256, %select_n3A : i32
    %add3A_258 = arith.addi %rem3A_1, %mul3A_257 : i32
    %add3A_259 = arith.constant 88 : i32
    %add3A_260 = arith.addi %add3A_258, %add3A_259 : i32
    %dma_start3A_261 = arith.constant 32 : i32
    %dma_start3A_262 = arith.constant 0 : i32
    %dma_start3A_263 = tpu.memref_slice %arg4[%dma_start3A_261, %dma_start3A_262] : memref<376x128xf32, #tpu.memory_space<vmem>> -> memref<256x128xf32, #tpu.memory_space<vmem>>
    %dma_start3A_264 = arith.constant 0 : i32
    %dma_start3A_265 = arith.constant 0 : i32
    %dma_start3A_266 = tpu.memref_slice %arg3[%add3A_260, %dma_start3A_264, %dma_start3A_265] : memref<512x512x256xf32, #tpu.memory_space<hbm>> -> memref<1x256x128xf32, #tpu.memory_space<hbm>>
    %dma_start3A_267 = tpu.memref_squeeze %dma_start3A_266 : memref<1x256x128xf32, #tpu.memory_space<hbm>> -> memref<256x128xf32, #tpu.memory_space<hbm>>
    %dma_start3A_268 = arith.constant 0 : i32
    %dma_start3A_269 = arith.constant 0 : i32
    %dma_start3A_270 = tpu.memref_slice %arg3[%add3A_260, %dma_start3A_268, %dma_start3A_269] : memref<512x512x256xf32, #tpu.memory_space<hbm>> -> memref<1x256x128xf32, #tpu.memory_space<hbm>>
    %dma_start3A_271 = tpu.memref_squeeze %dma_start3A_270 : memref<1x256x128xf32, #tpu.memory_space<hbm>> -> memref<256x128xf32, #tpu.memory_space<hbm>>
    %dma_start3A_272 = arith.constant 32 : i32
    %dma_start3A_273 = arith.constant 0 : i32
    %dma_start3A_274 = tpu.memref_slice %arg4[%dma_start3A_272, %dma_start3A_273] : memref<376x128xf32, #tpu.memory_space<vmem>> -> memref<256x128xf32, #tpu.memory_space<vmem>>
    tpu.enqueue_dma source(%dma_start3A_274 : memref<256x128xf32, #tpu.memory_space<vmem>>) target(%dma_start3A_271 : memref<256x128xf32, #tpu.memory_space<hbm>>) target_semaphore(%arg7 : memref<!tpu.dma_semaphore, #tpu.memory_space<semaphore_mem>>)
    %mul3A_275 = arith.constant 128 : i32
    %mul3A_276 = arith.muli %mul3A_275, %select_n3A : i32
    %add3A_277 = arith.addi %rem3A_1, %mul3A_276 : i32
    %add3A_278 = arith.constant 96 : i32
    %add3A_279 = arith.addi %add3A_277, %add3A_278 : i32
    %dma_start3A_280 = arith.constant 24 : i32
    %dma_start3A_281 = arith.constant 0 : i32
    %dma_start3A_282 = tpu.memref_slice %arg4[%dma_start3A_280, %dma_start3A_281] : memref<376x128xf32, #tpu.memory_space<vmem>> -> memref<256x128xf32, #tpu.memory_space<vmem>>
    %dma_start3A_283 = arith.constant 0 : i32
    %dma_start3A_284 = arith.constant 0 : i32
    %dma_start3A_285 = tpu.memref_slice %arg3[%add3A_279, %dma_start3A_283, %dma_start3A_284] : memref<512x512x256xf32, #tpu.memory_space<hbm>> -> memref<1x256x128xf32, #tpu.memory_space<hbm>>
    %dma_start3A_286 = tpu.memref_squeeze %dma_start3A_285 : memref<1x256x128xf32, #tpu.memory_space<hbm>> -> memref<256x128xf32, #tpu.memory_space<hbm>>
    %dma_start3A_287 = arith.constant 0 : i32
    %dma_start3A_288 = arith.constant 0 : i32
    %dma_start3A_289 = tpu.memref_slice %arg3[%add3A_279, %dma_start3A_287, %dma_start3A_288] : memref<512x512x256xf32, #tpu.memory_space<hbm>> -> memref<1x256x128xf32, #tpu.memory_space<hbm>>
    %dma_start3A_290 = tpu.memref_squeeze %dma_start3A_289 : memref<1x256x128xf32, #tpu.memory_space<hbm>> -> memref<256x128xf32, #tpu.memory_space<hbm>>
    %dma_start3A_291 = arith.constant 24 : i32
    %dma_start3A_292 = arith.constant 0 : i32
    %dma_start3A_293 = tpu.memref_slice %arg4[%dma_start3A_291, %dma_start3A_292] : memref<376x128xf32, #tpu.memory_space<vmem>> -> memref<256x128xf32, #tpu.memory_space<vmem>>
    tpu.enqueue_dma source(%dma_start3A_293 : memref<256x128xf32, #tpu.memory_space<vmem>>) target(%dma_start3A_290 : memref<256x128xf32, #tpu.memory_space<hbm>>) target_semaphore(%arg7 : memref<!tpu.dma_semaphore, #tpu.memory_space<semaphore_mem>>)
    %mul3A_294 = arith.constant 128 : i32
    %mul3A_295 = arith.muli %mul3A_294, %select_n3A : i32
    %add3A_296 = arith.addi %rem3A_1, %mul3A_295 : i32
    %add3A_297 = arith.constant 104 : i32
    %add3A_298 = arith.addi %add3A_296, %add3A_297 : i32
    %dma_start3A_299 = arith.constant 16 : i32
    %dma_start3A_300 = arith.constant 0 : i32
    %dma_start3A_301 = tpu.memref_slice %arg4[%dma_start3A_299, %dma_start3A_300] : memref<376x128xf32, #tpu.memory_space<vmem>> -> memref<256x128xf32, #tpu.memory_space<vmem>>
    %dma_start3A_302 = arith.constant 0 : i32
    %dma_start3A_303 = arith.constant 0 : i32
    %dma_start3A_304 = tpu.memref_slice %arg3[%add3A_298, %dma_start3A_302, %dma_start3A_303] : memref<512x512x256xf32, #tpu.memory_space<hbm>> -> memref<1x256x128xf32, #tpu.memory_space<hbm>>
    %dma_start3A_305 = tpu.memref_squeeze %dma_start3A_304 : memref<1x256x128xf32, #tpu.memory_space<hbm>> -> memref<256x128xf32, #tpu.memory_space<hbm>>
    %dma_start3A_306 = arith.constant 0 : i32
    %dma_start3A_307 = arith.constant 0 : i32
    %dma_start3A_308 = tpu.memref_slice %arg3[%add3A_298, %dma_start3A_306, %dma_start3A_307] : memref<512x512x256xf32, #tpu.memory_space<hbm>> -> memref<1x256x128xf32, #tpu.memory_space<hbm>>
    %dma_start3A_309 = tpu.memref_squeeze %dma_start3A_308 : memref<1x256x128xf32, #tpu.memory_space<hbm>> -> memref<256x128xf32, #tpu.memory_space<hbm>>
    %dma_start3A_310 = arith.constant 16 : i32
    %dma_start3A_311 = arith.constant 0 : i32
    %dma_start3A_312 = tpu.memref_slice %arg4[%dma_start3A_310, %dma_start3A_311] : memref<376x128xf32, #tpu.memory_space<vmem>> -> memref<256x128xf32, #tpu.memory_space<vmem>>
    tpu.enqueue_dma source(%dma_start3A_312 : memref<256x128xf32, #tpu.memory_space<vmem>>) target(%dma_start3A_309 : memref<256x128xf32, #tpu.memory_space<hbm>>) target_semaphore(%arg7 : memref<!tpu.dma_semaphore, #tpu.memory_space<semaphore_mem>>)
    %mul3A_313 = arith.constant 128 : i32
    %mul3A_314 = arith.muli %mul3A_313, %select_n3A : i32
    %add3A_315 = arith.addi %rem3A_1, %mul3A_314 : i32
    %add3A_316 = arith.constant 112 : i32
    %add3A_317 = arith.addi %add3A_315, %add3A_316 : i32
    %dma_start3A_318 = arith.constant 8 : i32
    %dma_start3A_319 = arith.constant 0 : i32
    %dma_start3A_320 = tpu.memref_slice %arg4[%dma_start3A_318, %dma_start3A_319] : memref<376x128xf32, #tpu.memory_space<vmem>> -> memref<256x128xf32, #tpu.memory_space<vmem>>
    %dma_start3A_321 = arith.constant 0 : i32
    %dma_start3A_322 = arith.constant 0 : i32
    %dma_start3A_323 = tpu.memref_slice %arg3[%add3A_317, %dma_start3A_321, %dma_start3A_322] : memref<512x512x256xf32, #tpu.memory_space<hbm>> -> memref<1x256x128xf32, #tpu.memory_space<hbm>>
    %dma_start3A_324 = tpu.memref_squeeze %dma_start3A_323 : memref<1x256x128xf32, #tpu.memory_space<hbm>> -> memref<256x128xf32, #tpu.memory_space<hbm>>
    %dma_start3A_325 = arith.constant 0 : i32
    %dma_start3A_326 = arith.constant 0 : i32
    %dma_start3A_327 = tpu.memref_slice %arg3[%add3A_317, %dma_start3A_325, %dma_start3A_326] : memref<512x512x256xf32, #tpu.memory_space<hbm>> -> memref<1x256x128xf32, #tpu.memory_space<hbm>>
    %dma_start3A_328 = tpu.memref_squeeze %dma_start3A_327 : memref<1x256x128xf32, #tpu.memory_space<hbm>> -> memref<256x128xf32, #tpu.memory_space<hbm>>
    %dma_start3A_329 = arith.constant 8 : i32
    %dma_start3A_330 = arith.constant 0 : i32
    %dma_start3A_331 = tpu.memref_slice %arg4[%dma_start3A_329, %dma_start3A_330] : memref<376x128xf32, #tpu.memory_space<vmem>> -> memref<256x128xf32, #tpu.memory_space<vmem>>
    tpu.enqueue_dma source(%dma_start3A_331 : memref<256x128xf32, #tpu.memory_space<vmem>>) target(%dma_start3A_328 : memref<256x128xf32, #tpu.memory_space<hbm>>) target_semaphore(%arg7 : memref<!tpu.dma_semaphore, #tpu.memory_space<semaphore_mem>>)
    %mul3A_332 = arith.constant 128 : i32
    %mul3A_333 = arith.muli %mul3A_332, %select_n3A : i32
    %add3A_334 = arith.addi %rem3A_1, %mul3A_333 : i32
    %add3A_335 = arith.constant 120 : i32
    %add3A_336 = arith.addi %add3A_334, %add3A_335 : i32
    %dma_start3A_337 = arith.constant 0 : i32
    %dma_start3A_338 = arith.constant 0 : i32
    %dma_start3A_339 = tpu.memref_slice %arg4[%dma_start3A_337, %dma_start3A_338] : memref<376x128xf32, #tpu.memory_space<vmem>> -> memref<256x128xf32, #tpu.memory_space<vmem>>
    %dma_start3A_340 = arith.constant 0 : i32
    %dma_start3A_341 = arith.constant 0 : i32
    %dma_start3A_342 = tpu.memref_slice %arg3[%add3A_336, %dma_start3A_340, %dma_start3A_341] : memref<512x512x256xf32, #tpu.memory_space<hbm>> -> memref<1x256x128xf32, #tpu.memory_space<hbm>>
    %dma_start3A_343 = tpu.memref_squeeze %dma_start3A_342 : memref<1x256x128xf32, #tpu.memory_space<hbm>> -> memref<256x128xf32, #tpu.memory_space<hbm>>
    %dma_start3A_344 = arith.constant 0 : i32
    %dma_start3A_345 = arith.constant 0 : i32
    %dma_start3A_346 = tpu.memref_slice %arg3[%add3A_336, %dma_start3A_344, %dma_start3A_345] : memref<512x512x256xf32, #tpu.memory_space<hbm>> -> memref<1x256x128xf32, #tpu.memory_space<hbm>>
    %dma_start3A_347 = tpu.memref_squeeze %dma_start3A_346 : memref<1x256x128xf32, #tpu.memory_space<hbm>> -> memref<256x128xf32, #tpu.memory_space<hbm>>
    %dma_start3A_348 = arith.constant 0 : i32
    %dma_start3A_349 = arith.constant 0 : i32
    %dma_start3A_350 = tpu.memref_slice %arg4[%dma_start3A_348, %dma_start3A_349] : memref<376x128xf32, #tpu.memory_space<vmem>> -> memref<256x128xf32, #tpu.memory_space<vmem>>
    tpu.enqueue_dma source(%dma_start3A_350 : memref<256x128xf32, #tpu.memory_space<vmem>>) target(%dma_start3A_347 : memref<256x128xf32, #tpu.memory_space<hbm>>) target_semaphore(%arg7 : memref<!tpu.dma_semaphore, #tpu.memory_space<semaphore_mem>>)
    %dma_start3A_351 = arith.constant 0 : i32
    %dma_start3A_352 = tpu.memref_slice %arg2[%sub3A_20, %multiple_of3A_30, %dma_start3A_351] : memref<8x1016x256xf32, #tpu.memory_space<hbm>> -> memref<1x376x128xf32, #tpu.memory_space<hbm>>
    %dma_start3A_353 = tpu.memref_squeeze %dma_start3A_352 : memref<1x376x128xf32, #tpu.memory_space<hbm>> -> memref<376x128xf32, #tpu.memory_space<hbm>>
    %dma_start3A_354 = arith.constant 0 : i32
    %dma_start3A_355 = tpu.memref_slice %arg2[%sub3A_20, %multiple_of3A_30, %dma_start3A_354] : memref<8x1016x256xf32, #tpu.memory_space<hbm>> -> memref<1x376x128xf32, #tpu.memory_space<hbm>>
    %dma_start3A_356 = tpu.memref_squeeze %dma_start3A_355 : memref<1x376x128xf32, #tpu.memory_space<hbm>> -> memref<376x128xf32, #tpu.memory_space<hbm>>
    tpu.enqueue_dma source(%dma_start3A_356 : memref<376x128xf32, #tpu.memory_space<hbm>>) target(%arg5 : memref<376x128xf32, #tpu.memory_space<vmem>>) target_semaphore(%arg6 : memref<!tpu.dma_semaphore, #tpu.memory_space<semaphore_mem>>)
    %dma_wait3A_357 = arith.constant 0 : i32
    %dma_wait3A_358 = tpu.memref_slice %arg2[%sub3A_20, %multiple_of3A_30, %dma_wait3A_357] : memref<8x1016x256xf32, #tpu.memory_space<hbm>> -> memref<1x376x128xf32, #tpu.memory_space<hbm>>
    %dma_wait3A_359 = tpu.memref_squeeze %dma_wait3A_358 : memref<1x376x128xf32, #tpu.memory_space<hbm>> -> memref<376x128xf32, #tpu.memory_space<hbm>>
    %dma_wait3A_360 = arith.constant 0 : i32
    %dma_wait3A_361 = tpu.memref_slice %arg2[%sub3A_20, %multiple_of3A_30, %dma_wait3A_360] : memref<8x1016x256xf32, #tpu.memory_space<hbm>> -> memref<1x376x128xf32, #tpu.memory_space<hbm>>
    %dma_wait3A_362 = tpu.memref_squeeze %dma_wait3A_361 : memref<1x376x128xf32, #tpu.memory_space<hbm>> -> memref<376x128xf32, #tpu.memory_space<hbm>>
    tpu.wait_dma2 semaphore(%arg6 : memref<!tpu.dma_semaphore, #tpu.memory_space<semaphore_mem>>) src(%dma_wait3A_362 : memref<376x128xf32, #tpu.memory_space<hbm>>) dst(%arg5 : memref<376x128xf32, #tpu.memory_space<vmem>>)
    %mul3A_363 = arith.constant 128 : i32
    %mul3A_364 = arith.muli %mul3A_363, %select_n3A : i32
    %add3A_365 = arith.addi %rem3A_1, %mul3A_364 : i32
    %add3A_366 = arith.constant 0 : i32
    %add3A_367 = arith.addi %add3A_365, %add3A_366 : i32
    %dma_start3A_368 = arith.constant 120 : i32
    %dma_start3A_369 = arith.constant 0 : i32
    %dma_start3A_370 = tpu.memref_slice %arg5[%dma_start3A_368, %dma_start3A_369] : memref<376x128xf32, #tpu.memory_space<vmem>> -> memref<256x128xf32, #tpu.memory_space<vmem>>
    %dma_start3A_371 = arith.constant 256 : i32
    %dma_start3A_372 = arith.constant 0 : i32
    %dma_start3A_373 = tpu.memref_slice %arg3[%add3A_367, %dma_start3A_371, %dma_start3A_372] : memref<512x512x256xf32, #tpu.memory_space<hbm>> -> memref<1x256x128xf32, #tpu.memory_space<hbm>>
    %dma_start3A_374 = tpu.memref_squeeze %dma_start3A_373 : memref<1x256x128xf32, #tpu.memory_space<hbm>> -> memref<256x128xf32, #tpu.memory_space<hbm>>
    %dma_start3A_375 = arith.constant 256 : i32
    %dma_start3A_376 = arith.constant 0 : i32
    %dma_start3A_377 = tpu.memref_slice %arg3[%add3A_367, %dma_start3A_375, %dma_start3A_376] : memref<512x512x256xf32, #tpu.memory_space<hbm>> -> memref<1x256x128xf32, #tpu.memory_space<hbm>>
    %dma_start3A_378 = tpu.memref_squeeze %dma_start3A_377 : memref<1x256x128xf32, #tpu.memory_space<hbm>> -> memref<256x128xf32, #tpu.memory_space<hbm>>
    %dma_start3A_379 = arith.constant 120 : i32
    %dma_start3A_380 = arith.constant 0 : i32
    %dma_start3A_381 = tpu.memref_slice %arg5[%dma_start3A_379, %dma_start3A_380] : memref<376x128xf32, #tpu.memory_space<vmem>> -> memref<256x128xf32, #tpu.memory_space<vmem>>
    tpu.enqueue_dma source(%dma_start3A_381 : memref<256x128xf32, #tpu.memory_space<vmem>>) target(%dma_start3A_378 : memref<256x128xf32, #tpu.memory_space<hbm>>) target_semaphore(%arg7 : memref<!tpu.dma_semaphore, #tpu.memory_space<semaphore_mem>>)
    %mul3A_382 = arith.constant 128 : i32
    %mul3A_383 = arith.muli %mul3A_382, %select_n3A : i32
    %add3A_384 = arith.addi %rem3A_1, %mul3A_383 : i32
    %add3A_385 = arith.constant 8 : i32
    %add3A_386 = arith.addi %add3A_384, %add3A_385 : i32
    %dma_start3A_387 = arith.constant 112 : i32
    %dma_start3A_388 = arith.constant 0 : i32
    %dma_start3A_389 = tpu.memref_slice %arg5[%dma_start3A_387, %dma_start3A_388] : memref<376x128xf32, #tpu.memory_space<vmem>> -> memref<256x128xf32, #tpu.memory_space<vmem>>
    %dma_start3A_390 = arith.constant 256 : i32
    %dma_start3A_391 = arith.constant 0 : i32
    %dma_start3A_392 = tpu.memref_slice %arg3[%add3A_386, %dma_start3A_390, %dma_start3A_391] : memref<512x512x256xf32, #tpu.memory_space<hbm>> -> memref<1x256x128xf32, #tpu.memory_space<hbm>>
    %dma_start3A_393 = tpu.memref_squeeze %dma_start3A_392 : memref<1x256x128xf32, #tpu.memory_space<hbm>> -> memref<256x128xf32, #tpu.memory_space<hbm>>
    %dma_start3A_394 = arith.constant 256 : i32
    %dma_start3A_395 = arith.constant 0 : i32
    %dma_start3A_396 = tpu.memref_slice %arg3[%add3A_386, %dma_start3A_394, %dma_start3A_395] : memref<512x512x256xf32, #tpu.memory_space<hbm>> -> memref<1x256x128xf32, #tpu.memory_space<hbm>>
    %dma_start3A_397 = tpu.memref_squeeze %dma_start3A_396 : memref<1x256x128xf32, #tpu.memory_space<hbm>> -> memref<256x128xf32, #tpu.memory_space<hbm>>
    %dma_start3A_398 = arith.constant 112 : i32
    %dma_start3A_399 = arith.constant 0 : i32
    %dma_start3A_400 = tpu.memref_slice %arg5[%dma_start3A_398, %dma_start3A_399] : memref<376x128xf32, #tpu.memory_space<vmem>> -> memref<256x128xf32, #tpu.memory_space<vmem>>
    tpu.enqueue_dma source(%dma_start3A_400 : memref<256x128xf32, #tpu.memory_space<vmem>>) target(%dma_start3A_397 : memref<256x128xf32, #tpu.memory_space<hbm>>) target_semaphore(%arg7 : memref<!tpu.dma_semaphore, #tpu.memory_space<semaphore_mem>>)
    %mul3A_401 = arith.constant 128 : i32
    %mul3A_402 = arith.muli %mul3A_401, %select_n3A : i32
    %add3A_403 = arith.addi %rem3A_1, %mul3A_402 : i32
    %add3A_404 = arith.constant 16 : i32
    %add3A_405 = arith.addi %add3A_403, %add3A_404 : i32
    %dma_start3A_406 = arith.constant 104 : i32
    %dma_start3A_407 = arith.constant 0 : i32
    %dma_start3A_408 = tpu.memref_slice %arg5[%dma_start3A_406, %dma_start3A_407] : memref<376x128xf32, #tpu.memory_space<vmem>> -> memref<256x128xf32, #tpu.memory_space<vmem>>
    %dma_start3A_409 = arith.constant 256 : i32
    %dma_start3A_410 = arith.constant 0 : i32
    %dma_start3A_411 = tpu.memref_slice %arg3[%add3A_405, %dma_start3A_409, %dma_start3A_410] : memref<512x512x256xf32, #tpu.memory_space<hbm>> -> memref<1x256x128xf32, #tpu.memory_space<hbm>>
    %dma_start3A_412 = tpu.memref_squeeze %dma_start3A_411 : memref<1x256x128xf32, #tpu.memory_space<hbm>> -> memref<256x128xf32, #tpu.memory_space<hbm>>
    %dma_start3A_413 = arith.constant 256 : i32
    %dma_start3A_414 = arith.constant 0 : i32
    %dma_start3A_415 = tpu.memref_slice %arg3[%add3A_405, %dma_start3A_413, %dma_start3A_414] : memref<512x512x256xf32, #tpu.memory_space<hbm>> -> memref<1x256x128xf32, #tpu.memory_space<hbm>>
    %dma_start3A_416 = tpu.memref_squeeze %dma_start3A_415 : memref<1x256x128xf32, #tpu.memory_space<hbm>> -> memref<256x128xf32, #tpu.memory_space<hbm>>
    %dma_start3A_417 = arith.constant 104 : i32
    %dma_start3A_418 = arith.constant 0 : i32
    %dma_start3A_419 = tpu.memref_slice %arg5[%dma_start3A_417, %dma_start3A_418] : memref<376x128xf32, #tpu.memory_space<vmem>> -> memref<256x128xf32, #tpu.memory_space<vmem>>
    tpu.enqueue_dma source(%dma_start3A_419 : memref<256x128xf32, #tpu.memory_space<vmem>>) target(%dma_start3A_416 : memref<256x128xf32, #tpu.memory_space<hbm>>) target_semaphore(%arg7 : memref<!tpu.dma_semaphore, #tpu.memory_space<semaphore_mem>>)
    %mul3A_420 = arith.constant 128 : i32
    %mul3A_421 = arith.muli %mul3A_420, %select_n3A : i32
    %add3A_422 = arith.addi %rem3A_1, %mul3A_421 : i32
    %add3A_423 = arith.constant 24 : i32
    %add3A_424 = arith.addi %add3A_422, %add3A_423 : i32
    %dma_start3A_425 = arith.constant 96 : i32
    %dma_start3A_426 = arith.constant 0 : i32
    %dma_start3A_427 = tpu.memref_slice %arg5[%dma_start3A_425, %dma_start3A_426] : memref<376x128xf32, #tpu.memory_space<vmem>> -> memref<256x128xf32, #tpu.memory_space<vmem>>
    %dma_start3A_428 = arith.constant 256 : i32
    %dma_start3A_429 = arith.constant 0 : i32
    %dma_start3A_430 = tpu.memref_slice %arg3[%add3A_424, %dma_start3A_428, %dma_start3A_429] : memref<512x512x256xf32, #tpu.memory_space<hbm>> -> memref<1x256x128xf32, #tpu.memory_space<hbm>>
    %dma_start3A_431 = tpu.memref_squeeze %dma_start3A_430 : memref<1x256x128xf32, #tpu.memory_space<hbm>> -> memref<256x128xf32, #tpu.memory_space<hbm>>
    %dma_start3A_432 = arith.constant 256 : i32
    %dma_start3A_433 = arith.constant 0 : i32
    %dma_start3A_434 = tpu.memref_slice %arg3[%add3A_424, %dma_start3A_432, %dma_start3A_433] : memref<512x512x256xf32, #tpu.memory_space<hbm>> -> memref<1x256x128xf32, #tpu.memory_space<hbm>>
    %dma_start3A_435 = tpu.memref_squeeze %dma_start3A_434 : memref<1x256x128xf32, #tpu.memory_space<hbm>> -> memref<256x128xf32, #tpu.memory_space<hbm>>
    %dma_start3A_436 = arith.constant 96 : i32
    %dma_start3A_437 = arith.constant 0 : i32
    %dma_start3A_438 = tpu.memref_slice %arg5[%dma_start3A_436, %dma_start3A_437] : memref<376x128xf32, #tpu.memory_space<vmem>> -> memref<256x128xf32, #tpu.memory_space<vmem>>
    tpu.enqueue_dma source(%dma_start3A_438 : memref<256x128xf32, #tpu.memory_space<vmem>>) target(%dma_start3A_435 : memref<256x128xf32, #tpu.memory_space<hbm>>) target_semaphore(%arg7 : memref<!tpu.dma_semaphore, #tpu.memory_space<semaphore_mem>>)
    %mul3A_439 = arith.constant 128 : i32
    %mul3A_440 = arith.muli %mul3A_439, %select_n3A : i32
    %add3A_441 = arith.addi %rem3A_1, %mul3A_440 : i32
    %add3A_442 = arith.constant 32 : i32
    %add3A_443 = arith.addi %add3A_441, %add3A_442 : i32
    %dma_start3A_444 = arith.constant 88 : i32
    %dma_start3A_445 = arith.constant 0 : i32
    %dma_start3A_446 = tpu.memref_slice %arg5[%dma_start3A_444, %dma_start3A_445] : memref<376x128xf32, #tpu.memory_space<vmem>> -> memref<256x128xf32, #tpu.memory_space<vmem>>
    %dma_start3A_447 = arith.constant 256 : i32
    %dma_start3A_448 = arith.constant 0 : i32
    %dma_start3A_449 = tpu.memref_slice %arg3[%add3A_443, %dma_start3A_447, %dma_start3A_448] : memref<512x512x256xf32, #tpu.memory_space<hbm>> -> memref<1x256x128xf32, #tpu.memory_space<hbm>>
    %dma_start3A_450 = tpu.memref_squeeze %dma_start3A_449 : memref<1x256x128xf32, #tpu.memory_space<hbm>> -> memref<256x128xf32, #tpu.memory_space<hbm>>
    %dma_start3A_451 = arith.constant 256 : i32
    %dma_start3A_452 = arith.constant 0 : i32
    %dma_start3A_453 = tpu.memref_slice %arg3[%add3A_443, %dma_start3A_451, %dma_start3A_452] : memref<512x512x256xf32, #tpu.memory_space<hbm>> -> memref<1x256x128xf32, #tpu.memory_space<hbm>>
    %dma_start3A_454 = tpu.memref_squeeze %dma_start3A_453 : memref<1x256x128xf32, #tpu.memory_space<hbm>> -> memref<256x128xf32, #tpu.memory_space<hbm>>
    %dma_start3A_455 = arith.constant 88 : i32
    %dma_start3A_456 = arith.constant 0 : i32
    %dma_start3A_457 = tpu.memref_slice %arg5[%dma_start3A_455, %dma_start3A_456] : memref<376x128xf32, #tpu.memory_space<vmem>> -> memref<256x128xf32, #tpu.memory_space<vmem>>
    tpu.enqueue_dma source(%dma_start3A_457 : memref<256x128xf32, #tpu.memory_space<vmem>>) target(%dma_start3A_454 : memref<256x128xf32, #tpu.memory_space<hbm>>) target_semaphore(%arg7 : memref<!tpu.dma_semaphore, #tpu.memory_space<semaphore_mem>>)
    %mul3A_458 = arith.constant 128 : i32
    %mul3A_459 = arith.muli %mul3A_458, %select_n3A : i32
    %add3A_460 = arith.addi %rem3A_1, %mul3A_459 : i32
    %add3A_461 = arith.constant 40 : i32
    %add3A_462 = arith.addi %add3A_460, %add3A_461 : i32
    %dma_start3A_463 = arith.constant 80 : i32
    %dma_start3A_464 = arith.constant 0 : i32
    %dma_start3A_465 = tpu.memref_slice %arg5[%dma_start3A_463, %dma_start3A_464] : memref<376x128xf32, #tpu.memory_space<vmem>> -> memref<256x128xf32, #tpu.memory_space<vmem>>
    %dma_start3A_466 = arith.constant 256 : i32
    %dma_start3A_467 = arith.constant 0 : i32
    %dma_start3A_468 = tpu.memref_slice %arg3[%add3A_462, %dma_start3A_466, %dma_start3A_467] : memref<512x512x256xf32, #tpu.memory_space<hbm>> -> memref<1x256x128xf32, #tpu.memory_space<hbm>>
    %dma_start3A_469 = tpu.memref_squeeze %dma_start3A_468 : memref<1x256x128xf32, #tpu.memory_space<hbm>> -> memref<256x128xf32, #tpu.memory_space<hbm>>
    %dma_start3A_470 = arith.constant 256 : i32
    %dma_start3A_471 = arith.constant 0 : i32
    %dma_start3A_472 = tpu.memref_slice %arg3[%add3A_462, %dma_start3A_470, %dma_start3A_471] : memref<512x512x256xf32, #tpu.memory_space<hbm>> -> memref<1x256x128xf32, #tpu.memory_space<hbm>>
    %dma_start3A_473 = tpu.memref_squeeze %dma_start3A_472 : memref<1x256x128xf32, #tpu.memory_space<hbm>> -> memref<256x128xf32, #tpu.memory_space<hbm>>
    %dma_start3A_474 = arith.constant 80 : i32
    %dma_start3A_475 = arith.constant 0 : i32
    %dma_start3A_476 = tpu.memref_slice %arg5[%dma_start3A_474, %dma_start3A_475] : memref<376x128xf32, #tpu.memory_space<vmem>> -> memref<256x128xf32, #tpu.memory_space<vmem>>
    tpu.enqueue_dma source(%dma_start3A_476 : memref<256x128xf32, #tpu.memory_space<vmem>>) target(%dma_start3A_473 : memref<256x128xf32, #tpu.memory_space<hbm>>) target_semaphore(%arg7 : memref<!tpu.dma_semaphore, #tpu.memory_space<semaphore_mem>>)
    %mul3A_477 = arith.constant 128 : i32
    %mul3A_478 = arith.muli %mul3A_477, %select_n3A : i32
    %add3A_479 = arith.addi %rem3A_1, %mul3A_478 : i32
    %add3A_480 = arith.constant 48 : i32
    %add3A_481 = arith.addi %add3A_479, %add3A_480 : i32
    %dma_start3A_482 = arith.constant 72 : i32
    %dma_start3A_483 = arith.constant 0 : i32
    %dma_start3A_484 = tpu.memref_slice %arg5[%dma_start3A_482, %dma_start3A_483] : memref<376x128xf32, #tpu.memory_space<vmem>> -> memref<256x128xf32, #tpu.memory_space<vmem>>
    %dma_start3A_485 = arith.constant 256 : i32
    %dma_start3A_486 = arith.constant 0 : i32
    %dma_start3A_487 = tpu.memref_slice %arg3[%add3A_481, %dma_start3A_485, %dma_start3A_486] : memref<512x512x256xf32, #tpu.memory_space<hbm>> -> memref<1x256x128xf32, #tpu.memory_space<hbm>>
    %dma_start3A_488 = tpu.memref_squeeze %dma_start3A_487 : memref<1x256x128xf32, #tpu.memory_space<hbm>> -> memref<256x128xf32, #tpu.memory_space<hbm>>
    %dma_start3A_489 = arith.constant 256 : i32
    %dma_start3A_490 = arith.constant 0 : i32
    %dma_start3A_491 = tpu.memref_slice %arg3[%add3A_481, %dma_start3A_489, %dma_start3A_490] : memref<512x512x256xf32, #tpu.memory_space<hbm>> -> memref<1x256x128xf32, #tpu.memory_space<hbm>>
    %dma_start3A_492 = tpu.memref_squeeze %dma_start3A_491 : memref<1x256x128xf32, #tpu.memory_space<hbm>> -> memref<256x128xf32, #tpu.memory_space<hbm>>
    %dma_start3A_493 = arith.constant 72 : i32
    %dma_start3A_494 = arith.constant 0 : i32
    %dma_start3A_495 = tpu.memref_slice %arg5[%dma_start3A_493, %dma_start3A_494] : memref<376x128xf32, #tpu.memory_space<vmem>> -> memref<256x128xf32, #tpu.memory_space<vmem>>
    tpu.enqueue_dma source(%dma_start3A_495 : memref<256x128xf32, #tpu.memory_space<vmem>>) target(%dma_start3A_492 : memref<256x128xf32, #tpu.memory_space<hbm>>) target_semaphore(%arg7 : memref<!tpu.dma_semaphore, #tpu.memory_space<semaphore_mem>>)
    %mul3A_496 = arith.constant 128 : i32
    %mul3A_497 = arith.muli %mul3A_496, %select_n3A : i32
    %add3A_498 = arith.addi %rem3A_1, %mul3A_497 : i32
    %add3A_499 = arith.constant 56 : i32
    %add3A_500 = arith.addi %add3A_498, %add3A_499 : i32
    %dma_start3A_501 = arith.constant 64 : i32
    %dma_start3A_502 = arith.constant 0 : i32
    %dma_start3A_503 = tpu.memref_slice %arg5[%dma_start3A_501, %dma_start3A_502] : memref<376x128xf32, #tpu.memory_space<vmem>> -> memref<256x128xf32, #tpu.memory_space<vmem>>
    %dma_start3A_504 = arith.constant 256 : i32
    %dma_start3A_505 = arith.constant 0 : i32
    %dma_start3A_506 = tpu.memref_slice %arg3[%add3A_500, %dma_start3A_504, %dma_start3A_505] : memref<512x512x256xf32, #tpu.memory_space<hbm>> -> memref<1x256x128xf32, #tpu.memory_space<hbm>>
    %dma_start3A_507 = tpu.memref_squeeze %dma_start3A_506 : memref<1x256x128xf32, #tpu.memory_space<hbm>> -> memref<256x128xf32, #tpu.memory_space<hbm>>
    %dma_start3A_508 = arith.constant 256 : i32
    %dma_start3A_509 = arith.constant 0 : i32
    %dma_start3A_510 = tpu.memref_slice %arg3[%add3A_500, %dma_start3A_508, %dma_start3A_509] : memref<512x512x256xf32, #tpu.memory_space<hbm>> -> memref<1x256x128xf32, #tpu.memory_space<hbm>>
    %dma_start3A_511 = tpu.memref_squeeze %dma_start3A_510 : memref<1x256x128xf32, #tpu.memory_space<hbm>> -> memref<256x128xf32, #tpu.memory_space<hbm>>
    %dma_start3A_512 = arith.constant 64 : i32
    %dma_start3A_513 = arith.constant 0 : i32
    %dma_start3A_514 = tpu.memref_slice %arg5[%dma_start3A_512, %dma_start3A_513] : memref<376x128xf32, #tpu.memory_space<vmem>> -> memref<256x128xf32, #tpu.memory_space<vmem>>
    tpu.enqueue_dma source(%dma_start3A_514 : memref<256x128xf32, #tpu.memory_space<vmem>>) target(%dma_start3A_511 : memref<256x128xf32, #tpu.memory_space<hbm>>) target_semaphore(%arg7 : memref<!tpu.dma_semaphore, #tpu.memory_space<semaphore_mem>>)
    %mul3A_515 = arith.constant 128 : i32
    %mul3A_516 = arith.muli %mul3A_515, %select_n3A : i32
    %add3A_517 = arith.addi %rem3A_1, %mul3A_516 : i32
    %add3A_518 = arith.constant 64 : i32
    %add3A_519 = arith.addi %add3A_517, %add3A_518 : i32
    %dma_start3A_520 = arith.constant 56 : i32
    %dma_start3A_521 = arith.constant 0 : i32
    %dma_start3A_522 = tpu.memref_slice %arg5[%dma_start3A_520, %dma_start3A_521] : memref<376x128xf32, #tpu.memory_space<vmem>> -> memref<256x128xf32, #tpu.memory_space<vmem>>
    %dma_start3A_523 = arith.constant 256 : i32
    %dma_start3A_524 = arith.constant 0 : i32
    %dma_start3A_525 = tpu.memref_slice %arg3[%add3A_519, %dma_start3A_523, %dma_start3A_524] : memref<512x512x256xf32, #tpu.memory_space<hbm>> -> memref<1x256x128xf32, #tpu.memory_space<hbm>>
    %dma_start3A_526 = tpu.memref_squeeze %dma_start3A_525 : memref<1x256x128xf32, #tpu.memory_space<hbm>> -> memref<256x128xf32, #tpu.memory_space<hbm>>
    %dma_start3A_527 = arith.constant 256 : i32
    %dma_start3A_528 = arith.constant 0 : i32
    %dma_start3A_529 = tpu.memref_slice %arg3[%add3A_519, %dma_start3A_527, %dma_start3A_528] : memref<512x512x256xf32, #tpu.memory_space<hbm>> -> memref<1x256x128xf32, #tpu.memory_space<hbm>>
    %dma_start3A_530 = tpu.memref_squeeze %dma_start3A_529 : memref<1x256x128xf32, #tpu.memory_space<hbm>> -> memref<256x128xf32, #tpu.memory_space<hbm>>
    %dma_start3A_531 = arith.constant 56 : i32
    %dma_start3A_532 = arith.constant 0 : i32
    %dma_start3A_533 = tpu.memref_slice %arg5[%dma_start3A_531, %dma_start3A_532] : memref<376x128xf32, #tpu.memory_space<vmem>> -> memref<256x128xf32, #tpu.memory_space<vmem>>
    tpu.enqueue_dma source(%dma_start3A_533 : memref<256x128xf32, #tpu.memory_space<vmem>>) target(%dma_start3A_530 : memref<256x128xf32, #tpu.memory_space<hbm>>) target_semaphore(%arg7 : memref<!tpu.dma_semaphore, #tpu.memory_space<semaphore_mem>>)
    %mul3A_534 = arith.constant 128 : i32
    %mul3A_535 = arith.muli %mul3A_534, %select_n3A : i32
    %add3A_536 = arith.addi %rem3A_1, %mul3A_535 : i32
    %add3A_537 = arith.constant 72 : i32
    %add3A_538 = arith.addi %add3A_536, %add3A_537 : i32
    %dma_start3A_539 = arith.constant 48 : i32
    %dma_start3A_540 = arith.constant 0 : i32
    %dma_start3A_541 = tpu.memref_slice %arg5[%dma_start3A_539, %dma_start3A_540] : memref<376x128xf32, #tpu.memory_space<vmem>> -> memref<256x128xf32, #tpu.memory_space<vmem>>
    %dma_start3A_542 = arith.constant 256 : i32
    %dma_start3A_543 = arith.constant 0 : i32
    %dma_start3A_544 = tpu.memref_slice %arg3[%add3A_538, %dma_start3A_542, %dma_start3A_543] : memref<512x512x256xf32, #tpu.memory_space<hbm>> -> memref<1x256x128xf32, #tpu.memory_space<hbm>>
    %dma_start3A_545 = tpu.memref_squeeze %dma_start3A_544 : memref<1x256x128xf32, #tpu.memory_space<hbm>> -> memref<256x128xf32, #tpu.memory_space<hbm>>
    %dma_start3A_546 = arith.constant 256 : i32
    %dma_start3A_547 = arith.constant 0 : i32
    %dma_start3A_548 = tpu.memref_slice %arg3[%add3A_538, %dma_start3A_546, %dma_start3A_547] : memref<512x512x256xf32, #tpu.memory_space<hbm>> -> memref<1x256x128xf32, #tpu.memory_space<hbm>>
    %dma_start3A_549 = tpu.memref_squeeze %dma_start3A_548 : memref<1x256x128xf32, #tpu.memory_space<hbm>> -> memref<256x128xf32, #tpu.memory_space<hbm>>
    %dma_start3A_550 = arith.constant 48 : i32
    %dma_start3A_551 = arith.constant 0 : i32
    %dma_start3A_552 = tpu.memref_slice %arg5[%dma_start3A_550, %dma_start3A_551] : memref<376x128xf32, #tpu.memory_space<vmem>> -> memref<256x128xf32, #tpu.memory_space<vmem>>
    tpu.enqueue_dma source(%dma_start3A_552 : memref<256x128xf32, #tpu.memory_space<vmem>>) target(%dma_start3A_549 : memref<256x128xf32, #tpu.memory_space<hbm>>) target_semaphore(%arg7 : memref<!tpu.dma_semaphore, #tpu.memory_space<semaphore_mem>>)
    %mul3A_553 = arith.constant 128 : i32
    %mul3A_554 = arith.muli %mul3A_553, %select_n3A : i32
    %add3A_555 = arith.addi %rem3A_1, %mul3A_554 : i32
    %add3A_556 = arith.constant 80 : i32
    %add3A_557 = arith.addi %add3A_555, %add3A_556 : i32
    %dma_start3A_558 = arith.constant 40 : i32
    %dma_start3A_559 = arith.constant 0 : i32
    %dma_start3A_560 = tpu.memref_slice %arg5[%dma_start3A_558, %dma_start3A_559] : memref<376x128xf32, #tpu.memory_space<vmem>> -> memref<256x128xf32, #tpu.memory_space<vmem>>
    %dma_start3A_561 = arith.constant 256 : i32
    %dma_start3A_562 = arith.constant 0 : i32
    %dma_start3A_563 = tpu.memref_slice %arg3[%add3A_557, %dma_start3A_561, %dma_start3A_562] : memref<512x512x256xf32, #tpu.memory_space<hbm>> -> memref<1x256x128xf32, #tpu.memory_space<hbm>>
    %dma_start3A_564 = tpu.memref_squeeze %dma_start3A_563 : memref<1x256x128xf32, #tpu.memory_space<hbm>> -> memref<256x128xf32, #tpu.memory_space<hbm>>
    %dma_start3A_565 = arith.constant 256 : i32
    %dma_start3A_566 = arith.constant 0 : i32
    %dma_start3A_567 = tpu.memref_slice %arg3[%add3A_557, %dma_start3A_565, %dma_start3A_566] : memref<512x512x256xf32, #tpu.memory_space<hbm>> -> memref<1x256x128xf32, #tpu.memory_space<hbm>>
    %dma_start3A_568 = tpu.memref_squeeze %dma_start3A_567 : memref<1x256x128xf32, #tpu.memory_space<hbm>> -> memref<256x128xf32, #tpu.memory_space<hbm>>
    %dma_start3A_569 = arith.constant 40 : i32
    %dma_start3A_570 = arith.constant 0 : i32
    %dma_start3A_571 = tpu.memref_slice %arg5[%dma_start3A_569, %dma_start3A_570] : memref<376x128xf32, #tpu.memory_space<vmem>> -> memref<256x128xf32, #tpu.memory_space<vmem>>
    tpu.enqueue_dma source(%dma_start3A_571 : memref<256x128xf32, #tpu.memory_space<vmem>>) target(%dma_start3A_568 : memref<256x128xf32, #tpu.memory_space<hbm>>) target_semaphore(%arg7 : memref<!tpu.dma_semaphore, #tpu.memory_space<semaphore_mem>>)
    %mul3A_572 = arith.constant 128 : i32
    %mul3A_573 = arith.muli %mul3A_572, %select_n3A : i32
    %add3A_574 = arith.addi %rem3A_1, %mul3A_573 : i32
    %add3A_575 = arith.constant 88 : i32
    %add3A_576 = arith.addi %add3A_574, %add3A_575 : i32
    %dma_start3A_577 = arith.constant 32 : i32
    %dma_start3A_578 = arith.constant 0 : i32
    %dma_start3A_579 = tpu.memref_slice %arg5[%dma_start3A_577, %dma_start3A_578] : memref<376x128xf32, #tpu.memory_space<vmem>> -> memref<256x128xf32, #tpu.memory_space<vmem>>
    %dma_start3A_580 = arith.constant 256 : i32
    %dma_start3A_581 = arith.constant 0 : i32
    %dma_start3A_582 = tpu.memref_slice %arg3[%add3A_576, %dma_start3A_580, %dma_start3A_581] : memref<512x512x256xf32, #tpu.memory_space<hbm>> -> memref<1x256x128xf32, #tpu.memory_space<hbm>>
    %dma_start3A_583 = tpu.memref_squeeze %dma_start3A_582 : memref<1x256x128xf32, #tpu.memory_space<hbm>> -> memref<256x128xf32, #tpu.memory_space<hbm>>
    %dma_start3A_584 = arith.constant 256 : i32
    %dma_start3A_585 = arith.constant 0 : i32
    %dma_start3A_586 = tpu.memref_slice %arg3[%add3A_576, %dma_start3A_584, %dma_start3A_585] : memref<512x512x256xf32, #tpu.memory_space<hbm>> -> memref<1x256x128xf32, #tpu.memory_space<hbm>>
    %dma_start3A_587 = tpu.memref_squeeze %dma_start3A_586 : memref<1x256x128xf32, #tpu.memory_space<hbm>> -> memref<256x128xf32, #tpu.memory_space<hbm>>
    %dma_start3A_588 = arith.constant 32 : i32
    %dma_start3A_589 = arith.constant 0 : i32
    %dma_start3A_590 = tpu.memref_slice %arg5[%dma_start3A_588, %dma_start3A_589] : memref<376x128xf32, #tpu.memory_space<vmem>> -> memref<256x128xf32, #tpu.memory_space<vmem>>
    tpu.enqueue_dma source(%dma_start3A_590 : memref<256x128xf32, #tpu.memory_space<vmem>>) target(%dma_start3A_587 : memref<256x128xf32, #tpu.memory_space<hbm>>) target_semaphore(%arg7 : memref<!tpu.dma_semaphore, #tpu.memory_space<semaphore_mem>>)
    %mul3A_591 = arith.constant 128 : i32
    %mul3A_592 = arith.muli %mul3A_591, %select_n3A : i32
    %add3A_593 = arith.addi %rem3A_1, %mul3A_592 : i32
    %add3A_594 = arith.constant 96 : i32
    %add3A_595 = arith.addi %add3A_593, %add3A_594 : i32
    %dma_start3A_596 = arith.constant 24 : i32
    %dma_start3A_597 = arith.constant 0 : i32
    %dma_start3A_598 = tpu.memref_slice %arg5[%dma_start3A_596, %dma_start3A_597] : memref<376x128xf32, #tpu.memory_space<vmem>> -> memref<256x128xf32, #tpu.memory_space<vmem>>
    %dma_start3A_599 = arith.constant 256 : i32
    %dma_start3A_600 = arith.constant 0 : i32
    %dma_start3A_601 = tpu.memref_slice %arg3[%add3A_595, %dma_start3A_599, %dma_start3A_600] : memref<512x512x256xf32, #tpu.memory_space<hbm>> -> memref<1x256x128xf32, #tpu.memory_space<hbm>>
    %dma_start3A_602 = tpu.memref_squeeze %dma_start3A_601 : memref<1x256x128xf32, #tpu.memory_space<hbm>> -> memref<256x128xf32, #tpu.memory_space<hbm>>
    %dma_start3A_603 = arith.constant 256 : i32
    %dma_start3A_604 = arith.constant 0 : i32
    %dma_start3A_605 = tpu.memref_slice %arg3[%add3A_595, %dma_start3A_603, %dma_start3A_604] : memref<512x512x256xf32, #tpu.memory_space<hbm>> -> memref<1x256x128xf32, #tpu.memory_space<hbm>>
    %dma_start3A_606 = tpu.memref_squeeze %dma_start3A_605 : memref<1x256x128xf32, #tpu.memory_space<hbm>> -> memref<256x128xf32, #tpu.memory_space<hbm>>
    %dma_start3A_607 = arith.constant 24 : i32
    %dma_start3A_608 = arith.constant 0 : i32
    %dma_start3A_609 = tpu.memref_slice %arg5[%dma_start3A_607, %dma_start3A_608] : memref<376x128xf32, #tpu.memory_space<vmem>> -> memref<256x128xf32, #tpu.memory_space<vmem>>
    tpu.enqueue_dma source(%dma_start3A_609 : memref<256x128xf32, #tpu.memory_space<vmem>>) target(%dma_start3A_606 : memref<256x128xf32, #tpu.memory_space<hbm>>) target_semaphore(%arg7 : memref<!tpu.dma_semaphore, #tpu.memory_space<semaphore_mem>>)
    %mul3A_610 = arith.constant 128 : i32
    %mul3A_611 = arith.muli %mul3A_610, %select_n3A : i32
    %add3A_612 = arith.addi %rem3A_1, %mul3A_611 : i32
    %add3A_613 = arith.constant 104 : i32
    %add3A_614 = arith.addi %add3A_612, %add3A_613 : i32
    %dma_start3A_615 = arith.constant 16 : i32
    %dma_start3A_616 = arith.constant 0 : i32
    %dma_start3A_617 = tpu.memref_slice %arg5[%dma_start3A_615, %dma_start3A_616] : memref<376x128xf32, #tpu.memory_space<vmem>> -> memref<256x128xf32, #tpu.memory_space<vmem>>
    %dma_start3A_618 = arith.constant 256 : i32
    %dma_start3A_619 = arith.constant 0 : i32
    %dma_start3A_620 = tpu.memref_slice %arg3[%add3A_614, %dma_start3A_618, %dma_start3A_619] : memref<512x512x256xf32, #tpu.memory_space<hbm>> -> memref<1x256x128xf32, #tpu.memory_space<hbm>>
    %dma_start3A_621 = tpu.memref_squeeze %dma_start3A_620 : memref<1x256x128xf32, #tpu.memory_space<hbm>> -> memref<256x128xf32, #tpu.memory_space<hbm>>
    %dma_start3A_622 = arith.constant 256 : i32
    %dma_start3A_623 = arith.constant 0 : i32
    %dma_start3A_624 = tpu.memref_slice %arg3[%add3A_614, %dma_start3A_622, %dma_start3A_623] : memref<512x512x256xf32, #tpu.memory_space<hbm>> -> memref<1x256x128xf32, #tpu.memory_space<hbm>>
    %dma_start3A_625 = tpu.memref_squeeze %dma_start3A_624 : memref<1x256x128xf32, #tpu.memory_space<hbm>> -> memref<256x128xf32, #tpu.memory_space<hbm>>
    %dma_start3A_626 = arith.constant 16 : i32
    %dma_start3A_627 = arith.constant 0 : i32
    %dma_start3A_628 = tpu.memref_slice %arg5[%dma_start3A_626, %dma_start3A_627] : memref<376x128xf32, #tpu.memory_space<vmem>> -> memref<256x128xf32, #tpu.memory_space<vmem>>
    tpu.enqueue_dma source(%dma_start3A_628 : memref<256x128xf32, #tpu.memory_space<vmem>>) target(%dma_start3A_625 : memref<256x128xf32, #tpu.memory_space<hbm>>) target_semaphore(%arg7 : memref<!tpu.dma_semaphore, #tpu.memory_space<semaphore_mem>>)
    %mul3A_629 = arith.constant 128 : i32
    %mul3A_630 = arith.muli %mul3A_629, %select_n3A : i32
    %add3A_631 = arith.addi %rem3A_1, %mul3A_630 : i32
    %add3A_632 = arith.constant 112 : i32
    %add3A_633 = arith.addi %add3A_631, %add3A_632 : i32
    %dma_start3A_634 = arith.constant 8 : i32
    %dma_start3A_635 = arith.constant 0 : i32
    %dma_start3A_636 = tpu.memref_slice %arg5[%dma_start3A_634, %dma_start3A_635] : memref<376x128xf32, #tpu.memory_space<vmem>> -> memref<256x128xf32, #tpu.memory_space<vmem>>
    %dma_start3A_637 = arith.constant 256 : i32
    %dma_start3A_638 = arith.constant 0 : i32
    %dma_start3A_639 = tpu.memref_slice %arg3[%add3A_633, %dma_start3A_637, %dma_start3A_638] : memref<512x512x256xf32, #tpu.memory_space<hbm>> -> memref<1x256x128xf32, #tpu.memory_space<hbm>>
    %dma_start3A_640 = tpu.memref_squeeze %dma_start3A_639 : memref<1x256x128xf32, #tpu.memory_space<hbm>> -> memref<256x128xf32, #tpu.memory_space<hbm>>
    %dma_start3A_641 = arith.constant 256 : i32
    %dma_start3A_642 = arith.constant 0 : i32
    %dma_start3A_643 = tpu.memref_slice %arg3[%add3A_633, %dma_start3A_641, %dma_start3A_642] : memref<512x512x256xf32, #tpu.memory_space<hbm>> -> memref<1x256x128xf32, #tpu.memory_space<hbm>>
    %dma_start3A_644 = tpu.memref_squeeze %dma_start3A_643 : memref<1x256x128xf32, #tpu.memory_space<hbm>> -> memref<256x128xf32, #tpu.memory_space<hbm>>
    %dma_start3A_645 = arith.constant 8 : i32
    %dma_start3A_646 = arith.constant 0 : i32
    %dma_start3A_647 = tpu.memref_slice %arg5[%dma_start3A_645, %dma_start3A_646] : memref<376x128xf32, #tpu.memory_space<vmem>> -> memref<256x128xf32, #tpu.memory_space<vmem>>
    tpu.enqueue_dma source(%dma_start3A_647 : memref<256x128xf32, #tpu.memory_space<vmem>>) target(%dma_start3A_644 : memref<256x128xf32, #tpu.memory_space<hbm>>) target_semaphore(%arg7 : memref<!tpu.dma_semaphore, #tpu.memory_space<semaphore_mem>>)
    %mul3A_648 = arith.constant 128 : i32
    %mul3A_649 = arith.muli %mul3A_648, %select_n3A : i32
    %add3A_650 = arith.addi %rem3A_1, %mul3A_649 : i32
    %add3A_651 = arith.constant 120 : i32
    %add3A_652 = arith.addi %add3A_650, %add3A_651 : i32
    %dma_start3A_653 = arith.constant 0 : i32
    %dma_start3A_654 = arith.constant 0 : i32
    %dma_start3A_655 = tpu.memref_slice %arg5[%dma_start3A_653, %dma_start3A_654] : memref<376x128xf32, #tpu.memory_space<vmem>> -> memref<256x128xf32, #tpu.memory_space<vmem>>
    %dma_start3A_656 = arith.constant 256 : i32
    %dma_start3A_657 = arith.constant 0 : i32
    %dma_start3A_658 = tpu.memref_slice %arg3[%add3A_652, %dma_start3A_656, %dma_start3A_657] : memref<512x512x256xf32, #tpu.memory_space<hbm>> -> memref<1x256x128xf32, #tpu.memory_space<hbm>>
    %dma_start3A_659 = tpu.memref_squeeze %dma_start3A_658 : memref<1x256x128xf32, #tpu.memory_space<hbm>> -> memref<256x128xf32, #tpu.memory_space<hbm>>
    %dma_start3A_660 = arith.constant 256 : i32
    %dma_start3A_661 = arith.constant 0 : i32
    %dma_start3A_662 = tpu.memref_slice %arg3[%add3A_652, %dma_start3A_660, %dma_start3A_661] : memref<512x512x256xf32, #tpu.memory_space<hbm>> -> memref<1x256x128xf32, #tpu.memory_space<hbm>>
    %dma_start3A_663 = tpu.memref_squeeze %dma_start3A_662 : memref<1x256x128xf32, #tpu.memory_space<hbm>> -> memref<256x128xf32, #tpu.memory_space<hbm>>
    %dma_start3A_664 = arith.constant 0 : i32
    %dma_start3A_665 = arith.constant 0 : i32
    %dma_start3A_666 = tpu.memref_slice %arg5[%dma_start3A_664, %dma_start3A_665] : memref<376x128xf32, #tpu.memory_space<vmem>> -> memref<256x128xf32, #tpu.memory_space<vmem>>
    tpu.enqueue_dma source(%dma_start3A_666 : memref<256x128xf32, #tpu.memory_space<vmem>>) target(%dma_start3A_663 : memref<256x128xf32, #tpu.memory_space<hbm>>) target_semaphore(%arg7 : memref<!tpu.dma_semaphore, #tpu.memory_space<semaphore_mem>>)
    %dma_wait3A_667 = arith.constant 120 : i32
    %dma_wait3A_668 = arith.constant 0 : i32
    %dma_wait3A_669 = tpu.memref_slice %arg4[%dma_wait3A_667, %dma_wait3A_668] : memref<376x128xf32, #tpu.memory_space<vmem>> -> memref<256x128xf32, #tpu.memory_space<vmem>>
    %dma_wait3A_670 = arith.constant 0 : i32
    %dma_wait3A_671 = arith.constant 0 : i32
    %dma_wait3A_672 = tpu.memref_slice %arg3[%add3A_51, %dma_wait3A_670, %dma_wait3A_671] : memref<512x512x256xf32, #tpu.memory_space<hbm>> -> memref<1x256x128xf32, #tpu.memory_space<hbm>>
    %dma_wait3A_673 = tpu.memref_squeeze %dma_wait3A_672 : memref<1x256x128xf32, #tpu.memory_space<hbm>> -> memref<256x128xf32, #tpu.memory_space<hbm>>
    %dma_wait3A_674 = arith.constant 0 : i32
    %dma_wait3A_675 = arith.constant 0 : i32
    %dma_wait3A_676 = tpu.memref_slice %arg3[%add3A_51, %dma_wait3A_674, %dma_wait3A_675] : memref<512x512x256xf32, #tpu.memory_space<hbm>> -> memref<1x256x128xf32, #tpu.memory_space<hbm>>
    %dma_wait3A_677 = tpu.memref_squeeze %dma_wait3A_676 : memref<1x256x128xf32, #tpu.memory_space<hbm>> -> memref<256x128xf32, #tpu.memory_space<hbm>>
    %dma_wait3A_678 = arith.constant 120 : i32
    %dma_wait3A_679 = arith.constant 0 : i32
    %dma_wait3A_680 = tpu.memref_slice %arg4[%dma_wait3A_678, %dma_wait3A_679] : memref<376x128xf32, #tpu.memory_space<vmem>> -> memref<256x128xf32, #tpu.memory_space<vmem>>
    tpu.wait_dma2 semaphore(%arg7 : memref<!tpu.dma_semaphore, #tpu.memory_space<semaphore_mem>>) src(%dma_wait3A_680 : memref<256x128xf32, #tpu.memory_space<vmem>>) dst(%dma_wait3A_677 : memref<256x128xf32, #tpu.memory_space<hbm>>)
    %dma_wait3A_681 = arith.constant 112 : i32
    %dma_wait3A_682 = arith.constant 0 : i32
    %dma_wait3A_683 = tpu.memref_slice %arg4[%dma_wait3A_681, %dma_wait3A_682] : memref<376x128xf32, #tpu.memory_space<vmem>> -> memref<256x128xf32, #tpu.memory_space<vmem>>
    %dma_wait3A_684 = arith.constant 0 : i32
    %dma_wait3A_685 = arith.constant 0 : i32
    %dma_wait3A_686 = tpu.memref_slice %arg3[%add3A_70, %dma_wait3A_684, %dma_wait3A_685] : memref<512x512x256xf32, #tpu.memory_space<hbm>> -> memref<1x256x128xf32, #tpu.memory_space<hbm>>
    %dma_wait3A_687 = tpu.memref_squeeze %dma_wait3A_686 : memref<1x256x128xf32, #tpu.memory_space<hbm>> -> memref<256x128xf32, #tpu.memory_space<hbm>>
    %dma_wait3A_688 = arith.constant 0 : i32
    %dma_wait3A_689 = arith.constant 0 : i32
    %dma_wait3A_690 = tpu.memref_slice %arg3[%add3A_70, %dma_wait3A_688, %dma_wait3A_689] : memref<512x512x256xf32, #tpu.memory_space<hbm>> -> memref<1x256x128xf32, #tpu.memory_space<hbm>>
    %dma_wait3A_691 = tpu.memref_squeeze %dma_wait3A_690 : memref<1x256x128xf32, #tpu.memory_space<hbm>> -> memref<256x128xf32, #tpu.memory_space<hbm>>
    %dma_wait3A_692 = arith.constant 112 : i32
    %dma_wait3A_693 = arith.constant 0 : i32
    %dma_wait3A_694 = tpu.memref_slice %arg4[%dma_wait3A_692, %dma_wait3A_693] : memref<376x128xf32, #tpu.memory_space<vmem>> -> memref<256x128xf32, #tpu.memory_space<vmem>>
    tpu.wait_dma2 semaphore(%arg7 : memref<!tpu.dma_semaphore, #tpu.memory_space<semaphore_mem>>) src(%dma_wait3A_694 : memref<256x128xf32, #tpu.memory_space<vmem>>) dst(%dma_wait3A_691 : memref<256x128xf32, #tpu.memory_space<hbm>>)
    %dma_wait3A_695 = arith.constant 104 : i32
    %dma_wait3A_696 = arith.constant 0 : i32
    %dma_wait3A_697 = tpu.memref_slice %arg4[%dma_wait3A_695, %dma_wait3A_696] : memref<376x128xf32, #tpu.memory_space<vmem>> -> memref<256x128xf32, #tpu.memory_space<vmem>>
    %dma_wait3A_698 = arith.constant 0 : i32
    %dma_wait3A_699 = arith.constant 0 : i32
    %dma_wait3A_700 = tpu.memref_slice %arg3[%add3A_89, %dma_wait3A_698, %dma_wait3A_699] : memref<512x512x256xf32, #tpu.memory_space<hbm>> -> memref<1x256x128xf32, #tpu.memory_space<hbm>>
    %dma_wait3A_701 = tpu.memref_squeeze %dma_wait3A_700 : memref<1x256x128xf32, #tpu.memory_space<hbm>> -> memref<256x128xf32, #tpu.memory_space<hbm>>
    %dma_wait3A_702 = arith.constant 0 : i32
    %dma_wait3A_703 = arith.constant 0 : i32
    %dma_wait3A_704 = tpu.memref_slice %arg3[%add3A_89, %dma_wait3A_702, %dma_wait3A_703] : memref<512x512x256xf32, #tpu.memory_space<hbm>> -> memref<1x256x128xf32, #tpu.memory_space<hbm>>
    %dma_wait3A_705 = tpu.memref_squeeze %dma_wait3A_704 : memref<1x256x128xf32, #tpu.memory_space<hbm>> -> memref<256x128xf32, #tpu.memory_space<hbm>>
    %dma_wait3A_706 = arith.constant 104 : i32
    %dma_wait3A_707 = arith.constant 0 : i32
    %dma_wait3A_708 = tpu.memref_slice %arg4[%dma_wait3A_706, %dma_wait3A_707] : memref<376x128xf32, #tpu.memory_space<vmem>> -> memref<256x128xf32, #tpu.memory_space<vmem>>
    tpu.wait_dma2 semaphore(%arg7 : memref<!tpu.dma_semaphore, #tpu.memory_space<semaphore_mem>>) src(%dma_wait3A_708 : memref<256x128xf32, #tpu.memory_space<vmem>>) dst(%dma_wait3A_705 : memref<256x128xf32, #tpu.memory_space<hbm>>)
    %dma_wait3A_709 = arith.constant 96 : i32
    %dma_wait3A_710 = arith.constant 0 : i32
    %dma_wait3A_711 = tpu.memref_slice %arg4[%dma_wait3A_709, %dma_wait3A_710] : memref<376x128xf32, #tpu.memory_space<vmem>> -> memref<256x128xf32, #tpu.memory_space<vmem>>
    %dma_wait3A_712 = arith.constant 0 : i32
    %dma_wait3A_713 = arith.constant 0 : i32
    %dma_wait3A_714 = tpu.memref_slice %arg3[%add3A_108, %dma_wait3A_712, %dma_wait3A_713] : memref<512x512x256xf32, #tpu.memory_space<hbm>> -> memref<1x256x128xf32, #tpu.memory_space<hbm>>
    %dma_wait3A_715 = tpu.memref_squeeze %dma_wait3A_714 : memref<1x256x128xf32, #tpu.memory_space<hbm>> -> memref<256x128xf32, #tpu.memory_space<hbm>>
    %dma_wait3A_716 = arith.constant 0 : i32
    %dma_wait3A_717 = arith.constant 0 : i32
    %dma_wait3A_718 = tpu.memref_slice %arg3[%add3A_108, %dma_wait3A_716, %dma_wait3A_717] : memref<512x512x256xf32, #tpu.memory_space<hbm>> -> memref<1x256x128xf32, #tpu.memory_space<hbm>>
    %dma_wait3A_719 = tpu.memref_squeeze %dma_wait3A_718 : memref<1x256x128xf32, #tpu.memory_space<hbm>> -> memref<256x128xf32, #tpu.memory_space<hbm>>
    %dma_wait3A_720 = arith.constant 96 : i32
    %dma_wait3A_721 = arith.constant 0 : i32
    %dma_wait3A_722 = tpu.memref_slice %arg4[%dma_wait3A_720, %dma_wait3A_721] : memref<376x128xf32, #tpu.memory_space<vmem>> -> memref<256x128xf32, #tpu.memory_space<vmem>>
    tpu.wait_dma2 semaphore(%arg7 : memref<!tpu.dma_semaphore, #tpu.memory_space<semaphore_mem>>) src(%dma_wait3A_722 : memref<256x128xf32, #tpu.memory_space<vmem>>) dst(%dma_wait3A_719 : memref<256x128xf32, #tpu.memory_space<hbm>>)
    %dma_wait3A_723 = arith.constant 88 : i32
    %dma_wait3A_724 = arith.constant 0 : i32
    %dma_wait3A_725 = tpu.memref_slice %arg4[%dma_wait3A_723, %dma_wait3A_724] : memref<376x128xf32, #tpu.memory_space<vmem>> -> memref<256x128xf32, #tpu.memory_space<vmem>>
    %dma_wait3A_726 = arith.constant 0 : i32
    %dma_wait3A_727 = arith.constant 0 : i32
    %dma_wait3A_728 = tpu.memref_slice %arg3[%add3A_127, %dma_wait3A_726, %dma_wait3A_727] : memref<512x512x256xf32, #tpu.memory_space<hbm>> -> memref<1x256x128xf32, #tpu.memory_space<hbm>>
    %dma_wait3A_729 = tpu.memref_squeeze %dma_wait3A_728 : memref<1x256x128xf32, #tpu.memory_space<hbm>> -> memref<256x128xf32, #tpu.memory_space<hbm>>
    %dma_wait3A_730 = arith.constant 0 : i32
    %dma_wait3A_731 = arith.constant 0 : i32
    %dma_wait3A_732 = tpu.memref_slice %arg3[%add3A_127, %dma_wait3A_730, %dma_wait3A_731] : memref<512x512x256xf32, #tpu.memory_space<hbm>> -> memref<1x256x128xf32, #tpu.memory_space<hbm>>
    %dma_wait3A_733 = tpu.memref_squeeze %dma_wait3A_732 : memref<1x256x128xf32, #tpu.memory_space<hbm>> -> memref<256x128xf32, #tpu.memory_space<hbm>>
    %dma_wait3A_734 = arith.constant 88 : i32
    %dma_wait3A_735 = arith.constant 0 : i32
    %dma_wait3A_736 = tpu.memref_slice %arg4[%dma_wait3A_734, %dma_wait3A_735] : memref<376x128xf32, #tpu.memory_space<vmem>> -> memref<256x128xf32, #tpu.memory_space<vmem>>
    tpu.wait_dma2 semaphore(%arg7 : memref<!tpu.dma_semaphore, #tpu.memory_space<semaphore_mem>>) src(%dma_wait3A_736 : memref<256x128xf32, #tpu.memory_space<vmem>>) dst(%dma_wait3A_733 : memref<256x128xf32, #tpu.memory_space<hbm>>)
    %dma_wait3A_737 = arith.constant 80 : i32
    %dma_wait3A_738 = arith.constant 0 : i32
    %dma_wait3A_739 = tpu.memref_slice %arg4[%dma_wait3A_737, %dma_wait3A_738] : memref<376x128xf32, #tpu.memory_space<vmem>> -> memref<256x128xf32, #tpu.memory_space<vmem>>
    %dma_wait3A_740 = arith.constant 0 : i32
    %dma_wait3A_741 = arith.constant 0 : i32
    %dma_wait3A_742 = tpu.memref_slice %arg3[%add3A_146, %dma_wait3A_740, %dma_wait3A_741] : memref<512x512x256xf32, #tpu.memory_space<hbm>> -> memref<1x256x128xf32, #tpu.memory_space<hbm>>
    %dma_wait3A_743 = tpu.memref_squeeze %dma_wait3A_742 : memref<1x256x128xf32, #tpu.memory_space<hbm>> -> memref<256x128xf32, #tpu.memory_space<hbm>>
    %dma_wait3A_744 = arith.constant 0 : i32
    %dma_wait3A_745 = arith.constant 0 : i32
    %dma_wait3A_746 = tpu.memref_slice %arg3[%add3A_146, %dma_wait3A_744, %dma_wait3A_745] : memref<512x512x256xf32, #tpu.memory_space<hbm>> -> memref<1x256x128xf32, #tpu.memory_space<hbm>>
    %dma_wait3A_747 = tpu.memref_squeeze %dma_wait3A_746 : memref<1x256x128xf32, #tpu.memory_space<hbm>> -> memref<256x128xf32, #tpu.memory_space<hbm>>
    %dma_wait3A_748 = arith.constant 80 : i32
    %dma_wait3A_749 = arith.constant 0 : i32
    %dma_wait3A_750 = tpu.memref_slice %arg4[%dma_wait3A_748, %dma_wait3A_749] : memref<376x128xf32, #tpu.memory_space<vmem>> -> memref<256x128xf32, #tpu.memory_space<vmem>>
    tpu.wait_dma2 semaphore(%arg7 : memref<!tpu.dma_semaphore, #tpu.memory_space<semaphore_mem>>) src(%dma_wait3A_750 : memref<256x128xf32, #tpu.memory_space<vmem>>) dst(%dma_wait3A_747 : memref<256x128xf32, #tpu.memory_space<hbm>>)
    %dma_wait3A_751 = arith.constant 72 : i32
    %dma_wait3A_752 = arith.constant 0 : i32
    %dma_wait3A_753 = tpu.memref_slice %arg4[%dma_wait3A_751, %dma_wait3A_752] : memref<376x128xf32, #tpu.memory_space<vmem>> -> memref<256x128xf32, #tpu.memory_space<vmem>>
    %dma_wait3A_754 = arith.constant 0 : i32
    %dma_wait3A_755 = arith.constant 0 : i32
    %dma_wait3A_756 = tpu.memref_slice %arg3[%add3A_165, %dma_wait3A_754, %dma_wait3A_755] : memref<512x512x256xf32, #tpu.memory_space<hbm>> -> memref<1x256x128xf32, #tpu.memory_space<hbm>>
    %dma_wait3A_757 = tpu.memref_squeeze %dma_wait3A_756 : memref<1x256x128xf32, #tpu.memory_space<hbm>> -> memref<256x128xf32, #tpu.memory_space<hbm>>
    %dma_wait3A_758 = arith.constant 0 : i32
    %dma_wait3A_759 = arith.constant 0 : i32
    %dma_wait3A_760 = tpu.memref_slice %arg3[%add3A_165, %dma_wait3A_758, %dma_wait3A_759] : memref<512x512x256xf32, #tpu.memory_space<hbm>> -> memref<1x256x128xf32, #tpu.memory_space<hbm>>
    %dma_wait3A_761 = tpu.memref_squeeze %dma_wait3A_760 : memref<1x256x128xf32, #tpu.memory_space<hbm>> -> memref<256x128xf32, #tpu.memory_space<hbm>>
    %dma_wait3A_762 = arith.constant 72 : i32
    %dma_wait3A_763 = arith.constant 0 : i32
    %dma_wait3A_764 = tpu.memref_slice %arg4[%dma_wait3A_762, %dma_wait3A_763] : memref<376x128xf32, #tpu.memory_space<vmem>> -> memref<256x128xf32, #tpu.memory_space<vmem>>
    tpu.wait_dma2 semaphore(%arg7 : memref<!tpu.dma_semaphore, #tpu.memory_space<semaphore_mem>>) src(%dma_wait3A_764 : memref<256x128xf32, #tpu.memory_space<vmem>>) dst(%dma_wait3A_761 : memref<256x128xf32, #tpu.memory_space<hbm>>)
    %dma_wait3A_765 = arith.constant 64 : i32
    %dma_wait3A_766 = arith.constant 0 : i32
    %dma_wait3A_767 = tpu.memref_slice %arg4[%dma_wait3A_765, %dma_wait3A_766] : memref<376x128xf32, #tpu.memory_space<vmem>> -> memref<256x128xf32, #tpu.memory_space<vmem>>
    %dma_wait3A_768 = arith.constant 0 : i32
    %dma_wait3A_769 = arith.constant 0 : i32
    %dma_wait3A_770 = tpu.memref_slice %arg3[%add3A_184, %dma_wait3A_768, %dma_wait3A_769] : memref<512x512x256xf32, #tpu.memory_space<hbm>> -> memref<1x256x128xf32, #tpu.memory_space<hbm>>
    %dma_wait3A_771 = tpu.memref_squeeze %dma_wait3A_770 : memref<1x256x128xf32, #tpu.memory_space<hbm>> -> memref<256x128xf32, #tpu.memory_space<hbm>>
    %dma_wait3A_772 = arith.constant 0 : i32
    %dma_wait3A_773 = arith.constant 0 : i32
    %dma_wait3A_774 = tpu.memref_slice %arg3[%add3A_184, %dma_wait3A_772, %dma_wait3A_773] : memref<512x512x256xf32, #tpu.memory_space<hbm>> -> memref<1x256x128xf32, #tpu.memory_space<hbm>>
    %dma_wait3A_775 = tpu.memref_squeeze %dma_wait3A_774 : memref<1x256x128xf32, #tpu.memory_space<hbm>> -> memref<256x128xf32, #tpu.memory_space<hbm>>
    %dma_wait3A_776 = arith.constant 64 : i32
    %dma_wait3A_777 = arith.constant 0 : i32
    %dma_wait3A_778 = tpu.memref_slice %arg4[%dma_wait3A_776, %dma_wait3A_777] : memref<376x128xf32, #tpu.memory_space<vmem>> -> memref<256x128xf32, #tpu.memory_space<vmem>>
    tpu.wait_dma2 semaphore(%arg7 : memref<!tpu.dma_semaphore, #tpu.memory_space<semaphore_mem>>) src(%dma_wait3A_778 : memref<256x128xf32, #tpu.memory_space<vmem>>) dst(%dma_wait3A_775 : memref<256x128xf32, #tpu.memory_space<hbm>>)
    %dma_wait3A_779 = arith.constant 56 : i32
    %dma_wait3A_780 = arith.constant 0 : i32
    %dma_wait3A_781 = tpu.memref_slice %arg4[%dma_wait3A_779, %dma_wait3A_780] : memref<376x128xf32, #tpu.memory_space<vmem>> -> memref<256x128xf32, #tpu.memory_space<vmem>>
    %dma_wait3A_782 = arith.constant 0 : i32
    %dma_wait3A_783 = arith.constant 0 : i32
    %dma_wait3A_784 = tpu.memref_slice %arg3[%add3A_203, %dma_wait3A_782, %dma_wait3A_783] : memref<512x512x256xf32, #tpu.memory_space<hbm>> -> memref<1x256x128xf32, #tpu.memory_space<hbm>>
    %dma_wait3A_785 = tpu.memref_squeeze %dma_wait3A_784 : memref<1x256x128xf32, #tpu.memory_space<hbm>> -> memref<256x128xf32, #tpu.memory_space<hbm>>
    %dma_wait3A_786 = arith.constant 0 : i32
    %dma_wait3A_787 = arith.constant 0 : i32
    %dma_wait3A_788 = tpu.memref_slice %arg3[%add3A_203, %dma_wait3A_786, %dma_wait3A_787] : memref<512x512x256xf32, #tpu.memory_space<hbm>> -> memref<1x256x128xf32, #tpu.memory_space<hbm>>
    %dma_wait3A_789 = tpu.memref_squeeze %dma_wait3A_788 : memref<1x256x128xf32, #tpu.memory_space<hbm>> -> memref<256x128xf32, #tpu.memory_space<hbm>>
    %dma_wait3A_790 = arith.constant 56 : i32
    %dma_wait3A_791 = arith.constant 0 : i32
    %dma_wait3A_792 = tpu.memref_slice %arg4[%dma_wait3A_790, %dma_wait3A_791] : memref<376x128xf32, #tpu.memory_space<vmem>> -> memref<256x128xf32, #tpu.memory_space<vmem>>
    tpu.wait_dma2 semaphore(%arg7 : memref<!tpu.dma_semaphore, #tpu.memory_space<semaphore_mem>>) src(%dma_wait3A_792 : memref<256x128xf32, #tpu.memory_space<vmem>>) dst(%dma_wait3A_789 : memref<256x128xf32, #tpu.memory_space<hbm>>)
    %dma_wait3A_793 = arith.constant 48 : i32
    %dma_wait3A_794 = arith.constant 0 : i32
    %dma_wait3A_795 = tpu.memref_slice %arg4[%dma_wait3A_793, %dma_wait3A_794] : memref<376x128xf32, #tpu.memory_space<vmem>> -> memref<256x128xf32, #tpu.memory_space<vmem>>
    %dma_wait3A_796 = arith.constant 0 : i32
    %dma_wait3A_797 = arith.constant 0 : i32
    %dma_wait3A_798 = tpu.memref_slice %arg3[%add3A_222, %dma_wait3A_796, %dma_wait3A_797] : memref<512x512x256xf32, #tpu.memory_space<hbm>> -> memref<1x256x128xf32, #tpu.memory_space<hbm>>
    %dma_wait3A_799 = tpu.memref_squeeze %dma_wait3A_798 : memref<1x256x128xf32, #tpu.memory_space<hbm>> -> memref<256x128xf32, #tpu.memory_space<hbm>>
    %dma_wait3A_800 = arith.constant 0 : i32
    %dma_wait3A_801 = arith.constant 0 : i32
    %dma_wait3A_802 = tpu.memref_slice %arg3[%add3A_222, %dma_wait3A_800, %dma_wait3A_801] : memref<512x512x256xf32, #tpu.memory_space<hbm>> -> memref<1x256x128xf32, #tpu.memory_space<hbm>>
    %dma_wait3A_803 = tpu.memref_squeeze %dma_wait3A_802 : memref<1x256x128xf32, #tpu.memory_space<hbm>> -> memref<256x128xf32, #tpu.memory_space<hbm>>
    %dma_wait3A_804 = arith.constant 48 : i32
    %dma_wait3A_805 = arith.constant 0 : i32
    %dma_wait3A_806 = tpu.memref_slice %arg4[%dma_wait3A_804, %dma_wait3A_805] : memref<376x128xf32, #tpu.memory_space<vmem>> -> memref<256x128xf32, #tpu.memory_space<vmem>>
    tpu.wait_dma2 semaphore(%arg7 : memref<!tpu.dma_semaphore, #tpu.memory_space<semaphore_mem>>) src(%dma_wait3A_806 : memref<256x128xf32, #tpu.memory_space<vmem>>) dst(%dma_wait3A_803 : memref<256x128xf32, #tpu.memory_space<hbm>>)
    %dma_wait3A_807 = arith.constant 40 : i32
    %dma_wait3A_808 = arith.constant 0 : i32
    %dma_wait3A_809 = tpu.memref_slice %arg4[%dma_wait3A_807, %dma_wait3A_808] : memref<376x128xf32, #tpu.memory_space<vmem>> -> memref<256x128xf32, #tpu.memory_space<vmem>>
    %dma_wait3A_810 = arith.constant 0 : i32
    %dma_wait3A_811 = arith.constant 0 : i32
    %dma_wait3A_812 = tpu.memref_slice %arg3[%add3A_241, %dma_wait3A_810, %dma_wait3A_811] : memref<512x512x256xf32, #tpu.memory_space<hbm>> -> memref<1x256x128xf32, #tpu.memory_space<hbm>>
    %dma_wait3A_813 = tpu.memref_squeeze %dma_wait3A_812 : memref<1x256x128xf32, #tpu.memory_space<hbm>> -> memref<256x128xf32, #tpu.memory_space<hbm>>
    %dma_wait3A_814 = arith.constant 0 : i32
    %dma_wait3A_815 = arith.constant 0 : i32
    %dma_wait3A_816 = tpu.memref_slice %arg3[%add3A_241, %dma_wait3A_814, %dma_wait3A_815] : memref<512x512x256xf32, #tpu.memory_space<hbm>> -> memref<1x256x128xf32, #tpu.memory_space<hbm>>
    %dma_wait3A_817 = tpu.memref_squeeze %dma_wait3A_816 : memref<1x256x128xf32, #tpu.memory_space<hbm>> -> memref<256x128xf32, #tpu.memory_space<hbm>>
    %dma_wait3A_818 = arith.constant 40 : i32
    %dma_wait3A_819 = arith.constant 0 : i32
    %dma_wait3A_820 = tpu.memref_slice %arg4[%dma_wait3A_818, %dma_wait3A_819] : memref<376x128xf32, #tpu.memory_space<vmem>> -> memref<256x128xf32, #tpu.memory_space<vmem>>
    tpu.wait_dma2 semaphore(%arg7 : memref<!tpu.dma_semaphore, #tpu.memory_space<semaphore_mem>>) src(%dma_wait3A_820 : memref<256x128xf32, #tpu.memory_space<vmem>>) dst(%dma_wait3A_817 : memref<256x128xf32, #tpu.memory_space<hbm>>)
    %dma_wait3A_821 = arith.constant 32 : i32
    %dma_wait3A_822 = arith.constant 0 : i32
    %dma_wait3A_823 = tpu.memref_slice %arg4[%dma_wait3A_821, %dma_wait3A_822] : memref<376x128xf32, #tpu.memory_space<vmem>> -> memref<256x128xf32, #tpu.memory_space<vmem>>
    %dma_wait3A_824 = arith.constant 0 : i32
    %dma_wait3A_825 = arith.constant 0 : i32
    %dma_wait3A_826 = tpu.memref_slice %arg3[%add3A_260, %dma_wait3A_824, %dma_wait3A_825] : memref<512x512x256xf32, #tpu.memory_space<hbm>> -> memref<1x256x128xf32, #tpu.memory_space<hbm>>
    %dma_wait3A_827 = tpu.memref_squeeze %dma_wait3A_826 : memref<1x256x128xf32, #tpu.memory_space<hbm>> -> memref<256x128xf32, #tpu.memory_space<hbm>>
    %dma_wait3A_828 = arith.constant 0 : i32
    %dma_wait3A_829 = arith.constant 0 : i32
    %dma_wait3A_830 = tpu.memref_slice %arg3[%add3A_260, %dma_wait3A_828, %dma_wait3A_829] : memref<512x512x256xf32, #tpu.memory_space<hbm>> -> memref<1x256x128xf32, #tpu.memory_space<hbm>>
    %dma_wait3A_831 = tpu.memref_squeeze %dma_wait3A_830 : memref<1x256x128xf32, #tpu.memory_space<hbm>> -> memref<256x128xf32, #tpu.memory_space<hbm>>
    %dma_wait3A_832 = arith.constant 32 : i32
    %dma_wait3A_833 = arith.constant 0 : i32
    %dma_wait3A_834 = tpu.memref_slice %arg4[%dma_wait3A_832, %dma_wait3A_833] : memref<376x128xf32, #tpu.memory_space<vmem>> -> memref<256x128xf32, #tpu.memory_space<vmem>>
    tpu.wait_dma2 semaphore(%arg7 : memref<!tpu.dma_semaphore, #tpu.memory_space<semaphore_mem>>) src(%dma_wait3A_834 : memref<256x128xf32, #tpu.memory_space<vmem>>) dst(%dma_wait3A_831 : memref<256x128xf32, #tpu.memory_space<hbm>>)
    %dma_wait3A_835 = arith.constant 24 : i32
    %dma_wait3A_836 = arith.constant 0 : i32
    %dma_wait3A_837 = tpu.memref_slice %arg4[%dma_wait3A_835, %dma_wait3A_836] : memref<376x128xf32, #tpu.memory_space<vmem>> -> memref<256x128xf32, #tpu.memory_space<vmem>>
    %dma_wait3A_838 = arith.constant 0 : i32
    %dma_wait3A_839 = arith.constant 0 : i32
    %dma_wait3A_840 = tpu.memref_slice %arg3[%add3A_279, %dma_wait3A_838, %dma_wait3A_839] : memref<512x512x256xf32, #tpu.memory_space<hbm>> -> memref<1x256x128xf32, #tpu.memory_space<hbm>>
    %dma_wait3A_841 = tpu.memref_squeeze %dma_wait3A_840 : memref<1x256x128xf32, #tpu.memory_space<hbm>> -> memref<256x128xf32, #tpu.memory_space<hbm>>
    %dma_wait3A_842 = arith.constant 0 : i32
    %dma_wait3A_843 = arith.constant 0 : i32
    %dma_wait3A_844 = tpu.memref_slice %arg3[%add3A_279, %dma_wait3A_842, %dma_wait3A_843] : memref<512x512x256xf32, #tpu.memory_space<hbm>> -> memref<1x256x128xf32, #tpu.memory_space<hbm>>
    %dma_wait3A_845 = tpu.memref_squeeze %dma_wait3A_844 : memref<1x256x128xf32, #tpu.memory_space<hbm>> -> memref<256x128xf32, #tpu.memory_space<hbm>>
    %dma_wait3A_846 = arith.constant 24 : i32
    %dma_wait3A_847 = arith.constant 0 : i32
    %dma_wait3A_848 = tpu.memref_slice %arg4[%dma_wait3A_846, %dma_wait3A_847] : memref<376x128xf32, #tpu.memory_space<vmem>> -> memref<256x128xf32, #tpu.memory_space<vmem>>
    tpu.wait_dma2 semaphore(%arg7 : memref<!tpu.dma_semaphore, #tpu.memory_space<semaphore_mem>>) src(%dma_wait3A_848 : memref<256x128xf32, #tpu.memory_space<vmem>>) dst(%dma_wait3A_845 : memref<256x128xf32, #tpu.memory_space<hbm>>)
    %dma_wait3A_849 = arith.constant 16 : i32
    %dma_wait3A_850 = arith.constant 0 : i32
    %dma_wait3A_851 = tpu.memref_slice %arg4[%dma_wait3A_849, %dma_wait3A_850] : memref<376x128xf32, #tpu.memory_space<vmem>> -> memref<256x128xf32, #tpu.memory_space<vmem>>
    %dma_wait3A_852 = arith.constant 0 : i32
    %dma_wait3A_853 = arith.constant 0 : i32
    %dma_wait3A_854 = tpu.memref_slice %arg3[%add3A_298, %dma_wait3A_852, %dma_wait3A_853] : memref<512x512x256xf32, #tpu.memory_space<hbm>> -> memref<1x256x128xf32, #tpu.memory_space<hbm>>
    %dma_wait3A_855 = tpu.memref_squeeze %dma_wait3A_854 : memref<1x256x128xf32, #tpu.memory_space<hbm>> -> memref<256x128xf32, #tpu.memory_space<hbm>>
    %dma_wait3A_856 = arith.constant 0 : i32
    %dma_wait3A_857 = arith.constant 0 : i32
    %dma_wait3A_858 = tpu.memref_slice %arg3[%add3A_298, %dma_wait3A_856, %dma_wait3A_857] : memref<512x512x256xf32, #tpu.memory_space<hbm>> -> memref<1x256x128xf32, #tpu.memory_space<hbm>>
    %dma_wait3A_859 = tpu.memref_squeeze %dma_wait3A_858 : memref<1x256x128xf32, #tpu.memory_space<hbm>> -> memref<256x128xf32, #tpu.memory_space<hbm>>
    %dma_wait3A_860 = arith.constant 16 : i32
    %dma_wait3A_861 = arith.constant 0 : i32
    %dma_wait3A_862 = tpu.memref_slice %arg4[%dma_wait3A_860, %dma_wait3A_861] : memref<376x128xf32, #tpu.memory_space<vmem>> -> memref<256x128xf32, #tpu.memory_space<vmem>>
    tpu.wait_dma2 semaphore(%arg7 : memref<!tpu.dma_semaphore, #tpu.memory_space<semaphore_mem>>) src(%dma_wait3A_862 : memref<256x128xf32, #tpu.memory_space<vmem>>) dst(%dma_wait3A_859 : memref<256x128xf32, #tpu.memory_space<hbm>>)
    %dma_wait3A_863 = arith.constant 8 : i32
    %dma_wait3A_864 = arith.constant 0 : i32
    %dma_wait3A_865 = tpu.memref_slice %arg4[%dma_wait3A_863, %dma_wait3A_864] : memref<376x128xf32, #tpu.memory_space<vmem>> -> memref<256x128xf32, #tpu.memory_space<vmem>>
    %dma_wait3A_866 = arith.constant 0 : i32
    %dma_wait3A_867 = arith.constant 0 : i32
    %dma_wait3A_868 = tpu.memref_slice %arg3[%add3A_317, %dma_wait3A_866, %dma_wait3A_867] : memref<512x512x256xf32, #tpu.memory_space<hbm>> -> memref<1x256x128xf32, #tpu.memory_space<hbm>>
    %dma_wait3A_869 = tpu.memref_squeeze %dma_wait3A_868 : memref<1x256x128xf32, #tpu.memory_space<hbm>> -> memref<256x128xf32, #tpu.memory_space<hbm>>
    %dma_wait3A_870 = arith.constant 0 : i32
    %dma_wait3A_871 = arith.constant 0 : i32
    %dma_wait3A_872 = tpu.memref_slice %arg3[%add3A_317, %dma_wait3A_870, %dma_wait3A_871] : memref<512x512x256xf32, #tpu.memory_space<hbm>> -> memref<1x256x128xf32, #tpu.memory_space<hbm>>
    %dma_wait3A_873 = tpu.memref_squeeze %dma_wait3A_872 : memref<1x256x128xf32, #tpu.memory_space<hbm>> -> memref<256x128xf32, #tpu.memory_space<hbm>>
    %dma_wait3A_874 = arith.constant 8 : i32
    %dma_wait3A_875 = arith.constant 0 : i32
    %dma_wait3A_876 = tpu.memref_slice %arg4[%dma_wait3A_874, %dma_wait3A_875] : memref<376x128xf32, #tpu.memory_space<vmem>> -> memref<256x128xf32, #tpu.memory_space<vmem>>
    tpu.wait_dma2 semaphore(%arg7 : memref<!tpu.dma_semaphore, #tpu.memory_space<semaphore_mem>>) src(%dma_wait3A_876 : memref<256x128xf32, #tpu.memory_space<vmem>>) dst(%dma_wait3A_873 : memref<256x128xf32, #tpu.memory_space<hbm>>)
    %dma_wait3A_877 = arith.constant 0 : i32
    %dma_wait3A_878 = arith.constant 0 : i32
    %dma_wait3A_879 = tpu.memref_slice %arg4[%dma_wait3A_877, %dma_wait3A_878] : memref<376x128xf32, #tpu.memory_space<vmem>> -> memref<256x128xf32, #tpu.memory_space<vmem>>
    %dma_wait3A_880 = arith.constant 0 : i32
    %dma_wait3A_881 = arith.constant 0 : i32
    %dma_wait3A_882 = tpu.memref_slice %arg3[%add3A_336, %dma_wait3A_880, %dma_wait3A_881] : memref<512x512x256xf32, #tpu.memory_space<hbm>> -> memref<1x256x128xf32, #tpu.memory_space<hbm>>
    %dma_wait3A_883 = tpu.memref_squeeze %dma_wait3A_882 : memref<1x256x128xf32, #tpu.memory_space<hbm>> -> memref<256x128xf32, #tpu.memory_space<hbm>>
    %dma_wait3A_884 = arith.constant 0 : i32
    %dma_wait3A_885 = arith.constant 0 : i32
    %dma_wait3A_886 = tpu.memref_slice %arg3[%add3A_336, %dma_wait3A_884, %dma_wait3A_885] : memref<512x512x256xf32, #tpu.memory_space<hbm>> -> memref<1x256x128xf32, #tpu.memory_space<hbm>>
    %dma_wait3A_887 = tpu.memref_squeeze %dma_wait3A_886 : memref<1x256x128xf32, #tpu.memory_space<hbm>> -> memref<256x128xf32, #tpu.memory_space<hbm>>
    %dma_wait3A_888 = arith.constant 0 : i32
    %dma_wait3A_889 = arith.constant 0 : i32
    %dma_wait3A_890 = tpu.memref_slice %arg4[%dma_wait3A_888, %dma_wait3A_889] : memref<376x128xf32, #tpu.memory_space<vmem>> -> memref<256x128xf32, #tpu.memory_space<vmem>>
    tpu.wait_dma2 semaphore(%arg7 : memref<!tpu.dma_semaphore, #tpu.memory_space<semaphore_mem>>) src(%dma_wait3A_890 : memref<256x128xf32, #tpu.memory_space<vmem>>) dst(%dma_wait3A_887 : memref<256x128xf32, #tpu.memory_space<hbm>>)
    %dma_start3A_891 = arith.constant 128 : i32
    %dma_start3A_892 = tpu.memref_slice %arg2[%sub3A_20, %multiple_of3A_33, %dma_start3A_891] : memref<8x1016x256xf32, #tpu.memory_space<hbm>> -> memref<1x376x128xf32, #tpu.memory_space<hbm>>
    %dma_start3A_893 = tpu.memref_squeeze %dma_start3A_892 : memref<1x376x128xf32, #tpu.memory_space<hbm>> -> memref<376x128xf32, #tpu.memory_space<hbm>>
    %dma_start3A_894 = arith.constant 128 : i32
    %dma_start3A_895 = tpu.memref_slice %arg2[%sub3A_20, %multiple_of3A_33, %dma_start3A_894] : memref<8x1016x256xf32, #tpu.memory_space<hbm>> -> memref<1x376x128xf32, #tpu.memory_space<hbm>>
    %dma_start3A_896 = tpu.memref_squeeze %dma_start3A_895 : memref<1x376x128xf32, #tpu.memory_space<hbm>> -> memref<376x128xf32, #tpu.memory_space<hbm>>
    tpu.enqueue_dma source(%dma_start3A_896 : memref<376x128xf32, #tpu.memory_space<hbm>>) target(%arg4 : memref<376x128xf32, #tpu.memory_space<vmem>>) target_semaphore(%arg6 : memref<!tpu.dma_semaphore, #tpu.memory_space<semaphore_mem>>)
    %dma_wait3A_897 = arith.constant 128 : i32
    %dma_wait3A_898 = tpu.memref_slice %arg2[%sub3A_20, %multiple_of3A_33, %dma_wait3A_897] : memref<8x1016x256xf32, #tpu.memory_space<hbm>> -> memref<1x376x128xf32, #tpu.memory_space<hbm>>
    %dma_wait3A_899 = tpu.memref_squeeze %dma_wait3A_898 : memref<1x376x128xf32, #tpu.memory_space<hbm>> -> memref<376x128xf32, #tpu.memory_space<hbm>>
    %dma_wait3A_900 = arith.constant 128 : i32
    %dma_wait3A_901 = tpu.memref_slice %arg2[%sub3A_20, %multiple_of3A_33, %dma_wait3A_900] : memref<8x1016x256xf32, #tpu.memory_space<hbm>> -> memref<1x376x128xf32, #tpu.memory_space<hbm>>
    %dma_wait3A_902 = tpu.memref_squeeze %dma_wait3A_901 : memref<1x376x128xf32, #tpu.memory_space<hbm>> -> memref<376x128xf32, #tpu.memory_space<hbm>>
    tpu.wait_dma2 semaphore(%arg6 : memref<!tpu.dma_semaphore, #tpu.memory_space<semaphore_mem>>) src(%dma_wait3A_902 : memref<376x128xf32, #tpu.memory_space<hbm>>) dst(%arg4 : memref<376x128xf32, #tpu.memory_space<vmem>>)
    %mul3A_903 = arith.constant 128 : i32
    %mul3A_904 = arith.muli %mul3A_903, %select_n3A : i32
    %add3A_905 = arith.addi %rem3A_1, %mul3A_904 : i32
    %add3A_906 = arith.constant 0 : i32
    %add3A_907 = arith.addi %add3A_905, %add3A_906 : i32
    %dma_start3A_908 = arith.constant 120 : i32
    %dma_start3A_909 = arith.constant 0 : i32
    %dma_start3A_910 = tpu.memref_slice %arg4[%dma_start3A_908, %dma_start3A_909] : memref<376x128xf32, #tpu.memory_space<vmem>> -> memref<256x128xf32, #tpu.memory_space<vmem>>
    %dma_start3A_911 = arith.constant 0 : i32
    %dma_start3A_912 = arith.constant 128 : i32
    %dma_start3A_913 = tpu.memref_slice %arg3[%add3A_907, %dma_start3A_911, %dma_start3A_912] : memref<512x512x256xf32, #tpu.memory_space<hbm>> -> memref<1x256x128xf32, #tpu.memory_space<hbm>>
    %dma_start3A_914 = tpu.memref_squeeze %dma_start3A_913 : memref<1x256x128xf32, #tpu.memory_space<hbm>> -> memref<256x128xf32, #tpu.memory_space<hbm>>
    %dma_start3A_915 = arith.constant 0 : i32
    %dma_start3A_916 = arith.constant 128 : i32
    %dma_start3A_917 = tpu.memref_slice %arg3[%add3A_907, %dma_start3A_915, %dma_start3A_916] : memref<512x512x256xf32, #tpu.memory_space<hbm>> -> memref<1x256x128xf32, #tpu.memory_space<hbm>>
    %dma_start3A_918 = tpu.memref_squeeze %dma_start3A_917 : memref<1x256x128xf32, #tpu.memory_space<hbm>> -> memref<256x128xf32, #tpu.memory_space<hbm>>
    %dma_start3A_919 = arith.constant 120 : i32
    %dma_start3A_920 = arith.constant 0 : i32
    %dma_start3A_921 = tpu.memref_slice %arg4[%dma_start3A_919, %dma_start3A_920] : memref<376x128xf32, #tpu.memory_space<vmem>> -> memref<256x128xf32, #tpu.memory_space<vmem>>
    tpu.enqueue_dma source(%dma_start3A_921 : memref<256x128xf32, #tpu.memory_space<vmem>>) target(%dma_start3A_918 : memref<256x128xf32, #tpu.memory_space<hbm>>) target_semaphore(%arg7 : memref<!tpu.dma_semaphore, #tpu.memory_space<semaphore_mem>>)
    %mul3A_922 = arith.constant 128 : i32
    %mul3A_923 = arith.muli %mul3A_922, %select_n3A : i32
    %add3A_924 = arith.addi %rem3A_1, %mul3A_923 : i32
    %add3A_925 = arith.constant 8 : i32
    %add3A_926 = arith.addi %add3A_924, %add3A_925 : i32
    %dma_start3A_927 = arith.constant 112 : i32
    %dma_start3A_928 = arith.constant 0 : i32
    %dma_start3A_929 = tpu.memref_slice %arg4[%dma_start3A_927, %dma_start3A_928] : memref<376x128xf32, #tpu.memory_space<vmem>> -> memref<256x128xf32, #tpu.memory_space<vmem>>
    %dma_start3A_930 = arith.constant 0 : i32
    %dma_start3A_931 = arith.constant 128 : i32
    %dma_start3A_932 = tpu.memref_slice %arg3[%add3A_926, %dma_start3A_930, %dma_start3A_931] : memref<512x512x256xf32, #tpu.memory_space<hbm>> -> memref<1x256x128xf32, #tpu.memory_space<hbm>>
    %dma_start3A_933 = tpu.memref_squeeze %dma_start3A_932 : memref<1x256x128xf32, #tpu.memory_space<hbm>> -> memref<256x128xf32, #tpu.memory_space<hbm>>
    %dma_start3A_934 = arith.constant 0 : i32
    %dma_start3A_935 = arith.constant 128 : i32
    %dma_start3A_936 = tpu.memref_slice %arg3[%add3A_926, %dma_start3A_934, %dma_start3A_935] : memref<512x512x256xf32, #tpu.memory_space<hbm>> -> memref<1x256x128xf32, #tpu.memory_space<hbm>>
    %dma_start3A_937 = tpu.memref_squeeze %dma_start3A_936 : memref<1x256x128xf32, #tpu.memory_space<hbm>> -> memref<256x128xf32, #tpu.memory_space<hbm>>
    %dma_start3A_938 = arith.constant 112 : i32
    %dma_start3A_939 = arith.constant 0 : i32
    %dma_start3A_940 = tpu.memref_slice %arg4[%dma_start3A_938, %dma_start3A_939] : memref<376x128xf32, #tpu.memory_space<vmem>> -> memref<256x128xf32, #tpu.memory_space<vmem>>
    tpu.enqueue_dma source(%dma_start3A_940 : memref<256x128xf32, #tpu.memory_space<vmem>>) target(%dma_start3A_937 : memref<256x128xf32, #tpu.memory_space<hbm>>) target_semaphore(%arg7 : memref<!tpu.dma_semaphore, #tpu.memory_space<semaphore_mem>>)
    %mul3A_941 = arith.constant 128 : i32
    %mul3A_942 = arith.muli %mul3A_941, %select_n3A : i32
    %add3A_943 = arith.addi %rem3A_1, %mul3A_942 : i32
    %add3A_944 = arith.constant 16 : i32
    %add3A_945 = arith.addi %add3A_943, %add3A_944 : i32
    %dma_start3A_946 = arith.constant 104 : i32
    %dma_start3A_947 = arith.constant 0 : i32
    %dma_start3A_948 = tpu.memref_slice %arg4[%dma_start3A_946, %dma_start3A_947] : memref<376x128xf32, #tpu.memory_space<vmem>> -> memref<256x128xf32, #tpu.memory_space<vmem>>
    %dma_start3A_949 = arith.constant 0 : i32
    %dma_start3A_950 = arith.constant 128 : i32
    %dma_start3A_951 = tpu.memref_slice %arg3[%add3A_945, %dma_start3A_949, %dma_start3A_950] : memref<512x512x256xf32, #tpu.memory_space<hbm>> -> memref<1x256x128xf32, #tpu.memory_space<hbm>>
    %dma_start3A_952 = tpu.memref_squeeze %dma_start3A_951 : memref<1x256x128xf32, #tpu.memory_space<hbm>> -> memref<256x128xf32, #tpu.memory_space<hbm>>
    %dma_start3A_953 = arith.constant 0 : i32
    %dma_start3A_954 = arith.constant 128 : i32
    %dma_start3A_955 = tpu.memref_slice %arg3[%add3A_945, %dma_start3A_953, %dma_start3A_954] : memref<512x512x256xf32, #tpu.memory_space<hbm>> -> memref<1x256x128xf32, #tpu.memory_space<hbm>>
    %dma_start3A_956 = tpu.memref_squeeze %dma_start3A_955 : memref<1x256x128xf32, #tpu.memory_space<hbm>> -> memref<256x128xf32, #tpu.memory_space<hbm>>
    %dma_start3A_957 = arith.constant 104 : i32
    %dma_start3A_958 = arith.constant 0 : i32
    %dma_start3A_959 = tpu.memref_slice %arg4[%dma_start3A_957, %dma_start3A_958] : memref<376x128xf32, #tpu.memory_space<vmem>> -> memref<256x128xf32, #tpu.memory_space<vmem>>
    tpu.enqueue_dma source(%dma_start3A_959 : memref<256x128xf32, #tpu.memory_space<vmem>>) target(%dma_start3A_956 : memref<256x128xf32, #tpu.memory_space<hbm>>) target_semaphore(%arg7 : memref<!tpu.dma_semaphore, #tpu.memory_space<semaphore_mem>>)
    %mul3A_960 = arith.constant 128 : i32
    %mul3A_961 = arith.muli %mul3A_960, %select_n3A : i32
    %add3A_962 = arith.addi %rem3A_1, %mul3A_961 : i32
    %add3A_963 = arith.constant 24 : i32
    %add3A_964 = arith.addi %add3A_962, %add3A_963 : i32
    %dma_start3A_965 = arith.constant 96 : i32
    %dma_start3A_966 = arith.constant 0 : i32
    %dma_start3A_967 = tpu.memref_slice %arg4[%dma_start3A_965, %dma_start3A_966] : memref<376x128xf32, #tpu.memory_space<vmem>> -> memref<256x128xf32, #tpu.memory_space<vmem>>
    %dma_start3A_968 = arith.constant 0 : i32
    %dma_start3A_969 = arith.constant 128 : i32
    %dma_start3A_970 = tpu.memref_slice %arg3[%add3A_964, %dma_start3A_968, %dma_start3A_969] : memref<512x512x256xf32, #tpu.memory_space<hbm>> -> memref<1x256x128xf32, #tpu.memory_space<hbm>>
    %dma_start3A_971 = tpu.memref_squeeze %dma_start3A_970 : memref<1x256x128xf32, #tpu.memory_space<hbm>> -> memref<256x128xf32, #tpu.memory_space<hbm>>
    %dma_start3A_972 = arith.constant 0 : i32
    %dma_start3A_973 = arith.constant 128 : i32
    %dma_start3A_974 = tpu.memref_slice %arg3[%add3A_964, %dma_start3A_972, %dma_start3A_973] : memref<512x512x256xf32, #tpu.memory_space<hbm>> -> memref<1x256x128xf32, #tpu.memory_space<hbm>>
    %dma_start3A_975 = tpu.memref_squeeze %dma_start3A_974 : memref<1x256x128xf32, #tpu.memory_space<hbm>> -> memref<256x128xf32, #tpu.memory_space<hbm>>
    %dma_start3A_976 = arith.constant 96 : i32
    %dma_start3A_977 = arith.constant 0 : i32
    %dma_start3A_978 = tpu.memref_slice %arg4[%dma_start3A_976, %dma_start3A_977] : memref<376x128xf32, #tpu.memory_space<vmem>> -> memref<256x128xf32, #tpu.memory_space<vmem>>
    tpu.enqueue_dma source(%dma_start3A_978 : memref<256x128xf32, #tpu.memory_space<vmem>>) target(%dma_start3A_975 : memref<256x128xf32, #tpu.memory_space<hbm>>) target_semaphore(%arg7 : memref<!tpu.dma_semaphore, #tpu.memory_space<semaphore_mem>>)
    %mul3A_979 = arith.constant 128 : i32
    %mul3A_980 = arith.muli %mul3A_979, %select_n3A : i32
    %add3A_981 = arith.addi %rem3A_1, %mul3A_980 : i32
    %add3A_982 = arith.constant 32 : i32
    %add3A_983 = arith.addi %add3A_981, %add3A_982 : i32
    %dma_start3A_984 = arith.constant 88 : i32
    %dma_start3A_985 = arith.constant 0 : i32
    %dma_start3A_986 = tpu.memref_slice %arg4[%dma_start3A_984, %dma_start3A_985] : memref<376x128xf32, #tpu.memory_space<vmem>> -> memref<256x128xf32, #tpu.memory_space<vmem>>
    %dma_start3A_987 = arith.constant 0 : i32
    %dma_start3A_988 = arith.constant 128 : i32
    %dma_start3A_989 = tpu.memref_slice %arg3[%add3A_983, %dma_start3A_987, %dma_start3A_988] : memref<512x512x256xf32, #tpu.memory_space<hbm>> -> memref<1x256x128xf32, #tpu.memory_space<hbm>>
    %dma_start3A_990 = tpu.memref_squeeze %dma_start3A_989 : memref<1x256x128xf32, #tpu.memory_space<hbm>> -> memref<256x128xf32, #tpu.memory_space<hbm>>
    %dma_start3A_991 = arith.constant 0 : i32
    %dma_start3A_992 = arith.constant 128 : i32
    %dma_start3A_993 = tpu.memref_slice %arg3[%add3A_983, %dma_start3A_991, %dma_start3A_992] : memref<512x512x256xf32, #tpu.memory_space<hbm>> -> memref<1x256x128xf32, #tpu.memory_space<hbm>>
    %dma_start3A_994 = tpu.memref_squeeze %dma_start3A_993 : memref<1x256x128xf32, #tpu.memory_space<hbm>> -> memref<256x128xf32, #tpu.memory_space<hbm>>
    %dma_start3A_995 = arith.constant 88 : i32
    %dma_start3A_996 = arith.constant 0 : i32
    %dma_start3A_997 = tpu.memref_slice %arg4[%dma_start3A_995, %dma_start3A_996] : memref<376x128xf32, #tpu.memory_space<vmem>> -> memref<256x128xf32, #tpu.memory_space<vmem>>
    tpu.enqueue_dma source(%dma_start3A_997 : memref<256x128xf32, #tpu.memory_space<vmem>>) target(%dma_start3A_994 : memref<256x128xf32, #tpu.memory_space<hbm>>) target_semaphore(%arg7 : memref<!tpu.dma_semaphore, #tpu.memory_space<semaphore_mem>>)
    %mul3A_998 = arith.constant 128 : i32
    %mul3A_999 = arith.muli %mul3A_998, %select_n3A : i32
    %add3A_1000 = arith.addi %rem3A_1, %mul3A_999 : i32
    %add3A_1001 = arith.constant 40 : i32
    %add3A_1002 = arith.addi %add3A_1000, %add3A_1001 : i32
    %dma_start3A_1003 = arith.constant 80 : i32
    %dma_start3A_1004 = arith.constant 0 : i32
    %dma_start3A_1005 = tpu.memref_slice %arg4[%dma_start3A_1003, %dma_start3A_1004] : memref<376x128xf32, #tpu.memory_space<vmem>> -> memref<256x128xf32, #tpu.memory_space<vmem>>
    %dma_start3A_1006 = arith.constant 0 : i32
    %dma_start3A_1007 = arith.constant 128 : i32
    %dma_start3A_1008 = tpu.memref_slice %arg3[%add3A_1002, %dma_start3A_1006, %dma_start3A_1007] : memref<512x512x256xf32, #tpu.memory_space<hbm>> -> memref<1x256x128xf32, #tpu.memory_space<hbm>>
    %dma_start3A_1009 = tpu.memref_squeeze %dma_start3A_1008 : memref<1x256x128xf32, #tpu.memory_space<hbm>> -> memref<256x128xf32, #tpu.memory_space<hbm>>
    %dma_start3A_1010 = arith.constant 0 : i32
    %dma_start3A_1011 = arith.constant 128 : i32
    %dma_start3A_1012 = tpu.memref_slice %arg3[%add3A_1002, %dma_start3A_1010, %dma_start3A_1011] : memref<512x512x256xf32, #tpu.memory_space<hbm>> -> memref<1x256x128xf32, #tpu.memory_space<hbm>>
    %dma_start3A_1013 = tpu.memref_squeeze %dma_start3A_1012 : memref<1x256x128xf32, #tpu.memory_space<hbm>> -> memref<256x128xf32, #tpu.memory_space<hbm>>
    %dma_start3A_1014 = arith.constant 80 : i32
    %dma_start3A_1015 = arith.constant 0 : i32
    %dma_start3A_1016 = tpu.memref_slice %arg4[%dma_start3A_1014, %dma_start3A_1015] : memref<376x128xf32, #tpu.memory_space<vmem>> -> memref<256x128xf32, #tpu.memory_space<vmem>>
    tpu.enqueue_dma source(%dma_start3A_1016 : memref<256x128xf32, #tpu.memory_space<vmem>>) target(%dma_start3A_1013 : memref<256x128xf32, #tpu.memory_space<hbm>>) target_semaphore(%arg7 : memref<!tpu.dma_semaphore, #tpu.memory_space<semaphore_mem>>)
    %mul3A_1017 = arith.constant 128 : i32
    %mul3A_1018 = arith.muli %mul3A_1017, %select_n3A : i32
    %add3A_1019 = arith.addi %rem3A_1, %mul3A_1018 : i32
    %add3A_1020 = arith.constant 48 : i32
    %add3A_1021 = arith.addi %add3A_1019, %add3A_1020 : i32
    %dma_start3A_1022 = arith.constant 72 : i32
    %dma_start3A_1023 = arith.constant 0 : i32
    %dma_start3A_1024 = tpu.memref_slice %arg4[%dma_start3A_1022, %dma_start3A_1023] : memref<376x128xf32, #tpu.memory_space<vmem>> -> memref<256x128xf32, #tpu.memory_space<vmem>>
    %dma_start3A_1025 = arith.constant 0 : i32
    %dma_start3A_1026 = arith.constant 128 : i32
    %dma_start3A_1027 = tpu.memref_slice %arg3[%add3A_1021, %dma_start3A_1025, %dma_start3A_1026] : memref<512x512x256xf32, #tpu.memory_space<hbm>> -> memref<1x256x128xf32, #tpu.memory_space<hbm>>
    %dma_start3A_1028 = tpu.memref_squeeze %dma_start3A_1027 : memref<1x256x128xf32, #tpu.memory_space<hbm>> -> memref<256x128xf32, #tpu.memory_space<hbm>>
    %dma_start3A_1029 = arith.constant 0 : i32
    %dma_start3A_1030 = arith.constant 128 : i32
    %dma_start3A_1031 = tpu.memref_slice %arg3[%add3A_1021, %dma_start3A_1029, %dma_start3A_1030] : memref<512x512x256xf32, #tpu.memory_space<hbm>> -> memref<1x256x128xf32, #tpu.memory_space<hbm>>
    %dma_start3A_1032 = tpu.memref_squeeze %dma_start3A_1031 : memref<1x256x128xf32, #tpu.memory_space<hbm>> -> memref<256x128xf32, #tpu.memory_space<hbm>>
    %dma_start3A_1033 = arith.constant 72 : i32
    %dma_start3A_1034 = arith.constant 0 : i32
    %dma_start3A_1035 = tpu.memref_slice %arg4[%dma_start3A_1033, %dma_start3A_1034] : memref<376x128xf32, #tpu.memory_space<vmem>> -> memref<256x128xf32, #tpu.memory_space<vmem>>
    tpu.enqueue_dma source(%dma_start3A_1035 : memref<256x128xf32, #tpu.memory_space<vmem>>) target(%dma_start3A_1032 : memref<256x128xf32, #tpu.memory_space<hbm>>) target_semaphore(%arg7 : memref<!tpu.dma_semaphore, #tpu.memory_space<semaphore_mem>>)
    %mul3A_1036 = arith.constant 128 : i32
    %mul3A_1037 = arith.muli %mul3A_1036, %select_n3A : i32
    %add3A_1038 = arith.addi %rem3A_1, %mul3A_1037 : i32
    %add3A_1039 = arith.constant 56 : i32
    %add3A_1040 = arith.addi %add3A_1038, %add3A_1039 : i32
    %dma_start3A_1041 = arith.constant 64 : i32
    %dma_start3A_1042 = arith.constant 0 : i32
    %dma_start3A_1043 = tpu.memref_slice %arg4[%dma_start3A_1041, %dma_start3A_1042] : memref<376x128xf32, #tpu.memory_space<vmem>> -> memref<256x128xf32, #tpu.memory_space<vmem>>
    %dma_start3A_1044 = arith.constant 0 : i32
    %dma_start3A_1045 = arith.constant 128 : i32
    %dma_start3A_1046 = tpu.memref_slice %arg3[%add3A_1040, %dma_start3A_1044, %dma_start3A_1045] : memref<512x512x256xf32, #tpu.memory_space<hbm>> -> memref<1x256x128xf32, #tpu.memory_space<hbm>>
    %dma_start3A_1047 = tpu.memref_squeeze %dma_start3A_1046 : memref<1x256x128xf32, #tpu.memory_space<hbm>> -> memref<256x128xf32, #tpu.memory_space<hbm>>
    %dma_start3A_1048 = arith.constant 0 : i32
    %dma_start3A_1049 = arith.constant 128 : i32
    %dma_start3A_1050 = tpu.memref_slice %arg3[%add3A_1040, %dma_start3A_1048, %dma_start3A_1049] : memref<512x512x256xf32, #tpu.memory_space<hbm>> -> memref<1x256x128xf32, #tpu.memory_space<hbm>>
    %dma_start3A_1051 = tpu.memref_squeeze %dma_start3A_1050 : memref<1x256x128xf32, #tpu.memory_space<hbm>> -> memref<256x128xf32, #tpu.memory_space<hbm>>
    %dma_start3A_1052 = arith.constant 64 : i32
    %dma_start3A_1053 = arith.constant 0 : i32
    %dma_start3A_1054 = tpu.memref_slice %arg4[%dma_start3A_1052, %dma_start3A_1053] : memref<376x128xf32, #tpu.memory_space<vmem>> -> memref<256x128xf32, #tpu.memory_space<vmem>>
    tpu.enqueue_dma source(%dma_start3A_1054 : memref<256x128xf32, #tpu.memory_space<vmem>>) target(%dma_start3A_1051 : memref<256x128xf32, #tpu.memory_space<hbm>>) target_semaphore(%arg7 : memref<!tpu.dma_semaphore, #tpu.memory_space<semaphore_mem>>)
    %mul3A_1055 = arith.constant 128 : i32
    %mul3A_1056 = arith.muli %mul3A_1055, %select_n3A : i32
    %add3A_1057 = arith.addi %rem3A_1, %mul3A_1056 : i32
    %add3A_1058 = arith.constant 64 : i32
    %add3A_1059 = arith.addi %add3A_1057, %add3A_1058 : i32
    %dma_start3A_1060 = arith.constant 56 : i32
    %dma_start3A_1061 = arith.constant 0 : i32
    %dma_start3A_1062 = tpu.memref_slice %arg4[%dma_start3A_1060, %dma_start3A_1061] : memref<376x128xf32, #tpu.memory_space<vmem>> -> memref<256x128xf32, #tpu.memory_space<vmem>>
    %dma_start3A_1063 = arith.constant 0 : i32
    %dma_start3A_1064 = arith.constant 128 : i32
    %dma_start3A_1065 = tpu.memref_slice %arg3[%add3A_1059, %dma_start3A_1063, %dma_start3A_1064] : memref<512x512x256xf32, #tpu.memory_space<hbm>> -> memref<1x256x128xf32, #tpu.memory_space<hbm>>
    %dma_start3A_1066 = tpu.memref_squeeze %dma_start3A_1065 : memref<1x256x128xf32, #tpu.memory_space<hbm>> -> memref<256x128xf32, #tpu.memory_space<hbm>>
    %dma_start3A_1067 = arith.constant 0 : i32
    %dma_start3A_1068 = arith.constant 128 : i32
    %dma_start3A_1069 = tpu.memref_slice %arg3[%add3A_1059, %dma_start3A_1067, %dma_start3A_1068] : memref<512x512x256xf32, #tpu.memory_space<hbm>> -> memref<1x256x128xf32, #tpu.memory_space<hbm>>
    %dma_start3A_1070 = tpu.memref_squeeze %dma_start3A_1069 : memref<1x256x128xf32, #tpu.memory_space<hbm>> -> memref<256x128xf32, #tpu.memory_space<hbm>>
    %dma_start3A_1071 = arith.constant 56 : i32
    %dma_start3A_1072 = arith.constant 0 : i32
    %dma_start3A_1073 = tpu.memref_slice %arg4[%dma_start3A_1071, %dma_start3A_1072] : memref<376x128xf32, #tpu.memory_space<vmem>> -> memref<256x128xf32, #tpu.memory_space<vmem>>
    tpu.enqueue_dma source(%dma_start3A_1073 : memref<256x128xf32, #tpu.memory_space<vmem>>) target(%dma_start3A_1070 : memref<256x128xf32, #tpu.memory_space<hbm>>) target_semaphore(%arg7 : memref<!tpu.dma_semaphore, #tpu.memory_space<semaphore_mem>>)
    %mul3A_1074 = arith.constant 128 : i32
    %mul3A_1075 = arith.muli %mul3A_1074, %select_n3A : i32
    %add3A_1076 = arith.addi %rem3A_1, %mul3A_1075 : i32
    %add3A_1077 = arith.constant 72 : i32
    %add3A_1078 = arith.addi %add3A_1076, %add3A_1077 : i32
    %dma_start3A_1079 = arith.constant 48 : i32
    %dma_start3A_1080 = arith.constant 0 : i32
    %dma_start3A_1081 = tpu.memref_slice %arg4[%dma_start3A_1079, %dma_start3A_1080] : memref<376x128xf32, #tpu.memory_space<vmem>> -> memref<256x128xf32, #tpu.memory_space<vmem>>
    %dma_start3A_1082 = arith.constant 0 : i32
    %dma_start3A_1083 = arith.constant 128 : i32
    %dma_start3A_1084 = tpu.memref_slice %arg3[%add3A_1078, %dma_start3A_1082, %dma_start3A_1083] : memref<512x512x256xf32, #tpu.memory_space<hbm>> -> memref<1x256x128xf32, #tpu.memory_space<hbm>>
    %dma_start3A_1085 = tpu.memref_squeeze %dma_start3A_1084 : memref<1x256x128xf32, #tpu.memory_space<hbm>> -> memref<256x128xf32, #tpu.memory_space<hbm>>
    %dma_start3A_1086 = arith.constant 0 : i32
    %dma_start3A_1087 = arith.constant 128 : i32
    %dma_start3A_1088 = tpu.memref_slice %arg3[%add3A_1078, %dma_start3A_1086, %dma_start3A_1087] : memref<512x512x256xf32, #tpu.memory_space<hbm>> -> memref<1x256x128xf32, #tpu.memory_space<hbm>>
    %dma_start3A_1089 = tpu.memref_squeeze %dma_start3A_1088 : memref<1x256x128xf32, #tpu.memory_space<hbm>> -> memref<256x128xf32, #tpu.memory_space<hbm>>
    %dma_start3A_1090 = arith.constant 48 : i32
    %dma_start3A_1091 = arith.constant 0 : i32
    %dma_start3A_1092 = tpu.memref_slice %arg4[%dma_start3A_1090, %dma_start3A_1091] : memref<376x128xf32, #tpu.memory_space<vmem>> -> memref<256x128xf32, #tpu.memory_space<vmem>>
    tpu.enqueue_dma source(%dma_start3A_1092 : memref<256x128xf32, #tpu.memory_space<vmem>>) target(%dma_start3A_1089 : memref<256x128xf32, #tpu.memory_space<hbm>>) target_semaphore(%arg7 : memref<!tpu.dma_semaphore, #tpu.memory_space<semaphore_mem>>)
    %mul3A_1093 = arith.constant 128 : i32
    %mul3A_1094 = arith.muli %mul3A_1093, %select_n3A : i32
    %add3A_1095 = arith.addi %rem3A_1, %mul3A_1094 : i32
    %add3A_1096 = arith.constant 80 : i32
    %add3A_1097 = arith.addi %add3A_1095, %add3A_1096 : i32
    %dma_start3A_1098 = arith.constant 40 : i32
    %dma_start3A_1099 = arith.constant 0 : i32
    %dma_start3A_1100 = tpu.memref_slice %arg4[%dma_start3A_1098, %dma_start3A_1099] : memref<376x128xf32, #tpu.memory_space<vmem>> -> memref<256x128xf32, #tpu.memory_space<vmem>>
    %dma_start3A_1101 = arith.constant 0 : i32
    %dma_start3A_1102 = arith.constant 128 : i32
    %dma_start3A_1103 = tpu.memref_slice %arg3[%add3A_1097, %dma_start3A_1101, %dma_start3A_1102] : memref<512x512x256xf32, #tpu.memory_space<hbm>> -> memref<1x256x128xf32, #tpu.memory_space<hbm>>
    %dma_start3A_1104 = tpu.memref_squeeze %dma_start3A_1103 : memref<1x256x128xf32, #tpu.memory_space<hbm>> -> memref<256x128xf32, #tpu.memory_space<hbm>>
    %dma_start3A_1105 = arith.constant 0 : i32
    %dma_start3A_1106 = arith.constant 128 : i32
    %dma_start3A_1107 = tpu.memref_slice %arg3[%add3A_1097, %dma_start3A_1105, %dma_start3A_1106] : memref<512x512x256xf32, #tpu.memory_space<hbm>> -> memref<1x256x128xf32, #tpu.memory_space<hbm>>
    %dma_start3A_1108 = tpu.memref_squeeze %dma_start3A_1107 : memref<1x256x128xf32, #tpu.memory_space<hbm>> -> memref<256x128xf32, #tpu.memory_space<hbm>>
    %dma_start3A_1109 = arith.constant 40 : i32
    %dma_start3A_1110 = arith.constant 0 : i32
    %dma_start3A_1111 = tpu.memref_slice %arg4[%dma_start3A_1109, %dma_start3A_1110] : memref<376x128xf32, #tpu.memory_space<vmem>> -> memref<256x128xf32, #tpu.memory_space<vmem>>
    tpu.enqueue_dma source(%dma_start3A_1111 : memref<256x128xf32, #tpu.memory_space<vmem>>) target(%dma_start3A_1108 : memref<256x128xf32, #tpu.memory_space<hbm>>) target_semaphore(%arg7 : memref<!tpu.dma_semaphore, #tpu.memory_space<semaphore_mem>>)
    %mul3A_1112 = arith.constant 128 : i32
    %mul3A_1113 = arith.muli %mul3A_1112, %select_n3A : i32
    %add3A_1114 = arith.addi %rem3A_1, %mul3A_1113 : i32
    %add3A_1115 = arith.constant 88 : i32
    %add3A_1116 = arith.addi %add3A_1114, %add3A_1115 : i32
    %dma_start3A_1117 = arith.constant 32 : i32
    %dma_start3A_1118 = arith.constant 0 : i32
    %dma_start3A_1119 = tpu.memref_slice %arg4[%dma_start3A_1117, %dma_start3A_1118] : memref<376x128xf32, #tpu.memory_space<vmem>> -> memref<256x128xf32, #tpu.memory_space<vmem>>
    %dma_start3A_1120 = arith.constant 0 : i32
    %dma_start3A_1121 = arith.constant 128 : i32
    %dma_start3A_1122 = tpu.memref_slice %arg3[%add3A_1116, %dma_start3A_1120, %dma_start3A_1121] : memref<512x512x256xf32, #tpu.memory_space<hbm>> -> memref<1x256x128xf32, #tpu.memory_space<hbm>>
    %dma_start3A_1123 = tpu.memref_squeeze %dma_start3A_1122 : memref<1x256x128xf32, #tpu.memory_space<hbm>> -> memref<256x128xf32, #tpu.memory_space<hbm>>
    %dma_start3A_1124 = arith.constant 0 : i32
    %dma_start3A_1125 = arith.constant 128 : i32
    %dma_start3A_1126 = tpu.memref_slice %arg3[%add3A_1116, %dma_start3A_1124, %dma_start3A_1125] : memref<512x512x256xf32, #tpu.memory_space<hbm>> -> memref<1x256x128xf32, #tpu.memory_space<hbm>>
    %dma_start3A_1127 = tpu.memref_squeeze %dma_start3A_1126 : memref<1x256x128xf32, #tpu.memory_space<hbm>> -> memref<256x128xf32, #tpu.memory_space<hbm>>
    %dma_start3A_1128 = arith.constant 32 : i32
    %dma_start3A_1129 = arith.constant 0 : i32
    %dma_start3A_1130 = tpu.memref_slice %arg4[%dma_start3A_1128, %dma_start3A_1129] : memref<376x128xf32, #tpu.memory_space<vmem>> -> memref<256x128xf32, #tpu.memory_space<vmem>>
    tpu.enqueue_dma source(%dma_start3A_1130 : memref<256x128xf32, #tpu.memory_space<vmem>>) target(%dma_start3A_1127 : memref<256x128xf32, #tpu.memory_space<hbm>>) target_semaphore(%arg7 : memref<!tpu.dma_semaphore, #tpu.memory_space<semaphore_mem>>)
    %mul3A_1131 = arith.constant 128 : i32
    %mul3A_1132 = arith.muli %mul3A_1131, %select_n3A : i32
    %add3A_1133 = arith.addi %rem3A_1, %mul3A_1132 : i32
    %add3A_1134 = arith.constant 96 : i32
    %add3A_1135 = arith.addi %add3A_1133, %add3A_1134 : i32
    %dma_start3A_1136 = arith.constant 24 : i32
    %dma_start3A_1137 = arith.constant 0 : i32
    %dma_start3A_1138 = tpu.memref_slice %arg4[%dma_start3A_1136, %dma_start3A_1137] : memref<376x128xf32, #tpu.memory_space<vmem>> -> memref<256x128xf32, #tpu.memory_space<vmem>>
    %dma_start3A_1139 = arith.constant 0 : i32
    %dma_start3A_1140 = arith.constant 128 : i32
    %dma_start3A_1141 = tpu.memref_slice %arg3[%add3A_1135, %dma_start3A_1139, %dma_start3A_1140] : memref<512x512x256xf32, #tpu.memory_space<hbm>> -> memref<1x256x128xf32, #tpu.memory_space<hbm>>
    %dma_start3A_1142 = tpu.memref_squeeze %dma_start3A_1141 : memref<1x256x128xf32, #tpu.memory_space<hbm>> -> memref<256x128xf32, #tpu.memory_space<hbm>>
    %dma_start3A_1143 = arith.constant 0 : i32
    %dma_start3A_1144 = arith.constant 128 : i32
    %dma_start3A_1145 = tpu.memref_slice %arg3[%add3A_1135, %dma_start3A_1143, %dma_start3A_1144] : memref<512x512x256xf32, #tpu.memory_space<hbm>> -> memref<1x256x128xf32, #tpu.memory_space<hbm>>
    %dma_start3A_1146 = tpu.memref_squeeze %dma_start3A_1145 : memref<1x256x128xf32, #tpu.memory_space<hbm>> -> memref<256x128xf32, #tpu.memory_space<hbm>>
    %dma_start3A_1147 = arith.constant 24 : i32
    %dma_start3A_1148 = arith.constant 0 : i32
    %dma_start3A_1149 = tpu.memref_slice %arg4[%dma_start3A_1147, %dma_start3A_1148] : memref<376x128xf32, #tpu.memory_space<vmem>> -> memref<256x128xf32, #tpu.memory_space<vmem>>
    tpu.enqueue_dma source(%dma_start3A_1149 : memref<256x128xf32, #tpu.memory_space<vmem>>) target(%dma_start3A_1146 : memref<256x128xf32, #tpu.memory_space<hbm>>) target_semaphore(%arg7 : memref<!tpu.dma_semaphore, #tpu.memory_space<semaphore_mem>>)
    %mul3A_1150 = arith.constant 128 : i32
    %mul3A_1151 = arith.muli %mul3A_1150, %select_n3A : i32
    %add3A_1152 = arith.addi %rem3A_1, %mul3A_1151 : i32
    %add3A_1153 = arith.constant 104 : i32
    %add3A_1154 = arith.addi %add3A_1152, %add3A_1153 : i32
    %dma_start3A_1155 = arith.constant 16 : i32
    %dma_start3A_1156 = arith.constant 0 : i32
    %dma_start3A_1157 = tpu.memref_slice %arg4[%dma_start3A_1155, %dma_start3A_1156] : memref<376x128xf32, #tpu.memory_space<vmem>> -> memref<256x128xf32, #tpu.memory_space<vmem>>
    %dma_start3A_1158 = arith.constant 0 : i32
    %dma_start3A_1159 = arith.constant 128 : i32
    %dma_start3A_1160 = tpu.memref_slice %arg3[%add3A_1154, %dma_start3A_1158, %dma_start3A_1159] : memref<512x512x256xf32, #tpu.memory_space<hbm>> -> memref<1x256x128xf32, #tpu.memory_space<hbm>>
    %dma_start3A_1161 = tpu.memref_squeeze %dma_start3A_1160 : memref<1x256x128xf32, #tpu.memory_space<hbm>> -> memref<256x128xf32, #tpu.memory_space<hbm>>
    %dma_start3A_1162 = arith.constant 0 : i32
    %dma_start3A_1163 = arith.constant 128 : i32
    %dma_start3A_1164 = tpu.memref_slice %arg3[%add3A_1154, %dma_start3A_1162, %dma_start3A_1163] : memref<512x512x256xf32, #tpu.memory_space<hbm>> -> memref<1x256x128xf32, #tpu.memory_space<hbm>>
    %dma_start3A_1165 = tpu.memref_squeeze %dma_start3A_1164 : memref<1x256x128xf32, #tpu.memory_space<hbm>> -> memref<256x128xf32, #tpu.memory_space<hbm>>
    %dma_start3A_1166 = arith.constant 16 : i32
    %dma_start3A_1167 = arith.constant 0 : i32
    %dma_start3A_1168 = tpu.memref_slice %arg4[%dma_start3A_1166, %dma_start3A_1167] : memref<376x128xf32, #tpu.memory_space<vmem>> -> memref<256x128xf32, #tpu.memory_space<vmem>>
    tpu.enqueue_dma source(%dma_start3A_1168 : memref<256x128xf32, #tpu.memory_space<vmem>>) target(%dma_start3A_1165 : memref<256x128xf32, #tpu.memory_space<hbm>>) target_semaphore(%arg7 : memref<!tpu.dma_semaphore, #tpu.memory_space<semaphore_mem>>)
    %mul3A_1169 = arith.constant 128 : i32
    %mul3A_1170 = arith.muli %mul3A_1169, %select_n3A : i32
    %add3A_1171 = arith.addi %rem3A_1, %mul3A_1170 : i32
    %add3A_1172 = arith.constant 112 : i32
    %add3A_1173 = arith.addi %add3A_1171, %add3A_1172 : i32
    %dma_start3A_1174 = arith.constant 8 : i32
    %dma_start3A_1175 = arith.constant 0 : i32
    %dma_start3A_1176 = tpu.memref_slice %arg4[%dma_start3A_1174, %dma_start3A_1175] : memref<376x128xf32, #tpu.memory_space<vmem>> -> memref<256x128xf32, #tpu.memory_space<vmem>>
    %dma_start3A_1177 = arith.constant 0 : i32
    %dma_start3A_1178 = arith.constant 128 : i32
    %dma_start3A_1179 = tpu.memref_slice %arg3[%add3A_1173, %dma_start3A_1177, %dma_start3A_1178] : memref<512x512x256xf32, #tpu.memory_space<hbm>> -> memref<1x256x128xf32, #tpu.memory_space<hbm>>
    %dma_start3A_1180 = tpu.memref_squeeze %dma_start3A_1179 : memref<1x256x128xf32, #tpu.memory_space<hbm>> -> memref<256x128xf32, #tpu.memory_space<hbm>>
    %dma_start3A_1181 = arith.constant 0 : i32
    %dma_start3A_1182 = arith.constant 128 : i32
    %dma_start3A_1183 = tpu.memref_slice %arg3[%add3A_1173, %dma_start3A_1181, %dma_start3A_1182] : memref<512x512x256xf32, #tpu.memory_space<hbm>> -> memref<1x256x128xf32, #tpu.memory_space<hbm>>
    %dma_start3A_1184 = tpu.memref_squeeze %dma_start3A_1183 : memref<1x256x128xf32, #tpu.memory_space<hbm>> -> memref<256x128xf32, #tpu.memory_space<hbm>>
    %dma_start3A_1185 = arith.constant 8 : i32
    %dma_start3A_1186 = arith.constant 0 : i32
    %dma_start3A_1187 = tpu.memref_slice %arg4[%dma_start3A_1185, %dma_start3A_1186] : memref<376x128xf32, #tpu.memory_space<vmem>> -> memref<256x128xf32, #tpu.memory_space<vmem>>
    tpu.enqueue_dma source(%dma_start3A_1187 : memref<256x128xf32, #tpu.memory_space<vmem>>) target(%dma_start3A_1184 : memref<256x128xf32, #tpu.memory_space<hbm>>) target_semaphore(%arg7 : memref<!tpu.dma_semaphore, #tpu.memory_space<semaphore_mem>>)
    %mul3A_1188 = arith.constant 128 : i32
    %mul3A_1189 = arith.muli %mul3A_1188, %select_n3A : i32
    %add3A_1190 = arith.addi %rem3A_1, %mul3A_1189 : i32
    %add3A_1191 = arith.constant 120 : i32
    %add3A_1192 = arith.addi %add3A_1190, %add3A_1191 : i32
    %dma_start3A_1193 = arith.constant 0 : i32
    %dma_start3A_1194 = arith.constant 0 : i32
    %dma_start3A_1195 = tpu.memref_slice %arg4[%dma_start3A_1193, %dma_start3A_1194] : memref<376x128xf32, #tpu.memory_space<vmem>> -> memref<256x128xf32, #tpu.memory_space<vmem>>
    %dma_start3A_1196 = arith.constant 0 : i32
    %dma_start3A_1197 = arith.constant 128 : i32
    %dma_start3A_1198 = tpu.memref_slice %arg3[%add3A_1192, %dma_start3A_1196, %dma_start3A_1197] : memref<512x512x256xf32, #tpu.memory_space<hbm>> -> memref<1x256x128xf32, #tpu.memory_space<hbm>>
    %dma_start3A_1199 = tpu.memref_squeeze %dma_start3A_1198 : memref<1x256x128xf32, #tpu.memory_space<hbm>> -> memref<256x128xf32, #tpu.memory_space<hbm>>
    %dma_start3A_1200 = arith.constant 0 : i32
    %dma_start3A_1201 = arith.constant 128 : i32
    %dma_start3A_1202 = tpu.memref_slice %arg3[%add3A_1192, %dma_start3A_1200, %dma_start3A_1201] : memref<512x512x256xf32, #tpu.memory_space<hbm>> -> memref<1x256x128xf32, #tpu.memory_space<hbm>>
    %dma_start3A_1203 = tpu.memref_squeeze %dma_start3A_1202 : memref<1x256x128xf32, #tpu.memory_space<hbm>> -> memref<256x128xf32, #tpu.memory_space<hbm>>
    %dma_start3A_1204 = arith.constant 0 : i32
    %dma_start3A_1205 = arith.constant 0 : i32
    %dma_start3A_1206 = tpu.memref_slice %arg4[%dma_start3A_1204, %dma_start3A_1205] : memref<376x128xf32, #tpu.memory_space<vmem>> -> memref<256x128xf32, #tpu.memory_space<vmem>>
    tpu.enqueue_dma source(%dma_start3A_1206 : memref<256x128xf32, #tpu.memory_space<vmem>>) target(%dma_start3A_1203 : memref<256x128xf32, #tpu.memory_space<hbm>>) target_semaphore(%arg7 : memref<!tpu.dma_semaphore, #tpu.memory_space<semaphore_mem>>)
    %dma_wait3A_1207 = arith.constant 120 : i32
    %dma_wait3A_1208 = arith.constant 0 : i32
    %dma_wait3A_1209 = tpu.memref_slice %arg5[%dma_wait3A_1207, %dma_wait3A_1208] : memref<376x128xf32, #tpu.memory_space<vmem>> -> memref<256x128xf32, #tpu.memory_space<vmem>>
    %dma_wait3A_1210 = arith.constant 256 : i32
    %dma_wait3A_1211 = arith.constant 0 : i32
    %dma_wait3A_1212 = tpu.memref_slice %arg3[%add3A_367, %dma_wait3A_1210, %dma_wait3A_1211] : memref<512x512x256xf32, #tpu.memory_space<hbm>> -> memref<1x256x128xf32, #tpu.memory_space<hbm>>
    %dma_wait3A_1213 = tpu.memref_squeeze %dma_wait3A_1212 : memref<1x256x128xf32, #tpu.memory_space<hbm>> -> memref<256x128xf32, #tpu.memory_space<hbm>>
    %dma_wait3A_1214 = arith.constant 256 : i32
    %dma_wait3A_1215 = arith.constant 0 : i32
    %dma_wait3A_1216 = tpu.memref_slice %arg3[%add3A_367, %dma_wait3A_1214, %dma_wait3A_1215] : memref<512x512x256xf32, #tpu.memory_space<hbm>> -> memref<1x256x128xf32, #tpu.memory_space<hbm>>
    %dma_wait3A_1217 = tpu.memref_squeeze %dma_wait3A_1216 : memref<1x256x128xf32, #tpu.memory_space<hbm>> -> memref<256x128xf32, #tpu.memory_space<hbm>>
    %dma_wait3A_1218 = arith.constant 120 : i32
    %dma_wait3A_1219 = arith.constant 0 : i32
    %dma_wait3A_1220 = tpu.memref_slice %arg5[%dma_wait3A_1218, %dma_wait3A_1219] : memref<376x128xf32, #tpu.memory_space<vmem>> -> memref<256x128xf32, #tpu.memory_space<vmem>>
    tpu.wait_dma2 semaphore(%arg7 : memref<!tpu.dma_semaphore, #tpu.memory_space<semaphore_mem>>) src(%dma_wait3A_1220 : memref<256x128xf32, #tpu.memory_space<vmem>>) dst(%dma_wait3A_1217 : memref<256x128xf32, #tpu.memory_space<hbm>>)
    %dma_wait3A_1221 = arith.constant 112 : i32
    %dma_wait3A_1222 = arith.constant 0 : i32
    %dma_wait3A_1223 = tpu.memref_slice %arg5[%dma_wait3A_1221, %dma_wait3A_1222] : memref<376x128xf32, #tpu.memory_space<vmem>> -> memref<256x128xf32, #tpu.memory_space<vmem>>
    %dma_wait3A_1224 = arith.constant 256 : i32
    %dma_wait3A_1225 = arith.constant 0 : i32
    %dma_wait3A_1226 = tpu.memref_slice %arg3[%add3A_386, %dma_wait3A_1224, %dma_wait3A_1225] : memref<512x512x256xf32, #tpu.memory_space<hbm>> -> memref<1x256x128xf32, #tpu.memory_space<hbm>>
    %dma_wait3A_1227 = tpu.memref_squeeze %dma_wait3A_1226 : memref<1x256x128xf32, #tpu.memory_space<hbm>> -> memref<256x128xf32, #tpu.memory_space<hbm>>
    %dma_wait3A_1228 = arith.constant 256 : i32
    %dma_wait3A_1229 = arith.constant 0 : i32
    %dma_wait3A_1230 = tpu.memref_slice %arg3[%add3A_386, %dma_wait3A_1228, %dma_wait3A_1229] : memref<512x512x256xf32, #tpu.memory_space<hbm>> -> memref<1x256x128xf32, #tpu.memory_space<hbm>>
    %dma_wait3A_1231 = tpu.memref_squeeze %dma_wait3A_1230 : memref<1x256x128xf32, #tpu.memory_space<hbm>> -> memref<256x128xf32, #tpu.memory_space<hbm>>
    %dma_wait3A_1232 = arith.constant 112 : i32
    %dma_wait3A_1233 = arith.constant 0 : i32
    %dma_wait3A_1234 = tpu.memref_slice %arg5[%dma_wait3A_1232, %dma_wait3A_1233] : memref<376x128xf32, #tpu.memory_space<vmem>> -> memref<256x128xf32, #tpu.memory_space<vmem>>
    tpu.wait_dma2 semaphore(%arg7 : memref<!tpu.dma_semaphore, #tpu.memory_space<semaphore_mem>>) src(%dma_wait3A_1234 : memref<256x128xf32, #tpu.memory_space<vmem>>) dst(%dma_wait3A_1231 : memref<256x128xf32, #tpu.memory_space<hbm>>)
    %dma_wait3A_1235 = arith.constant 104 : i32
    %dma_wait3A_1236 = arith.constant 0 : i32
    %dma_wait3A_1237 = tpu.memref_slice %arg5[%dma_wait3A_1235, %dma_wait3A_1236] : memref<376x128xf32, #tpu.memory_space<vmem>> -> memref<256x128xf32, #tpu.memory_space<vmem>>
    %dma_wait3A_1238 = arith.constant 256 : i32
    %dma_wait3A_1239 = arith.constant 0 : i32
    %dma_wait3A_1240 = tpu.memref_slice %arg3[%add3A_405, %dma_wait3A_1238, %dma_wait3A_1239] : memref<512x512x256xf32, #tpu.memory_space<hbm>> -> memref<1x256x128xf32, #tpu.memory_space<hbm>>
    %dma_wait3A_1241 = tpu.memref_squeeze %dma_wait3A_1240 : memref<1x256x128xf32, #tpu.memory_space<hbm>> -> memref<256x128xf32, #tpu.memory_space<hbm>>
    %dma_wait3A_1242 = arith.constant 256 : i32
    %dma_wait3A_1243 = arith.constant 0 : i32
    %dma_wait3A_1244 = tpu.memref_slice %arg3[%add3A_405, %dma_wait3A_1242, %dma_wait3A_1243] : memref<512x512x256xf32, #tpu.memory_space<hbm>> -> memref<1x256x128xf32, #tpu.memory_space<hbm>>
    %dma_wait3A_1245 = tpu.memref_squeeze %dma_wait3A_1244 : memref<1x256x128xf32, #tpu.memory_space<hbm>> -> memref<256x128xf32, #tpu.memory_space<hbm>>
    %dma_wait3A_1246 = arith.constant 104 : i32
    %dma_wait3A_1247 = arith.constant 0 : i32
    %dma_wait3A_1248 = tpu.memref_slice %arg5[%dma_wait3A_1246, %dma_wait3A_1247] : memref<376x128xf32, #tpu.memory_space<vmem>> -> memref<256x128xf32, #tpu.memory_space<vmem>>
    tpu.wait_dma2 semaphore(%arg7 : memref<!tpu.dma_semaphore, #tpu.memory_space<semaphore_mem>>) src(%dma_wait3A_1248 : memref<256x128xf32, #tpu.memory_space<vmem>>) dst(%dma_wait3A_1245 : memref<256x128xf32, #tpu.memory_space<hbm>>)
    %dma_wait3A_1249 = arith.constant 96 : i32
    %dma_wait3A_1250 = arith.constant 0 : i32
    %dma_wait3A_1251 = tpu.memref_slice %arg5[%dma_wait3A_1249, %dma_wait3A_1250] : memref<376x128xf32, #tpu.memory_space<vmem>> -> memref<256x128xf32, #tpu.memory_space<vmem>>
    %dma_wait3A_1252 = arith.constant 256 : i32
    %dma_wait3A_1253 = arith.constant 0 : i32
    %dma_wait3A_1254 = tpu.memref_slice %arg3[%add3A_424, %dma_wait3A_1252, %dma_wait3A_1253] : memref<512x512x256xf32, #tpu.memory_space<hbm>> -> memref<1x256x128xf32, #tpu.memory_space<hbm>>
    %dma_wait3A_1255 = tpu.memref_squeeze %dma_wait3A_1254 : memref<1x256x128xf32, #tpu.memory_space<hbm>> -> memref<256x128xf32, #tpu.memory_space<hbm>>
    %dma_wait3A_1256 = arith.constant 256 : i32
    %dma_wait3A_1257 = arith.constant 0 : i32
    %dma_wait3A_1258 = tpu.memref_slice %arg3[%add3A_424, %dma_wait3A_1256, %dma_wait3A_1257] : memref<512x512x256xf32, #tpu.memory_space<hbm>> -> memref<1x256x128xf32, #tpu.memory_space<hbm>>
    %dma_wait3A_1259 = tpu.memref_squeeze %dma_wait3A_1258 : memref<1x256x128xf32, #tpu.memory_space<hbm>> -> memref<256x128xf32, #tpu.memory_space<hbm>>
    %dma_wait3A_1260 = arith.constant 96 : i32
    %dma_wait3A_1261 = arith.constant 0 : i32
    %dma_wait3A_1262 = tpu.memref_slice %arg5[%dma_wait3A_1260, %dma_wait3A_1261] : memref<376x128xf32, #tpu.memory_space<vmem>> -> memref<256x128xf32, #tpu.memory_space<vmem>>
    tpu.wait_dma2 semaphore(%arg7 : memref<!tpu.dma_semaphore, #tpu.memory_space<semaphore_mem>>) src(%dma_wait3A_1262 : memref<256x128xf32, #tpu.memory_space<vmem>>) dst(%dma_wait3A_1259 : memref<256x128xf32, #tpu.memory_space<hbm>>)
    %dma_wait3A_1263 = arith.constant 88 : i32
    %dma_wait3A_1264 = arith.constant 0 : i32
    %dma_wait3A_1265 = tpu.memref_slice %arg5[%dma_wait3A_1263, %dma_wait3A_1264] : memref<376x128xf32, #tpu.memory_space<vmem>> -> memref<256x128xf32, #tpu.memory_space<vmem>>
    %dma_wait3A_1266 = arith.constant 256 : i32
    %dma_wait3A_1267 = arith.constant 0 : i32
    %dma_wait3A_1268 = tpu.memref_slice %arg3[%add3A_443, %dma_wait3A_1266, %dma_wait3A_1267] : memref<512x512x256xf32, #tpu.memory_space<hbm>> -> memref<1x256x128xf32, #tpu.memory_space<hbm>>
    %dma_wait3A_1269 = tpu.memref_squeeze %dma_wait3A_1268 : memref<1x256x128xf32, #tpu.memory_space<hbm>> -> memref<256x128xf32, #tpu.memory_space<hbm>>
    %dma_wait3A_1270 = arith.constant 256 : i32
    %dma_wait3A_1271 = arith.constant 0 : i32
    %dma_wait3A_1272 = tpu.memref_slice %arg3[%add3A_443, %dma_wait3A_1270, %dma_wait3A_1271] : memref<512x512x256xf32, #tpu.memory_space<hbm>> -> memref<1x256x128xf32, #tpu.memory_space<hbm>>
    %dma_wait3A_1273 = tpu.memref_squeeze %dma_wait3A_1272 : memref<1x256x128xf32, #tpu.memory_space<hbm>> -> memref<256x128xf32, #tpu.memory_space<hbm>>
    %dma_wait3A_1274 = arith.constant 88 : i32
    %dma_wait3A_1275 = arith.constant 0 : i32
    %dma_wait3A_1276 = tpu.memref_slice %arg5[%dma_wait3A_1274, %dma_wait3A_1275] : memref<376x128xf32, #tpu.memory_space<vmem>> -> memref<256x128xf32, #tpu.memory_space<vmem>>
    tpu.wait_dma2 semaphore(%arg7 : memref<!tpu.dma_semaphore, #tpu.memory_space<semaphore_mem>>) src(%dma_wait3A_1276 : memref<256x128xf32, #tpu.memory_space<vmem>>) dst(%dma_wait3A_1273 : memref<256x128xf32, #tpu.memory_space<hbm>>)
    %dma_wait3A_1277 = arith.constant 80 : i32
    %dma_wait3A_1278 = arith.constant 0 : i32
    %dma_wait3A_1279 = tpu.memref_slice %arg5[%dma_wait3A_1277, %dma_wait3A_1278] : memref<376x128xf32, #tpu.memory_space<vmem>> -> memref<256x128xf32, #tpu.memory_space<vmem>>
    %dma_wait3A_1280 = arith.constant 256 : i32
    %dma_wait3A_1281 = arith.constant 0 : i32
    %dma_wait3A_1282 = tpu.memref_slice %arg3[%add3A_462, %dma_wait3A_1280, %dma_wait3A_1281] : memref<512x512x256xf32, #tpu.memory_space<hbm>> -> memref<1x256x128xf32, #tpu.memory_space<hbm>>
    %dma_wait3A_1283 = tpu.memref_squeeze %dma_wait3A_1282 : memref<1x256x128xf32, #tpu.memory_space<hbm>> -> memref<256x128xf32, #tpu.memory_space<hbm>>
    %dma_wait3A_1284 = arith.constant 256 : i32
    %dma_wait3A_1285 = arith.constant 0 : i32
    %dma_wait3A_1286 = tpu.memref_slice %arg3[%add3A_462, %dma_wait3A_1284, %dma_wait3A_1285] : memref<512x512x256xf32, #tpu.memory_space<hbm>> -> memref<1x256x128xf32, #tpu.memory_space<hbm>>
    %dma_wait3A_1287 = tpu.memref_squeeze %dma_wait3A_1286 : memref<1x256x128xf32, #tpu.memory_space<hbm>> -> memref<256x128xf32, #tpu.memory_space<hbm>>
    %dma_wait3A_1288 = arith.constant 80 : i32
    %dma_wait3A_1289 = arith.constant 0 : i32
    %dma_wait3A_1290 = tpu.memref_slice %arg5[%dma_wait3A_1288, %dma_wait3A_1289] : memref<376x128xf32, #tpu.memory_space<vmem>> -> memref<256x128xf32, #tpu.memory_space<vmem>>
    tpu.wait_dma2 semaphore(%arg7 : memref<!tpu.dma_semaphore, #tpu.memory_space<semaphore_mem>>) src(%dma_wait3A_1290 : memref<256x128xf32, #tpu.memory_space<vmem>>) dst(%dma_wait3A_1287 : memref<256x128xf32, #tpu.memory_space<hbm>>)
    %dma_wait3A_1291 = arith.constant 72 : i32
    %dma_wait3A_1292 = arith.constant 0 : i32
    %dma_wait3A_1293 = tpu.memref_slice %arg5[%dma_wait3A_1291, %dma_wait3A_1292] : memref<376x128xf32, #tpu.memory_space<vmem>> -> memref<256x128xf32, #tpu.memory_space<vmem>>
    %dma_wait3A_1294 = arith.constant 256 : i32
    %dma_wait3A_1295 = arith.constant 0 : i32
    %dma_wait3A_1296 = tpu.memref_slice %arg3[%add3A_481, %dma_wait3A_1294, %dma_wait3A_1295] : memref<512x512x256xf32, #tpu.memory_space<hbm>> -> memref<1x256x128xf32, #tpu.memory_space<hbm>>
    %dma_wait3A_1297 = tpu.memref_squeeze %dma_wait3A_1296 : memref<1x256x128xf32, #tpu.memory_space<hbm>> -> memref<256x128xf32, #tpu.memory_space<hbm>>
    %dma_wait3A_1298 = arith.constant 256 : i32
    %dma_wait3A_1299 = arith.constant 0 : i32
    %dma_wait3A_1300 = tpu.memref_slice %arg3[%add3A_481, %dma_wait3A_1298, %dma_wait3A_1299] : memref<512x512x256xf32, #tpu.memory_space<hbm>> -> memref<1x256x128xf32, #tpu.memory_space<hbm>>
    %dma_wait3A_1301 = tpu.memref_squeeze %dma_wait3A_1300 : memref<1x256x128xf32, #tpu.memory_space<hbm>> -> memref<256x128xf32, #tpu.memory_space<hbm>>
    %dma_wait3A_1302 = arith.constant 72 : i32
    %dma_wait3A_1303 = arith.constant 0 : i32
    %dma_wait3A_1304 = tpu.memref_slice %arg5[%dma_wait3A_1302, %dma_wait3A_1303] : memref<376x128xf32, #tpu.memory_space<vmem>> -> memref<256x128xf32, #tpu.memory_space<vmem>>
    tpu.wait_dma2 semaphore(%arg7 : memref<!tpu.dma_semaphore, #tpu.memory_space<semaphore_mem>>) src(%dma_wait3A_1304 : memref<256x128xf32, #tpu.memory_space<vmem>>) dst(%dma_wait3A_1301 : memref<256x128xf32, #tpu.memory_space<hbm>>)
    %dma_wait3A_1305 = arith.constant 64 : i32
    %dma_wait3A_1306 = arith.constant 0 : i32
    %dma_wait3A_1307 = tpu.memref_slice %arg5[%dma_wait3A_1305, %dma_wait3A_1306] : memref<376x128xf32, #tpu.memory_space<vmem>> -> memref<256x128xf32, #tpu.memory_space<vmem>>
    %dma_wait3A_1308 = arith.constant 256 : i32
    %dma_wait3A_1309 = arith.constant 0 : i32
    %dma_wait3A_1310 = tpu.memref_slice %arg3[%add3A_500, %dma_wait3A_1308, %dma_wait3A_1309] : memref<512x512x256xf32, #tpu.memory_space<hbm>> -> memref<1x256x128xf32, #tpu.memory_space<hbm>>
    %dma_wait3A_1311 = tpu.memref_squeeze %dma_wait3A_1310 : memref<1x256x128xf32, #tpu.memory_space<hbm>> -> memref<256x128xf32, #tpu.memory_space<hbm>>
    %dma_wait3A_1312 = arith.constant 256 : i32
    %dma_wait3A_1313 = arith.constant 0 : i32
    %dma_wait3A_1314 = tpu.memref_slice %arg3[%add3A_500, %dma_wait3A_1312, %dma_wait3A_1313] : memref<512x512x256xf32, #tpu.memory_space<hbm>> -> memref<1x256x128xf32, #tpu.memory_space<hbm>>
    %dma_wait3A_1315 = tpu.memref_squeeze %dma_wait3A_1314 : memref<1x256x128xf32, #tpu.memory_space<hbm>> -> memref<256x128xf32, #tpu.memory_space<hbm>>
    %dma_wait3A_1316 = arith.constant 64 : i32
    %dma_wait3A_1317 = arith.constant 0 : i32
    %dma_wait3A_1318 = tpu.memref_slice %arg5[%dma_wait3A_1316, %dma_wait3A_1317] : memref<376x128xf32, #tpu.memory_space<vmem>> -> memref<256x128xf32, #tpu.memory_space<vmem>>
    tpu.wait_dma2 semaphore(%arg7 : memref<!tpu.dma_semaphore, #tpu.memory_space<semaphore_mem>>) src(%dma_wait3A_1318 : memref<256x128xf32, #tpu.memory_space<vmem>>) dst(%dma_wait3A_1315 : memref<256x128xf32, #tpu.memory_space<hbm>>)
    %dma_wait3A_1319 = arith.constant 56 : i32
    %dma_wait3A_1320 = arith.constant 0 : i32
    %dma_wait3A_1321 = tpu.memref_slice %arg5[%dma_wait3A_1319, %dma_wait3A_1320] : memref<376x128xf32, #tpu.memory_space<vmem>> -> memref<256x128xf32, #tpu.memory_space<vmem>>
    %dma_wait3A_1322 = arith.constant 256 : i32
    %dma_wait3A_1323 = arith.constant 0 : i32
    %dma_wait3A_1324 = tpu.memref_slice %arg3[%add3A_519, %dma_wait3A_1322, %dma_wait3A_1323] : memref<512x512x256xf32, #tpu.memory_space<hbm>> -> memref<1x256x128xf32, #tpu.memory_space<hbm>>
    %dma_wait3A_1325 = tpu.memref_squeeze %dma_wait3A_1324 : memref<1x256x128xf32, #tpu.memory_space<hbm>> -> memref<256x128xf32, #tpu.memory_space<hbm>>
    %dma_wait3A_1326 = arith.constant 256 : i32
    %dma_wait3A_1327 = arith.constant 0 : i32
    %dma_wait3A_1328 = tpu.memref_slice %arg3[%add3A_519, %dma_wait3A_1326, %dma_wait3A_1327] : memref<512x512x256xf32, #tpu.memory_space<hbm>> -> memref<1x256x128xf32, #tpu.memory_space<hbm>>
    %dma_wait3A_1329 = tpu.memref_squeeze %dma_wait3A_1328 : memref<1x256x128xf32, #tpu.memory_space<hbm>> -> memref<256x128xf32, #tpu.memory_space<hbm>>
    %dma_wait3A_1330 = arith.constant 56 : i32
    %dma_wait3A_1331 = arith.constant 0 : i32
    %dma_wait3A_1332 = tpu.memref_slice %arg5[%dma_wait3A_1330, %dma_wait3A_1331] : memref<376x128xf32, #tpu.memory_space<vmem>> -> memref<256x128xf32, #tpu.memory_space<vmem>>
    tpu.wait_dma2 semaphore(%arg7 : memref<!tpu.dma_semaphore, #tpu.memory_space<semaphore_mem>>) src(%dma_wait3A_1332 : memref<256x128xf32, #tpu.memory_space<vmem>>) dst(%dma_wait3A_1329 : memref<256x128xf32, #tpu.memory_space<hbm>>)
    %dma_wait3A_1333 = arith.constant 48 : i32
    %dma_wait3A_1334 = arith.constant 0 : i32
    %dma_wait3A_1335 = tpu.memref_slice %arg5[%dma_wait3A_1333, %dma_wait3A_1334] : memref<376x128xf32, #tpu.memory_space<vmem>> -> memref<256x128xf32, #tpu.memory_space<vmem>>
    %dma_wait3A_1336 = arith.constant 256 : i32
    %dma_wait3A_1337 = arith.constant 0 : i32
    %dma_wait3A_1338 = tpu.memref_slice %arg3[%add3A_538, %dma_wait3A_1336, %dma_wait3A_1337] : memref<512x512x256xf32, #tpu.memory_space<hbm>> -> memref<1x256x128xf32, #tpu.memory_space<hbm>>
    %dma_wait3A_1339 = tpu.memref_squeeze %dma_wait3A_1338 : memref<1x256x128xf32, #tpu.memory_space<hbm>> -> memref<256x128xf32, #tpu.memory_space<hbm>>
    %dma_wait3A_1340 = arith.constant 256 : i32
    %dma_wait3A_1341 = arith.constant 0 : i32
    %dma_wait3A_1342 = tpu.memref_slice %arg3[%add3A_538, %dma_wait3A_1340, %dma_wait3A_1341] : memref<512x512x256xf32, #tpu.memory_space<hbm>> -> memref<1x256x128xf32, #tpu.memory_space<hbm>>
    %dma_wait3A_1343 = tpu.memref_squeeze %dma_wait3A_1342 : memref<1x256x128xf32, #tpu.memory_space<hbm>> -> memref<256x128xf32, #tpu.memory_space<hbm>>
    %dma_wait3A_1344 = arith.constant 48 : i32
    %dma_wait3A_1345 = arith.constant 0 : i32
    %dma_wait3A_1346 = tpu.memref_slice %arg5[%dma_wait3A_1344, %dma_wait3A_1345] : memref<376x128xf32, #tpu.memory_space<vmem>> -> memref<256x128xf32, #tpu.memory_space<vmem>>
    tpu.wait_dma2 semaphore(%arg7 : memref<!tpu.dma_semaphore, #tpu.memory_space<semaphore_mem>>) src(%dma_wait3A_1346 : memref<256x128xf32, #tpu.memory_space<vmem>>) dst(%dma_wait3A_1343 : memref<256x128xf32, #tpu.memory_space<hbm>>)
    %dma_wait3A_1347 = arith.constant 40 : i32
    %dma_wait3A_1348 = arith.constant 0 : i32
    %dma_wait3A_1349 = tpu.memref_slice %arg5[%dma_wait3A_1347, %dma_wait3A_1348] : memref<376x128xf32, #tpu.memory_space<vmem>> -> memref<256x128xf32, #tpu.memory_space<vmem>>
    %dma_wait3A_1350 = arith.constant 256 : i32
    %dma_wait3A_1351 = arith.constant 0 : i32
    %dma_wait3A_1352 = tpu.memref_slice %arg3[%add3A_557, %dma_wait3A_1350, %dma_wait3A_1351] : memref<512x512x256xf32, #tpu.memory_space<hbm>> -> memref<1x256x128xf32, #tpu.memory_space<hbm>>
    %dma_wait3A_1353 = tpu.memref_squeeze %dma_wait3A_1352 : memref<1x256x128xf32, #tpu.memory_space<hbm>> -> memref<256x128xf32, #tpu.memory_space<hbm>>
    %dma_wait3A_1354 = arith.constant 256 : i32
    %dma_wait3A_1355 = arith.constant 0 : i32
    %dma_wait3A_1356 = tpu.memref_slice %arg3[%add3A_557, %dma_wait3A_1354, %dma_wait3A_1355] : memref<512x512x256xf32, #tpu.memory_space<hbm>> -> memref<1x256x128xf32, #tpu.memory_space<hbm>>
    %dma_wait3A_1357 = tpu.memref_squeeze %dma_wait3A_1356 : memref<1x256x128xf32, #tpu.memory_space<hbm>> -> memref<256x128xf32, #tpu.memory_space<hbm>>
    %dma_wait3A_1358 = arith.constant 40 : i32
    %dma_wait3A_1359 = arith.constant 0 : i32
    %dma_wait3A_1360 = tpu.memref_slice %arg5[%dma_wait3A_1358, %dma_wait3A_1359] : memref<376x128xf32, #tpu.memory_space<vmem>> -> memref<256x128xf32, #tpu.memory_space<vmem>>
    tpu.wait_dma2 semaphore(%arg7 : memref<!tpu.dma_semaphore, #tpu.memory_space<semaphore_mem>>) src(%dma_wait3A_1360 : memref<256x128xf32, #tpu.memory_space<vmem>>) dst(%dma_wait3A_1357 : memref<256x128xf32, #tpu.memory_space<hbm>>)
    %dma_wait3A_1361 = arith.constant 32 : i32
    %dma_wait3A_1362 = arith.constant 0 : i32
    %dma_wait3A_1363 = tpu.memref_slice %arg5[%dma_wait3A_1361, %dma_wait3A_1362] : memref<376x128xf32, #tpu.memory_space<vmem>> -> memref<256x128xf32, #tpu.memory_space<vmem>>
    %dma_wait3A_1364 = arith.constant 256 : i32
    %dma_wait3A_1365 = arith.constant 0 : i32
    %dma_wait3A_1366 = tpu.memref_slice %arg3[%add3A_576, %dma_wait3A_1364, %dma_wait3A_1365] : memref<512x512x256xf32, #tpu.memory_space<hbm>> -> memref<1x256x128xf32, #tpu.memory_space<hbm>>
    %dma_wait3A_1367 = tpu.memref_squeeze %dma_wait3A_1366 : memref<1x256x128xf32, #tpu.memory_space<hbm>> -> memref<256x128xf32, #tpu.memory_space<hbm>>
    %dma_wait3A_1368 = arith.constant 256 : i32
    %dma_wait3A_1369 = arith.constant 0 : i32
    %dma_wait3A_1370 = tpu.memref_slice %arg3[%add3A_576, %dma_wait3A_1368, %dma_wait3A_1369] : memref<512x512x256xf32, #tpu.memory_space<hbm>> -> memref<1x256x128xf32, #tpu.memory_space<hbm>>
    %dma_wait3A_1371 = tpu.memref_squeeze %dma_wait3A_1370 : memref<1x256x128xf32, #tpu.memory_space<hbm>> -> memref<256x128xf32, #tpu.memory_space<hbm>>
    %dma_wait3A_1372 = arith.constant 32 : i32
    %dma_wait3A_1373 = arith.constant 0 : i32
    %dma_wait3A_1374 = tpu.memref_slice %arg5[%dma_wait3A_1372, %dma_wait3A_1373] : memref<376x128xf32, #tpu.memory_space<vmem>> -> memref<256x128xf32, #tpu.memory_space<vmem>>
    tpu.wait_dma2 semaphore(%arg7 : memref<!tpu.dma_semaphore, #tpu.memory_space<semaphore_mem>>) src(%dma_wait3A_1374 : memref<256x128xf32, #tpu.memory_space<vmem>>) dst(%dma_wait3A_1371 : memref<256x128xf32, #tpu.memory_space<hbm>>)
    %dma_wait3A_1375 = arith.constant 24 : i32
    %dma_wait3A_1376 = arith.constant 0 : i32
    %dma_wait3A_1377 = tpu.memref_slice %arg5[%dma_wait3A_1375, %dma_wait3A_1376] : memref<376x128xf32, #tpu.memory_space<vmem>> -> memref<256x128xf32, #tpu.memory_space<vmem>>
    %dma_wait3A_1378 = arith.constant 256 : i32
    %dma_wait3A_1379 = arith.constant 0 : i32
    %dma_wait3A_1380 = tpu.memref_slice %arg3[%add3A_595, %dma_wait3A_1378, %dma_wait3A_1379] : memref<512x512x256xf32, #tpu.memory_space<hbm>> -> memref<1x256x128xf32, #tpu.memory_space<hbm>>
    %dma_wait3A_1381 = tpu.memref_squeeze %dma_wait3A_1380 : memref<1x256x128xf32, #tpu.memory_space<hbm>> -> memref<256x128xf32, #tpu.memory_space<hbm>>
    %dma_wait3A_1382 = arith.constant 256 : i32
    %dma_wait3A_1383 = arith.constant 0 : i32
    %dma_wait3A_1384 = tpu.memref_slice %arg3[%add3A_595, %dma_wait3A_1382, %dma_wait3A_1383] : memref<512x512x256xf32, #tpu.memory_space<hbm>> -> memref<1x256x128xf32, #tpu.memory_space<hbm>>
    %dma_wait3A_1385 = tpu.memref_squeeze %dma_wait3A_1384 : memref<1x256x128xf32, #tpu.memory_space<hbm>> -> memref<256x128xf32, #tpu.memory_space<hbm>>
    %dma_wait3A_1386 = arith.constant 24 : i32
    %dma_wait3A_1387 = arith.constant 0 : i32
    %dma_wait3A_1388 = tpu.memref_slice %arg5[%dma_wait3A_1386, %dma_wait3A_1387] : memref<376x128xf32, #tpu.memory_space<vmem>> -> memref<256x128xf32, #tpu.memory_space<vmem>>
    tpu.wait_dma2 semaphore(%arg7 : memref<!tpu.dma_semaphore, #tpu.memory_space<semaphore_mem>>) src(%dma_wait3A_1388 : memref<256x128xf32, #tpu.memory_space<vmem>>) dst(%dma_wait3A_1385 : memref<256x128xf32, #tpu.memory_space<hbm>>)
    %dma_wait3A_1389 = arith.constant 16 : i32
    %dma_wait3A_1390 = arith.constant 0 : i32
    %dma_wait3A_1391 = tpu.memref_slice %arg5[%dma_wait3A_1389, %dma_wait3A_1390] : memref<376x128xf32, #tpu.memory_space<vmem>> -> memref<256x128xf32, #tpu.memory_space<vmem>>
    %dma_wait3A_1392 = arith.constant 256 : i32
    %dma_wait3A_1393 = arith.constant 0 : i32
    %dma_wait3A_1394 = tpu.memref_slice %arg3[%add3A_614, %dma_wait3A_1392, %dma_wait3A_1393] : memref<512x512x256xf32, #tpu.memory_space<hbm>> -> memref<1x256x128xf32, #tpu.memory_space<hbm>>
    %dma_wait3A_1395 = tpu.memref_squeeze %dma_wait3A_1394 : memref<1x256x128xf32, #tpu.memory_space<hbm>> -> memref<256x128xf32, #tpu.memory_space<hbm>>
    %dma_wait3A_1396 = arith.constant 256 : i32
    %dma_wait3A_1397 = arith.constant 0 : i32
    %dma_wait3A_1398 = tpu.memref_slice %arg3[%add3A_614, %dma_wait3A_1396, %dma_wait3A_1397] : memref<512x512x256xf32, #tpu.memory_space<hbm>> -> memref<1x256x128xf32, #tpu.memory_space<hbm>>
    %dma_wait3A_1399 = tpu.memref_squeeze %dma_wait3A_1398 : memref<1x256x128xf32, #tpu.memory_space<hbm>> -> memref<256x128xf32, #tpu.memory_space<hbm>>
    %dma_wait3A_1400 = arith.constant 16 : i32
    %dma_wait3A_1401 = arith.constant 0 : i32
    %dma_wait3A_1402 = tpu.memref_slice %arg5[%dma_wait3A_1400, %dma_wait3A_1401] : memref<376x128xf32, #tpu.memory_space<vmem>> -> memref<256x128xf32, #tpu.memory_space<vmem>>
    tpu.wait_dma2 semaphore(%arg7 : memref<!tpu.dma_semaphore, #tpu.memory_space<semaphore_mem>>) src(%dma_wait3A_1402 : memref<256x128xf32, #tpu.memory_space<vmem>>) dst(%dma_wait3A_1399 : memref<256x128xf32, #tpu.memory_space<hbm>>)
    %dma_wait3A_1403 = arith.constant 8 : i32
    %dma_wait3A_1404 = arith.constant 0 : i32
    %dma_wait3A_1405 = tpu.memref_slice %arg5[%dma_wait3A_1403, %dma_wait3A_1404] : memref<376x128xf32, #tpu.memory_space<vmem>> -> memref<256x128xf32, #tpu.memory_space<vmem>>
    %dma_wait3A_1406 = arith.constant 256 : i32
    %dma_wait3A_1407 = arith.constant 0 : i32
    %dma_wait3A_1408 = tpu.memref_slice %arg3[%add3A_633, %dma_wait3A_1406, %dma_wait3A_1407] : memref<512x512x256xf32, #tpu.memory_space<hbm>> -> memref<1x256x128xf32, #tpu.memory_space<hbm>>
    %dma_wait3A_1409 = tpu.memref_squeeze %dma_wait3A_1408 : memref<1x256x128xf32, #tpu.memory_space<hbm>> -> memref<256x128xf32, #tpu.memory_space<hbm>>
    %dma_wait3A_1410 = arith.constant 256 : i32
    %dma_wait3A_1411 = arith.constant 0 : i32
    %dma_wait3A_1412 = tpu.memref_slice %arg3[%add3A_633, %dma_wait3A_1410, %dma_wait3A_1411] : memref<512x512x256xf32, #tpu.memory_space<hbm>> -> memref<1x256x128xf32, #tpu.memory_space<hbm>>
    %dma_wait3A_1413 = tpu.memref_squeeze %dma_wait3A_1412 : memref<1x256x128xf32, #tpu.memory_space<hbm>> -> memref<256x128xf32, #tpu.memory_space<hbm>>
    %dma_wait3A_1414 = arith.constant 8 : i32
    %dma_wait3A_1415 = arith.constant 0 : i32
    %dma_wait3A_1416 = tpu.memref_slice %arg5[%dma_wait3A_1414, %dma_wait3A_1415] : memref<376x128xf32, #tpu.memory_space<vmem>> -> memref<256x128xf32, #tpu.memory_space<vmem>>
    tpu.wait_dma2 semaphore(%arg7 : memref<!tpu.dma_semaphore, #tpu.memory_space<semaphore_mem>>) src(%dma_wait3A_1416 : memref<256x128xf32, #tpu.memory_space<vmem>>) dst(%dma_wait3A_1413 : memref<256x128xf32, #tpu.memory_space<hbm>>)
    %dma_wait3A_1417 = arith.constant 0 : i32
    %dma_wait3A_1418 = arith.constant 0 : i32
    %dma_wait3A_1419 = tpu.memref_slice %arg5[%dma_wait3A_1417, %dma_wait3A_1418] : memref<376x128xf32, #tpu.memory_space<vmem>> -> memref<256x128xf32, #tpu.memory_space<vmem>>
    %dma_wait3A_1420 = arith.constant 256 : i32
    %dma_wait3A_1421 = arith.constant 0 : i32
    %dma_wait3A_1422 = tpu.memref_slice %arg3[%add3A_652, %dma_wait3A_1420, %dma_wait3A_1421] : memref<512x512x256xf32, #tpu.memory_space<hbm>> -> memref<1x256x128xf32, #tpu.memory_space<hbm>>
    %dma_wait3A_1423 = tpu.memref_squeeze %dma_wait3A_1422 : memref<1x256x128xf32, #tpu.memory_space<hbm>> -> memref<256x128xf32, #tpu.memory_space<hbm>>
    %dma_wait3A_1424 = arith.constant 256 : i32
    %dma_wait3A_1425 = arith.constant 0 : i32
    %dma_wait3A_1426 = tpu.memref_slice %arg3[%add3A_652, %dma_wait3A_1424, %dma_wait3A_1425] : memref<512x512x256xf32, #tpu.memory_space<hbm>> -> memref<1x256x128xf32, #tpu.memory_space<hbm>>
    %dma_wait3A_1427 = tpu.memref_squeeze %dma_wait3A_1426 : memref<1x256x128xf32, #tpu.memory_space<hbm>> -> memref<256x128xf32, #tpu.memory_space<hbm>>
    %dma_wait3A_1428 = arith.constant 0 : i32
    %dma_wait3A_1429 = arith.constant 0 : i32
    %dma_wait3A_1430 = tpu.memref_slice %arg5[%dma_wait3A_1428, %dma_wait3A_1429] : memref<376x128xf32, #tpu.memory_space<vmem>> -> memref<256x128xf32, #tpu.memory_space<vmem>>
    tpu.wait_dma2 semaphore(%arg7 : memref<!tpu.dma_semaphore, #tpu.memory_space<semaphore_mem>>) src(%dma_wait3A_1430 : memref<256x128xf32, #tpu.memory_space<vmem>>) dst(%dma_wait3A_1427 : memref<256x128xf32, #tpu.memory_space<hbm>>)
    %dma_start3A_1431 = arith.constant 128 : i32
    %dma_start3A_1432 = tpu.memref_slice %arg2[%sub3A_20, %multiple_of3A_36, %dma_start3A_1431] : memref<8x1016x256xf32, #tpu.memory_space<hbm>> -> memref<1x376x128xf32, #tpu.memory_space<hbm>>
    %dma_start3A_1433 = tpu.memref_squeeze %dma_start3A_1432 : memref<1x376x128xf32, #tpu.memory_space<hbm>> -> memref<376x128xf32, #tpu.memory_space<hbm>>
    %dma_start3A_1434 = arith.constant 128 : i32
    %dma_start3A_1435 = tpu.memref_slice %arg2[%sub3A_20, %multiple_of3A_36, %dma_start3A_1434] : memref<8x1016x256xf32, #tpu.memory_space<hbm>> -> memref<1x376x128xf32, #tpu.memory_space<hbm>>
    %dma_start3A_1436 = tpu.memref_squeeze %dma_start3A_1435 : memref<1x376x128xf32, #tpu.memory_space<hbm>> -> memref<376x128xf32, #tpu.memory_space<hbm>>
    tpu.enqueue_dma source(%dma_start3A_1436 : memref<376x128xf32, #tpu.memory_space<hbm>>) target(%arg5 : memref<376x128xf32, #tpu.memory_space<vmem>>) target_semaphore(%arg6 : memref<!tpu.dma_semaphore, #tpu.memory_space<semaphore_mem>>)
    %dma_wait3A_1437 = arith.constant 128 : i32
    %dma_wait3A_1438 = tpu.memref_slice %arg2[%sub3A_20, %multiple_of3A_36, %dma_wait3A_1437] : memref<8x1016x256xf32, #tpu.memory_space<hbm>> -> memref<1x376x128xf32, #tpu.memory_space<hbm>>
    %dma_wait3A_1439 = tpu.memref_squeeze %dma_wait3A_1438 : memref<1x376x128xf32, #tpu.memory_space<hbm>> -> memref<376x128xf32, #tpu.memory_space<hbm>>
    %dma_wait3A_1440 = arith.constant 128 : i32
    %dma_wait3A_1441 = tpu.memref_slice %arg2[%sub3A_20, %multiple_of3A_36, %dma_wait3A_1440] : memref<8x1016x256xf32, #tpu.memory_space<hbm>> -> memref<1x376x128xf32, #tpu.memory_space<hbm>>
    %dma_wait3A_1442 = tpu.memref_squeeze %dma_wait3A_1441 : memref<1x376x128xf32, #tpu.memory_space<hbm>> -> memref<376x128xf32, #tpu.memory_space<hbm>>
    tpu.wait_dma2 semaphore(%arg6 : memref<!tpu.dma_semaphore, #tpu.memory_space<semaphore_mem>>) src(%dma_wait3A_1442 : memref<376x128xf32, #tpu.memory_space<hbm>>) dst(%arg5 : memref<376x128xf32, #tpu.memory_space<vmem>>)
    %mul3A_1443 = arith.constant 128 : i32
    %mul3A_1444 = arith.muli %mul3A_1443, %select_n3A : i32
    %add3A_1445 = arith.addi %rem3A_1, %mul3A_1444 : i32
    %add3A_1446 = arith.constant 0 : i32
    %add3A_1447 = arith.addi %add3A_1445, %add3A_1446 : i32
    %dma_start3A_1448 = arith.constant 120 : i32
    %dma_start3A_1449 = arith.constant 0 : i32
    %dma_start3A_1450 = tpu.memref_slice %arg5[%dma_start3A_1448, %dma_start3A_1449] : memref<376x128xf32, #tpu.memory_space<vmem>> -> memref<256x128xf32, #tpu.memory_space<vmem>>
    %dma_start3A_1451 = arith.constant 256 : i32
    %dma_start3A_1452 = arith.constant 128 : i32
    %dma_start3A_1453 = tpu.memref_slice %arg3[%add3A_1447, %dma_start3A_1451, %dma_start3A_1452] : memref<512x512x256xf32, #tpu.memory_space<hbm>> -> memref<1x256x128xf32, #tpu.memory_space<hbm>>
    %dma_start3A_1454 = tpu.memref_squeeze %dma_start3A_1453 : memref<1x256x128xf32, #tpu.memory_space<hbm>> -> memref<256x128xf32, #tpu.memory_space<hbm>>
    %dma_start3A_1455 = arith.constant 256 : i32
    %dma_start3A_1456 = arith.constant 128 : i32
    %dma_start3A_1457 = tpu.memref_slice %arg3[%add3A_1447, %dma_start3A_1455, %dma_start3A_1456] : memref<512x512x256xf32, #tpu.memory_space<hbm>> -> memref<1x256x128xf32, #tpu.memory_space<hbm>>
    %dma_start3A_1458 = tpu.memref_squeeze %dma_start3A_1457 : memref<1x256x128xf32, #tpu.memory_space<hbm>> -> memref<256x128xf32, #tpu.memory_space<hbm>>
    %dma_start3A_1459 = arith.constant 120 : i32
    %dma_start3A_1460 = arith.constant 0 : i32
    %dma_start3A_1461 = tpu.memref_slice %arg5[%dma_start3A_1459, %dma_start3A_1460] : memref<376x128xf32, #tpu.memory_space<vmem>> -> memref<256x128xf32, #tpu.memory_space<vmem>>
    tpu.enqueue_dma source(%dma_start3A_1461 : memref<256x128xf32, #tpu.memory_space<vmem>>) target(%dma_start3A_1458 : memref<256x128xf32, #tpu.memory_space<hbm>>) target_semaphore(%arg7 : memref<!tpu.dma_semaphore, #tpu.memory_space<semaphore_mem>>)
    %mul3A_1462 = arith.constant 128 : i32
    %mul3A_1463 = arith.muli %mul3A_1462, %select_n3A : i32
    %add3A_1464 = arith.addi %rem3A_1, %mul3A_1463 : i32
    %add3A_1465 = arith.constant 8 : i32
    %add3A_1466 = arith.addi %add3A_1464, %add3A_1465 : i32
    %dma_start3A_1467 = arith.constant 112 : i32
    %dma_start3A_1468 = arith.constant 0 : i32
    %dma_start3A_1469 = tpu.memref_slice %arg5[%dma_start3A_1467, %dma_start3A_1468] : memref<376x128xf32, #tpu.memory_space<vmem>> -> memref<256x128xf32, #tpu.memory_space<vmem>>
    %dma_start3A_1470 = arith.constant 256 : i32
    %dma_start3A_1471 = arith.constant 128 : i32
    %dma_start3A_1472 = tpu.memref_slice %arg3[%add3A_1466, %dma_start3A_1470, %dma_start3A_1471] : memref<512x512x256xf32, #tpu.memory_space<hbm>> -> memref<1x256x128xf32, #tpu.memory_space<hbm>>
    %dma_start3A_1473 = tpu.memref_squeeze %dma_start3A_1472 : memref<1x256x128xf32, #tpu.memory_space<hbm>> -> memref<256x128xf32, #tpu.memory_space<hbm>>
    %dma_start3A_1474 = arith.constant 256 : i32
    %dma_start3A_1475 = arith.constant 128 : i32
    %dma_start3A_1476 = tpu.memref_slice %arg3[%add3A_1466, %dma_start3A_1474, %dma_start3A_1475] : memref<512x512x256xf32, #tpu.memory_space<hbm>> -> memref<1x256x128xf32, #tpu.memory_space<hbm>>
    %dma_start3A_1477 = tpu.memref_squeeze %dma_start3A_1476 : memref<1x256x128xf32, #tpu.memory_space<hbm>> -> memref<256x128xf32, #tpu.memory_space<hbm>>
    %dma_start3A_1478 = arith.constant 112 : i32
    %dma_start3A_1479 = arith.constant 0 : i32
    %dma_start3A_1480 = tpu.memref_slice %arg5[%dma_start3A_1478, %dma_start3A_1479] : memref<376x128xf32, #tpu.memory_space<vmem>> -> memref<256x128xf32, #tpu.memory_space<vmem>>
    tpu.enqueue_dma source(%dma_start3A_1480 : memref<256x128xf32, #tpu.memory_space<vmem>>) target(%dma_start3A_1477 : memref<256x128xf32, #tpu.memory_space<hbm>>) target_semaphore(%arg7 : memref<!tpu.dma_semaphore, #tpu.memory_space<semaphore_mem>>)
    %mul3A_1481 = arith.constant 128 : i32
    %mul3A_1482 = arith.muli %mul3A_1481, %select_n3A : i32
    %add3A_1483 = arith.addi %rem3A_1, %mul3A_1482 : i32
    %add3A_1484 = arith.constant 16 : i32
    %add3A_1485 = arith.addi %add3A_1483, %add3A_1484 : i32
    %dma_start3A_1486 = arith.constant 104 : i32
    %dma_start3A_1487 = arith.constant 0 : i32
    %dma_start3A_1488 = tpu.memref_slice %arg5[%dma_start3A_1486, %dma_start3A_1487] : memref<376x128xf32, #tpu.memory_space<vmem>> -> memref<256x128xf32, #tpu.memory_space<vmem>>
    %dma_start3A_1489 = arith.constant 256 : i32
    %dma_start3A_1490 = arith.constant 128 : i32
    %dma_start3A_1491 = tpu.memref_slice %arg3[%add3A_1485, %dma_start3A_1489, %dma_start3A_1490] : memref<512x512x256xf32, #tpu.memory_space<hbm>> -> memref<1x256x128xf32, #tpu.memory_space<hbm>>
    %dma_start3A_1492 = tpu.memref_squeeze %dma_start3A_1491 : memref<1x256x128xf32, #tpu.memory_space<hbm>> -> memref<256x128xf32, #tpu.memory_space<hbm>>
    %dma_start3A_1493 = arith.constant 256 : i32
    %dma_start3A_1494 = arith.constant 128 : i32
    %dma_start3A_1495 = tpu.memref_slice %arg3[%add3A_1485, %dma_start3A_1493, %dma_start3A_1494] : memref<512x512x256xf32, #tpu.memory_space<hbm>> -> memref<1x256x128xf32, #tpu.memory_space<hbm>>
    %dma_start3A_1496 = tpu.memref_squeeze %dma_start3A_1495 : memref<1x256x128xf32, #tpu.memory_space<hbm>> -> memref<256x128xf32, #tpu.memory_space<hbm>>
    %dma_start3A_1497 = arith.constant 104 : i32
    %dma_start3A_1498 = arith.constant 0 : i32
    %dma_start3A_1499 = tpu.memref_slice %arg5[%dma_start3A_1497, %dma_start3A_1498] : memref<376x128xf32, #tpu.memory_space<vmem>> -> memref<256x128xf32, #tpu.memory_space<vmem>>
    tpu.enqueue_dma source(%dma_start3A_1499 : memref<256x128xf32, #tpu.memory_space<vmem>>) target(%dma_start3A_1496 : memref<256x128xf32, #tpu.memory_space<hbm>>) target_semaphore(%arg7 : memref<!tpu.dma_semaphore, #tpu.memory_space<semaphore_mem>>)
    %mul3A_1500 = arith.constant 128 : i32
    %mul3A_1501 = arith.muli %mul3A_1500, %select_n3A : i32
    %add3A_1502 = arith.addi %rem3A_1, %mul3A_1501 : i32
    %add3A_1503 = arith.constant 24 : i32
    %add3A_1504 = arith.addi %add3A_1502, %add3A_1503 : i32
    %dma_start3A_1505 = arith.constant 96 : i32
    %dma_start3A_1506 = arith.constant 0 : i32
    %dma_start3A_1507 = tpu.memref_slice %arg5[%dma_start3A_1505, %dma_start3A_1506] : memref<376x128xf32, #tpu.memory_space<vmem>> -> memref<256x128xf32, #tpu.memory_space<vmem>>
    %dma_start3A_1508 = arith.constant 256 : i32
    %dma_start3A_1509 = arith.constant 128 : i32
    %dma_start3A_1510 = tpu.memref_slice %arg3[%add3A_1504, %dma_start3A_1508, %dma_start3A_1509] : memref<512x512x256xf32, #tpu.memory_space<hbm>> -> memref<1x256x128xf32, #tpu.memory_space<hbm>>
    %dma_start3A_1511 = tpu.memref_squeeze %dma_start3A_1510 : memref<1x256x128xf32, #tpu.memory_space<hbm>> -> memref<256x128xf32, #tpu.memory_space<hbm>>
    %dma_start3A_1512 = arith.constant 256 : i32
    %dma_start3A_1513 = arith.constant 128 : i32
    %dma_start3A_1514 = tpu.memref_slice %arg3[%add3A_1504, %dma_start3A_1512, %dma_start3A_1513] : memref<512x512x256xf32, #tpu.memory_space<hbm>> -> memref<1x256x128xf32, #tpu.memory_space<hbm>>
    %dma_start3A_1515 = tpu.memref_squeeze %dma_start3A_1514 : memref<1x256x128xf32, #tpu.memory_space<hbm>> -> memref<256x128xf32, #tpu.memory_space<hbm>>
    %dma_start3A_1516 = arith.constant 96 : i32
    %dma_start3A_1517 = arith.constant 0 : i32
    %dma_start3A_1518 = tpu.memref_slice %arg5[%dma_start3A_1516, %dma_start3A_1517] : memref<376x128xf32, #tpu.memory_space<vmem>> -> memref<256x128xf32, #tpu.memory_space<vmem>>
    tpu.enqueue_dma source(%dma_start3A_1518 : memref<256x128xf32, #tpu.memory_space<vmem>>) target(%dma_start3A_1515 : memref<256x128xf32, #tpu.memory_space<hbm>>) target_semaphore(%arg7 : memref<!tpu.dma_semaphore, #tpu.memory_space<semaphore_mem>>)
    %mul3A_1519 = arith.constant 128 : i32
    %mul3A_1520 = arith.muli %mul3A_1519, %select_n3A : i32
    %add3A_1521 = arith.addi %rem3A_1, %mul3A_1520 : i32
    %add3A_1522 = arith.constant 32 : i32
    %add3A_1523 = arith.addi %add3A_1521, %add3A_1522 : i32
    %dma_start3A_1524 = arith.constant 88 : i32
    %dma_start3A_1525 = arith.constant 0 : i32
    %dma_start3A_1526 = tpu.memref_slice %arg5[%dma_start3A_1524, %dma_start3A_1525] : memref<376x128xf32, #tpu.memory_space<vmem>> -> memref<256x128xf32, #tpu.memory_space<vmem>>
    %dma_start3A_1527 = arith.constant 256 : i32
    %dma_start3A_1528 = arith.constant 128 : i32
    %dma_start3A_1529 = tpu.memref_slice %arg3[%add3A_1523, %dma_start3A_1527, %dma_start3A_1528] : memref<512x512x256xf32, #tpu.memory_space<hbm>> -> memref<1x256x128xf32, #tpu.memory_space<hbm>>
    %dma_start3A_1530 = tpu.memref_squeeze %dma_start3A_1529 : memref<1x256x128xf32, #tpu.memory_space<hbm>> -> memref<256x128xf32, #tpu.memory_space<hbm>>
    %dma_start3A_1531 = arith.constant 256 : i32
    %dma_start3A_1532 = arith.constant 128 : i32
    %dma_start3A_1533 = tpu.memref_slice %arg3[%add3A_1523, %dma_start3A_1531, %dma_start3A_1532] : memref<512x512x256xf32, #tpu.memory_space<hbm>> -> memref<1x256x128xf32, #tpu.memory_space<hbm>>
    %dma_start3A_1534 = tpu.memref_squeeze %dma_start3A_1533 : memref<1x256x128xf32, #tpu.memory_space<hbm>> -> memref<256x128xf32, #tpu.memory_space<hbm>>
    %dma_start3A_1535 = arith.constant 88 : i32
    %dma_start3A_1536 = arith.constant 0 : i32
    %dma_start3A_1537 = tpu.memref_slice %arg5[%dma_start3A_1535, %dma_start3A_1536] : memref<376x128xf32, #tpu.memory_space<vmem>> -> memref<256x128xf32, #tpu.memory_space<vmem>>
    tpu.enqueue_dma source(%dma_start3A_1537 : memref<256x128xf32, #tpu.memory_space<vmem>>) target(%dma_start3A_1534 : memref<256x128xf32, #tpu.memory_space<hbm>>) target_semaphore(%arg7 : memref<!tpu.dma_semaphore, #tpu.memory_space<semaphore_mem>>)
    %mul3A_1538 = arith.constant 128 : i32
    %mul3A_1539 = arith.muli %mul3A_1538, %select_n3A : i32
    %add3A_1540 = arith.addi %rem3A_1, %mul3A_1539 : i32
    %add3A_1541 = arith.constant 40 : i32
    %add3A_1542 = arith.addi %add3A_1540, %add3A_1541 : i32
    %dma_start3A_1543 = arith.constant 80 : i32
    %dma_start3A_1544 = arith.constant 0 : i32
    %dma_start3A_1545 = tpu.memref_slice %arg5[%dma_start3A_1543, %dma_start3A_1544] : memref<376x128xf32, #tpu.memory_space<vmem>> -> memref<256x128xf32, #tpu.memory_space<vmem>>
    %dma_start3A_1546 = arith.constant 256 : i32
    %dma_start3A_1547 = arith.constant 128 : i32
    %dma_start3A_1548 = tpu.memref_slice %arg3[%add3A_1542, %dma_start3A_1546, %dma_start3A_1547] : memref<512x512x256xf32, #tpu.memory_space<hbm>> -> memref<1x256x128xf32, #tpu.memory_space<hbm>>
    %dma_start3A_1549 = tpu.memref_squeeze %dma_start3A_1548 : memref<1x256x128xf32, #tpu.memory_space<hbm>> -> memref<256x128xf32, #tpu.memory_space<hbm>>
    %dma_start3A_1550 = arith.constant 256 : i32
    %dma_start3A_1551 = arith.constant 128 : i32
    %dma_start3A_1552 = tpu.memref_slice %arg3[%add3A_1542, %dma_start3A_1550, %dma_start3A_1551] : memref<512x512x256xf32, #tpu.memory_space<hbm>> -> memref<1x256x128xf32, #tpu.memory_space<hbm>>
    %dma_start3A_1553 = tpu.memref_squeeze %dma_start3A_1552 : memref<1x256x128xf32, #tpu.memory_space<hbm>> -> memref<256x128xf32, #tpu.memory_space<hbm>>
    %dma_start3A_1554 = arith.constant 80 : i32
    %dma_start3A_1555 = arith.constant 0 : i32
    %dma_start3A_1556 = tpu.memref_slice %arg5[%dma_start3A_1554, %dma_start3A_1555] : memref<376x128xf32, #tpu.memory_space<vmem>> -> memref<256x128xf32, #tpu.memory_space<vmem>>
    tpu.enqueue_dma source(%dma_start3A_1556 : memref<256x128xf32, #tpu.memory_space<vmem>>) target(%dma_start3A_1553 : memref<256x128xf32, #tpu.memory_space<hbm>>) target_semaphore(%arg7 : memref<!tpu.dma_semaphore, #tpu.memory_space<semaphore_mem>>)
    %mul3A_1557 = arith.constant 128 : i32
    %mul3A_1558 = arith.muli %mul3A_1557, %select_n3A : i32
    %add3A_1559 = arith.addi %rem3A_1, %mul3A_1558 : i32
    %add3A_1560 = arith.constant 48 : i32
    %add3A_1561 = arith.addi %add3A_1559, %add3A_1560 : i32
    %dma_start3A_1562 = arith.constant 72 : i32
    %dma_start3A_1563 = arith.constant 0 : i32
    %dma_start3A_1564 = tpu.memref_slice %arg5[%dma_start3A_1562, %dma_start3A_1563] : memref<376x128xf32, #tpu.memory_space<vmem>> -> memref<256x128xf32, #tpu.memory_space<vmem>>
    %dma_start3A_1565 = arith.constant 256 : i32
    %dma_start3A_1566 = arith.constant 128 : i32
    %dma_start3A_1567 = tpu.memref_slice %arg3[%add3A_1561, %dma_start3A_1565, %dma_start3A_1566] : memref<512x512x256xf32, #tpu.memory_space<hbm>> -> memref<1x256x128xf32, #tpu.memory_space<hbm>>
    %dma_start3A_1568 = tpu.memref_squeeze %dma_start3A_1567 : memref<1x256x128xf32, #tpu.memory_space<hbm>> -> memref<256x128xf32, #tpu.memory_space<hbm>>
    %dma_start3A_1569 = arith.constant 256 : i32
    %dma_start3A_1570 = arith.constant 128 : i32
    %dma_start3A_1571 = tpu.memref_slice %arg3[%add3A_1561, %dma_start3A_1569, %dma_start3A_1570] : memref<512x512x256xf32, #tpu.memory_space<hbm>> -> memref<1x256x128xf32, #tpu.memory_space<hbm>>
    %dma_start3A_1572 = tpu.memref_squeeze %dma_start3A_1571 : memref<1x256x128xf32, #tpu.memory_space<hbm>> -> memref<256x128xf32, #tpu.memory_space<hbm>>
    %dma_start3A_1573 = arith.constant 72 : i32
    %dma_start3A_1574 = arith.constant 0 : i32
    %dma_start3A_1575 = tpu.memref_slice %arg5[%dma_start3A_1573, %dma_start3A_1574] : memref<376x128xf32, #tpu.memory_space<vmem>> -> memref<256x128xf32, #tpu.memory_space<vmem>>
    tpu.enqueue_dma source(%dma_start3A_1575 : memref<256x128xf32, #tpu.memory_space<vmem>>) target(%dma_start3A_1572 : memref<256x128xf32, #tpu.memory_space<hbm>>) target_semaphore(%arg7 : memref<!tpu.dma_semaphore, #tpu.memory_space<semaphore_mem>>)
    %mul3A_1576 = arith.constant 128 : i32
    %mul3A_1577 = arith.muli %mul3A_1576, %select_n3A : i32
    %add3A_1578 = arith.addi %rem3A_1, %mul3A_1577 : i32
    %add3A_1579 = arith.constant 56 : i32
    %add3A_1580 = arith.addi %add3A_1578, %add3A_1579 : i32
    %dma_start3A_1581 = arith.constant 64 : i32
    %dma_start3A_1582 = arith.constant 0 : i32
    %dma_start3A_1583 = tpu.memref_slice %arg5[%dma_start3A_1581, %dma_start3A_1582] : memref<376x128xf32, #tpu.memory_space<vmem>> -> memref<256x128xf32, #tpu.memory_space<vmem>>
    %dma_start3A_1584 = arith.constant 256 : i32
    %dma_start3A_1585 = arith.constant 128 : i32
    %dma_start3A_1586 = tpu.memref_slice %arg3[%add3A_1580, %dma_start3A_1584, %dma_start3A_1585] : memref<512x512x256xf32, #tpu.memory_space<hbm>> -> memref<1x256x128xf32, #tpu.memory_space<hbm>>
    %dma_start3A_1587 = tpu.memref_squeeze %dma_start3A_1586 : memref<1x256x128xf32, #tpu.memory_space<hbm>> -> memref<256x128xf32, #tpu.memory_space<hbm>>
    %dma_start3A_1588 = arith.constant 256 : i32
    %dma_start3A_1589 = arith.constant 128 : i32
    %dma_start3A_1590 = tpu.memref_slice %arg3[%add3A_1580, %dma_start3A_1588, %dma_start3A_1589] : memref<512x512x256xf32, #tpu.memory_space<hbm>> -> memref<1x256x128xf32, #tpu.memory_space<hbm>>
    %dma_start3A_1591 = tpu.memref_squeeze %dma_start3A_1590 : memref<1x256x128xf32, #tpu.memory_space<hbm>> -> memref<256x128xf32, #tpu.memory_space<hbm>>
    %dma_start3A_1592 = arith.constant 64 : i32
    %dma_start3A_1593 = arith.constant 0 : i32
    %dma_start3A_1594 = tpu.memref_slice %arg5[%dma_start3A_1592, %dma_start3A_1593] : memref<376x128xf32, #tpu.memory_space<vmem>> -> memref<256x128xf32, #tpu.memory_space<vmem>>
    tpu.enqueue_dma source(%dma_start3A_1594 : memref<256x128xf32, #tpu.memory_space<vmem>>) target(%dma_start3A_1591 : memref<256x128xf32, #tpu.memory_space<hbm>>) target_semaphore(%arg7 : memref<!tpu.dma_semaphore, #tpu.memory_space<semaphore_mem>>)
    %mul3A_1595 = arith.constant 128 : i32
    %mul3A_1596 = arith.muli %mul3A_1595, %select_n3A : i32
    %add3A_1597 = arith.addi %rem3A_1, %mul3A_1596 : i32
    %add3A_1598 = arith.constant 64 : i32
    %add3A_1599 = arith.addi %add3A_1597, %add3A_1598 : i32
    %dma_start3A_1600 = arith.constant 56 : i32
    %dma_start3A_1601 = arith.constant 0 : i32
    %dma_start3A_1602 = tpu.memref_slice %arg5[%dma_start3A_1600, %dma_start3A_1601] : memref<376x128xf32, #tpu.memory_space<vmem>> -> memref<256x128xf32, #tpu.memory_space<vmem>>
    %dma_start3A_1603 = arith.constant 256 : i32
    %dma_start3A_1604 = arith.constant 128 : i32
    %dma_start3A_1605 = tpu.memref_slice %arg3[%add3A_1599, %dma_start3A_1603, %dma_start3A_1604] : memref<512x512x256xf32, #tpu.memory_space<hbm>> -> memref<1x256x128xf32, #tpu.memory_space<hbm>>
    %dma_start3A_1606 = tpu.memref_squeeze %dma_start3A_1605 : memref<1x256x128xf32, #tpu.memory_space<hbm>> -> memref<256x128xf32, #tpu.memory_space<hbm>>
    %dma_start3A_1607 = arith.constant 256 : i32
    %dma_start3A_1608 = arith.constant 128 : i32
    %dma_start3A_1609 = tpu.memref_slice %arg3[%add3A_1599, %dma_start3A_1607, %dma_start3A_1608] : memref<512x512x256xf32, #tpu.memory_space<hbm>> -> memref<1x256x128xf32, #tpu.memory_space<hbm>>
    %dma_start3A_1610 = tpu.memref_squeeze %dma_start3A_1609 : memref<1x256x128xf32, #tpu.memory_space<hbm>> -> memref<256x128xf32, #tpu.memory_space<hbm>>
    %dma_start3A_1611 = arith.constant 56 : i32
    %dma_start3A_1612 = arith.constant 0 : i32
    %dma_start3A_1613 = tpu.memref_slice %arg5[%dma_start3A_1611, %dma_start3A_1612] : memref<376x128xf32, #tpu.memory_space<vmem>> -> memref<256x128xf32, #tpu.memory_space<vmem>>
    tpu.enqueue_dma source(%dma_start3A_1613 : memref<256x128xf32, #tpu.memory_space<vmem>>) target(%dma_start3A_1610 : memref<256x128xf32, #tpu.memory_space<hbm>>) target_semaphore(%arg7 : memref<!tpu.dma_semaphore, #tpu.memory_space<semaphore_mem>>)
    %mul3A_1614 = arith.constant 128 : i32
    %mul3A_1615 = arith.muli %mul3A_1614, %select_n3A : i32
    %add3A_1616 = arith.addi %rem3A_1, %mul3A_1615 : i32
    %add3A_1617 = arith.constant 72 : i32
    %add3A_1618 = arith.addi %add3A_1616, %add3A_1617 : i32
    %dma_start3A_1619 = arith.constant 48 : i32
    %dma_start3A_1620 = arith.constant 0 : i32
    %dma_start3A_1621 = tpu.memref_slice %arg5[%dma_start3A_1619, %dma_start3A_1620] : memref<376x128xf32, #tpu.memory_space<vmem>> -> memref<256x128xf32, #tpu.memory_space<vmem>>
    %dma_start3A_1622 = arith.constant 256 : i32
    %dma_start3A_1623 = arith.constant 128 : i32
    %dma_start3A_1624 = tpu.memref_slice %arg3[%add3A_1618, %dma_start3A_1622, %dma_start3A_1623] : memref<512x512x256xf32, #tpu.memory_space<hbm>> -> memref<1x256x128xf32, #tpu.memory_space<hbm>>
    %dma_start3A_1625 = tpu.memref_squeeze %dma_start3A_1624 : memref<1x256x128xf32, #tpu.memory_space<hbm>> -> memref<256x128xf32, #tpu.memory_space<hbm>>
    %dma_start3A_1626 = arith.constant 256 : i32
    %dma_start3A_1627 = arith.constant 128 : i32
    %dma_start3A_1628 = tpu.memref_slice %arg3[%add3A_1618, %dma_start3A_1626, %dma_start3A_1627] : memref<512x512x256xf32, #tpu.memory_space<hbm>> -> memref<1x256x128xf32, #tpu.memory_space<hbm>>
    %dma_start3A_1629 = tpu.memref_squeeze %dma_start3A_1628 : memref<1x256x128xf32, #tpu.memory_space<hbm>> -> memref<256x128xf32, #tpu.memory_space<hbm>>
    %dma_start3A_1630 = arith.constant 48 : i32
    %dma_start3A_1631 = arith.constant 0 : i32
    %dma_start3A_1632 = tpu.memref_slice %arg5[%dma_start3A_1630, %dma_start3A_1631] : memref<376x128xf32, #tpu.memory_space<vmem>> -> memref<256x128xf32, #tpu.memory_space<vmem>>
    tpu.enqueue_dma source(%dma_start3A_1632 : memref<256x128xf32, #tpu.memory_space<vmem>>) target(%dma_start3A_1629 : memref<256x128xf32, #tpu.memory_space<hbm>>) target_semaphore(%arg7 : memref<!tpu.dma_semaphore, #tpu.memory_space<semaphore_mem>>)
    %mul3A_1633 = arith.constant 128 : i32
    %mul3A_1634 = arith.muli %mul3A_1633, %select_n3A : i32
    %add3A_1635 = arith.addi %rem3A_1, %mul3A_1634 : i32
    %add3A_1636 = arith.constant 80 : i32
    %add3A_1637 = arith.addi %add3A_1635, %add3A_1636 : i32
    %dma_start3A_1638 = arith.constant 40 : i32
    %dma_start3A_1639 = arith.constant 0 : i32
    %dma_start3A_1640 = tpu.memref_slice %arg5[%dma_start3A_1638, %dma_start3A_1639] : memref<376x128xf32, #tpu.memory_space<vmem>> -> memref<256x128xf32, #tpu.memory_space<vmem>>
    %dma_start3A_1641 = arith.constant 256 : i32
    %dma_start3A_1642 = arith.constant 128 : i32
    %dma_start3A_1643 = tpu.memref_slice %arg3[%add3A_1637, %dma_start3A_1641, %dma_start3A_1642] : memref<512x512x256xf32, #tpu.memory_space<hbm>> -> memref<1x256x128xf32, #tpu.memory_space<hbm>>
    %dma_start3A_1644 = tpu.memref_squeeze %dma_start3A_1643 : memref<1x256x128xf32, #tpu.memory_space<hbm>> -> memref<256x128xf32, #tpu.memory_space<hbm>>
    %dma_start3A_1645 = arith.constant 256 : i32
    %dma_start3A_1646 = arith.constant 128 : i32
    %dma_start3A_1647 = tpu.memref_slice %arg3[%add3A_1637, %dma_start3A_1645, %dma_start3A_1646] : memref<512x512x256xf32, #tpu.memory_space<hbm>> -> memref<1x256x128xf32, #tpu.memory_space<hbm>>
    %dma_start3A_1648 = tpu.memref_squeeze %dma_start3A_1647 : memref<1x256x128xf32, #tpu.memory_space<hbm>> -> memref<256x128xf32, #tpu.memory_space<hbm>>
    %dma_start3A_1649 = arith.constant 40 : i32
    %dma_start3A_1650 = arith.constant 0 : i32
    %dma_start3A_1651 = tpu.memref_slice %arg5[%dma_start3A_1649, %dma_start3A_1650] : memref<376x128xf32, #tpu.memory_space<vmem>> -> memref<256x128xf32, #tpu.memory_space<vmem>>
    tpu.enqueue_dma source(%dma_start3A_1651 : memref<256x128xf32, #tpu.memory_space<vmem>>) target(%dma_start3A_1648 : memref<256x128xf32, #tpu.memory_space<hbm>>) target_semaphore(%arg7 : memref<!tpu.dma_semaphore, #tpu.memory_space<semaphore_mem>>)
    %mul3A_1652 = arith.constant 128 : i32
    %mul3A_1653 = arith.muli %mul3A_1652, %select_n3A : i32
    %add3A_1654 = arith.addi %rem3A_1, %mul3A_1653 : i32
    %add3A_1655 = arith.constant 88 : i32
    %add3A_1656 = arith.addi %add3A_1654, %add3A_1655 : i32
    %dma_start3A_1657 = arith.constant 32 : i32
    %dma_start3A_1658 = arith.constant 0 : i32
    %dma_start3A_1659 = tpu.memref_slice %arg5[%dma_start3A_1657, %dma_start3A_1658] : memref<376x128xf32, #tpu.memory_space<vmem>> -> memref<256x128xf32, #tpu.memory_space<vmem>>
    %dma_start3A_1660 = arith.constant 256 : i32
    %dma_start3A_1661 = arith.constant 128 : i32
    %dma_start3A_1662 = tpu.memref_slice %arg3[%add3A_1656, %dma_start3A_1660, %dma_start3A_1661] : memref<512x512x256xf32, #tpu.memory_space<hbm>> -> memref<1x256x128xf32, #tpu.memory_space<hbm>>
    %dma_start3A_1663 = tpu.memref_squeeze %dma_start3A_1662 : memref<1x256x128xf32, #tpu.memory_space<hbm>> -> memref<256x128xf32, #tpu.memory_space<hbm>>
    %dma_start3A_1664 = arith.constant 256 : i32
    %dma_start3A_1665 = arith.constant 128 : i32
    %dma_start3A_1666 = tpu.memref_slice %arg3[%add3A_1656, %dma_start3A_1664, %dma_start3A_1665] : memref<512x512x256xf32, #tpu.memory_space<hbm>> -> memref<1x256x128xf32, #tpu.memory_space<hbm>>
    %dma_start3A_1667 = tpu.memref_squeeze %dma_start3A_1666 : memref<1x256x128xf32, #tpu.memory_space<hbm>> -> memref<256x128xf32, #tpu.memory_space<hbm>>
    %dma_start3A_1668 = arith.constant 32 : i32
    %dma_start3A_1669 = arith.constant 0 : i32
    %dma_start3A_1670 = tpu.memref_slice %arg5[%dma_start3A_1668, %dma_start3A_1669] : memref<376x128xf32, #tpu.memory_space<vmem>> -> memref<256x128xf32, #tpu.memory_space<vmem>>
    tpu.enqueue_dma source(%dma_start3A_1670 : memref<256x128xf32, #tpu.memory_space<vmem>>) target(%dma_start3A_1667 : memref<256x128xf32, #tpu.memory_space<hbm>>) target_semaphore(%arg7 : memref<!tpu.dma_semaphore, #tpu.memory_space<semaphore_mem>>)
    %mul3A_1671 = arith.constant 128 : i32
    %mul3A_1672 = arith.muli %mul3A_1671, %select_n3A : i32
    %add3A_1673 = arith.addi %rem3A_1, %mul3A_1672 : i32
    %add3A_1674 = arith.constant 96 : i32
    %add3A_1675 = arith.addi %add3A_1673, %add3A_1674 : i32
    %dma_start3A_1676 = arith.constant 24 : i32
    %dma_start3A_1677 = arith.constant 0 : i32
    %dma_start3A_1678 = tpu.memref_slice %arg5[%dma_start3A_1676, %dma_start3A_1677] : memref<376x128xf32, #tpu.memory_space<vmem>> -> memref<256x128xf32, #tpu.memory_space<vmem>>
    %dma_start3A_1679 = arith.constant 256 : i32
    %dma_start3A_1680 = arith.constant 128 : i32
    %dma_start3A_1681 = tpu.memref_slice %arg3[%add3A_1675, %dma_start3A_1679, %dma_start3A_1680] : memref<512x512x256xf32, #tpu.memory_space<hbm>> -> memref<1x256x128xf32, #tpu.memory_space<hbm>>
    %dma_start3A_1682 = tpu.memref_squeeze %dma_start3A_1681 : memref<1x256x128xf32, #tpu.memory_space<hbm>> -> memref<256x128xf32, #tpu.memory_space<hbm>>
    %dma_start3A_1683 = arith.constant 256 : i32
    %dma_start3A_1684 = arith.constant 128 : i32
    %dma_start3A_1685 = tpu.memref_slice %arg3[%add3A_1675, %dma_start3A_1683, %dma_start3A_1684] : memref<512x512x256xf32, #tpu.memory_space<hbm>> -> memref<1x256x128xf32, #tpu.memory_space<hbm>>
    %dma_start3A_1686 = tpu.memref_squeeze %dma_start3A_1685 : memref<1x256x128xf32, #tpu.memory_space<hbm>> -> memref<256x128xf32, #tpu.memory_space<hbm>>
    %dma_start3A_1687 = arith.constant 24 : i32
    %dma_start3A_1688 = arith.constant 0 : i32
    %dma_start3A_1689 = tpu.memref_slice %arg5[%dma_start3A_1687, %dma_start3A_1688] : memref<376x128xf32, #tpu.memory_space<vmem>> -> memref<256x128xf32, #tpu.memory_space<vmem>>
    tpu.enqueue_dma source(%dma_start3A_1689 : memref<256x128xf32, #tpu.memory_space<vmem>>) target(%dma_start3A_1686 : memref<256x128xf32, #tpu.memory_space<hbm>>) target_semaphore(%arg7 : memref<!tpu.dma_semaphore, #tpu.memory_space<semaphore_mem>>)
    %mul3A_1690 = arith.constant 128 : i32
    %mul3A_1691 = arith.muli %mul3A_1690, %select_n3A : i32
    %add3A_1692 = arith.addi %rem3A_1, %mul3A_1691 : i32
    %add3A_1693 = arith.constant 104 : i32
    %add3A_1694 = arith.addi %add3A_1692, %add3A_1693 : i32
    %dma_start3A_1695 = arith.constant 16 : i32
    %dma_start3A_1696 = arith.constant 0 : i32
    %dma_start3A_1697 = tpu.memref_slice %arg5[%dma_start3A_1695, %dma_start3A_1696] : memref<376x128xf32, #tpu.memory_space<vmem>> -> memref<256x128xf32, #tpu.memory_space<vmem>>
    %dma_start3A_1698 = arith.constant 256 : i32
    %dma_start3A_1699 = arith.constant 128 : i32
    %dma_start3A_1700 = tpu.memref_slice %arg3[%add3A_1694, %dma_start3A_1698, %dma_start3A_1699] : memref<512x512x256xf32, #tpu.memory_space<hbm>> -> memref<1x256x128xf32, #tpu.memory_space<hbm>>
    %dma_start3A_1701 = tpu.memref_squeeze %dma_start3A_1700 : memref<1x256x128xf32, #tpu.memory_space<hbm>> -> memref<256x128xf32, #tpu.memory_space<hbm>>
    %dma_start3A_1702 = arith.constant 256 : i32
    %dma_start3A_1703 = arith.constant 128 : i32
    %dma_start3A_1704 = tpu.memref_slice %arg3[%add3A_1694, %dma_start3A_1702, %dma_start3A_1703] : memref<512x512x256xf32, #tpu.memory_space<hbm>> -> memref<1x256x128xf32, #tpu.memory_space<hbm>>
    %dma_start3A_1705 = tpu.memref_squeeze %dma_start3A_1704 : memref<1x256x128xf32, #tpu.memory_space<hbm>> -> memref<256x128xf32, #tpu.memory_space<hbm>>
    %dma_start3A_1706 = arith.constant 16 : i32
    %dma_start3A_1707 = arith.constant 0 : i32
    %dma_start3A_1708 = tpu.memref_slice %arg5[%dma_start3A_1706, %dma_start3A_1707] : memref<376x128xf32, #tpu.memory_space<vmem>> -> memref<256x128xf32, #tpu.memory_space<vmem>>
    tpu.enqueue_dma source(%dma_start3A_1708 : memref<256x128xf32, #tpu.memory_space<vmem>>) target(%dma_start3A_1705 : memref<256x128xf32, #tpu.memory_space<hbm>>) target_semaphore(%arg7 : memref<!tpu.dma_semaphore, #tpu.memory_space<semaphore_mem>>)
    %mul3A_1709 = arith.constant 128 : i32
    %mul3A_1710 = arith.muli %mul3A_1709, %select_n3A : i32
    %add3A_1711 = arith.addi %rem3A_1, %mul3A_1710 : i32
    %add3A_1712 = arith.constant 112 : i32
    %add3A_1713 = arith.addi %add3A_1711, %add3A_1712 : i32
    %dma_start3A_1714 = arith.constant 8 : i32
    %dma_start3A_1715 = arith.constant 0 : i32
    %dma_start3A_1716 = tpu.memref_slice %arg5[%dma_start3A_1714, %dma_start3A_1715] : memref<376x128xf32, #tpu.memory_space<vmem>> -> memref<256x128xf32, #tpu.memory_space<vmem>>
    %dma_start3A_1717 = arith.constant 256 : i32
    %dma_start3A_1718 = arith.constant 128 : i32
    %dma_start3A_1719 = tpu.memref_slice %arg3[%add3A_1713, %dma_start3A_1717, %dma_start3A_1718] : memref<512x512x256xf32, #tpu.memory_space<hbm>> -> memref<1x256x128xf32, #tpu.memory_space<hbm>>
    %dma_start3A_1720 = tpu.memref_squeeze %dma_start3A_1719 : memref<1x256x128xf32, #tpu.memory_space<hbm>> -> memref<256x128xf32, #tpu.memory_space<hbm>>
    %dma_start3A_1721 = arith.constant 256 : i32
    %dma_start3A_1722 = arith.constant 128 : i32
    %dma_start3A_1723 = tpu.memref_slice %arg3[%add3A_1713, %dma_start3A_1721, %dma_start3A_1722] : memref<512x512x256xf32, #tpu.memory_space<hbm>> -> memref<1x256x128xf32, #tpu.memory_space<hbm>>
    %dma_start3A_1724 = tpu.memref_squeeze %dma_start3A_1723 : memref<1x256x128xf32, #tpu.memory_space<hbm>> -> memref<256x128xf32, #tpu.memory_space<hbm>>
    %dma_start3A_1725 = arith.constant 8 : i32
    %dma_start3A_1726 = arith.constant 0 : i32
    %dma_start3A_1727 = tpu.memref_slice %arg5[%dma_start3A_1725, %dma_start3A_1726] : memref<376x128xf32, #tpu.memory_space<vmem>> -> memref<256x128xf32, #tpu.memory_space<vmem>>
    tpu.enqueue_dma source(%dma_start3A_1727 : memref<256x128xf32, #tpu.memory_space<vmem>>) target(%dma_start3A_1724 : memref<256x128xf32, #tpu.memory_space<hbm>>) target_semaphore(%arg7 : memref<!tpu.dma_semaphore, #tpu.memory_space<semaphore_mem>>)
    %mul3A_1728 = arith.constant 128 : i32
    %mul3A_1729 = arith.muli %mul3A_1728, %select_n3A : i32
    %add3A_1730 = arith.addi %rem3A_1, %mul3A_1729 : i32
    %add3A_1731 = arith.constant 120 : i32
    %add3A_1732 = arith.addi %add3A_1730, %add3A_1731 : i32
    %dma_start3A_1733 = arith.constant 0 : i32
    %dma_start3A_1734 = arith.constant 0 : i32
    %dma_start3A_1735 = tpu.memref_slice %arg5[%dma_start3A_1733, %dma_start3A_1734] : memref<376x128xf32, #tpu.memory_space<vmem>> -> memref<256x128xf32, #tpu.memory_space<vmem>>
    %dma_start3A_1736 = arith.constant 256 : i32
    %dma_start3A_1737 = arith.constant 128 : i32
    %dma_start3A_1738 = tpu.memref_slice %arg3[%add3A_1732, %dma_start3A_1736, %dma_start3A_1737] : memref<512x512x256xf32, #tpu.memory_space<hbm>> -> memref<1x256x128xf32, #tpu.memory_space<hbm>>
    %dma_start3A_1739 = tpu.memref_squeeze %dma_start3A_1738 : memref<1x256x128xf32, #tpu.memory_space<hbm>> -> memref<256x128xf32, #tpu.memory_space<hbm>>
    %dma_start3A_1740 = arith.constant 256 : i32
    %dma_start3A_1741 = arith.constant 128 : i32
    %dma_start3A_1742 = tpu.memref_slice %arg3[%add3A_1732, %dma_start3A_1740, %dma_start3A_1741] : memref<512x512x256xf32, #tpu.memory_space<hbm>> -> memref<1x256x128xf32, #tpu.memory_space<hbm>>
    %dma_start3A_1743 = tpu.memref_squeeze %dma_start3A_1742 : memref<1x256x128xf32, #tpu.memory_space<hbm>> -> memref<256x128xf32, #tpu.memory_space<hbm>>
    %dma_start3A_1744 = arith.constant 0 : i32
    %dma_start3A_1745 = arith.constant 0 : i32
    %dma_start3A_1746 = tpu.memref_slice %arg5[%dma_start3A_1744, %dma_start3A_1745] : memref<376x128xf32, #tpu.memory_space<vmem>> -> memref<256x128xf32, #tpu.memory_space<vmem>>
    tpu.enqueue_dma source(%dma_start3A_1746 : memref<256x128xf32, #tpu.memory_space<vmem>>) target(%dma_start3A_1743 : memref<256x128xf32, #tpu.memory_space<hbm>>) target_semaphore(%arg7 : memref<!tpu.dma_semaphore, #tpu.memory_space<semaphore_mem>>)
    %dma_wait3A_1747 = arith.constant 120 : i32
    %dma_wait3A_1748 = arith.constant 0 : i32
    %dma_wait3A_1749 = tpu.memref_slice %arg4[%dma_wait3A_1747, %dma_wait3A_1748] : memref<376x128xf32, #tpu.memory_space<vmem>> -> memref<256x128xf32, #tpu.memory_space<vmem>>
    %dma_wait3A_1750 = arith.constant 0 : i32
    %dma_wait3A_1751 = arith.constant 128 : i32
    %dma_wait3A_1752 = tpu.memref_slice %arg3[%add3A_907, %dma_wait3A_1750, %dma_wait3A_1751] : memref<512x512x256xf32, #tpu.memory_space<hbm>> -> memref<1x256x128xf32, #tpu.memory_space<hbm>>
    %dma_wait3A_1753 = tpu.memref_squeeze %dma_wait3A_1752 : memref<1x256x128xf32, #tpu.memory_space<hbm>> -> memref<256x128xf32, #tpu.memory_space<hbm>>
    %dma_wait3A_1754 = arith.constant 0 : i32
    %dma_wait3A_1755 = arith.constant 128 : i32
    %dma_wait3A_1756 = tpu.memref_slice %arg3[%add3A_907, %dma_wait3A_1754, %dma_wait3A_1755] : memref<512x512x256xf32, #tpu.memory_space<hbm>> -> memref<1x256x128xf32, #tpu.memory_space<hbm>>
    %dma_wait3A_1757 = tpu.memref_squeeze %dma_wait3A_1756 : memref<1x256x128xf32, #tpu.memory_space<hbm>> -> memref<256x128xf32, #tpu.memory_space<hbm>>
    %dma_wait3A_1758 = arith.constant 120 : i32
    %dma_wait3A_1759 = arith.constant 0 : i32
    %dma_wait3A_1760 = tpu.memref_slice %arg4[%dma_wait3A_1758, %dma_wait3A_1759] : memref<376x128xf32, #tpu.memory_space<vmem>> -> memref<256x128xf32, #tpu.memory_space<vmem>>
    tpu.wait_dma2 semaphore(%arg7 : memref<!tpu.dma_semaphore, #tpu.memory_space<semaphore_mem>>) src(%dma_wait3A_1760 : memref<256x128xf32, #tpu.memory_space<vmem>>) dst(%dma_wait3A_1757 : memref<256x128xf32, #tpu.memory_space<hbm>>)
    %dma_wait3A_1761 = arith.constant 112 : i32
    %dma_wait3A_1762 = arith.constant 0 : i32
    %dma_wait3A_1763 = tpu.memref_slice %arg4[%dma_wait3A_1761, %dma_wait3A_1762] : memref<376x128xf32, #tpu.memory_space<vmem>> -> memref<256x128xf32, #tpu.memory_space<vmem>>
    %dma_wait3A_1764 = arith.constant 0 : i32
    %dma_wait3A_1765 = arith.constant 128 : i32
    %dma_wait3A_1766 = tpu.memref_slice %arg3[%add3A_926, %dma_wait3A_1764, %dma_wait3A_1765] : memref<512x512x256xf32, #tpu.memory_space<hbm>> -> memref<1x256x128xf32, #tpu.memory_space<hbm>>
    %dma_wait3A_1767 = tpu.memref_squeeze %dma_wait3A_1766 : memref<1x256x128xf32, #tpu.memory_space<hbm>> -> memref<256x128xf32, #tpu.memory_space<hbm>>
    %dma_wait3A_1768 = arith.constant 0 : i32
    %dma_wait3A_1769 = arith.constant 128 : i32
    %dma_wait3A_1770 = tpu.memref_slice %arg3[%add3A_926, %dma_wait3A_1768, %dma_wait3A_1769] : memref<512x512x256xf32, #tpu.memory_space<hbm>> -> memref<1x256x128xf32, #tpu.memory_space<hbm>>
    %dma_wait3A_1771 = tpu.memref_squeeze %dma_wait3A_1770 : memref<1x256x128xf32, #tpu.memory_space<hbm>> -> memref<256x128xf32, #tpu.memory_space<hbm>>
    %dma_wait3A_1772 = arith.constant 112 : i32
    %dma_wait3A_1773 = arith.constant 0 : i32
    %dma_wait3A_1774 = tpu.memref_slice %arg4[%dma_wait3A_1772, %dma_wait3A_1773] : memref<376x128xf32, #tpu.memory_space<vmem>> -> memref<256x128xf32, #tpu.memory_space<vmem>>
    tpu.wait_dma2 semaphore(%arg7 : memref<!tpu.dma_semaphore, #tpu.memory_space<semaphore_mem>>) src(%dma_wait3A_1774 : memref<256x128xf32, #tpu.memory_space<vmem>>) dst(%dma_wait3A_1771 : memref<256x128xf32, #tpu.memory_space<hbm>>)
    %dma_wait3A_1775 = arith.constant 104 : i32
    %dma_wait3A_1776 = arith.constant 0 : i32
    %dma_wait3A_1777 = tpu.memref_slice %arg4[%dma_wait3A_1775, %dma_wait3A_1776] : memref<376x128xf32, #tpu.memory_space<vmem>> -> memref<256x128xf32, #tpu.memory_space<vmem>>
    %dma_wait3A_1778 = arith.constant 0 : i32
    %dma_wait3A_1779 = arith.constant 128 : i32
    %dma_wait3A_1780 = tpu.memref_slice %arg3[%add3A_945, %dma_wait3A_1778, %dma_wait3A_1779] : memref<512x512x256xf32, #tpu.memory_space<hbm>> -> memref<1x256x128xf32, #tpu.memory_space<hbm>>
    %dma_wait3A_1781 = tpu.memref_squeeze %dma_wait3A_1780 : memref<1x256x128xf32, #tpu.memory_space<hbm>> -> memref<256x128xf32, #tpu.memory_space<hbm>>
    %dma_wait3A_1782 = arith.constant 0 : i32
    %dma_wait3A_1783 = arith.constant 128 : i32
    %dma_wait3A_1784 = tpu.memref_slice %arg3[%add3A_945, %dma_wait3A_1782, %dma_wait3A_1783] : memref<512x512x256xf32, #tpu.memory_space<hbm>> -> memref<1x256x128xf32, #tpu.memory_space<hbm>>
    %dma_wait3A_1785 = tpu.memref_squeeze %dma_wait3A_1784 : memref<1x256x128xf32, #tpu.memory_space<hbm>> -> memref<256x128xf32, #tpu.memory_space<hbm>>
    %dma_wait3A_1786 = arith.constant 104 : i32
    %dma_wait3A_1787 = arith.constant 0 : i32
    %dma_wait3A_1788 = tpu.memref_slice %arg4[%dma_wait3A_1786, %dma_wait3A_1787] : memref<376x128xf32, #tpu.memory_space<vmem>> -> memref<256x128xf32, #tpu.memory_space<vmem>>
    tpu.wait_dma2 semaphore(%arg7 : memref<!tpu.dma_semaphore, #tpu.memory_space<semaphore_mem>>) src(%dma_wait3A_1788 : memref<256x128xf32, #tpu.memory_space<vmem>>) dst(%dma_wait3A_1785 : memref<256x128xf32, #tpu.memory_space<hbm>>)
    %dma_wait3A_1789 = arith.constant 96 : i32
    %dma_wait3A_1790 = arith.constant 0 : i32
    %dma_wait3A_1791 = tpu.memref_slice %arg4[%dma_wait3A_1789, %dma_wait3A_1790] : memref<376x128xf32, #tpu.memory_space<vmem>> -> memref<256x128xf32, #tpu.memory_space<vmem>>
    %dma_wait3A_1792 = arith.constant 0 : i32
    %dma_wait3A_1793 = arith.constant 128 : i32
    %dma_wait3A_1794 = tpu.memref_slice %arg3[%add3A_964, %dma_wait3A_1792, %dma_wait3A_1793] : memref<512x512x256xf32, #tpu.memory_space<hbm>> -> memref<1x256x128xf32, #tpu.memory_space<hbm>>
    %dma_wait3A_1795 = tpu.memref_squeeze %dma_wait3A_1794 : memref<1x256x128xf32, #tpu.memory_space<hbm>> -> memref<256x128xf32, #tpu.memory_space<hbm>>
    %dma_wait3A_1796 = arith.constant 0 : i32
    %dma_wait3A_1797 = arith.constant 128 : i32
    %dma_wait3A_1798 = tpu.memref_slice %arg3[%add3A_964, %dma_wait3A_1796, %dma_wait3A_1797] : memref<512x512x256xf32, #tpu.memory_space<hbm>> -> memref<1x256x128xf32, #tpu.memory_space<hbm>>
    %dma_wait3A_1799 = tpu.memref_squeeze %dma_wait3A_1798 : memref<1x256x128xf32, #tpu.memory_space<hbm>> -> memref<256x128xf32, #tpu.memory_space<hbm>>
    %dma_wait3A_1800 = arith.constant 96 : i32
    %dma_wait3A_1801 = arith.constant 0 : i32
    %dma_wait3A_1802 = tpu.memref_slice %arg4[%dma_wait3A_1800, %dma_wait3A_1801] : memref<376x128xf32, #tpu.memory_space<vmem>> -> memref<256x128xf32, #tpu.memory_space<vmem>>
    tpu.wait_dma2 semaphore(%arg7 : memref<!tpu.dma_semaphore, #tpu.memory_space<semaphore_mem>>) src(%dma_wait3A_1802 : memref<256x128xf32, #tpu.memory_space<vmem>>) dst(%dma_wait3A_1799 : memref<256x128xf32, #tpu.memory_space<hbm>>)
    %dma_wait3A_1803 = arith.constant 88 : i32
    %dma_wait3A_1804 = arith.constant 0 : i32
    %dma_wait3A_1805 = tpu.memref_slice %arg4[%dma_wait3A_1803, %dma_wait3A_1804] : memref<376x128xf32, #tpu.memory_space<vmem>> -> memref<256x128xf32, #tpu.memory_space<vmem>>
    %dma_wait3A_1806 = arith.constant 0 : i32
    %dma_wait3A_1807 = arith.constant 128 : i32
    %dma_wait3A_1808 = tpu.memref_slice %arg3[%add3A_983, %dma_wait3A_1806, %dma_wait3A_1807] : memref<512x512x256xf32, #tpu.memory_space<hbm>> -> memref<1x256x128xf32, #tpu.memory_space<hbm>>
    %dma_wait3A_1809 = tpu.memref_squeeze %dma_wait3A_1808 : memref<1x256x128xf32, #tpu.memory_space<hbm>> -> memref<256x128xf32, #tpu.memory_space<hbm>>
    %dma_wait3A_1810 = arith.constant 0 : i32
    %dma_wait3A_1811 = arith.constant 128 : i32
    %dma_wait3A_1812 = tpu.memref_slice %arg3[%add3A_983, %dma_wait3A_1810, %dma_wait3A_1811] : memref<512x512x256xf32, #tpu.memory_space<hbm>> -> memref<1x256x128xf32, #tpu.memory_space<hbm>>
    %dma_wait3A_1813 = tpu.memref_squeeze %dma_wait3A_1812 : memref<1x256x128xf32, #tpu.memory_space<hbm>> -> memref<256x128xf32, #tpu.memory_space<hbm>>
    %dma_wait3A_1814 = arith.constant 88 : i32
    %dma_wait3A_1815 = arith.constant 0 : i32
    %dma_wait3A_1816 = tpu.memref_slice %arg4[%dma_wait3A_1814, %dma_wait3A_1815] : memref<376x128xf32, #tpu.memory_space<vmem>> -> memref<256x128xf32, #tpu.memory_space<vmem>>
    tpu.wait_dma2 semaphore(%arg7 : memref<!tpu.dma_semaphore, #tpu.memory_space<semaphore_mem>>) src(%dma_wait3A_1816 : memref<256x128xf32, #tpu.memory_space<vmem>>) dst(%dma_wait3A_1813 : memref<256x128xf32, #tpu.memory_space<hbm>>)
    %dma_wait3A_1817 = arith.constant 80 : i32
    %dma_wait3A_1818 = arith.constant 0 : i32
    %dma_wait3A_1819 = tpu.memref_slice %arg4[%dma_wait3A_1817, %dma_wait3A_1818] : memref<376x128xf32, #tpu.memory_space<vmem>> -> memref<256x128xf32, #tpu.memory_space<vmem>>
    %dma_wait3A_1820 = arith.constant 0 : i32
    %dma_wait3A_1821 = arith.constant 128 : i32
    %dma_wait3A_1822 = tpu.memref_slice %arg3[%add3A_1002, %dma_wait3A_1820, %dma_wait3A_1821] : memref<512x512x256xf32, #tpu.memory_space<hbm>> -> memref<1x256x128xf32, #tpu.memory_space<hbm>>
    %dma_wait3A_1823 = tpu.memref_squeeze %dma_wait3A_1822 : memref<1x256x128xf32, #tpu.memory_space<hbm>> -> memref<256x128xf32, #tpu.memory_space<hbm>>
    %dma_wait3A_1824 = arith.constant 0 : i32
    %dma_wait3A_1825 = arith.constant 128 : i32
    %dma_wait3A_1826 = tpu.memref_slice %arg3[%add3A_1002, %dma_wait3A_1824, %dma_wait3A_1825] : memref<512x512x256xf32, #tpu.memory_space<hbm>> -> memref<1x256x128xf32, #tpu.memory_space<hbm>>
    %dma_wait3A_1827 = tpu.memref_squeeze %dma_wait3A_1826 : memref<1x256x128xf32, #tpu.memory_space<hbm>> -> memref<256x128xf32, #tpu.memory_space<hbm>>
    %dma_wait3A_1828 = arith.constant 80 : i32
    %dma_wait3A_1829 = arith.constant 0 : i32
    %dma_wait3A_1830 = tpu.memref_slice %arg4[%dma_wait3A_1828, %dma_wait3A_1829] : memref<376x128xf32, #tpu.memory_space<vmem>> -> memref<256x128xf32, #tpu.memory_space<vmem>>
    tpu.wait_dma2 semaphore(%arg7 : memref<!tpu.dma_semaphore, #tpu.memory_space<semaphore_mem>>) src(%dma_wait3A_1830 : memref<256x128xf32, #tpu.memory_space<vmem>>) dst(%dma_wait3A_1827 : memref<256x128xf32, #tpu.memory_space<hbm>>)
    %dma_wait3A_1831 = arith.constant 72 : i32
    %dma_wait3A_1832 = arith.constant 0 : i32
    %dma_wait3A_1833 = tpu.memref_slice %arg4[%dma_wait3A_1831, %dma_wait3A_1832] : memref<376x128xf32, #tpu.memory_space<vmem>> -> memref<256x128xf32, #tpu.memory_space<vmem>>
    %dma_wait3A_1834 = arith.constant 0 : i32
    %dma_wait3A_1835 = arith.constant 128 : i32
    %dma_wait3A_1836 = tpu.memref_slice %arg3[%add3A_1021, %dma_wait3A_1834, %dma_wait3A_1835] : memref<512x512x256xf32, #tpu.memory_space<hbm>> -> memref<1x256x128xf32, #tpu.memory_space<hbm>>
    %dma_wait3A_1837 = tpu.memref_squeeze %dma_wait3A_1836 : memref<1x256x128xf32, #tpu.memory_space<hbm>> -> memref<256x128xf32, #tpu.memory_space<hbm>>
    %dma_wait3A_1838 = arith.constant 0 : i32
    %dma_wait3A_1839 = arith.constant 128 : i32
    %dma_wait3A_1840 = tpu.memref_slice %arg3[%add3A_1021, %dma_wait3A_1838, %dma_wait3A_1839] : memref<512x512x256xf32, #tpu.memory_space<hbm>> -> memref<1x256x128xf32, #tpu.memory_space<hbm>>
    %dma_wait3A_1841 = tpu.memref_squeeze %dma_wait3A_1840 : memref<1x256x128xf32, #tpu.memory_space<hbm>> -> memref<256x128xf32, #tpu.memory_space<hbm>>
    %dma_wait3A_1842 = arith.constant 72 : i32
    %dma_wait3A_1843 = arith.constant 0 : i32
    %dma_wait3A_1844 = tpu.memref_slice %arg4[%dma_wait3A_1842, %dma_wait3A_1843] : memref<376x128xf32, #tpu.memory_space<vmem>> -> memref<256x128xf32, #tpu.memory_space<vmem>>
    tpu.wait_dma2 semaphore(%arg7 : memref<!tpu.dma_semaphore, #tpu.memory_space<semaphore_mem>>) src(%dma_wait3A_1844 : memref<256x128xf32, #tpu.memory_space<vmem>>) dst(%dma_wait3A_1841 : memref<256x128xf32, #tpu.memory_space<hbm>>)
    %dma_wait3A_1845 = arith.constant 64 : i32
    %dma_wait3A_1846 = arith.constant 0 : i32
    %dma_wait3A_1847 = tpu.memref_slice %arg4[%dma_wait3A_1845, %dma_wait3A_1846] : memref<376x128xf32, #tpu.memory_space<vmem>> -> memref<256x128xf32, #tpu.memory_space<vmem>>
    %dma_wait3A_1848 = arith.constant 0 : i32
    %dma_wait3A_1849 = arith.constant 128 : i32
    %dma_wait3A_1850 = tpu.memref_slice %arg3[%add3A_1040, %dma_wait3A_1848, %dma_wait3A_1849] : memref<512x512x256xf32, #tpu.memory_space<hbm>> -> memref<1x256x128xf32, #tpu.memory_space<hbm>>
    %dma_wait3A_1851 = tpu.memref_squeeze %dma_wait3A_1850 : memref<1x256x128xf32, #tpu.memory_space<hbm>> -> memref<256x128xf32, #tpu.memory_space<hbm>>
    %dma_wait3A_1852 = arith.constant 0 : i32
    %dma_wait3A_1853 = arith.constant 128 : i32
    %dma_wait3A_1854 = tpu.memref_slice %arg3[%add3A_1040, %dma_wait3A_1852, %dma_wait3A_1853] : memref<512x512x256xf32, #tpu.memory_space<hbm>> -> memref<1x256x128xf32, #tpu.memory_space<hbm>>
    %dma_wait3A_1855 = tpu.memref_squeeze %dma_wait3A_1854 : memref<1x256x128xf32, #tpu.memory_space<hbm>> -> memref<256x128xf32, #tpu.memory_space<hbm>>
    %dma_wait3A_1856 = arith.constant 64 : i32
    %dma_wait3A_1857 = arith.constant 0 : i32
    %dma_wait3A_1858 = tpu.memref_slice %arg4[%dma_wait3A_1856, %dma_wait3A_1857] : memref<376x128xf32, #tpu.memory_space<vmem>> -> memref<256x128xf32, #tpu.memory_space<vmem>>
    tpu.wait_dma2 semaphore(%arg7 : memref<!tpu.dma_semaphore, #tpu.memory_space<semaphore_mem>>) src(%dma_wait3A_1858 : memref<256x128xf32, #tpu.memory_space<vmem>>) dst(%dma_wait3A_1855 : memref<256x128xf32, #tpu.memory_space<hbm>>)
    %dma_wait3A_1859 = arith.constant 56 : i32
    %dma_wait3A_1860 = arith.constant 0 : i32
    %dma_wait3A_1861 = tpu.memref_slice %arg4[%dma_wait3A_1859, %dma_wait3A_1860] : memref<376x128xf32, #tpu.memory_space<vmem>> -> memref<256x128xf32, #tpu.memory_space<vmem>>
    %dma_wait3A_1862 = arith.constant 0 : i32
    %dma_wait3A_1863 = arith.constant 128 : i32
    %dma_wait3A_1864 = tpu.memref_slice %arg3[%add3A_1059, %dma_wait3A_1862, %dma_wait3A_1863] : memref<512x512x256xf32, #tpu.memory_space<hbm>> -> memref<1x256x128xf32, #tpu.memory_space<hbm>>
    %dma_wait3A_1865 = tpu.memref_squeeze %dma_wait3A_1864 : memref<1x256x128xf32, #tpu.memory_space<hbm>> -> memref<256x128xf32, #tpu.memory_space<hbm>>
    %dma_wait3A_1866 = arith.constant 0 : i32
    %dma_wait3A_1867 = arith.constant 128 : i32
    %dma_wait3A_1868 = tpu.memref_slice %arg3[%add3A_1059, %dma_wait3A_1866, %dma_wait3A_1867] : memref<512x512x256xf32, #tpu.memory_space<hbm>> -> memref<1x256x128xf32, #tpu.memory_space<hbm>>
    %dma_wait3A_1869 = tpu.memref_squeeze %dma_wait3A_1868 : memref<1x256x128xf32, #tpu.memory_space<hbm>> -> memref<256x128xf32, #tpu.memory_space<hbm>>
    %dma_wait3A_1870 = arith.constant 56 : i32
    %dma_wait3A_1871 = arith.constant 0 : i32
    %dma_wait3A_1872 = tpu.memref_slice %arg4[%dma_wait3A_1870, %dma_wait3A_1871] : memref<376x128xf32, #tpu.memory_space<vmem>> -> memref<256x128xf32, #tpu.memory_space<vmem>>
    tpu.wait_dma2 semaphore(%arg7 : memref<!tpu.dma_semaphore, #tpu.memory_space<semaphore_mem>>) src(%dma_wait3A_1872 : memref<256x128xf32, #tpu.memory_space<vmem>>) dst(%dma_wait3A_1869 : memref<256x128xf32, #tpu.memory_space<hbm>>)
    %dma_wait3A_1873 = arith.constant 48 : i32
    %dma_wait3A_1874 = arith.constant 0 : i32
    %dma_wait3A_1875 = tpu.memref_slice %arg4[%dma_wait3A_1873, %dma_wait3A_1874] : memref<376x128xf32, #tpu.memory_space<vmem>> -> memref<256x128xf32, #tpu.memory_space<vmem>>
    %dma_wait3A_1876 = arith.constant 0 : i32
    %dma_wait3A_1877 = arith.constant 128 : i32
    %dma_wait3A_1878 = tpu.memref_slice %arg3[%add3A_1078, %dma_wait3A_1876, %dma_wait3A_1877] : memref<512x512x256xf32, #tpu.memory_space<hbm>> -> memref<1x256x128xf32, #tpu.memory_space<hbm>>
    %dma_wait3A_1879 = tpu.memref_squeeze %dma_wait3A_1878 : memref<1x256x128xf32, #tpu.memory_space<hbm>> -> memref<256x128xf32, #tpu.memory_space<hbm>>
    %dma_wait3A_1880 = arith.constant 0 : i32
    %dma_wait3A_1881 = arith.constant 128 : i32
    %dma_wait3A_1882 = tpu.memref_slice %arg3[%add3A_1078, %dma_wait3A_1880, %dma_wait3A_1881] : memref<512x512x256xf32, #tpu.memory_space<hbm>> -> memref<1x256x128xf32, #tpu.memory_space<hbm>>
    %dma_wait3A_1883 = tpu.memref_squeeze %dma_wait3A_1882 : memref<1x256x128xf32, #tpu.memory_space<hbm>> -> memref<256x128xf32, #tpu.memory_space<hbm>>
    %dma_wait3A_1884 = arith.constant 48 : i32
    %dma_wait3A_1885 = arith.constant 0 : i32
    %dma_wait3A_1886 = tpu.memref_slice %arg4[%dma_wait3A_1884, %dma_wait3A_1885] : memref<376x128xf32, #tpu.memory_space<vmem>> -> memref<256x128xf32, #tpu.memory_space<vmem>>
    tpu.wait_dma2 semaphore(%arg7 : memref<!tpu.dma_semaphore, #tpu.memory_space<semaphore_mem>>) src(%dma_wait3A_1886 : memref<256x128xf32, #tpu.memory_space<vmem>>) dst(%dma_wait3A_1883 : memref<256x128xf32, #tpu.memory_space<hbm>>)
    %dma_wait3A_1887 = arith.constant 40 : i32
    %dma_wait3A_1888 = arith.constant 0 : i32
    %dma_wait3A_1889 = tpu.memref_slice %arg4[%dma_wait3A_1887, %dma_wait3A_1888] : memref<376x128xf32, #tpu.memory_space<vmem>> -> memref<256x128xf32, #tpu.memory_space<vmem>>
    %dma_wait3A_1890 = arith.constant 0 : i32
    %dma_wait3A_1891 = arith.constant 128 : i32
    %dma_wait3A_1892 = tpu.memref_slice %arg3[%add3A_1097, %dma_wait3A_1890, %dma_wait3A_1891] : memref<512x512x256xf32, #tpu.memory_space<hbm>> -> memref<1x256x128xf32, #tpu.memory_space<hbm>>
    %dma_wait3A_1893 = tpu.memref_squeeze %dma_wait3A_1892 : memref<1x256x128xf32, #tpu.memory_space<hbm>> -> memref<256x128xf32, #tpu.memory_space<hbm>>
    %dma_wait3A_1894 = arith.constant 0 : i32
    %dma_wait3A_1895 = arith.constant 128 : i32
    %dma_wait3A_1896 = tpu.memref_slice %arg3[%add3A_1097, %dma_wait3A_1894, %dma_wait3A_1895] : memref<512x512x256xf32, #tpu.memory_space<hbm>> -> memref<1x256x128xf32, #tpu.memory_space<hbm>>
    %dma_wait3A_1897 = tpu.memref_squeeze %dma_wait3A_1896 : memref<1x256x128xf32, #tpu.memory_space<hbm>> -> memref<256x128xf32, #tpu.memory_space<hbm>>
    %dma_wait3A_1898 = arith.constant 40 : i32
    %dma_wait3A_1899 = arith.constant 0 : i32
    %dma_wait3A_1900 = tpu.memref_slice %arg4[%dma_wait3A_1898, %dma_wait3A_1899] : memref<376x128xf32, #tpu.memory_space<vmem>> -> memref<256x128xf32, #tpu.memory_space<vmem>>
    tpu.wait_dma2 semaphore(%arg7 : memref<!tpu.dma_semaphore, #tpu.memory_space<semaphore_mem>>) src(%dma_wait3A_1900 : memref<256x128xf32, #tpu.memory_space<vmem>>) dst(%dma_wait3A_1897 : memref<256x128xf32, #tpu.memory_space<hbm>>)
    %dma_wait3A_1901 = arith.constant 32 : i32
    %dma_wait3A_1902 = arith.constant 0 : i32
    %dma_wait3A_1903 = tpu.memref_slice %arg4[%dma_wait3A_1901, %dma_wait3A_1902] : memref<376x128xf32, #tpu.memory_space<vmem>> -> memref<256x128xf32, #tpu.memory_space<vmem>>
    %dma_wait3A_1904 = arith.constant 0 : i32
    %dma_wait3A_1905 = arith.constant 128 : i32
    %dma_wait3A_1906 = tpu.memref_slice %arg3[%add3A_1116, %dma_wait3A_1904, %dma_wait3A_1905] : memref<512x512x256xf32, #tpu.memory_space<hbm>> -> memref<1x256x128xf32, #tpu.memory_space<hbm>>
    %dma_wait3A_1907 = tpu.memref_squeeze %dma_wait3A_1906 : memref<1x256x128xf32, #tpu.memory_space<hbm>> -> memref<256x128xf32, #tpu.memory_space<hbm>>
    %dma_wait3A_1908 = arith.constant 0 : i32
    %dma_wait3A_1909 = arith.constant 128 : i32
    %dma_wait3A_1910 = tpu.memref_slice %arg3[%add3A_1116, %dma_wait3A_1908, %dma_wait3A_1909] : memref<512x512x256xf32, #tpu.memory_space<hbm>> -> memref<1x256x128xf32, #tpu.memory_space<hbm>>
    %dma_wait3A_1911 = tpu.memref_squeeze %dma_wait3A_1910 : memref<1x256x128xf32, #tpu.memory_space<hbm>> -> memref<256x128xf32, #tpu.memory_space<hbm>>
    %dma_wait3A_1912 = arith.constant 32 : i32
    %dma_wait3A_1913 = arith.constant 0 : i32
    %dma_wait3A_1914 = tpu.memref_slice %arg4[%dma_wait3A_1912, %dma_wait3A_1913] : memref<376x128xf32, #tpu.memory_space<vmem>> -> memref<256x128xf32, #tpu.memory_space<vmem>>
    tpu.wait_dma2 semaphore(%arg7 : memref<!tpu.dma_semaphore, #tpu.memory_space<semaphore_mem>>) src(%dma_wait3A_1914 : memref<256x128xf32, #tpu.memory_space<vmem>>) dst(%dma_wait3A_1911 : memref<256x128xf32, #tpu.memory_space<hbm>>)
    %dma_wait3A_1915 = arith.constant 24 : i32
    %dma_wait3A_1916 = arith.constant 0 : i32
    %dma_wait3A_1917 = tpu.memref_slice %arg4[%dma_wait3A_1915, %dma_wait3A_1916] : memref<376x128xf32, #tpu.memory_space<vmem>> -> memref<256x128xf32, #tpu.memory_space<vmem>>
    %dma_wait3A_1918 = arith.constant 0 : i32
    %dma_wait3A_1919 = arith.constant 128 : i32
    %dma_wait3A_1920 = tpu.memref_slice %arg3[%add3A_1135, %dma_wait3A_1918, %dma_wait3A_1919] : memref<512x512x256xf32, #tpu.memory_space<hbm>> -> memref<1x256x128xf32, #tpu.memory_space<hbm>>
    %dma_wait3A_1921 = tpu.memref_squeeze %dma_wait3A_1920 : memref<1x256x128xf32, #tpu.memory_space<hbm>> -> memref<256x128xf32, #tpu.memory_space<hbm>>
    %dma_wait3A_1922 = arith.constant 0 : i32
    %dma_wait3A_1923 = arith.constant 128 : i32
    %dma_wait3A_1924 = tpu.memref_slice %arg3[%add3A_1135, %dma_wait3A_1922, %dma_wait3A_1923] : memref<512x512x256xf32, #tpu.memory_space<hbm>> -> memref<1x256x128xf32, #tpu.memory_space<hbm>>
    %dma_wait3A_1925 = tpu.memref_squeeze %dma_wait3A_1924 : memref<1x256x128xf32, #tpu.memory_space<hbm>> -> memref<256x128xf32, #tpu.memory_space<hbm>>
    %dma_wait3A_1926 = arith.constant 24 : i32
    %dma_wait3A_1927 = arith.constant 0 : i32
    %dma_wait3A_1928 = tpu.memref_slice %arg4[%dma_wait3A_1926, %dma_wait3A_1927] : memref<376x128xf32, #tpu.memory_space<vmem>> -> memref<256x128xf32, #tpu.memory_space<vmem>>
    tpu.wait_dma2 semaphore(%arg7 : memref<!tpu.dma_semaphore, #tpu.memory_space<semaphore_mem>>) src(%dma_wait3A_1928 : memref<256x128xf32, #tpu.memory_space<vmem>>) dst(%dma_wait3A_1925 : memref<256x128xf32, #tpu.memory_space<hbm>>)
    %dma_wait3A_1929 = arith.constant 16 : i32
    %dma_wait3A_1930 = arith.constant 0 : i32
    %dma_wait3A_1931 = tpu.memref_slice %arg4[%dma_wait3A_1929, %dma_wait3A_1930] : memref<376x128xf32, #tpu.memory_space<vmem>> -> memref<256x128xf32, #tpu.memory_space<vmem>>
    %dma_wait3A_1932 = arith.constant 0 : i32
    %dma_wait3A_1933 = arith.constant 128 : i32
    %dma_wait3A_1934 = tpu.memref_slice %arg3[%add3A_1154, %dma_wait3A_1932, %dma_wait3A_1933] : memref<512x512x256xf32, #tpu.memory_space<hbm>> -> memref<1x256x128xf32, #tpu.memory_space<hbm>>
    %dma_wait3A_1935 = tpu.memref_squeeze %dma_wait3A_1934 : memref<1x256x128xf32, #tpu.memory_space<hbm>> -> memref<256x128xf32, #tpu.memory_space<hbm>>
    %dma_wait3A_1936 = arith.constant 0 : i32
    %dma_wait3A_1937 = arith.constant 128 : i32
    %dma_wait3A_1938 = tpu.memref_slice %arg3[%add3A_1154, %dma_wait3A_1936, %dma_wait3A_1937] : memref<512x512x256xf32, #tpu.memory_space<hbm>> -> memref<1x256x128xf32, #tpu.memory_space<hbm>>
    %dma_wait3A_1939 = tpu.memref_squeeze %dma_wait3A_1938 : memref<1x256x128xf32, #tpu.memory_space<hbm>> -> memref<256x128xf32, #tpu.memory_space<hbm>>
    %dma_wait3A_1940 = arith.constant 16 : i32
    %dma_wait3A_1941 = arith.constant 0 : i32
    %dma_wait3A_1942 = tpu.memref_slice %arg4[%dma_wait3A_1940, %dma_wait3A_1941] : memref<376x128xf32, #tpu.memory_space<vmem>> -> memref<256x128xf32, #tpu.memory_space<vmem>>
    tpu.wait_dma2 semaphore(%arg7 : memref<!tpu.dma_semaphore, #tpu.memory_space<semaphore_mem>>) src(%dma_wait3A_1942 : memref<256x128xf32, #tpu.memory_space<vmem>>) dst(%dma_wait3A_1939 : memref<256x128xf32, #tpu.memory_space<hbm>>)
    %dma_wait3A_1943 = arith.constant 8 : i32
    %dma_wait3A_1944 = arith.constant 0 : i32
    %dma_wait3A_1945 = tpu.memref_slice %arg4[%dma_wait3A_1943, %dma_wait3A_1944] : memref<376x128xf32, #tpu.memory_space<vmem>> -> memref<256x128xf32, #tpu.memory_space<vmem>>
    %dma_wait3A_1946 = arith.constant 0 : i32
    %dma_wait3A_1947 = arith.constant 128 : i32
    %dma_wait3A_1948 = tpu.memref_slice %arg3[%add3A_1173, %dma_wait3A_1946, %dma_wait3A_1947] : memref<512x512x256xf32, #tpu.memory_space<hbm>> -> memref<1x256x128xf32, #tpu.memory_space<hbm>>
    %dma_wait3A_1949 = tpu.memref_squeeze %dma_wait3A_1948 : memref<1x256x128xf32, #tpu.memory_space<hbm>> -> memref<256x128xf32, #tpu.memory_space<hbm>>
    %dma_wait3A_1950 = arith.constant 0 : i32
    %dma_wait3A_1951 = arith.constant 128 : i32
    %dma_wait3A_1952 = tpu.memref_slice %arg3[%add3A_1173, %dma_wait3A_1950, %dma_wait3A_1951] : memref<512x512x256xf32, #tpu.memory_space<hbm>> -> memref<1x256x128xf32, #tpu.memory_space<hbm>>
    %dma_wait3A_1953 = tpu.memref_squeeze %dma_wait3A_1952 : memref<1x256x128xf32, #tpu.memory_space<hbm>> -> memref<256x128xf32, #tpu.memory_space<hbm>>
    %dma_wait3A_1954 = arith.constant 8 : i32
    %dma_wait3A_1955 = arith.constant 0 : i32
    %dma_wait3A_1956 = tpu.memref_slice %arg4[%dma_wait3A_1954, %dma_wait3A_1955] : memref<376x128xf32, #tpu.memory_space<vmem>> -> memref<256x128xf32, #tpu.memory_space<vmem>>
    tpu.wait_dma2 semaphore(%arg7 : memref<!tpu.dma_semaphore, #tpu.memory_space<semaphore_mem>>) src(%dma_wait3A_1956 : memref<256x128xf32, #tpu.memory_space<vmem>>) dst(%dma_wait3A_1953 : memref<256x128xf32, #tpu.memory_space<hbm>>)
    %dma_wait3A_1957 = arith.constant 0 : i32
    %dma_wait3A_1958 = arith.constant 0 : i32
    %dma_wait3A_1959 = tpu.memref_slice %arg4[%dma_wait3A_1957, %dma_wait3A_1958] : memref<376x128xf32, #tpu.memory_space<vmem>> -> memref<256x128xf32, #tpu.memory_space<vmem>>
    %dma_wait3A_1960 = arith.constant 0 : i32
    %dma_wait3A_1961 = arith.constant 128 : i32
    %dma_wait3A_1962 = tpu.memref_slice %arg3[%add3A_1192, %dma_wait3A_1960, %dma_wait3A_1961] : memref<512x512x256xf32, #tpu.memory_space<hbm>> -> memref<1x256x128xf32, #tpu.memory_space<hbm>>
    %dma_wait3A_1963 = tpu.memref_squeeze %dma_wait3A_1962 : memref<1x256x128xf32, #tpu.memory_space<hbm>> -> memref<256x128xf32, #tpu.memory_space<hbm>>
    %dma_wait3A_1964 = arith.constant 0 : i32
    %dma_wait3A_1965 = arith.constant 128 : i32
    %dma_wait3A_1966 = tpu.memref_slice %arg3[%add3A_1192, %dma_wait3A_1964, %dma_wait3A_1965] : memref<512x512x256xf32, #tpu.memory_space<hbm>> -> memref<1x256x128xf32, #tpu.memory_space<hbm>>
    %dma_wait3A_1967 = tpu.memref_squeeze %dma_wait3A_1966 : memref<1x256x128xf32, #tpu.memory_space<hbm>> -> memref<256x128xf32, #tpu.memory_space<hbm>>
    %dma_wait3A_1968 = arith.constant 0 : i32
    %dma_wait3A_1969 = arith.constant 0 : i32
    %dma_wait3A_1970 = tpu.memref_slice %arg4[%dma_wait3A_1968, %dma_wait3A_1969] : memref<376x128xf32, #tpu.memory_space<vmem>> -> memref<256x128xf32, #tpu.memory_space<vmem>>
    tpu.wait_dma2 semaphore(%arg7 : memref<!tpu.dma_semaphore, #tpu.memory_space<semaphore_mem>>) src(%dma_wait3A_1970 : memref<256x128xf32, #tpu.memory_space<vmem>>) dst(%dma_wait3A_1967 : memref<256x128xf32, #tpu.memory_space<hbm>>)
    %dma_wait3A_1971 = arith.constant 120 : i32
    %dma_wait3A_1972 = arith.constant 0 : i32
    %dma_wait3A_1973 = tpu.memref_slice %arg5[%dma_wait3A_1971, %dma_wait3A_1972] : memref<376x128xf32, #tpu.memory_space<vmem>> -> memref<256x128xf32, #tpu.memory_space<vmem>>
    %dma_wait3A_1974 = arith.constant 256 : i32
    %dma_wait3A_1975 = arith.constant 128 : i32
    %dma_wait3A_1976 = tpu.memref_slice %arg3[%add3A_1447, %dma_wait3A_1974, %dma_wait3A_1975] : memref<512x512x256xf32, #tpu.memory_space<hbm>> -> memref<1x256x128xf32, #tpu.memory_space<hbm>>
    %dma_wait3A_1977 = tpu.memref_squeeze %dma_wait3A_1976 : memref<1x256x128xf32, #tpu.memory_space<hbm>> -> memref<256x128xf32, #tpu.memory_space<hbm>>
    %dma_wait3A_1978 = arith.constant 256 : i32
    %dma_wait3A_1979 = arith.constant 128 : i32
    %dma_wait3A_1980 = tpu.memref_slice %arg3[%add3A_1447, %dma_wait3A_1978, %dma_wait3A_1979] : memref<512x512x256xf32, #tpu.memory_space<hbm>> -> memref<1x256x128xf32, #tpu.memory_space<hbm>>
    %dma_wait3A_1981 = tpu.memref_squeeze %dma_wait3A_1980 : memref<1x256x128xf32, #tpu.memory_space<hbm>> -> memref<256x128xf32, #tpu.memory_space<hbm>>
    %dma_wait3A_1982 = arith.constant 120 : i32
    %dma_wait3A_1983 = arith.constant 0 : i32
    %dma_wait3A_1984 = tpu.memref_slice %arg5[%dma_wait3A_1982, %dma_wait3A_1983] : memref<376x128xf32, #tpu.memory_space<vmem>> -> memref<256x128xf32, #tpu.memory_space<vmem>>
    tpu.wait_dma2 semaphore(%arg7 : memref<!tpu.dma_semaphore, #tpu.memory_space<semaphore_mem>>) src(%dma_wait3A_1984 : memref<256x128xf32, #tpu.memory_space<vmem>>) dst(%dma_wait3A_1981 : memref<256x128xf32, #tpu.memory_space<hbm>>)
    %dma_wait3A_1985 = arith.constant 112 : i32
    %dma_wait3A_1986 = arith.constant 0 : i32
    %dma_wait3A_1987 = tpu.memref_slice %arg5[%dma_wait3A_1985, %dma_wait3A_1986] : memref<376x128xf32, #tpu.memory_space<vmem>> -> memref<256x128xf32, #tpu.memory_space<vmem>>
    %dma_wait3A_1988 = arith.constant 256 : i32
    %dma_wait3A_1989 = arith.constant 128 : i32
    %dma_wait3A_1990 = tpu.memref_slice %arg3[%add3A_1466, %dma_wait3A_1988, %dma_wait3A_1989] : memref<512x512x256xf32, #tpu.memory_space<hbm>> -> memref<1x256x128xf32, #tpu.memory_space<hbm>>
    %dma_wait3A_1991 = tpu.memref_squeeze %dma_wait3A_1990 : memref<1x256x128xf32, #tpu.memory_space<hbm>> -> memref<256x128xf32, #tpu.memory_space<hbm>>
    %dma_wait3A_1992 = arith.constant 256 : i32
    %dma_wait3A_1993 = arith.constant 128 : i32
    %dma_wait3A_1994 = tpu.memref_slice %arg3[%add3A_1466, %dma_wait3A_1992, %dma_wait3A_1993] : memref<512x512x256xf32, #tpu.memory_space<hbm>> -> memref<1x256x128xf32, #tpu.memory_space<hbm>>
    %dma_wait3A_1995 = tpu.memref_squeeze %dma_wait3A_1994 : memref<1x256x128xf32, #tpu.memory_space<hbm>> -> memref<256x128xf32, #tpu.memory_space<hbm>>
    %dma_wait3A_1996 = arith.constant 112 : i32
    %dma_wait3A_1997 = arith.constant 0 : i32
    %dma_wait3A_1998 = tpu.memref_slice %arg5[%dma_wait3A_1996, %dma_wait3A_1997] : memref<376x128xf32, #tpu.memory_space<vmem>> -> memref<256x128xf32, #tpu.memory_space<vmem>>
    tpu.wait_dma2 semaphore(%arg7 : memref<!tpu.dma_semaphore, #tpu.memory_space<semaphore_mem>>) src(%dma_wait3A_1998 : memref<256x128xf32, #tpu.memory_space<vmem>>) dst(%dma_wait3A_1995 : memref<256x128xf32, #tpu.memory_space<hbm>>)
    %dma_wait3A_1999 = arith.constant 104 : i32
    %dma_wait3A_2000 = arith.constant 0 : i32
    %dma_wait3A_2001 = tpu.memref_slice %arg5[%dma_wait3A_1999, %dma_wait3A_2000] : memref<376x128xf32, #tpu.memory_space<vmem>> -> memref<256x128xf32, #tpu.memory_space<vmem>>
    %dma_wait3A_2002 = arith.constant 256 : i32
    %dma_wait3A_2003 = arith.constant 128 : i32
    %dma_wait3A_2004 = tpu.memref_slice %arg3[%add3A_1485, %dma_wait3A_2002, %dma_wait3A_2003] : memref<512x512x256xf32, #tpu.memory_space<hbm>> -> memref<1x256x128xf32, #tpu.memory_space<hbm>>
    %dma_wait3A_2005 = tpu.memref_squeeze %dma_wait3A_2004 : memref<1x256x128xf32, #tpu.memory_space<hbm>> -> memref<256x128xf32, #tpu.memory_space<hbm>>
    %dma_wait3A_2006 = arith.constant 256 : i32
    %dma_wait3A_2007 = arith.constant 128 : i32
    %dma_wait3A_2008 = tpu.memref_slice %arg3[%add3A_1485, %dma_wait3A_2006, %dma_wait3A_2007] : memref<512x512x256xf32, #tpu.memory_space<hbm>> -> memref<1x256x128xf32, #tpu.memory_space<hbm>>
    %dma_wait3A_2009 = tpu.memref_squeeze %dma_wait3A_2008 : memref<1x256x128xf32, #tpu.memory_space<hbm>> -> memref<256x128xf32, #tpu.memory_space<hbm>>
    %dma_wait3A_2010 = arith.constant 104 : i32
    %dma_wait3A_2011 = arith.constant 0 : i32
    %dma_wait3A_2012 = tpu.memref_slice %arg5[%dma_wait3A_2010, %dma_wait3A_2011] : memref<376x128xf32, #tpu.memory_space<vmem>> -> memref<256x128xf32, #tpu.memory_space<vmem>>
    tpu.wait_dma2 semaphore(%arg7 : memref<!tpu.dma_semaphore, #tpu.memory_space<semaphore_mem>>) src(%dma_wait3A_2012 : memref<256x128xf32, #tpu.memory_space<vmem>>) dst(%dma_wait3A_2009 : memref<256x128xf32, #tpu.memory_space<hbm>>)
    %dma_wait3A_2013 = arith.constant 96 : i32
    %dma_wait3A_2014 = arith.constant 0 : i32
    %dma_wait3A_2015 = tpu.memref_slice %arg5[%dma_wait3A_2013, %dma_wait3A_2014] : memref<376x128xf32, #tpu.memory_space<vmem>> -> memref<256x128xf32, #tpu.memory_space<vmem>>
    %dma_wait3A_2016 = arith.constant 256 : i32
    %dma_wait3A_2017 = arith.constant 128 : i32
    %dma_wait3A_2018 = tpu.memref_slice %arg3[%add3A_1504, %dma_wait3A_2016, %dma_wait3A_2017] : memref<512x512x256xf32, #tpu.memory_space<hbm>> -> memref<1x256x128xf32, #tpu.memory_space<hbm>>
    %dma_wait3A_2019 = tpu.memref_squeeze %dma_wait3A_2018 : memref<1x256x128xf32, #tpu.memory_space<hbm>> -> memref<256x128xf32, #tpu.memory_space<hbm>>
    %dma_wait3A_2020 = arith.constant 256 : i32
    %dma_wait3A_2021 = arith.constant 128 : i32
    %dma_wait3A_2022 = tpu.memref_slice %arg3[%add3A_1504, %dma_wait3A_2020, %dma_wait3A_2021] : memref<512x512x256xf32, #tpu.memory_space<hbm>> -> memref<1x256x128xf32, #tpu.memory_space<hbm>>
    %dma_wait3A_2023 = tpu.memref_squeeze %dma_wait3A_2022 : memref<1x256x128xf32, #tpu.memory_space<hbm>> -> memref<256x128xf32, #tpu.memory_space<hbm>>
    %dma_wait3A_2024 = arith.constant 96 : i32
    %dma_wait3A_2025 = arith.constant 0 : i32
    %dma_wait3A_2026 = tpu.memref_slice %arg5[%dma_wait3A_2024, %dma_wait3A_2025] : memref<376x128xf32, #tpu.memory_space<vmem>> -> memref<256x128xf32, #tpu.memory_space<vmem>>
    tpu.wait_dma2 semaphore(%arg7 : memref<!tpu.dma_semaphore, #tpu.memory_space<semaphore_mem>>) src(%dma_wait3A_2026 : memref<256x128xf32, #tpu.memory_space<vmem>>) dst(%dma_wait3A_2023 : memref<256x128xf32, #tpu.memory_space<hbm>>)
    %dma_wait3A_2027 = arith.constant 88 : i32
    %dma_wait3A_2028 = arith.constant 0 : i32
    %dma_wait3A_2029 = tpu.memref_slice %arg5[%dma_wait3A_2027, %dma_wait3A_2028] : memref<376x128xf32, #tpu.memory_space<vmem>> -> memref<256x128xf32, #tpu.memory_space<vmem>>
    %dma_wait3A_2030 = arith.constant 256 : i32
    %dma_wait3A_2031 = arith.constant 128 : i32
    %dma_wait3A_2032 = tpu.memref_slice %arg3[%add3A_1523, %dma_wait3A_2030, %dma_wait3A_2031] : memref<512x512x256xf32, #tpu.memory_space<hbm>> -> memref<1x256x128xf32, #tpu.memory_space<hbm>>
    %dma_wait3A_2033 = tpu.memref_squeeze %dma_wait3A_2032 : memref<1x256x128xf32, #tpu.memory_space<hbm>> -> memref<256x128xf32, #tpu.memory_space<hbm>>
    %dma_wait3A_2034 = arith.constant 256 : i32
    %dma_wait3A_2035 = arith.constant 128 : i32
    %dma_wait3A_2036 = tpu.memref_slice %arg3[%add3A_1523, %dma_wait3A_2034, %dma_wait3A_2035] : memref<512x512x256xf32, #tpu.memory_space<hbm>> -> memref<1x256x128xf32, #tpu.memory_space<hbm>>
    %dma_wait3A_2037 = tpu.memref_squeeze %dma_wait3A_2036 : memref<1x256x128xf32, #tpu.memory_space<hbm>> -> memref<256x128xf32, #tpu.memory_space<hbm>>
    %dma_wait3A_2038 = arith.constant 88 : i32
    %dma_wait3A_2039 = arith.constant 0 : i32
    %dma_wait3A_2040 = tpu.memref_slice %arg5[%dma_wait3A_2038, %dma_wait3A_2039] : memref<376x128xf32, #tpu.memory_space<vmem>> -> memref<256x128xf32, #tpu.memory_space<vmem>>
    tpu.wait_dma2 semaphore(%arg7 : memref<!tpu.dma_semaphore, #tpu.memory_space<semaphore_mem>>) src(%dma_wait3A_2040 : memref<256x128xf32, #tpu.memory_space<vmem>>) dst(%dma_wait3A_2037 : memref<256x128xf32, #tpu.memory_space<hbm>>)
    %dma_wait3A_2041 = arith.constant 80 : i32
    %dma_wait3A_2042 = arith.constant 0 : i32
    %dma_wait3A_2043 = tpu.memref_slice %arg5[%dma_wait3A_2041, %dma_wait3A_2042] : memref<376x128xf32, #tpu.memory_space<vmem>> -> memref<256x128xf32, #tpu.memory_space<vmem>>
    %dma_wait3A_2044 = arith.constant 256 : i32
    %dma_wait3A_2045 = arith.constant 128 : i32
    %dma_wait3A_2046 = tpu.memref_slice %arg3[%add3A_1542, %dma_wait3A_2044, %dma_wait3A_2045] : memref<512x512x256xf32, #tpu.memory_space<hbm>> -> memref<1x256x128xf32, #tpu.memory_space<hbm>>
    %dma_wait3A_2047 = tpu.memref_squeeze %dma_wait3A_2046 : memref<1x256x128xf32, #tpu.memory_space<hbm>> -> memref<256x128xf32, #tpu.memory_space<hbm>>
    %dma_wait3A_2048 = arith.constant 256 : i32
    %dma_wait3A_2049 = arith.constant 128 : i32
    %dma_wait3A_2050 = tpu.memref_slice %arg3[%add3A_1542, %dma_wait3A_2048, %dma_wait3A_2049] : memref<512x512x256xf32, #tpu.memory_space<hbm>> -> memref<1x256x128xf32, #tpu.memory_space<hbm>>
    %dma_wait3A_2051 = tpu.memref_squeeze %dma_wait3A_2050 : memref<1x256x128xf32, #tpu.memory_space<hbm>> -> memref<256x128xf32, #tpu.memory_space<hbm>>
    %dma_wait3A_2052 = arith.constant 80 : i32
    %dma_wait3A_2053 = arith.constant 0 : i32
    %dma_wait3A_2054 = tpu.memref_slice %arg5[%dma_wait3A_2052, %dma_wait3A_2053] : memref<376x128xf32, #tpu.memory_space<vmem>> -> memref<256x128xf32, #tpu.memory_space<vmem>>
    tpu.wait_dma2 semaphore(%arg7 : memref<!tpu.dma_semaphore, #tpu.memory_space<semaphore_mem>>) src(%dma_wait3A_2054 : memref<256x128xf32, #tpu.memory_space<vmem>>) dst(%dma_wait3A_2051 : memref<256x128xf32, #tpu.memory_space<hbm>>)
    %dma_wait3A_2055 = arith.constant 72 : i32
    %dma_wait3A_2056 = arith.constant 0 : i32
    %dma_wait3A_2057 = tpu.memref_slice %arg5[%dma_wait3A_2055, %dma_wait3A_2056] : memref<376x128xf32, #tpu.memory_space<vmem>> -> memref<256x128xf32, #tpu.memory_space<vmem>>
    %dma_wait3A_2058 = arith.constant 256 : i32
    %dma_wait3A_2059 = arith.constant 128 : i32
    %dma_wait3A_2060 = tpu.memref_slice %arg3[%add3A_1561, %dma_wait3A_2058, %dma_wait3A_2059] : memref<512x512x256xf32, #tpu.memory_space<hbm>> -> memref<1x256x128xf32, #tpu.memory_space<hbm>>
    %dma_wait3A_2061 = tpu.memref_squeeze %dma_wait3A_2060 : memref<1x256x128xf32, #tpu.memory_space<hbm>> -> memref<256x128xf32, #tpu.memory_space<hbm>>
    %dma_wait3A_2062 = arith.constant 256 : i32
    %dma_wait3A_2063 = arith.constant 128 : i32
    %dma_wait3A_2064 = tpu.memref_slice %arg3[%add3A_1561, %dma_wait3A_2062, %dma_wait3A_2063] : memref<512x512x256xf32, #tpu.memory_space<hbm>> -> memref<1x256x128xf32, #tpu.memory_space<hbm>>
    %dma_wait3A_2065 = tpu.memref_squeeze %dma_wait3A_2064 : memref<1x256x128xf32, #tpu.memory_space<hbm>> -> memref<256x128xf32, #tpu.memory_space<hbm>>
    %dma_wait3A_2066 = arith.constant 72 : i32
    %dma_wait3A_2067 = arith.constant 0 : i32
    %dma_wait3A_2068 = tpu.memref_slice %arg5[%dma_wait3A_2066, %dma_wait3A_2067] : memref<376x128xf32, #tpu.memory_space<vmem>> -> memref<256x128xf32, #tpu.memory_space<vmem>>
    tpu.wait_dma2 semaphore(%arg7 : memref<!tpu.dma_semaphore, #tpu.memory_space<semaphore_mem>>) src(%dma_wait3A_2068 : memref<256x128xf32, #tpu.memory_space<vmem>>) dst(%dma_wait3A_2065 : memref<256x128xf32, #tpu.memory_space<hbm>>)
    %dma_wait3A_2069 = arith.constant 64 : i32
    %dma_wait3A_2070 = arith.constant 0 : i32
    %dma_wait3A_2071 = tpu.memref_slice %arg5[%dma_wait3A_2069, %dma_wait3A_2070] : memref<376x128xf32, #tpu.memory_space<vmem>> -> memref<256x128xf32, #tpu.memory_space<vmem>>
    %dma_wait3A_2072 = arith.constant 256 : i32
    %dma_wait3A_2073 = arith.constant 128 : i32
    %dma_wait3A_2074 = tpu.memref_slice %arg3[%add3A_1580, %dma_wait3A_2072, %dma_wait3A_2073] : memref<512x512x256xf32, #tpu.memory_space<hbm>> -> memref<1x256x128xf32, #tpu.memory_space<hbm>>
    %dma_wait3A_2075 = tpu.memref_squeeze %dma_wait3A_2074 : memref<1x256x128xf32, #tpu.memory_space<hbm>> -> memref<256x128xf32, #tpu.memory_space<hbm>>
    %dma_wait3A_2076 = arith.constant 256 : i32
    %dma_wait3A_2077 = arith.constant 128 : i32
    %dma_wait3A_2078 = tpu.memref_slice %arg3[%add3A_1580, %dma_wait3A_2076, %dma_wait3A_2077] : memref<512x512x256xf32, #tpu.memory_space<hbm>> -> memref<1x256x128xf32, #tpu.memory_space<hbm>>
    %dma_wait3A_2079 = tpu.memref_squeeze %dma_wait3A_2078 : memref<1x256x128xf32, #tpu.memory_space<hbm>> -> memref<256x128xf32, #tpu.memory_space<hbm>>
    %dma_wait3A_2080 = arith.constant 64 : i32
    %dma_wait3A_2081 = arith.constant 0 : i32
    %dma_wait3A_2082 = tpu.memref_slice %arg5[%dma_wait3A_2080, %dma_wait3A_2081] : memref<376x128xf32, #tpu.memory_space<vmem>> -> memref<256x128xf32, #tpu.memory_space<vmem>>
    tpu.wait_dma2 semaphore(%arg7 : memref<!tpu.dma_semaphore, #tpu.memory_space<semaphore_mem>>) src(%dma_wait3A_2082 : memref<256x128xf32, #tpu.memory_space<vmem>>) dst(%dma_wait3A_2079 : memref<256x128xf32, #tpu.memory_space<hbm>>)
    %dma_wait3A_2083 = arith.constant 56 : i32
    %dma_wait3A_2084 = arith.constant 0 : i32
    %dma_wait3A_2085 = tpu.memref_slice %arg5[%dma_wait3A_2083, %dma_wait3A_2084] : memref<376x128xf32, #tpu.memory_space<vmem>> -> memref<256x128xf32, #tpu.memory_space<vmem>>
    %dma_wait3A_2086 = arith.constant 256 : i32
    %dma_wait3A_2087 = arith.constant 128 : i32
    %dma_wait3A_2088 = tpu.memref_slice %arg3[%add3A_1599, %dma_wait3A_2086, %dma_wait3A_2087] : memref<512x512x256xf32, #tpu.memory_space<hbm>> -> memref<1x256x128xf32, #tpu.memory_space<hbm>>
    %dma_wait3A_2089 = tpu.memref_squeeze %dma_wait3A_2088 : memref<1x256x128xf32, #tpu.memory_space<hbm>> -> memref<256x128xf32, #tpu.memory_space<hbm>>
    %dma_wait3A_2090 = arith.constant 256 : i32
    %dma_wait3A_2091 = arith.constant 128 : i32
    %dma_wait3A_2092 = tpu.memref_slice %arg3[%add3A_1599, %dma_wait3A_2090, %dma_wait3A_2091] : memref<512x512x256xf32, #tpu.memory_space<hbm>> -> memref<1x256x128xf32, #tpu.memory_space<hbm>>
    %dma_wait3A_2093 = tpu.memref_squeeze %dma_wait3A_2092 : memref<1x256x128xf32, #tpu.memory_space<hbm>> -> memref<256x128xf32, #tpu.memory_space<hbm>>
    %dma_wait3A_2094 = arith.constant 56 : i32
    %dma_wait3A_2095 = arith.constant 0 : i32
    %dma_wait3A_2096 = tpu.memref_slice %arg5[%dma_wait3A_2094, %dma_wait3A_2095] : memref<376x128xf32, #tpu.memory_space<vmem>> -> memref<256x128xf32, #tpu.memory_space<vmem>>
    tpu.wait_dma2 semaphore(%arg7 : memref<!tpu.dma_semaphore, #tpu.memory_space<semaphore_mem>>) src(%dma_wait3A_2096 : memref<256x128xf32, #tpu.memory_space<vmem>>) dst(%dma_wait3A_2093 : memref<256x128xf32, #tpu.memory_space<hbm>>)
    %dma_wait3A_2097 = arith.constant 48 : i32
    %dma_wait3A_2098 = arith.constant 0 : i32
    %dma_wait3A_2099 = tpu.memref_slice %arg5[%dma_wait3A_2097, %dma_wait3A_2098] : memref<376x128xf32, #tpu.memory_space<vmem>> -> memref<256x128xf32, #tpu.memory_space<vmem>>
    %dma_wait3A_2100 = arith.constant 256 : i32
    %dma_wait3A_2101 = arith.constant 128 : i32
    %dma_wait3A_2102 = tpu.memref_slice %arg3[%add3A_1618, %dma_wait3A_2100, %dma_wait3A_2101] : memref<512x512x256xf32, #tpu.memory_space<hbm>> -> memref<1x256x128xf32, #tpu.memory_space<hbm>>
    %dma_wait3A_2103 = tpu.memref_squeeze %dma_wait3A_2102 : memref<1x256x128xf32, #tpu.memory_space<hbm>> -> memref<256x128xf32, #tpu.memory_space<hbm>>
    %dma_wait3A_2104 = arith.constant 256 : i32
    %dma_wait3A_2105 = arith.constant 128 : i32
    %dma_wait3A_2106 = tpu.memref_slice %arg3[%add3A_1618, %dma_wait3A_2104, %dma_wait3A_2105] : memref<512x512x256xf32, #tpu.memory_space<hbm>> -> memref<1x256x128xf32, #tpu.memory_space<hbm>>
    %dma_wait3A_2107 = tpu.memref_squeeze %dma_wait3A_2106 : memref<1x256x128xf32, #tpu.memory_space<hbm>> -> memref<256x128xf32, #tpu.memory_space<hbm>>
    %dma_wait3A_2108 = arith.constant 48 : i32
    %dma_wait3A_2109 = arith.constant 0 : i32
    %dma_wait3A_2110 = tpu.memref_slice %arg5[%dma_wait3A_2108, %dma_wait3A_2109] : memref<376x128xf32, #tpu.memory_space<vmem>> -> memref<256x128xf32, #tpu.memory_space<vmem>>
    tpu.wait_dma2 semaphore(%arg7 : memref<!tpu.dma_semaphore, #tpu.memory_space<semaphore_mem>>) src(%dma_wait3A_2110 : memref<256x128xf32, #tpu.memory_space<vmem>>) dst(%dma_wait3A_2107 : memref<256x128xf32, #tpu.memory_space<hbm>>)
    %dma_wait3A_2111 = arith.constant 40 : i32
    %dma_wait3A_2112 = arith.constant 0 : i32
    %dma_wait3A_2113 = tpu.memref_slice %arg5[%dma_wait3A_2111, %dma_wait3A_2112] : memref<376x128xf32, #tpu.memory_space<vmem>> -> memref<256x128xf32, #tpu.memory_space<vmem>>
    %dma_wait3A_2114 = arith.constant 256 : i32
    %dma_wait3A_2115 = arith.constant 128 : i32
    %dma_wait3A_2116 = tpu.memref_slice %arg3[%add3A_1637, %dma_wait3A_2114, %dma_wait3A_2115] : memref<512x512x256xf32, #tpu.memory_space<hbm>> -> memref<1x256x128xf32, #tpu.memory_space<hbm>>
    %dma_wait3A_2117 = tpu.memref_squeeze %dma_wait3A_2116 : memref<1x256x128xf32, #tpu.memory_space<hbm>> -> memref<256x128xf32, #tpu.memory_space<hbm>>
    %dma_wait3A_2118 = arith.constant 256 : i32
    %dma_wait3A_2119 = arith.constant 128 : i32
    %dma_wait3A_2120 = tpu.memref_slice %arg3[%add3A_1637, %dma_wait3A_2118, %dma_wait3A_2119] : memref<512x512x256xf32, #tpu.memory_space<hbm>> -> memref<1x256x128xf32, #tpu.memory_space<hbm>>
    %dma_wait3A_2121 = tpu.memref_squeeze %dma_wait3A_2120 : memref<1x256x128xf32, #tpu.memory_space<hbm>> -> memref<256x128xf32, #tpu.memory_space<hbm>>
    %dma_wait3A_2122 = arith.constant 40 : i32
    %dma_wait3A_2123 = arith.constant 0 : i32
    %dma_wait3A_2124 = tpu.memref_slice %arg5[%dma_wait3A_2122, %dma_wait3A_2123] : memref<376x128xf32, #tpu.memory_space<vmem>> -> memref<256x128xf32, #tpu.memory_space<vmem>>
    tpu.wait_dma2 semaphore(%arg7 : memref<!tpu.dma_semaphore, #tpu.memory_space<semaphore_mem>>) src(%dma_wait3A_2124 : memref<256x128xf32, #tpu.memory_space<vmem>>) dst(%dma_wait3A_2121 : memref<256x128xf32, #tpu.memory_space<hbm>>)
    %dma_wait3A_2125 = arith.constant 32 : i32
    %dma_wait3A_2126 = arith.constant 0 : i32
    %dma_wait3A_2127 = tpu.memref_slice %arg5[%dma_wait3A_2125, %dma_wait3A_2126] : memref<376x128xf32, #tpu.memory_space<vmem>> -> memref<256x128xf32, #tpu.memory_space<vmem>>
    %dma_wait3A_2128 = arith.constant 256 : i32
    %dma_wait3A_2129 = arith.constant 128 : i32
    %dma_wait3A_2130 = tpu.memref_slice %arg3[%add3A_1656, %dma_wait3A_2128, %dma_wait3A_2129] : memref<512x512x256xf32, #tpu.memory_space<hbm>> -> memref<1x256x128xf32, #tpu.memory_space<hbm>>
    %dma_wait3A_2131 = tpu.memref_squeeze %dma_wait3A_2130 : memref<1x256x128xf32, #tpu.memory_space<hbm>> -> memref<256x128xf32, #tpu.memory_space<hbm>>
    %dma_wait3A_2132 = arith.constant 256 : i32
    %dma_wait3A_2133 = arith.constant 128 : i32
    %dma_wait3A_2134 = tpu.memref_slice %arg3[%add3A_1656, %dma_wait3A_2132, %dma_wait3A_2133] : memref<512x512x256xf32, #tpu.memory_space<hbm>> -> memref<1x256x128xf32, #tpu.memory_space<hbm>>
    %dma_wait3A_2135 = tpu.memref_squeeze %dma_wait3A_2134 : memref<1x256x128xf32, #tpu.memory_space<hbm>> -> memref<256x128xf32, #tpu.memory_space<hbm>>
    %dma_wait3A_2136 = arith.constant 32 : i32
    %dma_wait3A_2137 = arith.constant 0 : i32
    %dma_wait3A_2138 = tpu.memref_slice %arg5[%dma_wait3A_2136, %dma_wait3A_2137] : memref<376x128xf32, #tpu.memory_space<vmem>> -> memref<256x128xf32, #tpu.memory_space<vmem>>
    tpu.wait_dma2 semaphore(%arg7 : memref<!tpu.dma_semaphore, #tpu.memory_space<semaphore_mem>>) src(%dma_wait3A_2138 : memref<256x128xf32, #tpu.memory_space<vmem>>) dst(%dma_wait3A_2135 : memref<256x128xf32, #tpu.memory_space<hbm>>)
    %dma_wait3A_2139 = arith.constant 24 : i32
    %dma_wait3A_2140 = arith.constant 0 : i32
    %dma_wait3A_2141 = tpu.memref_slice %arg5[%dma_wait3A_2139, %dma_wait3A_2140] : memref<376x128xf32, #tpu.memory_space<vmem>> -> memref<256x128xf32, #tpu.memory_space<vmem>>
    %dma_wait3A_2142 = arith.constant 256 : i32
    %dma_wait3A_2143 = arith.constant 128 : i32
    %dma_wait3A_2144 = tpu.memref_slice %arg3[%add3A_1675, %dma_wait3A_2142, %dma_wait3A_2143] : memref<512x512x256xf32, #tpu.memory_space<hbm>> -> memref<1x256x128xf32, #tpu.memory_space<hbm>>
    %dma_wait3A_2145 = tpu.memref_squeeze %dma_wait3A_2144 : memref<1x256x128xf32, #tpu.memory_space<hbm>> -> memref<256x128xf32, #tpu.memory_space<hbm>>
    %dma_wait3A_2146 = arith.constant 256 : i32
    %dma_wait3A_2147 = arith.constant 128 : i32
    %dma_wait3A_2148 = tpu.memref_slice %arg3[%add3A_1675, %dma_wait3A_2146, %dma_wait3A_2147] : memref<512x512x256xf32, #tpu.memory_space<hbm>> -> memref<1x256x128xf32, #tpu.memory_space<hbm>>
    %dma_wait3A_2149 = tpu.memref_squeeze %dma_wait3A_2148 : memref<1x256x128xf32, #tpu.memory_space<hbm>> -> memref<256x128xf32, #tpu.memory_space<hbm>>
    %dma_wait3A_2150 = arith.constant 24 : i32
    %dma_wait3A_2151 = arith.constant 0 : i32
    %dma_wait3A_2152 = tpu.memref_slice %arg5[%dma_wait3A_2150, %dma_wait3A_2151] : memref<376x128xf32, #tpu.memory_space<vmem>> -> memref<256x128xf32, #tpu.memory_space<vmem>>
    tpu.wait_dma2 semaphore(%arg7 : memref<!tpu.dma_semaphore, #tpu.memory_space<semaphore_mem>>) src(%dma_wait3A_2152 : memref<256x128xf32, #tpu.memory_space<vmem>>) dst(%dma_wait3A_2149 : memref<256x128xf32, #tpu.memory_space<hbm>>)
    %dma_wait3A_2153 = arith.constant 16 : i32
    %dma_wait3A_2154 = arith.constant 0 : i32
    %dma_wait3A_2155 = tpu.memref_slice %arg5[%dma_wait3A_2153, %dma_wait3A_2154] : memref<376x128xf32, #tpu.memory_space<vmem>> -> memref<256x128xf32, #tpu.memory_space<vmem>>
    %dma_wait3A_2156 = arith.constant 256 : i32
    %dma_wait3A_2157 = arith.constant 128 : i32
    %dma_wait3A_2158 = tpu.memref_slice %arg3[%add3A_1694, %dma_wait3A_2156, %dma_wait3A_2157] : memref<512x512x256xf32, #tpu.memory_space<hbm>> -> memref<1x256x128xf32, #tpu.memory_space<hbm>>
    %dma_wait3A_2159 = tpu.memref_squeeze %dma_wait3A_2158 : memref<1x256x128xf32, #tpu.memory_space<hbm>> -> memref<256x128xf32, #tpu.memory_space<hbm>>
    %dma_wait3A_2160 = arith.constant 256 : i32
    %dma_wait3A_2161 = arith.constant 128 : i32
    %dma_wait3A_2162 = tpu.memref_slice %arg3[%add3A_1694, %dma_wait3A_2160, %dma_wait3A_2161] : memref<512x512x256xf32, #tpu.memory_space<hbm>> -> memref<1x256x128xf32, #tpu.memory_space<hbm>>
    %dma_wait3A_2163 = tpu.memref_squeeze %dma_wait3A_2162 : memref<1x256x128xf32, #tpu.memory_space<hbm>> -> memref<256x128xf32, #tpu.memory_space<hbm>>
    %dma_wait3A_2164 = arith.constant 16 : i32
    %dma_wait3A_2165 = arith.constant 0 : i32
    %dma_wait3A_2166 = tpu.memref_slice %arg5[%dma_wait3A_2164, %dma_wait3A_2165] : memref<376x128xf32, #tpu.memory_space<vmem>> -> memref<256x128xf32, #tpu.memory_space<vmem>>
    tpu.wait_dma2 semaphore(%arg7 : memref<!tpu.dma_semaphore, #tpu.memory_space<semaphore_mem>>) src(%dma_wait3A_2166 : memref<256x128xf32, #tpu.memory_space<vmem>>) dst(%dma_wait3A_2163 : memref<256x128xf32, #tpu.memory_space<hbm>>)
    %dma_wait3A_2167 = arith.constant 8 : i32
    %dma_wait3A_2168 = arith.constant 0 : i32
    %dma_wait3A_2169 = tpu.memref_slice %arg5[%dma_wait3A_2167, %dma_wait3A_2168] : memref<376x128xf32, #tpu.memory_space<vmem>> -> memref<256x128xf32, #tpu.memory_space<vmem>>
    %dma_wait3A_2170 = arith.constant 256 : i32
    %dma_wait3A_2171 = arith.constant 128 : i32
    %dma_wait3A_2172 = tpu.memref_slice %arg3[%add3A_1713, %dma_wait3A_2170, %dma_wait3A_2171] : memref<512x512x256xf32, #tpu.memory_space<hbm>> -> memref<1x256x128xf32, #tpu.memory_space<hbm>>
    %dma_wait3A_2173 = tpu.memref_squeeze %dma_wait3A_2172 : memref<1x256x128xf32, #tpu.memory_space<hbm>> -> memref<256x128xf32, #tpu.memory_space<hbm>>
    %dma_wait3A_2174 = arith.constant 256 : i32
    %dma_wait3A_2175 = arith.constant 128 : i32
    %dma_wait3A_2176 = tpu.memref_slice %arg3[%add3A_1713, %dma_wait3A_2174, %dma_wait3A_2175] : memref<512x512x256xf32, #tpu.memory_space<hbm>> -> memref<1x256x128xf32, #tpu.memory_space<hbm>>
    %dma_wait3A_2177 = tpu.memref_squeeze %dma_wait3A_2176 : memref<1x256x128xf32, #tpu.memory_space<hbm>> -> memref<256x128xf32, #tpu.memory_space<hbm>>
    %dma_wait3A_2178 = arith.constant 8 : i32
    %dma_wait3A_2179 = arith.constant 0 : i32
    %dma_wait3A_2180 = tpu.memref_slice %arg5[%dma_wait3A_2178, %dma_wait3A_2179] : memref<376x128xf32, #tpu.memory_space<vmem>> -> memref<256x128xf32, #tpu.memory_space<vmem>>
    tpu.wait_dma2 semaphore(%arg7 : memref<!tpu.dma_semaphore, #tpu.memory_space<semaphore_mem>>) src(%dma_wait3A_2180 : memref<256x128xf32, #tpu.memory_space<vmem>>) dst(%dma_wait3A_2177 : memref<256x128xf32, #tpu.memory_space<hbm>>)
    %dma_wait3A_2181 = arith.constant 0 : i32
    %dma_wait3A_2182 = arith.constant 0 : i32
    %dma_wait3A_2183 = tpu.memref_slice %arg5[%dma_wait3A_2181, %dma_wait3A_2182] : memref<376x128xf32, #tpu.memory_space<vmem>> -> memref<256x128xf32, #tpu.memory_space<vmem>>
    %dma_wait3A_2184 = arith.constant 256 : i32
    %dma_wait3A_2185 = arith.constant 128 : i32
    %dma_wait3A_2186 = tpu.memref_slice %arg3[%add3A_1732, %dma_wait3A_2184, %dma_wait3A_2185] : memref<512x512x256xf32, #tpu.memory_space<hbm>> -> memref<1x256x128xf32, #tpu.memory_space<hbm>>
    %dma_wait3A_2187 = tpu.memref_squeeze %dma_wait3A_2186 : memref<1x256x128xf32, #tpu.memory_space<hbm>> -> memref<256x128xf32, #tpu.memory_space<hbm>>
    %dma_wait3A_2188 = arith.constant 256 : i32
    %dma_wait3A_2189 = arith.constant 128 : i32
    %dma_wait3A_2190 = tpu.memref_slice %arg3[%add3A_1732, %dma_wait3A_2188, %dma_wait3A_2189] : memref<512x512x256xf32, #tpu.memory_space<hbm>> -> memref<1x256x128xf32, #tpu.memory_space<hbm>>
    %dma_wait3A_2191 = tpu.memref_squeeze %dma_wait3A_2190 : memref<1x256x128xf32, #tpu.memory_space<hbm>> -> memref<256x128xf32, #tpu.memory_space<hbm>>
    %dma_wait3A_2192 = arith.constant 0 : i32
    %dma_wait3A_2193 = arith.constant 0 : i32
    %dma_wait3A_2194 = tpu.memref_slice %arg5[%dma_wait3A_2192, %dma_wait3A_2193] : memref<376x128xf32, #tpu.memory_space<vmem>> -> memref<256x128xf32, #tpu.memory_space<vmem>>
    tpu.wait_dma2 semaphore(%arg7 : memref<!tpu.dma_semaphore, #tpu.memory_space<semaphore_mem>>) src(%dma_wait3A_2194 : memref<256x128xf32, #tpu.memory_space<vmem>>) dst(%dma_wait3A_2191 : memref<256x128xf32, #tpu.memory_space<hbm>>)
    return
  }
}

</mosaic_0001>

<sc_bundles>
// kernel: kernel.3.cloned.1.call-start
scs
__scs_entry_jumppad:
0x0: {  	(pc) =	sbr.rel $0x88, $3  }
0x1: {  	(tag) =	ssettag $0x0;
	lr =	simm.s32 $0x1  }
0x2: {  	[smem:$0x3FA0] =	sst lr;
	_ =	strace $0xD0000000  }
0x3: {  	_ = 	snop  }
0x4: {  	_ = 	snop  }
0x5: {  	_ = 	snop  }
0x6: {  	_ = 	snop  }
0x7: {  	_ = 	snop  }
__scs_overlays_trampoline_lowered:
0x8: {  	[smem:$0x3FAF] =	sst s0  }
0x9: {  	[smem:$0x3FB0] =	sst s1  }
0xa: {  	[smem:$0x3FB1] =	sst s2  }
0xb: {  	[smem:$0x3FB2] =	sst s3  }
0xc: {  	[smem:$0x3FB3] =	sst s4  }
0xd: {  	[smem:$0x3FB4] =	sst s5  }
0xe: {  	[smem:$0x3FB5] =	sst s6  }
0xf: {  	[smem:$0x3FB6] =	sst s7  }
0x10: {  	[smem:$0x3FB7] =	sst s8  }
0x11: {  	[smem:$0x3FB8] =	sst s9;
	s0 =	simm.s32 @!p0 $0x0  }
0x12: {  	s1 =	sld [smem:$0x3F9E];
	s0 =	simm.s32 @p0 $0x1  }
0x13: {  	[smem:$0x3FB9] =	sst s0;
	s0 =	simm.s32 @!p1 $0x0  }
0x14: {  	s2 =	sld [smem:$0x3F9D];
	s0 =	simm.s32 @p1 $0x1  }
0x15: {  	[smem:$0x3FBA] =	sst s0;
	s0 =	simm.s32 @!p2 $0x0  }
0x16: {  	s3 =	sld [smem:$0x3FDB];
	s0 =	simm.s32 @p2 $0x1  }
0x17: {  	s4 =	simm.s32 $0x1BF5;
	[smem:$0x3FBC] =	sst s0  }
0x18: {  	s0 =	sld [smem:$0x3F9F];
	_ =	swait.ge [sflag:s4], $0x0  }
0x19: {  	s7 =	sld [smem:$0x3FA0]  }
0x1a: {  	s8 =	sadd.s32 $0xFFFFE003, lr  }
0x1b: {  	s9 =	sadd.s32 $0xFFFFFEF7, lr;
	s5 =	simm.s32 $0xFFFFFFFF;
	p2 =	slt.u32 s8, $0xFFFFF086  }
0x1c: {  	p1 =	slt.u32 s9, $0xF7A;
	s5 =	simm.s32 @!p2 $0x0  }
0x1d: {  	s5 =	simm.s32 @p1 $0x1;
	p0 =	seq.s32 s7, s2  }
0x1e: {  	s7 =	smul.u32 @!p0 $0xF7A, s2;
	p2 =	seq.s32 @!p0 s5, $0x0  }
0x1f: {  	s9 =	smul.u32 $0xF7A, s1;
	s8 =	simm.s32 @!p0 $0x1BF5;
	p2 =	por !p2, p0  }
0x20: {  	[sflag:s8] =	ssyncset.s32 @!p0 $0xFFFFF086;
	s6 =	sadd.s32 @!p0 s3, s7;
	s7 =	simm.s32 @!p0 $0x108  }
0x21: {  	s3 =	sadd.s32 s3, s9;
	s6 =	sadd.s32 @!p0 $0x88, s6;
	s7 =	simm.s32 @p2 $0x1082  }
0x22: {  	[simem:s7], [sflag:s8] =	dma.local @!p0 [hbm:s6], $0xF7A  }
0x23: {  	s9 =	sor.u32 $0xD0000000, s2;
	s6 =	simm.s32 $0x108;
	_ =	swait.ge @!p0 [sflag:s8], $0x0  }
0x24: {  	s3 =	sadd.s32 $0x88, s3;
	s6 =	simm.s32 @!p1 $0x1082;
	[sflag:s4] =	ssyncset.s32 $0xFFFFF086  }
0x25: {  	[simem:s6], [sflag:s4] =	dma.local [hbm:s3], $0xF7A  }
0x26: {  	[smem:$0x3FA0] =	sst s1;
	(tag) =	ssettag s2;
	_ =	strace s9  }
0x27: {  	s1 =	sld [smem:$0x3FB0]  }
0x28: {  	s2 =	sld [smem:$0x3FB1]  }
0x29: {  	s4 =	sld [smem:$0x3FB3]  }
0x2a: {  	p0 =	seq.s32 s5, $0x0;
	s5 =	sld [smem:$0x3FB4]  }
0x2b: {  	s6 =	sld [smem:$0x3FB5]  }
0x2c: {  	s7 =	sld [smem:$0x3FB6]  }
0x2d: {  	s3 =	simm.s32 $0x108;
	s8 =	sld [smem:$0x3FB7]  }
0x2e: {  	s3 =	simm.s32 @!p0 $0x1082;
	s9 =	sld [smem:$0x3FB8]  }
0x2f: {  	lr =	sadd.s32 s0, s3;
	s0 =	sld [smem:$0x3FAF]  }
0x30: {  	s3 =	sld [smem:$0x3FB2]  }
0x31: {  	[smem:$0x3FBB] =	sst s10  }
0x32: {  	s10 =	sld [smem:$0x3FB9];
	_ =	sdelay $0x3  }
0x33: {  	p0 =	seq.s32 s10, $0x1;
	s10 =	sld [smem:$0x3FBB];
	_ =	sdelay $0x3  }
0x34: {  	[smem:$0x3FBB] =	sst s10  }
0x35: {  	s10 =	sld [smem:$0x3FBA];
	_ =	sdelay $0x3  }
0x36: {  	p1 =	seq.s32 s10, $0x1;
	s10 =	sld [smem:$0x3FBB];
	_ =	sdelay $0x3  }
0x37: {  	[smem:$0x3FBB] =	sst s10  }
0x38: {  	s10 =	sld [smem:$0x3FBC]  }
0x39: {  	_ = 	snop;
	(pc) =	sbr.ind lr, $3  }
0x3a: {  	_ = 	snop  }
0x3b: {  	_ = 	snop  }
0x3c: {  	p2 =	seq.s32 s10, $0x1;
	s10 =	sld [smem:$0x3FBB]  }
0x3d: {  	_ =	shalt  }
0x3e: {  	_ =	shalt  }
0x3f: {  	_ =	shalt  }
0x40: {  	_ =	shalt  }
0x41: {  	_ =	shalt  }
0x42: {  	_ =	shalt  }
0x43: {  	_ =	shalt  }
0x44: {  	_ =	shalt  }
0x45: {  	_ =	shalt  }
0x46: {  	_ =	shalt  }
0x47: {  	_ =	shalt  }
0x48: {  	_ =	shalt  }
0x49: {  	_ =	shalt  }
0x4a: {  	_ =	shalt  }
0x4b: {  	_ =	shalt  }
0x4c: {  	_ =	shalt  }
0x4d: {  	_ =	shalt  }
0x4e: {  	_ =	shalt  }
0x4f: {  	_ =	shalt  }
0x50: {  	_ =	shalt  }
0x51: {  	_ =	shalt  }
0x52: {  	_ =	shalt  }
0x53: {  	_ =	shalt  }
0x54: {  	_ =	shalt  }
0x55: {  	_ =	shalt  }
0x56: {  	_ =	shalt  }
0x57: {  	_ =	shalt  }
0x58: {  	_ =	shalt  }
0x59: {  	_ =	shalt  }
0x5a: {  	_ =	shalt  }
0x5b: {  	_ =	shalt  }
0x5c: {  	_ =	shalt  }
0x5d: {  	_ =	shalt  }
0x5e: {  	_ =	shalt  }
0x5f: {  	_ =	shalt  }
0x60: {  	_ =	shalt  }
0x61: {  	_ =	shalt  }
0x62: {  	_ =	shalt  }
0x63: {  	_ =	shalt  }
0x64: {  	_ =	shalt  }
0x65: {  	_ =	shalt  }
0x66: {  	_ =	shalt  }
0x67: {  	_ =	shalt  }
0x68: {  	_ =	shalt  }
0x69: {  	_ =	shalt  }
0x6a: {  	_ =	shalt  }
0x6b: {  	_ =	shalt  }
0x6c: {  	_ =	shalt  }
0x6d: {  	_ =	shalt  }
0x6e: {  	_ =	shalt  }
0x6f: {  	_ =	shalt  }
0x70: {  	_ =	shalt  }
0x71: {  	_ =	shalt  }
0x72: {  	_ =	shalt  }
0x73: {  	_ =	shalt  }
0x74: {  	_ =	shalt  }
0x75: {  	_ =	shalt  }
0x76: {  	_ =	shalt  }
0x77: {  	_ =	shalt  }
0x78: {  	_ =	shalt  }
0x79: {  	_ =	shalt  }
0x7a: {  	_ =	shalt  }
0x7b: {  	_ =	shalt  }
0x7c: {  	_ =	shalt  }
0x7d: {  	_ =	shalt  }
0x7e: {  	_ =	shalt  }
0x7f: {  	_ =	shalt  }
0x80: {  	_ =	shalt  }
0x81: {  	_ =	shalt  }
0x82: {  	_ =	shalt  }
0x83: {  	_ =	shalt  }
0x84: {  	_ =	shalt  }
0x85: {  	_ =	shalt  }
0x86: {  	_ =	shalt  }
0x87: {  	_ =	shalt  }
.Lfunc_end0:
.L_simem_size_0:
called_computation_lowered:
.L_overlay_start_0:
0x88: {  	s2 =	sld [smem:$0x3FD9]  }
0x89: {  	s3 =	sld [smem:$0x3FFE];
	_ =	sdelay $0x1  }
0x8a: {  	s1 =	srdreg.scid  }
0x8b: {  	s0 =	sand.u32 $0x1, s1  }
0x8c: {  	s17 =	sshll.u32 s0, $0xA;
	s2 =	sadd.s32 s3, s2  }
0x8d: {  	s2 =	sadd.s32 s2, s17  }
0x8e: {  	[smem:$0x3FC7] =	sst s2  }
0x8f: {  	_ = 	snop  }
0x90: {  	s2 =	sld [smem:$0x3FD0];
	(tm) =	ssettm $0x1  }
0x91: {  	s18 =	sld [smem:$0x3FFB];
	_ =	sdelay $0x3  }
0x92: {  	_ =	strace s18  }
0x93: {  	s3 =	sld [smem:$0x3FFC];
	_ =	sdelay $0x3  }
0x94: {  	_ =	strace s3  }
0x95: {  	s3 =	sld [smem:$0x3FFD];
	_ =	sdelay $0x3  }
0x96: {  	_ =	strace s3  }
0x97: {  	_ =	strace $0x8FFFFFFF  }
0x98: {  	s19 =	sld [smem:$0x3FDB];
	_ =	sdelay $0x1  }
0x99: {  	s4 =	simm.s32 $_scs_section_size  }
0x9a: {  	s5 =	simm.s32 $_size__tile_overlayer_lowered;
	s6 =	simm.s32 $_tile_overlayer_lowered  }
0x9b: {  	s22 =	simm.s32 $0x1BFF;
	s21 =	sshll.u32 s6, $0x1;
	s3 =	sadd.s32 s4, s19  }
0x9c: {  	s7 =	simm.s32 $0x0;
	s20 =	sshll.u32 s5, $0x1;
	s5 =	sadd.s32 s21, s3  }
0x9d: {  	[timem:s7], [sflag:s22] =	dma.local [hbm:s5], s20  }
0x9e: {  	_ =	swait.ge [sflag:s22], s20  }
0x9f: {  	s4 =	ssub.s32 $0x0, s20;
	[sflag:s22] =	ssyncset.done $0x0  }
0xa0: {  	[sflag:s22] =	ssyncadd.s32 s4;
	_ =	sdelay $0x1  }
0xa1: {  	s23 =	simm.s32 $0x1B8B  }
0xa2: {  	_ =	swait.ge [sflag:s23], $0x1  }
0xa3: {  	[sflag:s23] =	ssyncset.done $0x0  }
0xa4: {  	s25 =	simm.s32 $0x1B8E;
	s24 =	sld [smem:$0x3FFE];
	[sflag:s23] =	ssyncadd.s32 $0xFFFFFFFF  }
0xa5: {  	s26 =	simm.s32 $execute0_lowered;
	[smem:$0x3FD2] =	sst s25  }
0xa6: {  	s5 =	sshll.u32 s26, $0x1;
	_ =	strace $0x80000046;
	[dreg:$0x1] =	wrdreg $0xFFFFFFFF  }
0xa7: {  	s28 =	simm.s32 $_size_execute0_lowered;
	s3 =	sadd.s32 s3, s5;
	[dreg:$0x0] =	wrdreg $0x0  }
0xa8: {  	s5 =	sshll.u32 s28, $0x1;
	[dreg:$0x2] =	wrdreg s3  }
0xa9: {  	[dreg:$0x3] =	wrdreg s5  }
0xaa: {  	[dreg:$0x4] =	wrdreg $0xC0  }
0xab: {  	_ =	task [dreg:s7], $0x5FFFF  }
0xac: {  	[dreg:$0x1] =	wrdreg $0xFFFFFFFF  }
0xad: {  	[dreg:$0x0] =	wrdreg $0x60  }
0xae: {  	[dreg:$0x2] =	wrdreg s24  }
0xaf: {  	[dreg:$0x3] =	wrdreg s2  }
0xb0: {  	[dreg:$0x4] =	wrdreg $0x9  }
0xb1: {  	_ =	task.clear_ibuf [dreg:s7], $0x5FFFF;
	_ =	strace $0x90000046  }
0xb2: {  	s29 =	simm.s32 $0x9;
	_ =	strace $0x80000048  }
0xb3: {  	_ =	swait.ge [sflag:s29], $0x1  }
0xb4: {  	[sflag:s29] =	ssyncadd.s32 $0xFFFFFFFF  }
0xb5: {  	_ =	strace $0x90000048  }
0xb6: {  	_ =	sfence  }
0xb7: {  	s30 =	sld [smem:$0x0];
	_ =	sdelay $0x2  }
0xb8: {  	s31 =	sshll.u32 s1, $0xD;
	s1 =	sshrl.u32 s1, $0x2  }
0xb9: {  	s3 =	sand.u32 $0x4000, s31;
	s1 =	sadd.s32 s1, s30  }
0xba: {  	s0 =	sor.u32 s3, s0;
	s1 =	sshll.u32 s1, $0x11  }
0xbb: {  	s0 =	sor.u32 s1, s0  }
0xbc: {  	s0 =	sadd.s32 $0x8F2B, s0  }
0xbd: {  	[sflag:s0] =	ssyncadd.remote.s32 $0x1  }
0xbe: {  	_ =	sfence.sel $0xFFFF  }
0xbf: {  	[dreg:$0x0] =	wrdreg $0xFFFFFFFF;
	(pc) =	sbr.abs _section_cstart, $3  }
0xc0: {  	[dreg:$0x1] =	wrdreg $0xFFFFFFFF  }
0xc1: {  	_ =	task.clear_ibuf [dreg:s7], $0x2FFFF;
	_ =	strace $0x9FFFFFFF  }
0xc2: {  	(tm) =	ssettm $0x7FFFFFFF  }
0xc3: {  	_ =	shalt  }
tec
execute0_lowered:
.L_overlay_start_1:
0x0: {  	(tag) =	ssettag $0x1  }
0x1: {  	s3 =	stileid.u32  }
0x2: {  	s0 =	srdreg.scid;
	s1 =	sshll.u32 s3, $0x1  }
0x3: {  	s0 =	sand.u32 $0x1, s0;
	s1 =	sand.u32 $0x6, s1  }
0x4: {  	s6 =	sshrl.u32 s3, $0x2;
	s1 =	sor.u32 s0, s1  }
0x5: {  	s4 =	rddreg [dreg:$0x0];
	s7 =	sshll.u32 s6, $0xF;
	s2 =	sxor.u32 $0x7, s1  }
0x6: {  	s6 =	sshll.u32 s6, $0x15;
	s8 =	sshll.u32 s1, $0xE;
	s2 =	smul.u32 $0x3F800, s2  }
0x7: {  	s5 =	rddreg [dreg:$0x1];
	s6 =	sor.u32 s6, s8  }
0x8: {  	s18 =	simm.s32 $0x0;
	s3 =	ssub.s32 s2, s7;
	s2 =	sadd.s32 s5, s6  }
0x9: {  	[smem:$0x7FF] =	sst s18;
	s9 =	sadd.s32 $0x20000, s2  }
0xa: {  	_ =	strace $0x80000047;
	s10 =	sadd.s32 $0x40000, s2;
	[dreg:$0x4] =	wrdreg s9  }
0xb: {  	s11 =	sadd.s32 $0x60000, s2;
	[dreg:$0x5] =	wrdreg s10  }
0xc: {  	s12 =	sadd.s32 $0x80000, s2;
	[dreg:$0x6] =	wrdreg s11  }
0xd: {  	s13 =	sadd.s32 $0xA0000, s2;
	[dreg:$0x7] =	wrdreg s12  }
0xe: {  	s14 =	sadd.s32 $0xC0000, s2;
	[dreg:$0x8] =	wrdreg s13  }
0xf: {  	s15 =	sadd.s32 $0xE0000, s2;
	[dreg:$0x9] =	wrdreg s14  }
0x10: {  	s16 =	sadd.s32 $0x100000, s2;
	[dreg:$0xa] =	wrdreg s15  }
0x11: {  	s17 =	sadd.s32 $0x120000, s2;
	[dreg:$0xb] =	wrdreg s16  }
0x12: {  	s19 =	sadd.s32 $0x140000, s2;
	[dreg:$0xc] =	wrdreg s17  }
0x13: {  	s20 =	sadd.s32 $0x160000, s2;
	[dreg:$0xd] =	wrdreg s19  }
0x14: {  	s21 =	sadd.s32 $0x180000, s2;
	[dreg:$0xe] =	wrdreg s20  }
0x15: {  	s22 =	sadd.s32 $0x1A0000, s2;
	[dreg:$0xf] =	wrdreg s21  }
0x16: {  	s23 =	sadd.s32 $0x1C0000, s2;
	[dreg:$0x10] =	wrdreg s22  }
0x17: {  	s25 =	sadd.s32 $0x1E0000, s2;
	[dreg:$0x11] =	wrdreg s23  }
0x18: {  	s28 =	sadd.s32 $0x2000, s2;
	[dreg:$0x12] =	wrdreg s25  }
0x19: {  	s30 =	sadd.s32 $0x22000, s2;
	[dreg:$0x14] =	wrdreg s28  }
0x1a: {  	s31 =	sadd.s32 $0x42000, s2;
	[dreg:$0x15] =	wrdreg s30  }
0x1b: {  	s6 =	sadd.s32 $0x82000, s2;
	[dreg:$0x16] =	wrdreg s31  }
0x1c: {  	s8 =	sadd.s32 $0xC2000, s2;
	[dreg:$0x18] =	wrdreg s6  }
0x1d: {  	[dreg:$0x1a] =	wrdreg s8;
	s9 =	sadd.s32 $0xE2000, s2  }
0x1e: {  	s10 =	sadd.s32 $0x102000, s2;
	[dreg:$0x1b] =	wrdreg s9  }
0x1f: {  	s11 =	sadd.s32 $0x122000, s2;
	[dreg:$0x1c] =	wrdreg s10  }
0x20: {  	s12 =	sadd.s32 $0x142000, s2;
	[dreg:$0x1d] =	wrdreg s11  }
0x21: {  	s13 =	sadd.s32 $0x162000, s2;
	[dreg:$0x1e] =	wrdreg s12  }
0x22: {  	s14 =	sadd.s32 $0x182000, s2;
	[dreg:$0x1f] =	wrdreg s13  }
0x23: {  	s15 =	sadd.s32 $0x1A2000, s2;
	[smem:$0x7D8] =	sst s14  }
0x24: {  	s16 =	sadd.s32 $0x1C2000, s2;
	[smem:$0x7D9] =	sst s15  }
0x25: {  	s19 =	sadd.s32 $0x1E2000, s2;
	[smem:$0x7DA] =	sst s16  }
0x26: {  	s21 =	sadd.s32 $0x80, s2;
	[smem:$0x7DB] =	sst s19  }
0x27: {  	s22 =	sadd.s32 $0x20080, s2;
	[smem:$0x7DD] =	sst s21  }
0x28: {  	s24 =	sadd.s32 $0x28000, s3;
	s23 =	sadd.s32 $0x40080, s2;
	[smem:$0x7DE] =	sst s22  }
0x29: {  	s5 =	sshrl.u32 s24, $0x3;
	s24 =	sadd.s32 $0x60080, s2;
	[smem:$0x7DF] =	sst s23  }
0x2a: {  	s25 =	sadd.s32 $0x80080, s2;
	[smem:$0x7E0] =	sst s24  }
0x2b: {  	s28 =	sadd.s32 $0xC0080, s2;
	[smem:$0x7E1] =	sst s25  }
0x2c: {  	s30 =	sadd.s32 $0xE0080, s2;
	[smem:$0x7E3] =	sst s28  }
0x2d: {  	s1 =	sadd.s32 $0x600, s4;
	s31 =	sadd.s32 $0x100080, s2;
	[smem:$0x7E4] =	sst s30  }
0x2e: {  	s7 =	sadd.s32 $0x18000, s3;
	s6 =	sadd.s32 $0x140080, s2;
	[smem:$0x7E5] =	sst s31  }
0x2f: {  	s7 =	sshrl.u32 s7, $0x3;
	s8 =	sadd.s32 $0x180080, s2;
	[smem:$0x7E7] =	sst s6  }
0x30: {  	s4 =	sadd.s32 s1, s7;
	[smem:$0x7E9] =	sst s8  }
0x31: {  	s26 =	sadd.s32 s1, s5;
	[dreg:$0x3] =	wrdreg s4  }
0x32: {  	s5 =	sadd.s32 $0x62000, s2;
	[dreg:$0x13] =	wrdreg s26  }
0x33: {  	s7 =	sadd.s32 $0xA2000, s2;
	[dreg:$0x17] =	wrdreg s5  }
0x34: {  	s9 =	sadd.s32 $0x1A0080, s2;
	[dreg:$0x19] =	wrdreg s7  }
0x35: {  	s10 =	sadd.s32 $0x1C0080, s2;
	[smem:$0x7EA] =	sst s9  }
0x36: {  	s11 =	sadd.s32 $0x1E0080, s2;
	[smem:$0x7EB] =	sst s10  }
0x37: {  	s29 =	simm.s32 $0x3800;
	s12 =	sadd.s32 $0x2080, s2;
	[smem:$0x7EC] =	sst s11  }
0x38: {  	p0 =	por $0x0, $0x0;
	s13 =	sadd.s32 $0x22080, s2;
	[smem:$0x7EE] =	sst s12  }
0x39: {  	s0 =	ssub.s32 $0x2, s0;
	s14 =	sadd.s32 $0x42080, s2;
	[smem:$0x7EF] =	sst s13  }
0x3a: {  	s15 =	sadd.s32 $0x62080, s2;
	s21 =	sadd.s32 $0x102080, s2;
	[smem:$0x7F0] =	sst s14  }
0x3b: {  	s16 =	sadd.s32 $0x82080, s2;
	s22 =	sadd.s32 $0x122080, s2;
	[smem:$0x7F1] =	sst s15  }
0x3c: {  	s19 =	sadd.s32 $0xC2080, s2;
	s23 =	sadd.s32 $0x142080, s2;
	[smem:$0x7F2] =	sst s16  }
0x3d: {  	s17 =	sadd.s32 $0x18400, s3;
	s24 =	sadd.s32 $0x162080, s2;
	[smem:$0x7F4] =	sst s19  }
0x3e: {  	s3 =	sadd.s32 $0x28400, s3;
	s25 =	sadd.s32 $0x182080, s2;
	[smem:$0x7F6] =	sst s21  }
0x3f: {  	s3 =	sshrl.u32 s3, $0x3;
	s30 =	sadd.s32 $0x1C2080, s2;
	[smem:$0x7F7] =	sst s22  }
0x40: {  	s28 =	sshrl.u32 s0, $0x1;
	s31 =	sadd.s32 $0x1E2080, s2;
	[smem:$0x7F8] =	sst s23  }
0x41: {  	s8 =	simm.s32 $0x1400;
	s5 =	sshrl.u32 s17, $0x3;
	[smem:$0x7F9] =	sst s24  }
0x42: {  	s26 =	sadd.s32 $0xA0080, s2;
	s7 =	sadd.s32 $0x160080, s2;
	[smem:$0x7FA] =	sst s25  }
0x43: {  	s17 =	sadd.s32 $0xA2080, s2;
	s0 =	ssub.s32 s0, s28;
	[smem:$0x7FC] =	sst s30  }
0x44: {  	[smem:$0x7FD] =	sst s31;
	s4 =	simm.s32 $0x400;
	s15 =	simm.s32 $0x1  }
0x45: {  	s23 =	simm.s32 $0x2800;
	s14 =	simm.s32 $0x2400;
	[smem:$0x7E2] =	sst s26  }
0x46: {  	s10 =	simm.s32 $0x2000;
	s9 =	simm.s32 $0x1C00;
	[smem:$0x7E8] =	sst s7  }
0x47: {  	s16 =	simm.s32 $0xBC00;
	s20 =	sadd.s32 s1, s5;
	[smem:$0x7F3] =	sst s17  }
0x48: {  	s1 =	sadd.s32 s1, s3;
	s3 =	smax.u32 s0, $0x1;
	s13 =	rddreg [dreg:$0x3]  }
0x49: {  	s5 =	sadd.s32 $0x120080, s2;
	[smem:$0x7DC] =	sst s20;
	p1 =	sne.s32 s3, $0x1  }
.Ltmp0:
0x4a: {  	s26 =	sadd.s32 $0x1A2080, s2;
	[smem:$0x7E6] =	sst s5;
	(pc) =	sbr.rel @!p1 .LBB2_5-.Ltmp0, $4  }
0x4b: {  	s17 =	simm.s32 $0x3C00;
	s0 =	simm.s32 $0x2C00;
	[smem:$0x7ED] =	sst s1  }
0x4c: {  	s7 =	simm.s32 $0x1800;
	s20 =	sadd.s32 $0xE2080, s2;
	[smem:$0x7FB] =	sst s26  }
0x4d: {  	s5 =	simm.s32 $0x800;
	s26 =	simm.s32 $0x3400;
	s1 =	simm.s32 $0x3000  }
0x4e: {  	s6 =	sadd.s32 $0xFFFFFFFF, s3;
	s3 =	simm.s32 $0x2;
	[smem:$0x7F5] =	sst s20  }
0x4f: {  	[tilespmem:s18], [sflag:$0x1] =	stream.strided.gather [hbm4b:s13+s4], $0xBC00, s5, s4, $0x38;
	[tilespmem:$0x17800] =	vst v63  }
0x50: {  	_ =	swait.ge [sflag:s15], $0xBC00  }
0x51: {  	[sflag:s15] =	ssyncset.done $0x0  }
0x52: {  	[sflag:s15] =	ssyncadd.s32 $0xFFFF4400  }
0x53: {  	[hbm4b:s2+s4] =	stream.strided.scatter [tilespmem:s17], [sflag:$0x2], $0x8000, s5, s4, $0x38;
	[tilespmem:$0x17800] =	vst v63  }
0x54: {  	s25 =	rddreg [dreg:$0x4]  }
0x55: {  	[hbm4b:s25+s4] =	stream.strided.scatter [tilespmem:s29], [sflag:$0x2], $0x8000, s5, s4, $0x38;
	[tilespmem:$0x17800] =	vst v63  }
0x56: {  	s12 =	rddreg [dreg:$0x5]  }
0x57: {  	[hbm4b:s12+s4] =	stream.strided.scatter [tilespmem:s26], [sflag:$0x2], $0x8000, s5, s4, $0x38;
	[tilespmem:$0x17800] =	vst v63  }
0x58: {  	s28 =	rddreg [dreg:$0x6]  }
0x59: {  	[hbm4b:s28+s4] =	stream.strided.scatter [tilespmem:s1], [sflag:$0x2], $0x8000, s5, s4, $0x38;
	[tilespmem:$0x17800] =	vst v63  }
0x5a: {  	s30 =	rddreg [dreg:$0x7]  }
0x5b: {  	[hbm4b:s30+s4] =	stream.strided.scatter [tilespmem:s0], [sflag:$0x2], $0x8000, s5, s4, $0x38;
	[tilespmem:$0x17800] =	vst v63  }
0x5c: {  	s31 =	rddreg [dreg:$0x8]  }
0x5d: {  	[hbm4b:s31+s4] =	stream.strided.scatter [tilespmem:s23], [sflag:$0x2], $0x8000, s5, s4, $0x38;
	[tilespmem:$0x17800] =	vst v63  }
0x5e: {  	s11 =	rddreg [dreg:$0x9]  }
0x5f: {  	[hbm4b:s11+s4] =	stream.strided.scatter [tilespmem:s14], [sflag:$0x2], $0x8000, s5, s4, $0x38;
	[tilespmem:$0x17800] =	vst v63  }
0x60: {  	s18 =	rddreg [dreg:$0xa]  }
0x61: {  	[hbm4b:s18+s4] =	stream.strided.scatter [tilespmem:s10], [sflag:$0x2], $0x8000, s5, s4, $0x38;
	[tilespmem:$0x17800] =	vst v63  }
0x62: {  	s19 =	rddreg [dreg:$0xb]  }
0x63: {  	[hbm4b:s19+s4] =	stream.strided.scatter [tilespmem:s9], [sflag:$0x2], $0x8000, s5, s4, $0x38;
	[tilespmem:$0x17800] =	vst v63  }
0x64: {  	s20 =	rddreg [dreg:$0xc]  }
0x65: {  	[hbm4b:s20+s4] =	stream.strided.scatter [tilespmem:s7], [sflag:$0x2], $0x8000, s5, s4, $0x38;
	[tilespmem:$0x17800] =	vst v63  }
0x66: {  	s21 =	rddreg [dreg:$0xd]  }
0x67: {  	[hbm4b:s21+s4] =	stream.strided.scatter [tilespmem:s8], [sflag:$0x2], $0x8000, s5, s4, $0x38;
	[tilespmem:$0x17800] =	vst v63  }
0x68: {  	s22 =	rddreg [dreg:$0xe];
	s18 =	simm.s32 $0x1000  }
0x69: {  	[hbm4b:s22+s4] =	stream.strided.scatter [tilespmem:s18], [sflag:$0x2], $0x8000, s5, s4, $0x38;
	[tilespmem:$0x17800] =	vst v63  }
0x6a: {  	s24 =	rddreg [dreg:$0xf];
	s19 =	simm.s32 $0xC00  }
0x6b: {  	[hbm4b:s24+s4] =	stream.strided.scatter [tilespmem:s19], [sflag:$0x2], $0x8000, s5, s4, $0x38;
	[tilespmem:$0x17800] =	vst v63  }
0x6c: {  	s25 =	rddreg [dreg:$0x10]  }
0x6d: {  	[hbm4b:s25+s4] =	stream.strided.scatter [tilespmem:s5], [sflag:$0x2], $0x8000, s5, s4, $0x38;
	[tilespmem:$0x17800] =	vst v63  }
0x6e: {  	s28 =	rddreg [dreg:$0x11]  }
0x6f: {  	[hbm4b:s28+s4] =	stream.strided.scatter [tilespmem:s4], [sflag:$0x2], $0x8000, s5, s4, $0x38;
	[tilespmem:$0x17800] =	vst v63  }
0x70: {  	s30 =	rddreg [dreg:$0x12];
	s11 =	simm.s32 $0x0  }
0x71: {  	[hbm4b:s30+s4] =	stream.strided.scatter [tilespmem:s11], [sflag:$0x2], $0x8000, s5, s4, $0x38;
	[tilespmem:$0x17800] =	vst v63  }
0x72: {  	s31 =	rddreg [dreg:$0x13]  }
0x73: {  	[tilespmem:s16], [sflag:$0x1] =	stream.strided.gather [hbm4b:s31+s4], $0xBC00, s5, s4, $0x38;
	[tilespmem:$0x17800] =	vst v63  }
0x74: {  	_ =	swait.ge [sflag:s15], $0xBC00  }
0x75: {  	s20 =	rddreg [dreg:$0x14];
	[sflag:s15] =	ssyncset.done $0x0  }
0x76: {  	s21 =	simm.s32 $0xF800;
	s22 =	rddreg [dreg:$0x15];
	[sflag:s15] =	ssyncadd.s32 $0xFFFF4400  }
0x77: {  	[hbm4b:s20+s4] =	stream.strided.scatter [tilespmem:s21], [sflag:$0x2], $0x8000, s5, s4, $0x38;
	[tilespmem:$0x17800] =	vst v63  }
0x78: {  	s24 =	rddreg [dreg:$0x16];
	s20 =	simm.s32 $0xF400  }
0x79: {  	[hbm4b:s22+s4] =	stream.strided.scatter [tilespmem:s20], [sflag:$0x2], $0x8000, s5, s4, $0x38;
	[tilespmem:$0x17800] =	vst v63  }
0x7a: {  	s28 =	simm.s32 $0xF000;
	s25 =	rddreg [dreg:$0x17]  }
0x7b: {  	[hbm4b:s24+s4] =	stream.strided.scatter [tilespmem:s28], [sflag:$0x2], $0x8000, s5, s4, $0x38;
	[tilespmem:$0x17800] =	vst v63  }
0x7c: {  	s30 =	rddreg [dreg:$0x18];
	s22 =	simm.s32 $0xEC00  }
0x7d: {  	[hbm4b:s25+s4] =	stream.strided.scatter [tilespmem:s22], [sflag:$0x2], $0x8000, s5, s4, $0x38;
	[tilespmem:$0x17800] =	vst v63  }
0x7e: {  	s31 =	simm.s32 $0xE800;
	s12 =	rddreg [dreg:$0x1c]  }
0x7f: {  	[hbm4b:s30+s4] =	stream.strided.scatter [tilespmem:s31], [sflag:$0x2], $0x8000, s5, s4, $0x38;
	[tilespmem:$0x17800] =	vst v63  }
0x80: {  	s20 =	rddreg [dreg:$0x19];
	s30 =	simm.s32 $0xE400  }
0x81: {  	[hbm4b:s20+s4] =	stream.strided.scatter [tilespmem:s30], [sflag:$0x2], $0x8000, s5, s4, $0x38;
	[tilespmem:$0x17800] =	vst v63  }
0x82: {  	s24 =	rddreg [dreg:$0x1a];
	s28 =	simm.s32 $0xE000  }
0x83: {  	[hbm4b:s24+s4] =	stream.strided.scatter [tilespmem:s28], [sflag:$0x2], $0x8000, s5, s4, $0x38;
	[tilespmem:$0x17800] =	vst v63  }
0x84: {  	s25 =	rddreg [dreg:$0x1b];
	s24 =	simm.s32 $0xDC00  }
0x85: {  	[hbm4b:s25+s4] =	stream.strided.scatter [tilespmem:s24], [sflag:$0x2], $0x8000, s5, s4, $0x38;
	[tilespmem:$0x17800] =	vst v63  }
0x86: {  	s13 =	rddreg [dreg:$0x1f];
	s25 =	simm.s32 $0xD800  }
0x87: {  	[hbm4b:s12+s4] =	stream.strided.scatter [tilespmem:s25], [sflag:$0x2], $0x8000, s5, s4, $0x38;
	[tilespmem:$0x17800] =	vst v63  }
0x88: {  	s20 =	rddreg [dreg:$0x1d];
	s24 =	simm.s32 $0xD400  }
0x89: {  	[hbm4b:s20+s4] =	stream.strided.scatter [tilespmem:s24], [sflag:$0x2], $0x8000, s5, s4, $0x38;
	[tilespmem:$0x17800] =	vst v63  }
0x8a: {  	s12 =	rddreg [dreg:$0x1e];
	s20 =	simm.s32 $0xD000  }
0x8b: {  	[hbm4b:s12+s4] =	stream.strided.scatter [tilespmem:s20], [sflag:$0x2], $0x8000, s5, s4, $0x38;
	[tilespmem:$0x17800] =	vst v63  }
0x8c: {  	s12 =	sld [smem:$0x7D8];
	s20 =	simm.s32 $0xCC00  }
0x8d: {  	[hbm4b:s13+s4] =	stream.strided.scatter [tilespmem:s20], [sflag:$0x2], $0x8000, s5, s4, $0x38;
	[tilespmem:$0x17800] =	vst v63  }
0x8e: {  	s13 =	sld [smem:$0x7D9];
	s20 =	simm.s32 $0xC800  }
0x8f: {  	[hbm4b:s12+s4] =	stream.strided.scatter [tilespmem:s20], [sflag:$0x2], $0x8000, s5, s4, $0x38;
	[tilespmem:$0x17800] =	vst v63  }
0x90: {  	s12 =	sld [smem:$0x7DA];
	s20 =	simm.s32 $0xC400  }
0x91: {  	[hbm4b:s13+s4] =	stream.strided.scatter [tilespmem:s20], [sflag:$0x2], $0x8000, s5, s4, $0x38;
	[tilespmem:$0x17800] =	vst v63  }
0x92: {  	s13 =	sld [smem:$0x7DB];
	s20 =	simm.s32 $0xC000  }
0x93: {  	[hbm4b:s12+s4] =	stream.strided.scatter [tilespmem:s20], [sflag:$0x2], $0x8000, s5, s4, $0x38;
	[tilespmem:$0x17800] =	vst v63  }
0x94: {  	s16 =	simm.s32 $0xBC00  }
0x95: {  	[hbm4b:s13+s4] =	stream.strided.scatter [tilespmem:s16], [sflag:$0x2], $0x8000, s5, s4, $0x38;
	[tilespmem:$0x17800] =	vst v63  }
0x96: {  	_ =	swait.ge [sflag:s3], $0x8000  }
0x97: {  	[sflag:s3] =	ssyncset.done $0x0  }
0x98: {  	[sflag:s3] =	ssyncadd.s32 $0xFFFF8000  }
0x99: {  	_ =	swait.ge [sflag:s3], $0x8000  }
0x9a: {  	[sflag:s3] =	ssyncset.done $0x0  }
0x9b: {  	[sflag:s3] =	ssyncadd.s32 $0xFFFF8000  }
0x9c: {  	_ =	swait.ge [sflag:s3], $0x8000  }
0x9d: {  	[sflag:s3] =	ssyncset.done $0x0  }
0x9e: {  	[sflag:s3] =	ssyncadd.s32 $0xFFFF8000  }
0x9f: {  	_ =	swait.ge [sflag:s3], $0x8000  }
0xa0: {  	[sflag:s3] =	ssyncset.done $0x0  }
0xa1: {  	[sflag:s3] =	ssyncadd.s32 $0xFFFF8000  }
0xa2: {  	_ =	swait.ge [sflag:s3], $0x8000  }
0xa3: {  	[sflag:s3] =	ssyncset.done $0x0  }
0xa4: {  	[sflag:s3] =	ssyncadd.s32 $0xFFFF8000  }
0xa5: {  	_ =	swait.ge [sflag:s3], $0x8000  }
0xa6: {  	[sflag:s3] =	ssyncset.done $0x0  }
0xa7: {  	[sflag:s3] =	ssyncadd.s32 $0xFFFF8000  }
0xa8: {  	_ =	swait.ge [sflag:s3], $0x8000  }
0xa9: {  	[sflag:s3] =	ssyncset.done $0x0  }
0xaa: {  	[sflag:s3] =	ssyncadd.s32 $0xFFFF8000  }
0xab: {  	_ =	swait.ge [sflag:s3], $0x8000  }
0xac: {  	[sflag:s3] =	ssyncset.done $0x0  }
0xad: {  	[sflag:s3] =	ssyncadd.s32 $0xFFFF8000  }
0xae: {  	_ =	swait.ge [sflag:s3], $0x8000  }
0xaf: {  	[sflag:s3] =	ssyncset.done $0x0  }
0xb0: {  	[sflag:s3] =	ssyncadd.s32 $0xFFFF8000  }
0xb1: {  	_ =	swait.ge [sflag:s3], $0x8000  }
0xb2: {  	[sflag:s3] =	ssyncset.done $0x0  }
0xb3: {  	[sflag:s3] =	ssyncadd.s32 $0xFFFF8000  }
0xb4: {  	_ =	swait.ge [sflag:s3], $0x8000  }
0xb5: {  	[sflag:s3] =	ssyncset.done $0x0  }
0xb6: {  	[sflag:s3] =	ssyncadd.s32 $0xFFFF8000  }
0xb7: {  	_ =	swait.ge [sflag:s3], $0x8000  }
0xb8: {  	[sflag:s3] =	ssyncset.done $0x0  }
0xb9: {  	[sflag:s3] =	ssyncadd.s32 $0xFFFF8000  }
0xba: {  	_ =	swait.ge [sflag:s3], $0x8000  }
0xbb: {  	[sflag:s3] =	ssyncset.done $0x0  }
0xbc: {  	[sflag:s3] =	ssyncadd.s32 $0xFFFF8000  }
0xbd: {  	_ =	swait.ge [sflag:s3], $0x8000  }
0xbe: {  	[sflag:s3] =	ssyncset.done $0x0  }
0xbf: {  	[sflag:s3] =	ssyncadd.s32 $0xFFFF8000  }
0xc0: {  	_ =	swait.ge [sflag:s3], $0x8000  }
0xc1: {  	[sflag:s3] =	ssyncset.done $0x0  }
0xc2: {  	[sflag:s3] =	ssyncadd.s32 $0xFFFF8000  }
0xc3: {  	_ =	swait.ge [sflag:s3], $0x8000  }
0xc4: {  	s13 =	sld [smem:$0x7DC]  }
0xc5: {  	[sflag:s3] =	ssyncset.done $0x0  }
0xc6: {  	[sflag:s3] =	ssyncadd.s32 $0xFFFF8000  }
0xc7: {  	[tilespmem:s11], [sflag:$0x1] =	stream.strided.gather [hbm4b:s13+s4], $0xBC00, s5, s4, $0x38;
	[tilespmem:$0x17800] =	vst v63  }
0xc8: {  	_ =	swait.ge [sflag:s15], $0xBC00  }
0xc9: {  	s11 =	sld [smem:$0x7DD]  }
0xca: {  	[sflag:s15] =	ssyncset.done $0x0  }
0xcb: {  	s13 =	sld [smem:$0x7DE];
	[sflag:s15] =	ssyncadd.s32 $0xFFFF4400  }
0xcc: {  	[hbm4b:s11+s4] =	stream.strided.scatter [tilespmem:s17], [sflag:$0x2], $0x8000, s5, s4, $0x38;
	[tilespmem:$0x17800] =	vst v63  }
0xcd: {  	s11 =	sld [smem:$0x7DF]  }
0xce: {  	[hbm4b:s13+s4] =	stream.strided.scatter [tilespmem:s29], [sflag:$0x2], $0x8000, s5, s4, $0x38;
	[tilespmem:$0x17800] =	vst v63  }
0xcf: {  	s17 =	sld [smem:$0x7E0]  }
0xd0: {  	[hbm4b:s11+s4] =	stream.strided.scatter [tilespmem:s26], [sflag:$0x2], $0x8000, s5, s4, $0x38;
	[tilespmem:$0x17800] =	vst v63  }
0xd1: {  	s29 =	sld [smem:$0x7E1]  }
0xd2: {  	[hbm4b:s17+s4] =	stream.strided.scatter [tilespmem:s1], [sflag:$0x2], $0x8000, s5, s4, $0x38;
	[tilespmem:$0x17800] =	vst v63  }
0xd3: {  	s11 =	sld [smem:$0x7E2]  }
0xd4: {  	[hbm4b:s29+s4] =	stream.strided.scatter [tilespmem:s0], [sflag:$0x2], $0x8000, s5, s4, $0x38;
	[tilespmem:$0x17800] =	vst v63  }
0xd5: {  	s17 =	sld [smem:$0x7E3]  }
0xd6: {  	[hbm4b:s11+s4] =	stream.strided.scatter [tilespmem:s23], [sflag:$0x2], $0x8000, s5, s4, $0x38;
	[tilespmem:$0x17800] =	vst v63  }
0xd7: {  	s26 =	sld [smem:$0x7E4]  }
0xd8: {  	[hbm4b:s17+s4] =	stream.strided.scatter [tilespmem:s14], [sflag:$0x2], $0x8000, s5, s4, $0x38;
	[tilespmem:$0x17800] =	vst v63  }
0xd9: {  	s29 =	sld [smem:$0x7E5]  }
0xda: {  	[hbm4b:s26+s4] =	stream.strided.scatter [tilespmem:s10], [sflag:$0x2], $0x8000, s5, s4, $0x38;
	[tilespmem:$0x17800] =	vst v63  }
0xdb: {  	s0 =	sld [smem:$0x7E6]  }
0xdc: {  	[hbm4b:s29+s4] =	stream.strided.scatter [tilespmem:s9], [sflag:$0x2], $0x8000, s5, s4, $0x38;
	[tilespmem:$0x17800] =	vst v63  }
0xdd: {  	s1 =	sld [smem:$0x7E7]  }
0xde: {  	[hbm4b:s0+s4] =	stream.strided.scatter [tilespmem:s7], [sflag:$0x2], $0x8000, s5, s4, $0x38;
	[tilespmem:$0x17800] =	vst v63  }
0xdf: {  	s7 =	sld [smem:$0x7E8]  }
0xe0: {  	[hbm4b:s1+s4] =	stream.strided.scatter [tilespmem:s8], [sflag:$0x2], $0x8000, s5, s4, $0x38;
	[tilespmem:$0x17800] =	vst v63  }
0xe1: {  	s9 =	sld [smem:$0x7E9]  }
0xe2: {  	[hbm4b:s7+s4] =	stream.strided.scatter [tilespmem:s18], [sflag:$0x2], $0x8000, s5, s4, $0x38;
	[tilespmem:$0x17800] =	vst v63  }
0xe3: {  	s10 =	sld [smem:$0x7EA]  }
0xe4: {  	[hbm4b:s9+s4] =	stream.strided.scatter [tilespmem:s19], [sflag:$0x2], $0x8000, s5, s4, $0x38;
	[tilespmem:$0x17800] =	vst v63  }
0xe5: {  	s11 =	sld [smem:$0x7EB]  }
0xe6: {  	[hbm4b:s10+s4] =	stream.strided.scatter [tilespmem:s5], [sflag:$0x2], $0x8000, s5, s4, $0x38;
	[tilespmem:$0x17800] =	vst v63  }
0xe7: {  	s14 =	sld [smem:$0x7EC]  }
0xe8: {  	[hbm4b:s11+s4] =	stream.strided.scatter [tilespmem:s4], [sflag:$0x2], $0x8000, s5, s4, $0x38;
	[tilespmem:$0x17800] =	vst v63  }
0xe9: {  	s18 =	simm.s32 $0x0  }
0xea: {  	[hbm4b:s14+s4] =	stream.strided.scatter [tilespmem:s18], [sflag:$0x2], $0x8000, s5, s4, $0x38;
	[tilespmem:$0x17800] =	vst v63  }
0xeb: {  	_ =	swait.ge [sflag:s3], $0x8000  }
0xec: {  	[sflag:s3] =	ssyncset.done $0x0  }
0xed: {  	[sflag:s3] =	ssyncadd.s32 $0xFFFF8000  }
0xee: {  	_ =	swait.ge [sflag:s3], $0x8000  }
0xef: {  	[sflag:s3] =	ssyncset.done $0x0  }
0xf0: {  	[sflag:s3] =	ssyncadd.s32 $0xFFFF8000  }
0xf1: {  	_ =	swait.ge [sflag:s3], $0x8000  }
0xf2: {  	[sflag:s3] =	ssyncset.done $0x0  }
0xf3: {  	[sflag:s3] =	ssyncadd.s32 $0xFFFF8000  }
0xf4: {  	_ =	swait.ge [sflag:s3], $0x8000  }
0xf5: {  	[sflag:s3] =	ssyncset.done $0x0  }
0xf6: {  	[sflag:s3] =	ssyncadd.s32 $0xFFFF8000  }
0xf7: {  	_ =	swait.ge [sflag:s3], $0x8000  }
0xf8: {  	[sflag:s3] =	ssyncset.done $0x0  }
0xf9: {  	[sflag:s3] =	ssyncadd.s32 $0xFFFF8000  }
0xfa: {  	_ =	swait.ge [sflag:s3], $0x8000  }
0xfb: {  	[sflag:s3] =	ssyncset.done $0x0  }
0xfc: {  	[sflag:s3] =	ssyncadd.s32 $0xFFFF8000  }
0xfd: {  	_ =	swait.ge [sflag:s3], $0x8000  }
0xfe: {  	[sflag:s3] =	ssyncset.done $0x0  }
0xff: {  	[sflag:s3] =	ssyncadd.s32 $0xFFFF8000  }
0x100: {  	_ =	swait.ge [sflag:s3], $0x8000  }
0x101: {  	[sflag:s3] =	ssyncset.done $0x0  }
0x102: {  	[sflag:s3] =	ssyncadd.s32 $0xFFFF8000  }
0x103: {  	_ =	swait.ge [sflag:s3], $0x8000  }
0x104: {  	[sflag:s3] =	ssyncset.done $0x0  }
0x105: {  	[sflag:s3] =	ssyncadd.s32 $0xFFFF8000  }
0x106: {  	_ =	swait.ge [sflag:s3], $0x8000  }
0x107: {  	[sflag:s3] =	ssyncset.done $0x0  }
0x108: {  	[sflag:s3] =	ssyncadd.s32 $0xFFFF8000  }
0x109: {  	_ =	swait.ge [sflag:s3], $0x8000  }
0x10a: {  	[sflag:s3] =	ssyncset.done $0x0  }
0x10b: {  	[sflag:s3] =	ssyncadd.s32 $0xFFFF8000  }
0x10c: {  	_ =	swait.ge [sflag:s3], $0x8000  }
0x10d: {  	[sflag:s3] =	ssyncset.done $0x0  }
0x10e: {  	[sflag:s3] =	ssyncadd.s32 $0xFFFF8000  }
0x10f: {  	_ =	swait.ge [sflag:s3], $0x8000  }
0x110: {  	[sflag:s3] =	ssyncset.done $0x0  }
0x111: {  	[sflag:s3] =	ssyncadd.s32 $0xFFFF8000  }
0x112: {  	_ =	swait.ge [sflag:s3], $0x8000  }
0x113: {  	[sflag:s3] =	ssyncset.done $0x0  }
0x114: {  	[sflag:s3] =	ssyncadd.s32 $0xFFFF8000  }
0x115: {  	_ =	swait.ge [sflag:s3], $0x8000  }
0x116: {  	[sflag:s3] =	ssyncset.done $0x0  }
0x117: {  	[sflag:s3] =	ssyncadd.s32 $0xFFFF8000  }
0x118: {  	_ =	swait.ge [sflag:s3], $0x8000  }
0x119: {  	s17 =	sld [smem:$0x7ED]  }
0x11a: {  	[sflag:s3] =	ssyncset.done $0x0  }
0x11b: {  	[sflag:s3] =	ssyncadd.s32 $0xFFFF8000  }
0x11c: {  	[tilespmem:s16], [sflag:$0x1] =	stream.strided.gather [hbm4b:s17+s4], $0xBC00, s5, s4, $0x38;
	[tilespmem:$0x17800] =	vst v63  }
0x11d: {  	_ =	swait.ge [sflag:s15], $0xBC00  }
0x11e: {  	s19 =	sld [smem:$0x7EE]  }
0x11f: {  	[sflag:s15] =	ssyncset.done $0x0  }
0x120: {  	s23 =	sld [smem:$0x7EF];
	[sflag:s15] =	ssyncadd.s32 $0xFFFF4400  }
0x121: {  	[hbm4b:s19+s4] =	stream.strided.scatter [tilespmem:s21], [sflag:$0x2], $0x8000, s5, s4, $0x38;
	[tilespmem:$0x17800] =	vst v63  }
0x122: {  	s29 =	simm.s32 $0xF400;
	s26 =	sld [smem:$0x7F0]  }
0x123: {  	[hbm4b:s23+s4] =	stream.strided.scatter [tilespmem:s29], [sflag:$0x2], $0x8000, s5, s4, $0x38;
	[tilespmem:$0x17800] =	vst v63  }
0x124: {  	s7 =	simm.s32 $0xF000;
	s1 =	sld [smem:$0x7F1]  }
0x125: {  	[hbm4b:s26+s4] =	stream.strided.scatter [tilespmem:s7], [sflag:$0x2], $0x8000, s5, s4, $0x38;
	[tilespmem:$0x17800] =	vst v63  }
0x126: {  	s8 =	sld [smem:$0x7F2]  }
0x127: {  	[hbm4b:s1+s4] =	stream.strided.scatter [tilespmem:s22], [sflag:$0x2], $0x8000, s5, s4, $0x38;
	[tilespmem:$0x17800] =	vst v63  }
0x128: {  	s9 =	sld [smem:$0x7F3]  }
0x129: {  	[hbm4b:s8+s4] =	stream.strided.scatter [tilespmem:s31], [sflag:$0x2], $0x8000, s5, s4, $0x38;
	[tilespmem:$0x17800] =	vst v63  }
0x12a: {  	s10 =	sld [smem:$0x7F4]  }
0x12b: {  	[hbm4b:s9+s4] =	stream.strided.scatter [tilespmem:s30], [sflag:$0x2], $0x8000, s5, s4, $0x38;
	[tilespmem:$0x17800] =	vst v63  }
0x12c: {  	s11 =	sld [smem:$0x7F5]  }
0x12d: {  	[hbm4b:s10+s4] =	stream.strided.scatter [tilespmem:s28], [sflag:$0x2], $0x8000, s5, s4, $0x38;
	[tilespmem:$0x17800] =	vst v63  }
0x12e: {  	s17 =	simm.s32 $0xDC00;
	s14 =	sld [smem:$0x7F6]  }
0x12f: {  	[hbm4b:s11+s4] =	stream.strided.scatter [tilespmem:s17], [sflag:$0x2], $0x8000, s5, s4, $0x38;
	[tilespmem:$0x17800] =	vst v63  }
0x130: {  	s19 =	sld [smem:$0x7F7]  }
0x131: {  	[hbm4b:s14+s4] =	stream.strided.scatter [tilespmem:s25], [sflag:$0x2], $0x8000, s5, s4, $0x38;
	[tilespmem:$0x17800] =	vst v63  }
0x132: {  	s21 =	sld [smem:$0x7F8]  }
0x133: {  	[hbm4b:s19+s4] =	stream.strided.scatter [tilespmem:s24], [sflag:$0x2], $0x8000, s5, s4, $0x38;
	[tilespmem:$0x17800] =	vst v63  }
0x134: {  	s23 =	simm.s32 $0xD000;
	s22 =	sld [smem:$0x7F9]  }
0x135: {  	[hbm4b:s21+s4] =	stream.strided.scatter [tilespmem:s23], [sflag:$0x2], $0x8000, s5, s4, $0x38;
	[tilespmem:$0x17800] =	vst v63  }
0x136: {  	s25 =	simm.s32 $0xCC00;
	s24 =	sld [smem:$0x7FA]  }
0x137: {  	[hbm4b:s22+s4] =	stream.strided.scatter [tilespmem:s25], [sflag:$0x2], $0x8000, s5, s4, $0x38;
	[tilespmem:$0x17800] =	vst v63  }
0x138: {  	s26 =	sld [smem:$0x7FB];
	s28 =	simm.s32 $0xC800  }
0x139: {  	[hbm4b:s24+s4] =	stream.strided.scatter [tilespmem:s28], [sflag:$0x2], $0x8000, s5, s4, $0x38;
	[tilespmem:$0x17800] =	vst v63  }
0x13a: {  	s29 =	sld [smem:$0x7FC];
	s30 =	simm.s32 $0xC400  }
0x13b: {  	[hbm4b:s26+s4] =	stream.strided.scatter [tilespmem:s30], [sflag:$0x2], $0x8000, s5, s4, $0x38;
	[tilespmem:$0x17800] =	vst v63  }
0x13c: {  	s20 =	simm.s32 $0xC000;
	s31 =	sld [smem:$0x7FD]  }
0x13d: {  	[hbm4b:s29+s4] =	stream.strided.scatter [tilespmem:s20], [sflag:$0x2], $0x8000, s5, s4, $0x38;
	[tilespmem:$0x17800] =	vst v63  }
0x13e: {  	s16 =	simm.s32 $0xBC00  }
0x13f: {  	[hbm4b:s31+s4] =	stream.strided.scatter [tilespmem:s16], [sflag:$0x2], $0x8000, s5, s4, $0x38;
	[tilespmem:$0x17800] =	vst v63  }
0x140: {  	_ =	swait.ge [sflag:s3], $0x8000  }
0x141: {  	[sflag:s3] =	ssyncset.done $0x0  }
0x142: {  	[sflag:s3] =	ssyncadd.s32 $0xFFFF8000  }
0x143: {  	_ =	swait.ge [sflag:s3], $0x8000  }
0x144: {  	[sflag:s3] =	ssyncset.done $0x0  }
0x145: {  	[sflag:s3] =	ssyncadd.s32 $0xFFFF8000  }
0x146: {  	_ =	swait.ge [sflag:s3], $0x8000  }
0x147: {  	[sflag:s3] =	ssyncset.done $0x0  }
0x148: {  	[sflag:s3] =	ssyncadd.s32 $0xFFFF8000  }
0x149: {  	_ =	swait.ge [sflag:s3], $0x8000  }
0x14a: {  	[sflag:s3] =	ssyncset.done $0x0  }
0x14b: {  	[sflag:s3] =	ssyncadd.s32 $0xFFFF8000  }
0x14c: {  	_ =	swait.ge [sflag:s3], $0x8000  }
0x14d: {  	[sflag:s3] =	ssyncset.done $0x0  }
0x14e: {  	[sflag:s3] =	ssyncadd.s32 $0xFFFF8000  }
0x14f: {  	_ =	swait.ge [sflag:s3], $0x8000  }
0x150: {  	[sflag:s3] =	ssyncset.done $0x0  }
0x151: {  	[sflag:s3] =	ssyncadd.s32 $0xFFFF8000  }
0x152: {  	_ =	swait.ge [sflag:s3], $0x8000  }
0x153: {  	[sflag:s3] =	ssyncset.done $0x0  }
0x154: {  	[sflag:s3] =	ssyncadd.s32 $0xFFFF8000  }
0x155: {  	_ =	swait.ge [sflag:s3], $0x8000  }
0x156: {  	[sflag:s3] =	ssyncset.done $0x0  }
0x157: {  	[sflag:s3] =	ssyncadd.s32 $0xFFFF8000  }
0x158: {  	_ =	swait.ge [sflag:s3], $0x8000  }
0x159: {  	[sflag:s3] =	ssyncset.done $0x0  }
0x15a: {  	[sflag:s3] =	ssyncadd.s32 $0xFFFF8000  }
0x15b: {  	_ =	swait.ge [sflag:s3], $0x8000  }
0x15c: {  	[sflag:s3] =	ssyncset.done $0x0  }
0x15d: {  	[sflag:s3] =	ssyncadd.s32 $0xFFFF8000  }
0x15e: {  	_ =	swait.ge [sflag:s3], $0x8000  }
0x15f: {  	[sflag:s3] =	ssyncset.done $0x0  }
0x160: {  	[sflag:s3] =	ssyncadd.s32 $0xFFFF8000  }
0x161: {  	_ =	swait.ge [sflag:s3], $0x8000  }
0x162: {  	[sflag:s3] =	ssyncset.done $0x0  }
0x163: {  	[sflag:s3] =	ssyncadd.s32 $0xFFFF8000  }
0x164: {  	_ =	swait.ge [sflag:s3], $0x8000  }
0x165: {  	[sflag:s3] =	ssyncset.done $0x0  }
0x166: {  	[sflag:s3] =	ssyncadd.s32 $0xFFFF8000  }
0x167: {  	_ =	swait.ge [sflag:s3], $0x8000  }
0x168: {  	[sflag:s3] =	ssyncset.done $0x0  }
0x169: {  	[sflag:s3] =	ssyncadd.s32 $0xFFFF8000  }
0x16a: {  	_ =	swait.ge [sflag:s3], $0x8000  }
0x16b: {  	[sflag:s3] =	ssyncset.done $0x0  }
0x16c: {  	[sflag:s3] =	ssyncadd.s32 $0xFFFF8000  }
0x16d: {  	_ =	swait.ge [sflag:s3], $0x8000  }
0x16e: {  	[sflag:s3] =	ssyncset.done $0x0  }
0x16f: {  	[sflag:s3] =	ssyncadd.s32 $0xFFFF8000  }
0x170: {  	_ =	swait.ge [sflag:s3], $0x8000  }
0x171: {  	[sflag:s3] =	ssyncset.done $0x0  }
0x172: {  	[sflag:s3] =	ssyncadd.s32 $0xFFFF8000  }
0x173: {  	_ =	swait.ge [sflag:s3], $0x8000  }
0x174: {  	[sflag:s3] =	ssyncset.done $0x0  }
0x175: {  	[sflag:s3] =	ssyncadd.s32 $0xFFFF8000  }
0x176: {  	_ =	swait.ge [sflag:s3], $0x8000  }
0x177: {  	[sflag:s3] =	ssyncset.done $0x0  }
0x178: {  	[sflag:s3] =	ssyncadd.s32 $0xFFFF8000  }
0x179: {  	_ =	swait.ge [sflag:s3], $0x8000  }
0x17a: {  	[sflag:s3] =	ssyncset.done $0x0  }
0x17b: {  	[sflag:s3] =	ssyncadd.s32 $0xFFFF8000  }
0x17c: {  	_ =	swait.ge [sflag:s3], $0x8000  }
0x17d: {  	[sflag:s3] =	ssyncset.done $0x0  }
0x17e: {  	[sflag:s3] =	ssyncadd.s32 $0xFFFF8000  }
0x17f: {  	_ =	swait.ge [sflag:s3], $0x8000  }
0x180: {  	[sflag:s3] =	ssyncset.done $0x0  }
0x181: {  	[sflag:s3] =	ssyncadd.s32 $0xFFFF8000  }
0x182: {  	_ =	swait.ge [sflag:s3], $0x8000  }
0x183: {  	[sflag:s3] =	ssyncset.done $0x0  }
0x184: {  	[sflag:s3] =	ssyncadd.s32 $0xFFFF8000  }
0x185: {  	_ =	swait.ge [sflag:s3], $0x8000  }
0x186: {  	[sflag:s3] =	ssyncset.done $0x0  }
0x187: {  	[sflag:s3] =	ssyncadd.s32 $0xFFFF8000  }
0x188: {  	_ =	swait.ge [sflag:s3], $0x8000  }
0x189: {  	[sflag:s3] =	ssyncset.done $0x0  }
0x18a: {  	[sflag:s3] =	ssyncadd.s32 $0xFFFF8000  }
0x18b: {  	_ =	swait.ge [sflag:s3], $0x8000  }
0x18c: {  	[sflag:s3] =	ssyncset.done $0x0  }
0x18d: {  	[sflag:s3] =	ssyncadd.s32 $0xFFFF8000  }
0x18e: {  	_ =	swait.ge [sflag:s3], $0x8000  }
0x18f: {  	[sflag:s3] =	ssyncset.done $0x0  }
0x190: {  	[sflag:s3] =	ssyncadd.s32 $0xFFFF8000  }
0x191: {  	_ =	swait.ge [sflag:s3], $0x8000  }
0x192: {  	[sflag:s3] =	ssyncset.done $0x0  }
0x193: {  	[sflag:s3] =	ssyncadd.s32 $0xFFFF8000  }
0x194: {  	_ =	swait.ge [sflag:s3], $0x8000  }
0x195: {  	[sflag:s3] =	ssyncset.done $0x0  }
0x196: {  	[sflag:s3] =	ssyncadd.s32 $0xFFFF8000  }
0x197: {  	_ =	swait.ge [sflag:s3], $0x8000  }
0x198: {  	[sflag:s3] =	ssyncset.done $0x0  }
0x199: {  	[sflag:s3] =	ssyncadd.s32 $0xFFFF8000  }
0x19a: {  	p1 =	sne.s32 s6, $0x1;
	_ =	swait.ge [sflag:s3], $0x8000  }
.Ltmp1:
0x19b: {  	[sflag:s3] =	ssyncset.done $0x0;
	(pc) =	sbr.rel @!p1 .LBB2_6-.Ltmp1, $4  }
0x19c: {  	[sflag:s3] =	ssyncadd.s32 $0xFFFF8000  }
0x19d: {  	_ =	swait.ge [sflag:s3], $0x8000  }
0x19e: {  	p0 =	por $0x1, $0x1;
	s13 =	rddreg [dreg:$0x3]  }
0x19f: {  	s12 =	sadd.s32 $0xFFFFFFFF, s6;
	[sflag:s3] =	ssyncset.done $0x0;
	[smem:$0x7D7] =	sst s2  }
0x1a0: {  	s7 =	simm.s32 $0x3C00;
	s9 =	simm.s32 $0x3800;
	s10 =	simm.s32 $0x3400  }
0x1a1: {  	s6 =	simm.s32 $0x3000;
	s17 =	simm.s32 $0x2C00;
	s11 =	simm.s32 $0x2800  }
0x1a2: {  	s31 =	simm.s32 $0x2000;
	s29 =	simm.s32 $0x1C00;
	s1 =	simm.s32 $0x1800  }
0x1a3: {  	s8 =	simm.s32 $0x0;
	s19 =	simm.s32 $0xC00;
	s21 =	simm.s32 $0xF800  }
0x1a4: {  	s22 =	simm.s32 $0xEC00;
	s30 =	simm.s32 $0xE400;
	s28 =	simm.s32 $0xE000  }
0x1a5: {  	s25 =	simm.s32 $0xD800;
	s24 =	simm.s32 $0xD400;
	s26 =	simm.s32 $0xC000  }
.LBB2_3:
0x1a6: {  	[sflag:s3] =	ssyncadd.s32 $0xFFFF8000  }
0x1a7: {  	[tilespmem:s18], [sflag:$0x1] =	stream.strided.gather [hbm4b:s13+s4], $0xBC00, s5, s4, $0x38;
	[tilespmem:$0x17800] =	vst v63  }
0x1a8: {  	_ =	swait.ge [sflag:s15], $0xBC00  }
0x1a9: {  	s2 =	sld [smem:$0x7D7]  }
0x1aa: {  	[sflag:s15] =	ssyncset.done $0x0  }
0x1ab: {  	[sflag:s15] =	ssyncadd.s32 $0xFFFF4400  }
0x1ac: {  	[hbm4b:s2+s4] =	stream.strided.scatter [tilespmem:s7], [sflag:$0x2], $0x8000, s5, s4, $0x38;
	[tilespmem:$0x17800] =	vst v63  }
0x1ad: {  	s20 =	rddreg [dreg:$0x4]  }
0x1ae: {  	[hbm4b:s20+s4] =	stream.strided.scatter [tilespmem:s9], [sflag:$0x2], $0x8000, s5, s4, $0x38;
	[tilespmem:$0x17800] =	vst v63  }
0x1af: {  	s14 =	rddreg [dreg:$0x5]  }
0x1b0: {  	[hbm4b:s14+s4] =	stream.strided.scatter [tilespmem:s10], [sflag:$0x2], $0x8000, s5, s4, $0x38;
	[tilespmem:$0x17800] =	vst v63  }
0x1b1: {  	s23 =	rddreg [dreg:$0x6]  }
0x1b2: {  	[hbm4b:s23+s4] =	stream.strided.scatter [tilespmem:s6], [sflag:$0x2], $0x8000, s5, s4, $0x38;
	[tilespmem:$0x17800] =	vst v63  }
0x1b3: {  	s0 =	rddreg [dreg:$0x7]  }
0x1b4: {  	[hbm4b:s0+s4] =	stream.strided.scatter [tilespmem:s17], [sflag:$0x2], $0x8000, s5, s4, $0x38;
	[tilespmem:$0x17800] =	vst v63  }
0x1b5: {  	s2 =	rddreg [dreg:$0x8]  }
0x1b6: {  	[hbm4b:s2+s4] =	stream.strided.scatter [tilespmem:s11], [sflag:$0x2], $0x8000, s5, s4, $0x38;
	[tilespmem:$0x17800] =	vst v63  }
0x1b7: {  	s18 =	rddreg [dreg:$0x9];
	s2 =	simm.s32 $0x2400  }
0x1b8: {  	[hbm4b:s18+s4] =	stream.strided.scatter [tilespmem:s2], [sflag:$0x2], $0x8000, s5, s4, $0x38;
	[tilespmem:$0x17800] =	vst v63  }
0x1b9: {  	s20 =	rddreg [dreg:$0xa]  }
0x1ba: {  	[hbm4b:s20+s4] =	stream.strided.scatter [tilespmem:s31], [sflag:$0x2], $0x8000, s5, s4, $0x38;
	[tilespmem:$0x17800] =	vst v63  }
0x1bb: {  	s23 =	rddreg [dreg:$0xb]  }
0x1bc: {  	[hbm4b:s23+s4] =	stream.strided.scatter [tilespmem:s29], [sflag:$0x2], $0x8000, s5, s4, $0x38;
	[tilespmem:$0x17800] =	vst v63  }
0x1bd: {  	s0 =	rddreg [dreg:$0xc]  }
0x1be: {  	[hbm4b:s0+s4] =	stream.strided.scatter [tilespmem:s1], [sflag:$0x2], $0x8000, s5, s4, $0x38;
	[tilespmem:$0x17800] =	vst v63  }
0x1bf: {  	s18 =	rddreg [dreg:$0xd];
	s0 =	simm.s32 $0x1400  }
0x1c0: {  	[hbm4b:s18+s4] =	stream.strided.scatter [tilespmem:s0], [sflag:$0x2], $0x8000, s5, s4, $0x38;
	[tilespmem:$0x17800] =	vst v63  }
0x1c1: {  	s20 =	rddreg [dreg:$0xe];
	s18 =	simm.s32 $0x1000  }
0x1c2: {  	[hbm4b:s20+s4] =	stream.strided.scatter [tilespmem:s18], [sflag:$0x2], $0x8000, s5, s4, $0x38;
	[tilespmem:$0x17800] =	vst v63  }
0x1c3: {  	s23 =	rddreg [dreg:$0xf]  }
0x1c4: {  	[hbm4b:s23+s4] =	stream.strided.scatter [tilespmem:s19], [sflag:$0x2], $0x8000, s5, s4, $0x38;
	[tilespmem:$0x17800] =	vst v63  }
0x1c5: {  	s20 =	rddreg [dreg:$0x10]  }
0x1c6: {  	[hbm4b:s20+s4] =	stream.strided.scatter [tilespmem:s5], [sflag:$0x2], $0x8000, s5, s4, $0x38;
	[tilespmem:$0x17800] =	vst v63  }
0x1c7: {  	s23 =	rddreg [dreg:$0x11]  }
0x1c8: {  	[hbm4b:s23+s4] =	stream.strided.scatter [tilespmem:s4], [sflag:$0x2], $0x8000, s5, s4, $0x38;
	[tilespmem:$0x17800] =	vst v63  }
0x1c9: {  	s20 =	rddreg [dreg:$0x12]  }
0x1ca: {  	[hbm4b:s20+s4] =	stream.strided.scatter [tilespmem:s8], [sflag:$0x2], $0x8000, s5, s4, $0x38;
	[tilespmem:$0x17800] =	vst v63  }
0x1cb: {  	s23 =	rddreg [dreg:$0x13]  }
0x1cc: {  	[tilespmem:s16], [sflag:$0x1] =	stream.strided.gather [hbm4b:s23+s4], $0xBC00, s5, s4, $0x38;
	[tilespmem:$0x17800] =	vst v63  }
0x1cd: {  	_ =	swait.ge [sflag:s15], $0xBC00  }
0x1ce: {  	s20 =	rddreg [dreg:$0x14];
	[sflag:s15] =	ssyncset.done $0x0  }
0x1cf: {  	s23 =	rddreg [dreg:$0x15];
	[sflag:s15] =	ssyncadd.s32 $0xFFFF4400  }
0x1d0: {  	[hbm4b:s20+s4] =	stream.strided.scatter [tilespmem:s21], [sflag:$0x2], $0x8000, s5, s4, $0x38;
	[tilespmem:$0x17800] =	vst v63  }
0x1d1: {  	s13 =	rddreg [dreg:$0x16];
	s20 =	simm.s32 $0xF400  }
0x1d2: {  	[hbm4b:s23+s4] =	stream.strided.scatter [tilespmem:s20], [sflag:$0x2], $0x8000, s5, s4, $0x38;
	[tilespmem:$0x17800] =	vst v63  }
0x1d3: {  	s14 =	rddreg [dreg:$0x19];
	s20 =	simm.s32 $0xF000  }
0x1d4: {  	[hbm4b:s13+s4] =	stream.strided.scatter [tilespmem:s20], [sflag:$0x2], $0x8000, s5, s4, $0x38;
	[tilespmem:$0x17800] =	vst v63  }
0x1d5: {  	s23 =	rddreg [dreg:$0x17]  }
0x1d6: {  	[hbm4b:s23+s4] =	stream.strided.scatter [tilespmem:s22], [sflag:$0x2], $0x8000, s5, s4, $0x38;
	[tilespmem:$0x17800] =	vst v63  }
0x1d7: {  	s13 =	rddreg [dreg:$0x18];
	s23 =	simm.s32 $0xE800  }
0x1d8: {  	[hbm4b:s13+s4] =	stream.strided.scatter [tilespmem:s23], [sflag:$0x2], $0x8000, s5, s4, $0x38;
	[tilespmem:$0x17800] =	vst v63  }
0x1d9: {  	s23 =	rddreg [dreg:$0x1a]  }
0x1da: {  	[hbm4b:s14+s4] =	stream.strided.scatter [tilespmem:s30], [sflag:$0x2], $0x8000, s5, s4, $0x38;
	[tilespmem:$0x17800] =	vst v63  }
0x1db: {  	s13 =	rddreg [dreg:$0x1c]  }
0x1dc: {  	[hbm4b:s23+s4] =	stream.strided.scatter [tilespmem:s28], [sflag:$0x2], $0x8000, s5, s4, $0x38;
	[tilespmem:$0x17800] =	vst v63  }
0x1dd: {  	s14 =	rddreg [dreg:$0x1b];
	s23 =	simm.s32 $0xDC00  }
0x1de: {  	[hbm4b:s14+s4] =	stream.strided.scatter [tilespmem:s23], [sflag:$0x2], $0x8000, s5, s4, $0x38;
	[tilespmem:$0x17800] =	vst v63  }
0x1df: {  	s23 =	rddreg [dreg:$0x1d]  }
0x1e0: {  	[hbm4b:s13+s4] =	stream.strided.scatter [tilespmem:s25], [sflag:$0x2], $0x8000, s5, s4, $0x38;
	[tilespmem:$0x17800] =	vst v63  }
0x1e1: {  	s14 =	rddreg [dreg:$0x1f]  }
0x1e2: {  	[hbm4b:s23+s4] =	stream.strided.scatter [tilespmem:s24], [sflag:$0x2], $0x8000, s5, s4, $0x38;
	[tilespmem:$0x17800] =	vst v63  }
0x1e3: {  	s13 =	rddreg [dreg:$0x1e];
	s23 =	simm.s32 $0xD000  }
0x1e4: {  	[hbm4b:s13+s4] =	stream.strided.scatter [tilespmem:s23], [sflag:$0x2], $0x8000, s5, s4, $0x38;
	[tilespmem:$0x17800] =	vst v63  }
0x1e5: {  	s13 =	sld [smem:$0x7D8];
	s23 =	simm.s32 $0xCC00  }
0x1e6: {  	[hbm4b:s14+s4] =	stream.strided.scatter [tilespmem:s23], [sflag:$0x2], $0x8000, s5, s4, $0x38;
	[tilespmem:$0x17800] =	vst v63  }
0x1e7: {  	s14 =	sld [smem:$0x7D9];
	s23 =	simm.s32 $0xC800  }
0x1e8: {  	[hbm4b:s13+s4] =	stream.strided.scatter [tilespmem:s23], [sflag:$0x2], $0x8000, s5, s4, $0x38;
	[tilespmem:$0x17800] =	vst v63  }
0x1e9: {  	s13 =	sld [smem:$0x7DA];
	s23 =	simm.s32 $0xC400  }
0x1ea: {  	[hbm4b:s14+s4] =	stream.strided.scatter [tilespmem:s23], [sflag:$0x2], $0x8000, s5, s4, $0x38;
	[tilespmem:$0x17800] =	vst v63  }
0x1eb: {  	s14 =	sld [smem:$0x7DB]  }
0x1ec: {  	[hbm4b:s13+s4] =	stream.strided.scatter [tilespmem:s26], [sflag:$0x2], $0x8000, s5, s4, $0x38;
	[tilespmem:$0x17800] =	vst v63  }
0x1ed: {  	s16 =	simm.s32 $0xBC00  }
0x1ee: {  	[hbm4b:s14+s4] =	stream.strided.scatter [tilespmem:s16], [sflag:$0x2], $0x8000, s5, s4, $0x38;
	[tilespmem:$0x17800] =	vst v63  }
0x1ef: {  	_ =	swait.ge [sflag:s3], $0x8000  }
0x1f0: {  	[sflag:s3] =	ssyncset.done $0x0  }
0x1f1: {  	[sflag:s3] =	ssyncadd.s32 $0xFFFF8000  }
0x1f2: {  	_ =	swait.ge [sflag:s3], $0x8000  }
0x1f3: {  	[sflag:s3] =	ssyncset.done $0x0  }
0x1f4: {  	[sflag:s3] =	ssyncadd.s32 $0xFFFF8000  }
0x1f5: {  	_ =	swait.ge [sflag:s3], $0x8000  }
0x1f6: {  	[sflag:s3] =	ssyncset.done $0x0  }
0x1f7: {  	[sflag:s3] =	ssyncadd.s32 $0xFFFF8000  }
0x1f8: {  	_ =	swait.ge [sflag:s3], $0x8000  }
0x1f9: {  	[sflag:s3] =	ssyncset.done $0x0  }
0x1fa: {  	[sflag:s3] =	ssyncadd.s32 $0xFFFF8000  }
0x1fb: {  	_ =	swait.ge [sflag:s3], $0x8000  }
0x1fc: {  	[sflag:s3] =	ssyncset.done $0x0  }
0x1fd: {  	[sflag:s3] =	ssyncadd.s32 $0xFFFF8000  }
0x1fe: {  	_ =	swait.ge [sflag:s3], $0x8000  }
0x1ff: {  	[sflag:s3] =	ssyncset.done $0x0  }
0x200: {  	[sflag:s3] =	ssyncadd.s32 $0xFFFF8000  }
0x201: {  	_ =	swait.ge [sflag:s3], $0x8000  }
0x202: {  	[sflag:s3] =	ssyncset.done $0x0  }
0x203: {  	[sflag:s3] =	ssyncadd.s32 $0xFFFF8000  }
0x204: {  	_ =	swait.ge [sflag:s3], $0x8000  }
0x205: {  	[sflag:s3] =	ssyncset.done $0x0  }
0x206: {  	[sflag:s3] =	ssyncadd.s32 $0xFFFF8000  }
0x207: {  	_ =	swait.ge [sflag:s3], $0x8000  }
0x208: {  	[sflag:s3] =	ssyncset.done $0x0  }
0x209: {  	[sflag:s3] =	ssyncadd.s32 $0xFFFF8000  }
0x20a: {  	_ =	swait.ge [sflag:s3], $0x8000  }
0x20b: {  	[sflag:s3] =	ssyncset.done $0x0  }
0x20c: {  	[sflag:s3] =	ssyncadd.s32 $0xFFFF8000  }
0x20d: {  	_ =	swait.ge [sflag:s3], $0x8000  }
0x20e: {  	[sflag:s3] =	ssyncset.done $0x0  }
0x20f: {  	[sflag:s3] =	ssyncadd.s32 $0xFFFF8000  }
0x210: {  	_ =	swait.ge [sflag:s3], $0x8000  }
0x211: {  	[sflag:s3] =	ssyncset.done $0x0  }
0x212: {  	[sflag:s3] =	ssyncadd.s32 $0xFFFF8000  }
0x213: {  	_ =	swait.ge [sflag:s3], $0x8000  }
0x214: {  	[sflag:s3] =	ssyncset.done $0x0  }
0x215: {  	[sflag:s3] =	ssyncadd.s32 $0xFFFF8000  }
0x216: {  	_ =	swait.ge [sflag:s3], $0x8000  }
0x217: {  	[sflag:s3] =	ssyncset.done $0x0  }
0x218: {  	[sflag:s3] =	ssyncadd.s32 $0xFFFF8000  }
0x219: {  	_ =	swait.ge [sflag:s3], $0x8000  }
0x21a: {  	[sflag:s3] =	ssyncset.done $0x0  }
0x21b: {  	[sflag:s3] =	ssyncadd.s32 $0xFFFF8000  }
0x21c: {  	_ =	swait.ge [sflag:s3], $0x8000  }
0x21d: {  	s14 =	sld [smem:$0x7DC]  }
0x21e: {  	[sflag:s3] =	ssyncset.done $0x0  }
0x21f: {  	[sflag:s3] =	ssyncadd.s32 $0xFFFF8000  }
0x220: {  	[tilespmem:s8], [sflag:$0x1] =	stream.strided.gather [hbm4b:s14+s4], $0xBC00, s5, s4, $0x38;
	[tilespmem:$0x17800] =	vst v63  }
0x221: {  	_ =	swait.ge [sflag:s15], $0xBC00  }
0x222: {  	s13 =	sld [smem:$0x7DD]  }
0x223: {  	[sflag:s15] =	ssyncset.done $0x0  }
0x224: {  	s14 =	sld [smem:$0x7DE];
	[sflag:s15] =	ssyncadd.s32 $0xFFFF4400  }
0x225: {  	[hbm4b:s13+s4] =	stream.strided.scatter [tilespmem:s7], [sflag:$0x2], $0x8000, s5, s4, $0x38;
	[tilespmem:$0x17800] =	vst v63  }
0x226: {  	s13 =	sld [smem:$0x7DF]  }
0x227: {  	[hbm4b:s14+s4] =	stream.strided.scatter [tilespmem:s9], [sflag:$0x2], $0x8000, s5, s4, $0x38;
	[tilespmem:$0x17800] =	vst v63  }
0x228: {  	s14 =	sld [smem:$0x7E0]  }
0x229: {  	[hbm4b:s13+s4] =	stream.strided.scatter [tilespmem:s10], [sflag:$0x2], $0x8000, s5, s4, $0x38;
	[tilespmem:$0x17800] =	vst v63  }
0x22a: {  	s13 =	sld [smem:$0x7E1]  }
0x22b: {  	[hbm4b:s14+s4] =	stream.strided.scatter [tilespmem:s6], [sflag:$0x2], $0x8000, s5, s4, $0x38;
	[tilespmem:$0x17800] =	vst v63  }
0x22c: {  	s14 =	sld [smem:$0x7E2]  }
0x22d: {  	[hbm4b:s13+s4] =	stream.strided.scatter [tilespmem:s17], [sflag:$0x2], $0x8000, s5, s4, $0x38;
	[tilespmem:$0x17800] =	vst v63  }
0x22e: {  	s13 =	sld [smem:$0x7E3]  }
0x22f: {  	[hbm4b:s14+s4] =	stream.strided.scatter [tilespmem:s11], [sflag:$0x2], $0x8000, s5, s4, $0x38;
	[tilespmem:$0x17800] =	vst v63  }
0x230: {  	s14 =	sld [smem:$0x7E4]  }
0x231: {  	[hbm4b:s13+s4] =	stream.strided.scatter [tilespmem:s2], [sflag:$0x2], $0x8000, s5, s4, $0x38;
	[tilespmem:$0x17800] =	vst v63  }
0x232: {  	s13 =	sld [smem:$0x7E5]  }
0x233: {  	[hbm4b:s14+s4] =	stream.strided.scatter [tilespmem:s31], [sflag:$0x2], $0x8000, s5, s4, $0x38;
	[tilespmem:$0x17800] =	vst v63  }
0x234: {  	s2 =	sld [smem:$0x7E6]  }
0x235: {  	[hbm4b:s13+s4] =	stream.strided.scatter [tilespmem:s29], [sflag:$0x2], $0x8000, s5, s4, $0x38;
	[tilespmem:$0x17800] =	vst v63  }
0x236: {  	s13 =	sld [smem:$0x7E7]  }
0x237: {  	[hbm4b:s2+s4] =	stream.strided.scatter [tilespmem:s1], [sflag:$0x2], $0x8000, s5, s4, $0x38;
	[tilespmem:$0x17800] =	vst v63  }
0x238: {  	s2 =	sld [smem:$0x7E8]  }
0x239: {  	[hbm4b:s13+s4] =	stream.strided.scatter [tilespmem:s0], [sflag:$0x2], $0x8000, s5, s4, $0x38;
	[tilespmem:$0x17800] =	vst v63  }
0x23a: {  	s0 =	sld [smem:$0x7E9]  }
0x23b: {  	[hbm4b:s2+s4] =	stream.strided.scatter [tilespmem:s18], [sflag:$0x2], $0x8000, s5, s4, $0x38;
	[tilespmem:$0x17800] =	vst v63  }
0x23c: {  	s2 =	sld [smem:$0x7EA]  }
0x23d: {  	[hbm4b:s0+s4] =	stream.strided.scatter [tilespmem:s19], [sflag:$0x2], $0x8000, s5, s4, $0x38;
	[tilespmem:$0x17800] =	vst v63  }
0x23e: {  	s0 =	sld [smem:$0x7EB]  }
0x23f: {  	[hbm4b:s2+s4] =	stream.strided.scatter [tilespmem:s5], [sflag:$0x2], $0x8000, s5, s4, $0x38;
	[tilespmem:$0x17800] =	vst v63  }
0x240: {  	s2 =	sld [smem:$0x7EC]  }
0x241: {  	[hbm4b:s0+s4] =	stream.strided.scatter [tilespmem:s4], [sflag:$0x2], $0x8000, s5, s4, $0x38;
	[tilespmem:$0x17800] =	vst v63  }
0x242: {  	s18 =	simm.s32 $0x0  }
0x243: {  	[hbm4b:s2+s4] =	stream.strided.scatter [tilespmem:s18], [sflag:$0x2], $0x8000, s5, s4, $0x38;
	[tilespmem:$0x17800] =	vst v63  }
0x244: {  	_ =	swait.ge [sflag:s3], $0x8000  }
0x245: {  	[sflag:s3] =	ssyncset.done $0x0  }
0x246: {  	[sflag:s3] =	ssyncadd.s32 $0xFFFF8000  }
0x247: {  	_ =	swait.ge [sflag:s3], $0x8000  }
0x248: {  	[sflag:s3] =	ssyncset.done $0x0  }
0x249: {  	[sflag:s3] =	ssyncadd.s32 $0xFFFF8000  }
0x24a: {  	_ =	swait.ge [sflag:s3], $0x8000  }
0x24b: {  	[sflag:s3] =	ssyncset.done $0x0  }
0x24c: {  	[sflag:s3] =	ssyncadd.s32 $0xFFFF8000  }
0x24d: {  	_ =	swait.ge [sflag:s3], $0x8000  }
0x24e: {  	[sflag:s3] =	ssyncset.done $0x0  }
0x24f: {  	[sflag:s3] =	ssyncadd.s32 $0xFFFF8000  }
0x250: {  	_ =	swait.ge [sflag:s3], $0x8000  }
0x251: {  	[sflag:s3] =	ssyncset.done $0x0  }
0x252: {  	[sflag:s3] =	ssyncadd.s32 $0xFFFF8000  }
0x253: {  	_ =	swait.ge [sflag:s3], $0x8000  }
0x254: {  	[sflag:s3] =	ssyncset.done $0x0  }
0x255: {  	[sflag:s3] =	ssyncadd.s32 $0xFFFF8000  }
0x256: {  	_ =	swait.ge [sflag:s3], $0x8000  }
0x257: {  	[sflag:s3] =	ssyncset.done $0x0  }
0x258: {  	[sflag:s3] =	ssyncadd.s32 $0xFFFF8000  }
0x259: {  	_ =	swait.ge [sflag:s3], $0x8000  }
0x25a: {  	[sflag:s3] =	ssyncset.done $0x0  }
0x25b: {  	[sflag:s3] =	ssyncadd.s32 $0xFFFF8000  }
0x25c: {  	_ =	swait.ge [sflag:s3], $0x8000  }
0x25d: {  	[sflag:s3] =	ssyncset.done $0x0  }
0x25e: {  	[sflag:s3] =	ssyncadd.s32 $0xFFFF8000  }
0x25f: {  	_ =	swait.ge [sflag:s3], $0x8000  }
0x260: {  	[sflag:s3] =	ssyncset.done $0x0  }
0x261: {  	[sflag:s3] =	ssyncadd.s32 $0xFFFF8000  }
0x262: {  	_ =	swait.ge [sflag:s3], $0x8000  }
0x263: {  	[sflag:s3] =	ssyncset.done $0x0  }
0x264: {  	[sflag:s3] =	ssyncadd.s32 $0xFFFF8000  }
0x265: {  	_ =	swait.ge [sflag:s3], $0x8000  }
0x266: {  	[sflag:s3] =	ssyncset.done $0x0  }
0x267: {  	[sflag:s3] =	ssyncadd.s32 $0xFFFF8000  }
0x268: {  	_ =	swait.ge [sflag:s3], $0x8000  }
0x269: {  	[sflag:s3] =	ssyncset.done $0x0  }
0x26a: {  	[sflag:s3] =	ssyncadd.s32 $0xFFFF8000  }
0x26b: {  	_ =	swait.ge [sflag:s3], $0x8000  }
0x26c: {  	[sflag:s3] =	ssyncset.done $0x0  }
0x26d: {  	[sflag:s3] =	ssyncadd.s32 $0xFFFF8000  }
0x26e: {  	_ =	swait.ge [sflag:s3], $0x8000  }
0x26f: {  	[sflag:s3] =	ssyncset.done $0x0  }
0x270: {  	[sflag:s3] =	ssyncadd.s32 $0xFFFF8000  }
0x271: {  	_ =	swait.ge [sflag:s3], $0x8000  }
0x272: {  	s14 =	sld [smem:$0x7ED]  }
0x273: {  	[sflag:s3] =	ssyncset.done $0x0  }
0x274: {  	[sflag:s3] =	ssyncadd.s32 $0xFFFF8000  }
0x275: {  	[tilespmem:s16], [sflag:$0x1] =	stream.strided.gather [hbm4b:s14+s4], $0xBC00, s5, s4, $0x38;
	[tilespmem:$0x17800] =	vst v63  }
0x276: {  	_ =	swait.ge [sflag:s15], $0xBC00  }
0x277: {  	s0 =	sld [smem:$0x7EE]  }
0x278: {  	[sflag:s15] =	ssyncset.done $0x0  }
0x279: {  	s2 =	sld [smem:$0x7EF];
	[sflag:s15] =	ssyncadd.s32 $0xFFFF4400  }
0x27a: {  	[hbm4b:s0+s4] =	stream.strided.scatter [tilespmem:s21], [sflag:$0x2], $0x8000, s5, s4, $0x38;
	[tilespmem:$0x17800] =	vst v63  }
0x27b: {  	s16 =	simm.s32 $0xF400;
	s13 =	sld [smem:$0x7F0]  }
0x27c: {  	[hbm4b:s2+s4] =	stream.strided.scatter [tilespmem:s16], [sflag:$0x2], $0x8000, s5, s4, $0x38;
	[tilespmem:$0x17800] =	vst v63  }
0x27d: {  	s2 =	sld [smem:$0x7F1]  }
0x27e: {  	[hbm4b:s13+s4] =	stream.strided.scatter [tilespmem:s20], [sflag:$0x2], $0x8000, s5, s4, $0x38;
	[tilespmem:$0x17800] =	vst v63  }
0x27f: {  	s0 =	sld [smem:$0x7F2]  }
0x280: {  	[hbm4b:s2+s4] =	stream.strided.scatter [tilespmem:s22], [sflag:$0x2], $0x8000, s5, s4, $0x38;
	[tilespmem:$0x17800] =	vst v63  }
0x281: {  	s14 =	sld [smem:$0x7F3];
	s2 =	simm.s32 $0xE800  }
0x282: {  	[hbm4b:s0+s4] =	stream.strided.scatter [tilespmem:s2], [sflag:$0x2], $0x8000, s5, s4, $0x38;
	[tilespmem:$0x17800] =	vst v63  }
0x283: {  	s20 =	sld [smem:$0x7F4]  }
0x284: {  	[hbm4b:s14+s4] =	stream.strided.scatter [tilespmem:s30], [sflag:$0x2], $0x8000, s5, s4, $0x38;
	[tilespmem:$0x17800] =	vst v63  }
0x285: {  	s0 =	sld [smem:$0x7F5]  }
0x286: {  	[hbm4b:s20+s4] =	stream.strided.scatter [tilespmem:s28], [sflag:$0x2], $0x8000, s5, s4, $0x38;
	[tilespmem:$0x17800] =	vst v63  }
0x287: {  	s13 =	sld [smem:$0x7F6];
	s2 =	simm.s32 $0xDC00  }
0x288: {  	[hbm4b:s0+s4] =	stream.strided.scatter [tilespmem:s2], [sflag:$0x2], $0x8000, s5, s4, $0x38;
	[tilespmem:$0x17800] =	vst v63  }
0x289: {  	s20 =	sld [smem:$0x7F7]  }
0x28a: {  	[hbm4b:s13+s4] =	stream.strided.scatter [tilespmem:s25], [sflag:$0x2], $0x8000, s5, s4, $0x38;
	[tilespmem:$0x17800] =	vst v63  }
0x28b: {  	s0 =	sld [smem:$0x7F8]  }
0x28c: {  	[hbm4b:s20+s4] =	stream.strided.scatter [tilespmem:s24], [sflag:$0x2], $0x8000, s5, s4, $0x38;
	[tilespmem:$0x17800] =	vst v63  }
0x28d: {  	s14 =	sld [smem:$0x7F9];
	s2 =	simm.s32 $0xD000  }
0x28e: {  	[hbm4b:s0+s4] =	stream.strided.scatter [tilespmem:s2], [sflag:$0x2], $0x8000, s5, s4, $0x38;
	[tilespmem:$0x17800] =	vst v63  }
0x28f: {  	s13 =	sld [smem:$0x7FA];
	s20 =	simm.s32 $0xCC00  }
0x290: {  	[hbm4b:s14+s4] =	stream.strided.scatter [tilespmem:s20], [sflag:$0x2], $0x8000, s5, s4, $0x38;
	[tilespmem:$0x17800] =	vst v63  }
0x291: {  	s2 =	simm.s32 $0xC800;
	s14 =	sld [smem:$0x7FB]  }
0x292: {  	[hbm4b:s13+s4] =	stream.strided.scatter [tilespmem:s2], [sflag:$0x2], $0x8000, s5, s4, $0x38;
	[tilespmem:$0x17800] =	vst v63  }
0x293: {  	s20 =	sld [smem:$0x7FC]  }
0x294: {  	[hbm4b:s14+s4] =	stream.strided.scatter [tilespmem:s23], [sflag:$0x2], $0x8000, s5, s4, $0x38;
	[tilespmem:$0x17800] =	vst v63  }
0x295: {  	s23 =	sld [smem:$0x7FD]  }
0x296: {  	[hbm4b:s20+s4] =	stream.strided.scatter [tilespmem:s26], [sflag:$0x2], $0x8000, s5, s4, $0x38;
	[tilespmem:$0x17800] =	vst v63  }
0x297: {  	s16 =	simm.s32 $0xBC00  }
0x298: {  	[hbm4b:s23+s4] =	stream.strided.scatter [tilespmem:s16], [sflag:$0x2], $0x8000, s5, s4, $0x38;
	[tilespmem:$0x17800] =	vst v63  }
0x299: {  	_ =	swait.ge [sflag:s3], $0x8000  }
0x29a: {  	[sflag:s3] =	ssyncset.done $0x0  }
0x29b: {  	[sflag:s3] =	ssyncadd.s32 $0xFFFF8000  }
0x29c: {  	_ =	swait.ge [sflag:s3], $0x8000  }
0x29d: {  	[sflag:s3] =	ssyncset.done $0x0  }
0x29e: {  	[sflag:s3] =	ssyncadd.s32 $0xFFFF8000  }
0x29f: {  	_ =	swait.ge [sflag:s3], $0x8000  }
0x2a0: {  	[sflag:s3] =	ssyncset.done $0x0  }
0x2a1: {  	[sflag:s3] =	ssyncadd.s32 $0xFFFF8000  }
0x2a2: {  	_ =	swait.ge [sflag:s3], $0x8000  }
0x2a3: {  	[sflag:s3] =	ssyncset.done $0x0  }
0x2a4: {  	[sflag:s3] =	ssyncadd.s32 $0xFFFF8000  }
0x2a5: {  	_ =	swait.ge [sflag:s3], $0x8000  }
0x2a6: {  	[sflag:s3] =	ssyncset.done $0x0  }
0x2a7: {  	[sflag:s3] =	ssyncadd.s32 $0xFFFF8000  }
0x2a8: {  	_ =	swait.ge [sflag:s3], $0x8000  }
0x2a9: {  	[sflag:s3] =	ssyncset.done $0x0  }
0x2aa: {  	[sflag:s3] =	ssyncadd.s32 $0xFFFF8000  }
0x2ab: {  	_ =	swait.ge [sflag:s3], $0x8000  }
0x2ac: {  	[sflag:s3] =	ssyncset.done $0x0  }
0x2ad: {  	[sflag:s3] =	ssyncadd.s32 $0xFFFF8000  }
0x2ae: {  	_ =	swait.ge [sflag:s3], $0x8000  }
0x2af: {  	[sflag:s3] =	ssyncset.done $0x0  }
0x2b0: {  	[sflag:s3] =	ssyncadd.s32 $0xFFFF8000  }
0x2b1: {  	_ =	swait.ge [sflag:s3], $0x8000  }
0x2b2: {  	[sflag:s3] =	ssyncset.done $0x0  }
0x2b3: {  	[sflag:s3] =	ssyncadd.s32 $0xFFFF8000  }
0x2b4: {  	_ =	swait.ge [sflag:s3], $0x8000  }
0x2b5: {  	[sflag:s3] =	ssyncset.done $0x0  }
0x2b6: {  	[sflag:s3] =	ssyncadd.s32 $0xFFFF8000  }
0x2b7: {  	_ =	swait.ge [sflag:s3], $0x8000  }
0x2b8: {  	[sflag:s3] =	ssyncset.done $0x0  }
0x2b9: {  	[sflag:s3] =	ssyncadd.s32 $0xFFFF8000  }
0x2ba: {  	_ =	swait.ge [sflag:s3], $0x8000  }
0x2bb: {  	[sflag:s3] =	ssyncset.done $0x0  }
0x2bc: {  	[sflag:s3] =	ssyncadd.s32 $0xFFFF8000  }
0x2bd: {  	_ =	swait.ge [sflag:s3], $0x8000  }
0x2be: {  	[sflag:s3] =	ssyncset.done $0x0  }
0x2bf: {  	[sflag:s3] =	ssyncadd.s32 $0xFFFF8000  }
0x2c0: {  	_ =	swait.ge [sflag:s3], $0x8000  }
0x2c1: {  	[sflag:s3] =	ssyncset.done $0x0  }
0x2c2: {  	[sflag:s3] =	ssyncadd.s32 $0xFFFF8000  }
0x2c3: {  	_ =	swait.ge [sflag:s3], $0x8000  }
0x2c4: {  	[sflag:s3] =	ssyncset.done $0x0  }
0x2c5: {  	[sflag:s3] =	ssyncadd.s32 $0xFFFF8000  }
0x2c6: {  	_ =	swait.ge [sflag:s3], $0x8000  }
0x2c7: {  	[sflag:s3] =	ssyncset.done $0x0  }
0x2c8: {  	[sflag:s3] =	ssyncadd.s32 $0xFFFF8000  }
0x2c9: {  	_ =	swait.ge [sflag:s3], $0x8000  }
0x2ca: {  	[sflag:s3] =	ssyncset.done $0x0  }
0x2cb: {  	[sflag:s3] =	ssyncadd.s32 $0xFFFF8000  }
0x2cc: {  	_ =	swait.ge [sflag:s3], $0x8000  }
0x2cd: {  	[sflag:s3] =	ssyncset.done $0x0  }
0x2ce: {  	[sflag:s3] =	ssyncadd.s32 $0xFFFF8000  }
0x2cf: {  	_ =	swait.ge [sflag:s3], $0x8000  }
0x2d0: {  	[sflag:s3] =	ssyncset.done $0x0  }
0x2d1: {  	[sflag:s3] =	ssyncadd.s32 $0xFFFF8000  }
0x2d2: {  	_ =	swait.ge [sflag:s3], $0x8000  }
0x2d3: {  	[sflag:s3] =	ssyncset.done $0x0  }
0x2d4: {  	[sflag:s3] =	ssyncadd.s32 $0xFFFF8000  }
0x2d5: {  	_ =	swait.ge [sflag:s3], $0x8000  }
0x2d6: {  	[sflag:s3] =	ssyncset.done $0x0  }
0x2d7: {  	[sflag:s3] =	ssyncadd.s32 $0xFFFF8000  }
0x2d8: {  	_ =	swait.ge [sflag:s3], $0x8000  }
0x2d9: {  	[sflag:s3] =	ssyncset.done $0x0  }
0x2da: {  	[sflag:s3] =	ssyncadd.s32 $0xFFFF8000  }
0x2db: {  	_ =	swait.ge [sflag:s3], $0x8000  }
0x2dc: {  	[sflag:s3] =	ssyncset.done $0x0  }
0x2dd: {  	[sflag:s3] =	ssyncadd.s32 $0xFFFF8000  }
0x2de: {  	_ =	swait.ge [sflag:s3], $0x8000  }
0x2df: {  	[sflag:s3] =	ssyncset.done $0x0  }
0x2e0: {  	[sflag:s3] =	ssyncadd.s32 $0xFFFF8000  }
0x2e1: {  	_ =	swait.ge [sflag:s3], $0x8000  }
0x2e2: {  	[sflag:s3] =	ssyncset.done $0x0  }
0x2e3: {  	[sflag:s3] =	ssyncadd.s32 $0xFFFF8000  }
0x2e4: {  	_ =	swait.ge [sflag:s3], $0x8000  }
0x2e5: {  	[sflag:s3] =	ssyncset.done $0x0  }
0x2e6: {  	[sflag:s3] =	ssyncadd.s32 $0xFFFF8000  }
0x2e7: {  	_ =	swait.ge [sflag:s3], $0x8000  }
0x2e8: {  	[sflag:s3] =	ssyncset.done $0x0  }
0x2e9: {  	[sflag:s3] =	ssyncadd.s32 $0xFFFF8000  }
0x2ea: {  	_ =	swait.ge [sflag:s3], $0x8000  }
0x2eb: {  	[sflag:s3] =	ssyncset.done $0x0  }
0x2ec: {  	[sflag:s3] =	ssyncadd.s32 $0xFFFF8000  }
0x2ed: {  	_ =	swait.ge [sflag:s3], $0x8000  }
0x2ee: {  	[sflag:s3] =	ssyncset.done $0x0  }
0x2ef: {  	[sflag:s3] =	ssyncadd.s32 $0xFFFF8000  }
0x2f0: {  	_ =	swait.ge [sflag:s3], $0x8000  }
0x2f1: {  	[sflag:s3] =	ssyncset.done $0x0  }
0x2f2: {  	p1 =	sne.s32 s12, $0x1;
	[sflag:s3] =	ssyncadd.s32 $0xFFFF8000  }
.Ltmp2:
0x2f3: {  	_ =	swait.ge [sflag:s3], $0x8000;
	(pc) =	sbr.rel @p1 .LBB2_3-.Ltmp2, $4  }
0x2f4: {  	[sflag:s3] =	ssyncset.done $0x0  }
0x2f5: {  	[sflag:s3] =	ssyncadd.s32 $0xFFFF8000  }
0x2f6: {  	_ =	swait.ge [sflag:s3], $0x8000  }
0x2f7: {  	s12 =	sadd.s32 $0xFFFFFFFF, s12;
	s13 =	rddreg [dreg:$0x3];
	[sflag:s3] =	ssyncset.done $0x0  }
0x2f8: {  	s8 =	simm.s32 $0x1400;
	s7 =	simm.s32 $0x1800;
	s9 =	simm.s32 $0x1C00  }
0x2f9: {  	s10 =	simm.s32 $0x2000;
	s14 =	simm.s32 $0x2400;
	s2 =	sld [smem:$0x7D7]  }
0x2fa: {  	s23 =	simm.s32 $0x2800;
	s0 =	simm.s32 $0x2C00;
	s1 =	simm.s32 $0x3000  }
0x2fb: {  	s26 =	simm.s32 $0x3400;
	s29 =	simm.s32 $0x3800;
	s17 =	simm.s32 $0x3C00  }
.LBB2_5:
0x2fc: {  	[sflag:s3] =	ssyncadd.s32 @p0 $0xFFFF8000  }
0x2fd: {  	[tilespmem:s18], [sflag:$0x1] =	stream.strided.gather [hbm4b:s13+s4], $0xBC00, s5, s4, $0x38;
	[tilespmem:$0x17800] =	vst v63  }
0x2fe: {  	_ =	swait.ge [sflag:s15], $0xBC00  }
0x2ff: {  	[sflag:s15] =	ssyncset.done $0x0  }
0x300: {  	[sflag:s15] =	ssyncadd.s32 $0xFFFF4400  }
0x301: {  	[hbm4b:s2+s4] =	stream.strided.scatter [tilespmem:s17], [sflag:$0x2], $0x8000, s5, s4, $0x38;
	[tilespmem:$0x17800] =	vst v63  }
0x302: {  	s12 =	rddreg [dreg:$0x4]  }
0x303: {  	[hbm4b:s12+s4] =	stream.strided.scatter [tilespmem:s29], [sflag:$0x2], $0x8000, s5, s4, $0x38;
	[tilespmem:$0x17800] =	vst v63  }
0x304: {  	s24 =	rddreg [dreg:$0x5]  }
0x305: {  	[hbm4b:s24+s4] =	stream.strided.scatter [tilespmem:s26], [sflag:$0x2], $0x8000, s5, s4, $0x38;
	[tilespmem:$0x17800] =	vst v63  }
0x306: {  	s25 =	rddreg [dreg:$0x6]  }
0x307: {  	[hbm4b:s25+s4] =	stream.strided.scatter [tilespmem:s1], [sflag:$0x2], $0x8000, s5, s4, $0x38;
	[tilespmem:$0x17800] =	vst v63  }
0x308: {  	s26 =	rddreg [dreg:$0x7]  }
0x309: {  	[hbm4b:s26+s4] =	stream.strided.scatter [tilespmem:s0], [sflag:$0x2], $0x8000, s5, s4, $0x38;
	[tilespmem:$0x17800] =	vst v63  }
0x30a: {  	s28 =	rddreg [dreg:$0x8]  }
0x30b: {  	[hbm4b:s28+s4] =	stream.strided.scatter [tilespmem:s23], [sflag:$0x2], $0x8000, s5, s4, $0x38;
	[tilespmem:$0x17800] =	vst v63  }
0x30c: {  	s29 =	rddreg [dreg:$0x9]  }
0x30d: {  	[hbm4b:s29+s4] =	stream.strided.scatter [tilespmem:s14], [sflag:$0x2], $0x8000, s5, s4, $0x38;
	[tilespmem:$0x17800] =	vst v63  }
0x30e: {  	s30 =	rddreg [dreg:$0xa]  }
0x30f: {  	[hbm4b:s30+s4] =	stream.strided.scatter [tilespmem:s10], [sflag:$0x2], $0x8000, s5, s4, $0x38;
	[tilespmem:$0x17800] =	vst v63  }
0x310: {  	s31 =	rddreg [dreg:$0xb]  }
0x311: {  	[hbm4b:s31+s4] =	stream.strided.scatter [tilespmem:s9], [sflag:$0x2], $0x8000, s5, s4, $0x38;
	[tilespmem:$0x17800] =	vst v63  }
0x312: {  	s0 =	rddreg [dreg:$0xc]  }
0x313: {  	[hbm4b:s0+s4] =	stream.strided.scatter [tilespmem:s7], [sflag:$0x2], $0x8000, s5, s4, $0x38;
	[tilespmem:$0x17800] =	vst v63  }
0x314: {  	s1 =	rddreg [dreg:$0xd]  }
0x315: {  	[hbm4b:s1+s4] =	stream.strided.scatter [tilespmem:s8], [sflag:$0x2], $0x8000, s5, s4, $0x38;
	[tilespmem:$0x17800] =	vst v63  }
0x316: {  	s2 =	rddreg [dreg:$0xe];
	s14 =	simm.s32 $0x1000  }
0x317: {  	[hbm4b:s2+s4] =	stream.strided.scatter [tilespmem:s14], [sflag:$0x2], $0x8000, s5, s4, $0x38;
	[tilespmem:$0x17800] =	vst v63  }
0x318: {  	s6 =	rddreg [dreg:$0xf];
	s31 =	simm.s32 $0xC00  }
0x319: {  	[hbm4b:s6+s4] =	stream.strided.scatter [tilespmem:s31], [sflag:$0x2], $0x8000, s5, s4, $0x38;
	[tilespmem:$0x17800] =	vst v63  }
0x31a: {  	s7 =	rddreg [dreg:$0x10]  }
0x31b: {  	[hbm4b:s7+s4] =	stream.strided.scatter [tilespmem:s5], [sflag:$0x2], $0x8000, s5, s4, $0x38;
	[tilespmem:$0x17800] =	vst v63  }
0x31c: {  	s8 =	rddreg [dreg:$0x11]  }
0x31d: {  	[hbm4b:s8+s4] =	stream.strided.scatter [tilespmem:s4], [sflag:$0x2], $0x8000, s5, s4, $0x38;
	[tilespmem:$0x17800] =	vst v63  }
0x31e: {  	s9 =	rddreg [dreg:$0x12]  }
0x31f: {  	[hbm4b:s9+s4] =	stream.strided.scatter [tilespmem:s18], [sflag:$0x2], $0x8000, s5, s4, $0x38;
	[tilespmem:$0x17800] =	vst v63  }
0x320: {  	s11 =	rddreg [dreg:$0x13]  }
0x321: {  	[tilespmem:s16], [sflag:$0x1] =	stream.strided.gather [hbm4b:s11+s4], $0xBC00, s5, s4, $0x38;
	[tilespmem:$0x17800] =	vst v63  }
0x322: {  	_ =	swait.ge [sflag:s15], $0xBC00  }
0x323: {  	s16 =	rddreg [dreg:$0x14];
	[sflag:s15] =	ssyncset.done $0x0  }
0x324: {  	s30 =	simm.s32 $0xF800;
	s17 =	rddreg [dreg:$0x15];
	[sflag:s15] =	ssyncadd.s32 $0xFFFF4400  }
0x325: {  	[hbm4b:s16+s4] =	stream.strided.scatter [tilespmem:s30], [sflag:$0x2], $0x8000, s5, s4, $0x38;
	[tilespmem:$0x17800] =	vst v63  }
0x326: {  	s28 =	simm.s32 $0xF400;
	s18 =	rddreg [dreg:$0x16]  }
0x327: {  	[hbm4b:s17+s4] =	stream.strided.scatter [tilespmem:s28], [sflag:$0x2], $0x8000, s5, s4, $0x38;
	[tilespmem:$0x17800] =	vst v63  }
0x328: {  	s25 =	simm.s32 $0xF000;
	s19 =	rddreg [dreg:$0x17]  }
0x329: {  	[hbm4b:s18+s4] =	stream.strided.scatter [tilespmem:s25], [sflag:$0x2], $0x8000, s5, s4, $0x38;
	[tilespmem:$0x17800] =	vst v63  }
0x32a: {  	s23 =	simm.s32 $0xEC00;
	s20 =	rddreg [dreg:$0x18]  }
0x32b: {  	[hbm4b:s19+s4] =	stream.strided.scatter [tilespmem:s23], [sflag:$0x2], $0x8000, s5, s4, $0x38;
	[tilespmem:$0x17800] =	vst v63  }
0x32c: {  	s29 =	simm.s32 $0xE800;
	s21 =	rddreg [dreg:$0x19]  }
0x32d: {  	[hbm4b:s20+s4] =	stream.strided.scatter [tilespmem:s29], [sflag:$0x2], $0x8000, s5, s4, $0x38;
	[tilespmem:$0x17800] =	vst v63  }
0x32e: {  	s26 =	simm.s32 $0xE400;
	s22 =	rddreg [dreg:$0x1a]  }
0x32f: {  	[hbm4b:s21+s4] =	stream.strided.scatter [tilespmem:s26], [sflag:$0x2], $0x8000, s5, s4, $0x38;
	[tilespmem:$0x17800] =	vst v63  }
0x330: {  	s2 =	simm.s32 $0xE000;
	s24 =	rddreg [dreg:$0x1b]  }
0x331: {  	[hbm4b:s22+s4] =	stream.strided.scatter [tilespmem:s2], [sflag:$0x2], $0x8000, s5, s4, $0x38;
	[tilespmem:$0x17800] =	vst v63  }
0x332: {  	s6 =	rddreg [dreg:$0x1c];
	s22 =	simm.s32 $0xDC00  }
0x333: {  	[hbm4b:s24+s4] =	stream.strided.scatter [tilespmem:s22], [sflag:$0x2], $0x8000, s5, s4, $0x38;
	[tilespmem:$0x17800] =	vst v63  }
0x334: {  	s11 =	rddreg [dreg:$0x1d];
	s21 =	simm.s32 $0xD800  }
0x335: {  	[hbm4b:s6+s4] =	stream.strided.scatter [tilespmem:s21], [sflag:$0x2], $0x8000, s5, s4, $0x38;
	[tilespmem:$0x17800] =	vst v63  }
0x336: {  	s16 =	rddreg [dreg:$0x1e];
	s20 =	simm.s32 $0xD400  }
0x337: {  	[hbm4b:s11+s4] =	stream.strided.scatter [tilespmem:s20], [sflag:$0x2], $0x8000, s5, s4, $0x38;
	[tilespmem:$0x17800] =	vst v63  }
0x338: {  	s17 =	rddreg [dreg:$0x1f];
	s19 =	simm.s32 $0xD000  }
0x339: {  	[hbm4b:s16+s4] =	stream.strided.scatter [tilespmem:s19], [sflag:$0x2], $0x8000, s5, s4, $0x38;
	[tilespmem:$0x17800] =	vst v63  }
0x33a: {  	s18 =	simm.s32 $0xCC00;
	s6 =	sld [smem:$0x7D8]  }
0x33b: {  	[hbm4b:s17+s4] =	stream.strided.scatter [tilespmem:s18], [sflag:$0x2], $0x8000, s5, s4, $0x38;
	[tilespmem:$0x17800] =	vst v63  }
0x33c: {  	s11 =	sld [smem:$0x7D9];
	s17 =	simm.s32 $0xC800  }
0x33d: {  	[hbm4b:s6+s4] =	stream.strided.scatter [tilespmem:s17], [sflag:$0x2], $0x8000, s5, s4, $0x38;
	[tilespmem:$0x17800] =	vst v63  }
0x33e: {  	s12 =	sld [smem:$0x7DA];
	s16 =	simm.s32 $0xC400  }
0x33f: {  	[hbm4b:s11+s4] =	stream.strided.scatter [tilespmem:s16], [sflag:$0x2], $0x8000, s5, s4, $0x38;
	[tilespmem:$0x17800] =	vst v63  }
0x340: {  	s13 =	sld [smem:$0x7DB];
	s11 =	simm.s32 $0xC000  }
0x341: {  	[hbm4b:s12+s4] =	stream.strided.scatter [tilespmem:s11], [sflag:$0x2], $0x8000, s5, s4, $0x38;
	[tilespmem:$0x17800] =	vst v63  }
0x342: {  	s6 =	simm.s32 $0xBC00  }
0x343: {  	[hbm4b:s13+s4] =	stream.strided.scatter [tilespmem:s6], [sflag:$0x2], $0x8000, s5, s4, $0x38;
	[tilespmem:$0x17800] =	vst v63  }
0x344: {  	_ =	swait.ge [sflag:s3], $0x8000  }
0x345: {  	[sflag:s3] =	ssyncset.done $0x0  }
0x346: {  	[sflag:s3] =	ssyncadd.s32 $0xFFFF8000  }
0x347: {  	_ =	swait.ge [sflag:s3], $0x8000  }
0x348: {  	[sflag:s3] =	ssyncset.done $0x0  }
0x349: {  	[sflag:s3] =	ssyncadd.s32 $0xFFFF8000  }
0x34a: {  	_ =	swait.ge [sflag:s3], $0x8000  }
0x34b: {  	[sflag:s3] =	ssyncset.done $0x0  }
0x34c: {  	[sflag:s3] =	ssyncadd.s32 $0xFFFF8000  }
0x34d: {  	_ =	swait.ge [sflag:s3], $0x8000  }
0x34e: {  	[sflag:s3] =	ssyncset.done $0x0  }
0x34f: {  	[sflag:s3] =	ssyncadd.s32 $0xFFFF8000  }
0x350: {  	_ =	swait.ge [sflag:s3], $0x8000  }
0x351: {  	[sflag:s3] =	ssyncset.done $0x0  }
0x352: {  	[sflag:s3] =	ssyncadd.s32 $0xFFFF8000  }
0x353: {  	_ =	swait.ge [sflag:s3], $0x8000  }
0x354: {  	[sflag:s3] =	ssyncset.done $0x0  }
0x355: {  	[sflag:s3] =	ssyncadd.s32 $0xFFFF8000  }
0x356: {  	_ =	swait.ge [sflag:s3], $0x8000  }
0x357: {  	[sflag:s3] =	ssyncset.done $0x0  }
0x358: {  	[sflag:s3] =	ssyncadd.s32 $0xFFFF8000  }
0x359: {  	_ =	swait.ge [sflag:s3], $0x8000  }
0x35a: {  	[sflag:s3] =	ssyncset.done $0x0  }
0x35b: {  	[sflag:s3] =	ssyncadd.s32 $0xFFFF8000  }
0x35c: {  	_ =	swait.ge [sflag:s3], $0x8000  }
0x35d: {  	[sflag:s3] =	ssyncset.done $0x0  }
0x35e: {  	[sflag:s3] =	ssyncadd.s32 $0xFFFF8000  }
0x35f: {  	_ =	swait.ge [sflag:s3], $0x8000  }
0x360: {  	[sflag:s3] =	ssyncset.done $0x0  }
0x361: {  	[sflag:s3] =	ssyncadd.s32 $0xFFFF8000  }
0x362: {  	_ =	swait.ge [sflag:s3], $0x8000  }
0x363: {  	[sflag:s3] =	ssyncset.done $0x0  }
0x364: {  	[sflag:s3] =	ssyncadd.s32 $0xFFFF8000  }
0x365: {  	_ =	swait.ge [sflag:s3], $0x8000  }
0x366: {  	[sflag:s3] =	ssyncset.done $0x0  }
0x367: {  	[sflag:s3] =	ssyncadd.s32 $0xFFFF8000  }
0x368: {  	_ =	swait.ge [sflag:s3], $0x8000  }
0x369: {  	[sflag:s3] =	ssyncset.done $0x0  }
0x36a: {  	[sflag:s3] =	ssyncadd.s32 $0xFFFF8000  }
0x36b: {  	_ =	swait.ge [sflag:s3], $0x8000  }
0x36c: {  	[sflag:s3] =	ssyncset.done $0x0  }
0x36d: {  	[sflag:s3] =	ssyncadd.s32 $0xFFFF8000  }
0x36e: {  	_ =	swait.ge [sflag:s3], $0x8000  }
0x36f: {  	[sflag:s3] =	ssyncset.done $0x0  }
0x370: {  	[sflag:s3] =	ssyncadd.s32 $0xFFFF8000  }
0x371: {  	_ =	swait.ge [sflag:s3], $0x8000  }
0x372: {  	s13 =	sld [smem:$0x7DC]  }
0x373: {  	[sflag:s3] =	ssyncset.done $0x0  }
0x374: {  	s24 =	simm.s32 $0x0;
	[sflag:s3] =	ssyncadd.s32 $0xFFFF8000  }
0x375: {  	[tilespmem:s24], [sflag:$0x1] =	stream.strided.gather [hbm4b:s13+s4], $0xBC00, s5, s4, $0x38;
	[tilespmem:$0x17800] =	vst v63  }
0x376: {  	_ =	swait.ge [sflag:s15], $0xBC00  }
0x377: {  	s12 =	sld [smem:$0x7DD]  }
0x378: {  	[sflag:s15] =	ssyncset.done $0x0  }
0x379: {  	s10 =	simm.s32 $0x3C00;
	s13 =	sld [smem:$0x7DE];
	[sflag:s15] =	ssyncadd.s32 $0xFFFF4400  }
0x37a: {  	[hbm4b:s12+s4] =	stream.strided.scatter [tilespmem:s10], [sflag:$0x2], $0x8000, s5, s4, $0x38;
	[tilespmem:$0x17800] =	vst v63  }
0x37b: {  	s9 =	simm.s32 $0x3800;
	s12 =	sld [smem:$0x7DF]  }
0x37c: {  	[hbm4b:s13+s4] =	stream.strided.scatter [tilespmem:s9], [sflag:$0x2], $0x8000, s5, s4, $0x38;
	[tilespmem:$0x17800] =	vst v63  }
0x37d: {  	s7 =	simm.s32 $0x3400;
	s13 =	sld [smem:$0x7E0]  }
0x37e: {  	[hbm4b:s12+s4] =	stream.strided.scatter [tilespmem:s7], [sflag:$0x2], $0x8000, s5, s4, $0x38;
	[tilespmem:$0x17800] =	vst v63  }
0x37f: {  	s8 =	simm.s32 $0x3000;
	s12 =	sld [smem:$0x7E1]  }
0x380: {  	[hbm4b:s13+s4] =	stream.strided.scatter [tilespmem:s8], [sflag:$0x2], $0x8000, s5, s4, $0x38;
	[tilespmem:$0x17800] =	vst v63  }
0x381: {  	s0 =	simm.s32 $0x2C00;
	s13 =	sld [smem:$0x7E2]  }
0x382: {  	[hbm4b:s12+s4] =	stream.strided.scatter [tilespmem:s0], [sflag:$0x2], $0x8000, s5, s4, $0x38;
	[tilespmem:$0x17800] =	vst v63  }
0x383: {  	s1 =	simm.s32 $0x2800;
	s9 =	sld [smem:$0x7E3]  }
0x384: {  	[hbm4b:s13+s4] =	stream.strided.scatter [tilespmem:s1], [sflag:$0x2], $0x8000, s5, s4, $0x38;
	[tilespmem:$0x17800] =	vst v63  }
0x385: {  	s10 =	sld [smem:$0x7E4];
	s12 =	simm.s32 $0x2400  }
0x386: {  	[hbm4b:s9+s4] =	stream.strided.scatter [tilespmem:s12], [sflag:$0x2], $0x8000, s5, s4, $0x38;
	[tilespmem:$0x17800] =	vst v63  }
0x387: {  	s8 =	simm.s32 $0x2000;
	s13 =	sld [smem:$0x7E5]  }
0x388: {  	[hbm4b:s10+s4] =	stream.strided.scatter [tilespmem:s8], [sflag:$0x2], $0x8000, s5, s4, $0x38;
	[tilespmem:$0x17800] =	vst v63  }
0x389: {  	s9 =	sld [smem:$0x7E6];
	s10 =	simm.s32 $0x1C00  }
0x38a: {  	[hbm4b:s13+s4] =	stream.strided.scatter [tilespmem:s10], [sflag:$0x2], $0x8000, s5, s4, $0x38;
	[tilespmem:$0x17800] =	vst v63  }
0x38b: {  	s12 =	sld [smem:$0x7E7];
	s13 =	simm.s32 $0x1800  }
0x38c: {  	[hbm4b:s9+s4] =	stream.strided.scatter [tilespmem:s13], [sflag:$0x2], $0x8000, s5, s4, $0x38;
	[tilespmem:$0x17800] =	vst v63  }
0x38d: {  	s8 =	sld [smem:$0x7E8];
	s9 =	simm.s32 $0x1400  }
0x38e: {  	[hbm4b:s12+s4] =	stream.strided.scatter [tilespmem:s9], [sflag:$0x2], $0x8000, s5, s4, $0x38;
	[tilespmem:$0x17800] =	vst v63  }
0x38f: {  	s10 =	sld [smem:$0x7E9]  }
0x390: {  	[hbm4b:s8+s4] =	stream.strided.scatter [tilespmem:s14], [sflag:$0x2], $0x8000, s5, s4, $0x38;
	[tilespmem:$0x17800] =	vst v63  }
0x391: {  	s12 =	sld [smem:$0x7EA]  }
0x392: {  	[hbm4b:s10+s4] =	stream.strided.scatter [tilespmem:s31], [sflag:$0x2], $0x8000, s5, s4, $0x38;
	[tilespmem:$0x17800] =	vst v63  }
0x393: {  	s13 =	sld [smem:$0x7EB]  }
0x394: {  	[hbm4b:s12+s4] =	stream.strided.scatter [tilespmem:s5], [sflag:$0x2], $0x8000, s5, s4, $0x38;
	[tilespmem:$0x17800] =	vst v63  }
0x395: {  	s14 =	sld [smem:$0x7EC]  }
0x396: {  	[hbm4b:s13+s4] =	stream.strided.scatter [tilespmem:s4], [sflag:$0x2], $0x8000, s5, s4, $0x38;
	[tilespmem:$0x17800] =	vst v63  }
0x397: {  	_ = 	snop  }
0x398: {  	[hbm4b:s14+s4] =	stream.strided.scatter [tilespmem:s24], [sflag:$0x2], $0x8000, s5, s4, $0x38;
	[tilespmem:$0x17800] =	vst v63  }
0x399: {  	_ =	swait.ge [sflag:s3], $0x8000  }
0x39a: {  	[sflag:s3] =	ssyncset.done $0x0  }
0x39b: {  	[sflag:s3] =	ssyncadd.s32 $0xFFFF8000  }
0x39c: {  	_ =	swait.ge [sflag:s3], $0x8000  }
0x39d: {  	[sflag:s3] =	ssyncset.done $0x0  }
0x39e: {  	[sflag:s3] =	ssyncadd.s32 $0xFFFF8000  }
0x39f: {  	_ =	swait.ge [sflag:s3], $0x8000  }
0x3a0: {  	[sflag:s3] =	ssyncset.done $0x0  }
0x3a1: {  	[sflag:s3] =	ssyncadd.s32 $0xFFFF8000  }
0x3a2: {  	_ =	swait.ge [sflag:s3], $0x8000  }
0x3a3: {  	[sflag:s3] =	ssyncset.done $0x0  }
0x3a4: {  	[sflag:s3] =	ssyncadd.s32 $0xFFFF8000  }
0x3a5: {  	_ =	swait.ge [sflag:s3], $0x8000  }
0x3a6: {  	[sflag:s3] =	ssyncset.done $0x0  }
0x3a7: {  	[sflag:s3] =	ssyncadd.s32 $0xFFFF8000  }
0x3a8: {  	_ =	swait.ge [sflag:s3], $0x8000  }
0x3a9: {  	[sflag:s3] =	ssyncset.done $0x0  }
0x3aa: {  	[sflag:s3] =	ssyncadd.s32 $0xFFFF8000  }
0x3ab: {  	_ =	swait.ge [sflag:s3], $0x8000  }
0x3ac: {  	[sflag:s3] =	ssyncset.done $0x0  }
0x3ad: {  	[sflag:s3] =	ssyncadd.s32 $0xFFFF8000  }
0x3ae: {  	_ =	swait.ge [sflag:s3], $0x8000  }
0x3af: {  	[sflag:s3] =	ssyncset.done $0x0  }
0x3b0: {  	[sflag:s3] =	ssyncadd.s32 $0xFFFF8000  }
0x3b1: {  	_ =	swait.ge [sflag:s3], $0x8000  }
0x3b2: {  	[sflag:s3] =	ssyncset.done $0x0  }
0x3b3: {  	[sflag:s3] =	ssyncadd.s32 $0xFFFF8000  }
0x3b4: {  	_ =	swait.ge [sflag:s3], $0x8000  }
0x3b5: {  	[sflag:s3] =	ssyncset.done $0x0  }
0x3b6: {  	[sflag:s3] =	ssyncadd.s32 $0xFFFF8000  }
0x3b7: {  	_ =	swait.ge [sflag:s3], $0x8000  }
0x3b8: {  	[sflag:s3] =	ssyncset.done $0x0  }
0x3b9: {  	[sflag:s3] =	ssyncadd.s32 $0xFFFF8000  }
0x3ba: {  	_ =	swait.ge [sflag:s3], $0x8000  }
0x3bb: {  	[sflag:s3] =	ssyncset.done $0x0  }
0x3bc: {  	[sflag:s3] =	ssyncadd.s32 $0xFFFF8000  }
0x3bd: {  	_ =	swait.ge [sflag:s3], $0x8000  }
0x3be: {  	[sflag:s3] =	ssyncset.done $0x0  }
0x3bf: {  	[sflag:s3] =	ssyncadd.s32 $0xFFFF8000  }
0x3c0: {  	_ =	swait.ge [sflag:s3], $0x8000  }
0x3c1: {  	[sflag:s3] =	ssyncset.done $0x0  }
0x3c2: {  	[sflag:s3] =	ssyncadd.s32 $0xFFFF8000  }
0x3c3: {  	_ =	swait.ge [sflag:s3], $0x8000  }
0x3c4: {  	[sflag:s3] =	ssyncset.done $0x0  }
0x3c5: {  	[sflag:s3] =	ssyncadd.s32 $0xFFFF8000  }
0x3c6: {  	_ =	swait.ge [sflag:s3], $0x8000  }
0x3c7: {  	s31 =	sld [smem:$0x7ED]  }
0x3c8: {  	[sflag:s3] =	ssyncset.done $0x0  }
0x3c9: {  	[sflag:s3] =	ssyncadd.s32 $0xFFFF8000  }
0x3ca: {  	[tilespmem:s6], [sflag:$0x1] =	stream.strided.gather [hbm4b:s31+s4], $0xBC00, s5, s4, $0x38;
	[tilespmem:$0x17800] =	vst v63  }
0x3cb: {  	_ =	swait.ge [sflag:s15], $0xBC00  }
0x3cc: {  	s1 =	sld [smem:$0x7EE]  }
0x3cd: {  	[sflag:s15] =	ssyncset.done $0x0  }
0x3ce: {  	s7 =	sld [smem:$0x7EF];
	[sflag:s15] =	ssyncadd.s32 $0xFFFF4400  }
0x3cf: {  	[hbm4b:s1+s4] =	stream.strided.scatter [tilespmem:s30], [sflag:$0x2], $0x8000, s5, s4, $0x38;
	[tilespmem:$0x17800] =	vst v63  }
0x3d0: {  	s8 =	sld [smem:$0x7F0]  }
0x3d1: {  	[hbm4b:s7+s4] =	stream.strided.scatter [tilespmem:s28], [sflag:$0x2], $0x8000, s5, s4, $0x38;
	[tilespmem:$0x17800] =	vst v63  }
0x3d2: {  	s9 =	sld [smem:$0x7F1]  }
0x3d3: {  	[hbm4b:s8+s4] =	stream.strided.scatter [tilespmem:s25], [sflag:$0x2], $0x8000, s5, s4, $0x38;
	[tilespmem:$0x17800] =	vst v63  }
0x3d4: {  	s10 =	sld [smem:$0x7F2]  }
0x3d5: {  	[hbm4b:s9+s4] =	stream.strided.scatter [tilespmem:s23], [sflag:$0x2], $0x8000, s5, s4, $0x38;
	[tilespmem:$0x17800] =	vst v63  }
0x3d6: {  	s12 =	sld [smem:$0x7F3]  }
0x3d7: {  	[hbm4b:s10+s4] =	stream.strided.scatter [tilespmem:s29], [sflag:$0x2], $0x8000, s5, s4, $0x38;
	[tilespmem:$0x17800] =	vst v63  }
0x3d8: {  	s13 =	sld [smem:$0x7F4]  }
0x3d9: {  	[hbm4b:s12+s4] =	stream.strided.scatter [tilespmem:s26], [sflag:$0x2], $0x8000, s5, s4, $0x38;
	[tilespmem:$0x17800] =	vst v63  }
0x3da: {  	s14 =	sld [smem:$0x7F5]  }
0x3db: {  	[hbm4b:s13+s4] =	stream.strided.scatter [tilespmem:s2], [sflag:$0x2], $0x8000, s5, s4, $0x38;
	[tilespmem:$0x17800] =	vst v63  }
0x3dc: {  	s15 =	sld [smem:$0x7F6]  }
0x3dd: {  	[hbm4b:s14+s4] =	stream.strided.scatter [tilespmem:s22], [sflag:$0x2], $0x8000, s5, s4, $0x38;
	[tilespmem:$0x17800] =	vst v63  }
0x3de: {  	s23 =	sld [smem:$0x7F7]  }
0x3df: {  	[hbm4b:s15+s4] =	stream.strided.scatter [tilespmem:s21], [sflag:$0x2], $0x8000, s5, s4, $0x38;
	[tilespmem:$0x17800] =	vst v63  }
0x3e0: {  	s24 =	sld [smem:$0x7F8]  }
0x3e1: {  	[hbm4b:s23+s4] =	stream.strided.scatter [tilespmem:s20], [sflag:$0x2], $0x8000, s5, s4, $0x38;
	[tilespmem:$0x17800] =	vst v63  }
0x3e2: {  	s25 =	sld [smem:$0x7F9]  }
0x3e3: {  	[hbm4b:s24+s4] =	stream.strided.scatter [tilespmem:s19], [sflag:$0x2], $0x8000, s5, s4, $0x38;
	[tilespmem:$0x17800] =	vst v63  }
0x3e4: {  	s26 =	sld [smem:$0x7FA]  }
0x3e5: {  	[hbm4b:s25+s4] =	stream.strided.scatter [tilespmem:s18], [sflag:$0x2], $0x8000, s5, s4, $0x38;
	[tilespmem:$0x17800] =	vst v63  }
0x3e6: {  	s28 =	sld [smem:$0x7FB]  }
0x3e7: {  	[hbm4b:s26+s4] =	stream.strided.scatter [tilespmem:s17], [sflag:$0x2], $0x8000, s5, s4, $0x38;
	[tilespmem:$0x17800] =	vst v63  }
0x3e8: {  	s29 =	sld [smem:$0x7FC]  }
0x3e9: {  	[hbm4b:s28+s4] =	stream.strided.scatter [tilespmem:s16], [sflag:$0x2], $0x8000, s5, s4, $0x38;
	[tilespmem:$0x17800] =	vst v63  }
0x3ea: {  	s30 =	sld [smem:$0x7FD]  }
0x3eb: {  	[hbm4b:s29+s4] =	stream.strided.scatter [tilespmem:s11], [sflag:$0x2], $0x8000, s5, s4, $0x38;
	[tilespmem:$0x17800] =	vst v63  }
0x3ec: {  	_ = 	snop  }
0x3ed: {  	[hbm4b:s30+s4] =	stream.strided.scatter [tilespmem:s6], [sflag:$0x2], $0x8000, s5, s4, $0x38;
	[tilespmem:$0x17800] =	vst v63  }
0x3ee: {  	_ =	swait.ge [sflag:s3], $0x8000  }
0x3ef: {  	[sflag:s3] =	ssyncset.done $0x0  }
0x3f0: {  	[sflag:s3] =	ssyncadd.s32 $0xFFFF8000  }
0x3f1: {  	_ =	swait.ge [sflag:s3], $0x8000  }
0x3f2: {  	[sflag:s3] =	ssyncset.done $0x0  }
0x3f3: {  	[sflag:s3] =	ssyncadd.s32 $0xFFFF8000  }
0x3f4: {  	_ =	swait.ge [sflag:s3], $0x8000  }
0x3f5: {  	[sflag:s3] =	ssyncset.done $0x0  }
0x3f6: {  	[sflag:s3] =	ssyncadd.s32 $0xFFFF8000  }
0x3f7: {  	_ =	swait.ge [sflag:s3], $0x8000  }
0x3f8: {  	[sflag:s3] =	ssyncset.done $0x0  }
0x3f9: {  	[sflag:s3] =	ssyncadd.s32 $0xFFFF8000  }
0x3fa: {  	_ =	swait.ge [sflag:s3], $0x8000  }
0x3fb: {  	[sflag:s3] =	ssyncset.done $0x0  }
0x3fc: {  	[sflag:s3] =	ssyncadd.s32 $0xFFFF8000  }
0x3fd: {  	_ =	swait.ge [sflag:s3], $0x8000  }
0x3fe: {  	[sflag:s3] =	ssyncset.done $0x0  }
0x3ff: {  	[sflag:s3] =	ssyncadd.s32 $0xFFFF8000  }
0x400: {  	_ =	swait.ge [sflag:s3], $0x8000  }
0x401: {  	[sflag:s3] =	ssyncset.done $0x0  }
0x402: {  	[sflag:s3] =	ssyncadd.s32 $0xFFFF8000  }
0x403: {  	_ =	swait.ge [sflag:s3], $0x8000  }
0x404: {  	[sflag:s3] =	ssyncset.done $0x0  }
0x405: {  	[sflag:s3] =	ssyncadd.s32 $0xFFFF8000  }
0x406: {  	_ =	swait.ge [sflag:s3], $0x8000  }
0x407: {  	[sflag:s3] =	ssyncset.done $0x0  }
0x408: {  	[sflag:s3] =	ssyncadd.s32 $0xFFFF8000  }
0x409: {  	_ =	swait.ge [sflag:s3], $0x8000  }
0x40a: {  	[sflag:s3] =	ssyncset.done $0x0  }
0x40b: {  	[sflag:s3] =	ssyncadd.s32 $0xFFFF8000  }
0x40c: {  	_ =	swait.ge [sflag:s3], $0x8000  }
0x40d: {  	[sflag:s3] =	ssyncset.done $0x0  }
0x40e: {  	[sflag:s3] =	ssyncadd.s32 $0xFFFF8000  }
0x40f: {  	_ =	swait.ge [sflag:s3], $0x8000  }
0x410: {  	[sflag:s3] =	ssyncset.done $0x0  }
0x411: {  	[sflag:s3] =	ssyncadd.s32 $0xFFFF8000  }
0x412: {  	_ =	swait.ge [sflag:s3], $0x8000  }
0x413: {  	[sflag:s3] =	ssyncset.done $0x0  }
0x414: {  	[sflag:s3] =	ssyncadd.s32 $0xFFFF8000  }
0x415: {  	_ =	swait.ge [sflag:s3], $0x8000  }
0x416: {  	[sflag:s3] =	ssyncset.done $0x0  }
0x417: {  	[sflag:s3] =	ssyncadd.s32 $0xFFFF8000  }
0x418: {  	_ =	swait.ge [sflag:s3], $0x8000  }
0x419: {  	[sflag:s3] =	ssyncset.done $0x0  }
0x41a: {  	[sflag:s3] =	ssyncadd.s32 $0xFFFF8000  }
0x41b: {  	_ =	swait.ge [sflag:s3], $0x8000  }
0x41c: {  	[sflag:s3] =	ssyncset.done $0x0  }
0x41d: {  	[sflag:s3] =	ssyncadd.s32 $0xFFFF8000  }
0x41e: {  	_ =	swait.ge [sflag:s3], $0x8000  }
0x41f: {  	[sflag:s3] =	ssyncset.done $0x0  }
0x420: {  	[sflag:s3] =	ssyncadd.s32 $0xFFFF8000  }
0x421: {  	_ =	swait.ge [sflag:s3], $0x8000  }
0x422: {  	[sflag:s3] =	ssyncset.done $0x0  }
0x423: {  	[sflag:s3] =	ssyncadd.s32 $0xFFFF8000  }
0x424: {  	_ =	swait.ge [sflag:s3], $0x8000  }
0x425: {  	[sflag:s3] =	ssyncset.done $0x0  }
0x426: {  	[sflag:s3] =	ssyncadd.s32 $0xFFFF8000  }
0x427: {  	_ =	swait.ge [sflag:s3], $0x8000  }
0x428: {  	[sflag:s3] =	ssyncset.done $0x0  }
0x429: {  	[sflag:s3] =	ssyncadd.s32 $0xFFFF8000  }
0x42a: {  	_ =	swait.ge [sflag:s3], $0x8000  }
0x42b: {  	[sflag:s3] =	ssyncset.done $0x0  }
0x42c: {  	[sflag:s3] =	ssyncadd.s32 $0xFFFF8000  }
0x42d: {  	_ =	swait.ge [sflag:s3], $0x8000  }
0x42e: {  	[sflag:s3] =	ssyncset.done $0x0  }
0x42f: {  	[sflag:s3] =	ssyncadd.s32 $0xFFFF8000  }
0x430: {  	_ =	swait.ge [sflag:s3], $0x8000  }
0x431: {  	[sflag:s3] =	ssyncset.done $0x0  }
0x432: {  	[sflag:s3] =	ssyncadd.s32 $0xFFFF8000  }
0x433: {  	_ =	swait.ge [sflag:s3], $0x8000  }
0x434: {  	[sflag:s3] =	ssyncset.done $0x0  }
0x435: {  	[sflag:s3] =	ssyncadd.s32 $0xFFFF8000  }
0x436: {  	_ =	swait.ge [sflag:s3], $0x8000  }
0x437: {  	[sflag:s3] =	ssyncset.done $0x0  }
0x438: {  	[sflag:s3] =	ssyncadd.s32 $0xFFFF8000  }
0x439: {  	_ =	swait.ge [sflag:s3], $0x8000  }
0x43a: {  	[sflag:s3] =	ssyncset.done $0x0  }
0x43b: {  	[sflag:s3] =	ssyncadd.s32 $0xFFFF8000  }
0x43c: {  	_ =	swait.ge [sflag:s3], $0x8000  }
0x43d: {  	[sflag:s3] =	ssyncset.done $0x0  }
0x43e: {  	[sflag:s3] =	ssyncadd.s32 $0xFFFF8000  }
0x43f: {  	_ =	swait.ge [sflag:s3], $0x8000  }
0x440: {  	[sflag:s3] =	ssyncset.done $0x0  }
0x441: {  	[sflag:s3] =	ssyncadd.s32 $0xFFFF8000  }
0x442: {  	_ =	swait.ge [sflag:s3], $0x8000  }
0x443: {  	[sflag:s3] =	ssyncset.done $0x0  }
0x444: {  	[sflag:s3] =	ssyncadd.s32 $0xFFFF8000  }
0x445: {  	_ =	swait.ge [sflag:s3], $0x8000  }
0x446: {  	[sflag:s3] =	ssyncset.done $0x0  }
0x447: {  	[sflag:s3] =	ssyncadd.s32 $0xFFFF8000  }
0x448: {  	_ =	swait.ge [sflag:s3], $0x8000  }
0x449: {  	[sflag:s3] =	ssyncset.done $0x0  }
0x44a: {  	[sflag:s3] =	ssyncadd.s32 $0xFFFF8000  }
0x44b: {  	_ =	swait.ge [sflag:s3], $0x8000  }
0x44c: {  	[sflag:s3] =	ssyncset.done $0x0  }
0x44d: {  	[sflag:s3] =	ssyncadd.s32 $0xFFFF8000  }
0x44e: {  	_ =	sfence.sel $0x180000  }
0x44f: {  	[bflag:$0x0] =	sbarrier.arrive $0xFFFF  }
0x450: {  	_ =	strace $0x90000047  }
0x451: {  	s31 =	stileid.u32;
	[bflag:$0x2] =	sbarrier.arrive $0xFFFF  }
0x452: {  	p0 =	sne.s32 s31, $0x0;
	s0 =	rddreg [dreg:$0x2]  }
0x453: {  	s0 =	sadd.s32 @!p0 $0x100000, s0  }
0x454: {  	[sflag:s0] =	ssyncadd.tile.s32 @!p0 $0x1;
	_ =	shalt  }
.LBB2_6:
.Ltmp3:
0x455: {  	(pc) =	sbr.rel .LBB2_5-.Ltmp3, $4  }
0x456: {  	s8 =	simm.s32 $0x1400;
	s7 =	simm.s32 $0x1800;
	s9 =	simm.s32 $0x1C00  }
0x457: {  	s10 =	simm.s32 $0x2000;
	s14 =	simm.s32 $0x2400;
	s2 =	sld [smem:$0x7D7]  }
0x458: {  	s23 =	simm.s32 $0x2800;
	s0 =	simm.s32 $0x2C00;
	s1 =	simm.s32 $0x3000  }
0x459: {  	s26 =	simm.s32 $0x3400;
	s29 =	simm.s32 $0x3800;
	s17 =	simm.s32 $0x3C00  }
.Lfunc_end2:
_tile_overlayer_lowered:
.L_overlay_start_2:
0x45a: {  	(tag) =	ssettag $0x2  }
0x45b: {  	s0 =	rddreg [dreg:$0x0];
	s2 =	stileid.u32  }
0x45c: {  	s1 =	rddreg [dreg:$0x1];
	p0 =	sne.s32 s2, $0x0  }
0x45d: {  	s3 =	rddreg [dreg:$0x2];
	[bflag:$0x3] =	sbarrier.arrive $0xFFFF;
	s2 =	simm.s32 @!p0 $0x1C03  }
0x45e: {  	[timem:s3], [sflag:s2] =	dma.local @!p0 [hbm:s0], s1  }
0x45f: {  	s0 =	simm.s32 @!p0 $0x3  }
0x460: {  	_ =	swait.ge @!p0 [sflag:s0], s1  }
0x461: {  	s1 =	ssub.s32 @!p0 $0x0, s1;
	[sflag:s0] =	ssyncset.done @!p0 $0x0  }
0x462: {  	[sflag:s0] =	ssyncadd.s32 @!p0 s1  }
0x463: {  	[bflag:$0x3] =	sbarrier.arrive $0xFFFF  }
0x464: {  	_ =	shalt  }

</sc_bundles>
